<compile_context>
chip_gen: v7x
topology: tpu7x:2x2x1
jax: 0.10.2.dev20260603
libtpu: 0.0.44.dev20260713+nightly
codegen_flags: <defaults>
</compile_context>

<pallas_src>
import jax
import jax.numpy as jnp
import numpy as np
from jax import lax
from jax.experimental import pallas as pl
from jax.experimental.pallas import tpu as pltpu
from jax.experimental.pallas import tpu_sc as plsc

N_ATOMS = 10000
N_EDGES = 320000
R_CUT = 5.0
NC, NS = 2, 16
E_PAD = 327680
EPT = E_PAD // NS
CH = 128
NCHUNK = EPT // CH
N_PAD = 10240
APT = N_PAD // NS
RW = 128
RS = 41
PIB = "promise_in_bounds"

_SIN_C = (3.14159258, -5.16770687, 2.55003119, -0.59804419, 0.07721839)


def _muc(n_max):
    mu = np.linspace(0.0, R_CUT, n_max)
    sigma = R_CUT / float(n_max)
    return [(float(m), float(1.0 / (2.0 * sigma * sigma))) for m in mu]


def _fc16(r16):
    v = 0.5 - jnp.clip(r16 * np.float32(1.0 / R_CUT), 0.0, 1.0)
    t = v * v
    p = jnp.float32(_SIN_C[4])
    for k in (3, 2, 1, 0):
        p = p * t + jnp.float32(_SIN_C[k])
    return 0.5 * (p * v + 1.0)


def _body(shth, embh, wch, cnh, out,
          acc, sht, ev, rec, msg, cv, nv, wb, sem, sem2, sem3):
    c = lax.axis_index("c")
    s = lax.axis_index("s")

    z = jnp.zeros((16,), jnp.float32)

    def mrow(i, _):
        for j in range(RW // 16):
            msg[i, pl.ds(j * 16, 16)] = z
        return 0

    lax.fori_loop(0, CH, mrow, 0)
    for q in range(APT // CH):
        pltpu.sync_copy(msg, acc.at[pl.ds(s * APT + q * CH, CH)])
    pltpu.sync_copy(wch, wb)
    plsc.subcore_barrier()

    it = lax.iota(jnp.int32, 16)
    hi = it // 8
    padmask = jnp.where(it < 8, jnp.float32(1.0), jnp.float32(0.0))

    HC = CH // 2

    def stream_in(b):
        pltpu.sync_copy(shth.at[:, pl.ds(b, CH)], sht)
        pltpu.sync_copy(cnh.at[1, pl.ds(b, CH)], nv)
        cp0 = pltpu.async_copy(
            embh.at[nv.at[pl.ds(0, HC)]], ev.at[pl.ds(0, HC)], sem)
        cp1 = pltpu.async_copy(
            embh.at[nv.at[pl.ds(HC, HC)]], ev.at[pl.ds(HC, HC)], sem2)
        return cp0, cp1

    def prep(mucs, sh_rows):
        @plsc.parallel_loop(0, CH, step=16, unroll=2)
        def one(i):
            ibase = (jnp.full((16,), i, jnp.int32) + it) * RS
            for m in sh_rows:
                plsc.store_scatter(rec, [ibase + m], sht[m, pl.ds(i, 16)])
            r16 = sht[16, pl.ds(i, 16)]
            fc = _fc16(r16)
            for row, (mu, c2) in enumerate(mucs):
                d = r16 - np.float32(mu)
                gq = jnp.exp(d * d * np.float32(-c2)) * fc
                plsc.store_scatter(rec, [ibase + (16 + row)], gq)

    @pl.when(c == 0)
    def _core0():
        pat0 = it % 8
        p1a = 8 + (it % 6)
        pe1 = jnp.where(it < 8, it + 16, it - 8)
        p1b = 8 + (pe1 % 6)
        p1c = 8 + ((it + 8) % 6)
        p2b = 6 + (it % 4)
        z16 = it * 0
        Wl0a = wb[pl.ds(0, 16)]
        Wl0b = wb[pl.ds(16, 16)]
        W1v0 = wb[pl.ds(32, 16)]
        W1v1 = plsc.load_gather(wb, [32 + pe1])
        W1v2 = wb[pl.ds(40, 16)]
        W1v4 = W1v1 * padmask
        W2v = wb[pl.ds(56, 16)]
        mucs = _muc(8) + _muc(6) + _muc(4)

        def chunk(g, _):
            cp0, cp1 = stream_in(s * EPT + g * CH)
            prep(mucs, range(5))

            def edge_body(e):
                eb = e * RS
                e16 = jnp.full((16,), e, jnp.int32)
                shv = rec[pl.ds(eb, 16)]
                gA = rec[pl.ds(eb + 16, 16)]
                gB = rec[pl.ds(eb + 24, 16)]
                ev0 = ev[e, pl.ds(0, 16)]
                ev1 = ev[e, pl.ds(16, 16)]
                evm = ev[e, pl.ds(8, 16)]
                em1b = plsc.load_gather(ev, [e16, pe1])
                g0 = gA.at[pat0].get(mode=PIB)
                sh0e = shv.at[z16].get(mode=PIB)
                msg[e, pl.ds(0, 16)] = sh0e * (g0 * Wl0a) * ev0
                msg[e, pl.ds(16, 16)] = sh0e * (g0 * Wl0b) * ev1
                g1a = gA.at[p1a].get(mode=PIB)
                g1b = gA.at[p1b].get(mode=PIB)
                g1c = gA.at[p1c].get(mode=PIB)
                sm0 = shv.at[z16 + 1].get(mode=PIB)
                sm1 = shv.at[z16 + 2].get(mode=PIB)
                sm2 = shv.at[z16 + 3].get(mode=PIB)
                shg = jnp.where(it < 8, sm0, sm1)
                rb0 = g1a * W1v0
                msg[e, pl.ds(32, 16)] = sm0 * rb0 * ev0
                msg[e, pl.ds(48, 16)] = shg * (g1b * W1v1) * em1b
                msg[e, pl.ds(64, 16)] = sm1 * (g1c * W1v2) * evm
                msg[e, pl.ds(80, 16)] = sm2 * rb0 * ev0
                msg[e, pl.ds(96, 16)] = sm2 * (g1b * W1v4) * em1b
                g2 = gB.at[p2b].get(mode=PIB)
                s20 = shv.at[z16 + 4].get(mode=PIB)
                msg[e, pl.ds(112, 16)] = s20 * (g2 * W2v) * ev0

            @pl.when(g > 0)
            def _drain():
                pltpu.make_async_copy(msg, acc.at[cv], sem3).wait()

            pltpu.sync_copy(cnh.at[0, pl.ds(s * EPT + g * CH, CH)], cv)
            cp0.wait()
            plsc.parallel_loop(0, HC, unroll=4)(edge_body)
            cp1.wait()
            plsc.parallel_loop(HC, CH, unroll=4)(edge_body)
            pltpu.async_copy(msg, acc.at[cv], sem3, add=True)
            return 0

        lax.fori_loop(0, NCHUNK, chunk, 0)
        pltpu.make_async_copy(msg, acc.at[cv], sem3).wait()

    @pl.when(c == 1)
    def _core1():
        p2 = it % 4
        p3 = 4 + (it % 2)
        pe3 = it % 8
        z16 = it * 0
        sh_r3 = [9 + jnp.minimum(2 * v + hi, 6) for v in range(4)]
        W2v = wb[pl.ds(56, 16)]
        W3v = plsc.load_gather(wb, [72 + pe3])
        W3vp = W3v * padmask
        mucs = _muc(4) + _muc(2)

        def chunk(g, _):
            cp0, cp1 = stream_in(s * EPT + g * CH)
            prep(mucs, range(5, 16))

            def edge_body(e):
                eb = e * RS
                e16 = jnp.full((16,), e, jnp.int32)
                shv = rec[pl.ds(eb, 16)]
                gA = rec[pl.ds(eb + 16, 16)]
                ev0 = ev[e, pl.ds(0, 16)]
                em3 = plsc.load_gather(ev, [e16, pe3])
                g2 = gA.at[p2].get(mode=PIB)
                rb2 = g2 * W2v
                for m in range(4):
                    sm = shv.at[z16 + 5 + m].get(mode=PIB)
                    msg[e, pl.ds(16 * m, 16)] = sm * rb2 * ev0
                g3 = gA.at[p3].get(mode=PIB)
                rb3 = g3 * W3v
                rb3p = g3 * W3vp
                for v in range(4):
                    shg = shv.at[sh_r3[v]].get(mode=PIB)
                    rb = rb3p if v == 3 else rb3
                    msg[e, pl.ds(64 + 16 * v, 16)] = shg * rb * em3

            @pl.when(g > 0)
            def _drain():
                pltpu.make_async_copy(msg, acc.at[cv], sem3).wait()

            pltpu.sync_copy(cnh.at[0, pl.ds(s * EPT + g * CH, CH)], cv)
            cp0.wait()
            plsc.parallel_loop(0, HC, unroll=4)(edge_body)
            cp1.wait()
            plsc.parallel_loop(HC, CH, unroll=4)(edge_body)
            pltpu.async_copy(msg, acc.at[cv], sem3, add=True)
            return 0

        lax.fori_loop(0, NCHUNK, chunk, 0)
        pltpu.make_async_copy(msg, acc.at[cv], sem3).wait()

    plsc.subcore_barrier()
    row0 = s * APT
    pltpu.sync_copy(acc.at[pl.ds(row0, APT)], out.at[c, pl.ds(row0, APT)])


@jax.jit
def _sc_call(sht, emb4, wcat, cn):
    mesh = plsc.VectorSubcoreMesh(
        core_axis_name="c", subcore_axis_name="s", num_cores=NC, num_subcores=NS)
    f = pl.kernel(
        _body,
        out_type=jax.ShapeDtypeStruct((NC, N_PAD, RW), jnp.float32),
        mesh=mesh,
        compiler_params=pltpu.CompilerParams(needs_layout_passes=False),
        scratch_types=[
            pltpu.VMEM_SHARED((N_PAD, RW), jnp.float32),
            pltpu.VMEM((17, CH), jnp.float32),
            pltpu.VMEM((CH, RW), jnp.float32),
            pltpu.VMEM((CH * RS + 16,), jnp.float32),
            pltpu.VMEM((CH, RW), jnp.float32),
            pltpu.VMEM((CH,), jnp.int32),
            pltpu.VMEM((CH,), jnp.int32),
            pltpu.VMEM((80,), jnp.float32),
            pltpu.SemaphoreType.DMA,
            pltpu.SemaphoreType.DMA,
            pltpu.SemaphoreType.DMA,
        ],
    )
    return f(sht, emb4, wcat, cn)


def kernel(r, sh_0, sh_1, sh_2, sh_3, initial_center_embedding,
           W0, W1, W2, W3, centers, neighbors, n_atoms):
    E = r.shape[0]
    N = initial_center_embedding.shape[0]
    pad = E_PAD - E
    shcat = jnp.concatenate(
        [sh_0.reshape(E, 1), sh_1.reshape(E, 3), sh_2.reshape(E, 5),
         sh_3.reshape(E, 7), r.reshape(E, 1)], axis=1)
    sht = jnp.pad(shcat.T, ((0, 0), (0, pad)),
                  constant_values=0.0).at[16, E:].set(R_CUT)
    emb4 = jnp.pad(initial_center_embedding.reshape(N, 32), ((0, 0), (0, 96)))
    wcat = jnp.concatenate(
        [W0.reshape(-1), W1.reshape(-1), W2.reshape(-1), W3.reshape(-1)])
    cn = jnp.pad(jnp.stack([centers.astype(jnp.int32),
                            neighbors.astype(jnp.int32)]), ((0, 0), (0, pad)))
    out = _sc_call(sht, emb4, wcat, cn)
    b0 = out[0, :N, :32].reshape(N, 1, 32)
    b1 = out[0, :N, 32:104].reshape(N, 3, 24)
    b2 = jnp.concatenate([out[0, :N, 112:128], out[1, :N, 0:64]],
                         axis=1).reshape(N, 5, 16)
    b3 = out[1, :N, 64:120].reshape(N, 7, 8)
    return (b0, b1, b2, b3)

# --- scband reference (transcript-rebuilt; emitter-appended) ---
"""Pipeline reference for scband-invariant-message-passer-1245540515970 (READ-ONLY COPY).

The authoritative reference and input builder live on the scoring server;
editing this copy changes nothing except your own understanding.
"""

import jax, jax.numpy as jnp
import numpy as np

N_ATOMS = 10000
N_EDGES = 320000
L_MAX = 3
N_MAX_L = [8, 6, 4, 2]
N_CHANNELS = 4
K_MAX_L = [32, 24, 16, 8]
R_CUT = 5.0


def _radial_basis_l(r, W_l, n_max):
    # Gaussian radial basis with cosine cutoff, expanded over element channels.
    mu = jnp.linspace(0.0, R_CUT, n_max, dtype=r.dtype)
    sigma = R_CUT / float(n_max)
    gauss = jnp.exp(-((r[:, None] - mu[None, :]) ** 2) / (2.0 * sigma * sigma))
    fc = 0.5 * (jnp.cos(jnp.pi * jnp.clip(r, 0.0, R_CUT) / R_CUT) + 1.0)
    gauss = gauss * fc[:, None]
    rb = gauss[:, None, :] * W_l[None, :, :]  # [E, C, n_max]
    return rb.reshape(r.shape[0], -1)  # [E, C * n_max] = [E, k_max_l]


def setup_inputs(seed: int = 0) -> dict:
    key = jax.random.key(seed)
    ks = jax.random.split(key, 12)
    r = jax.random.uniform(ks[0], (N_EDGES, 1), dtype=jnp.float32, minval=0.1, maxval=R_CUT)
    sh_0 = jax.random.normal(ks[1], (N_EDGES, 1, 1), dtype=jnp.float32)
    sh_1 = jax.random.normal(ks[2], (N_EDGES, 3, 1), dtype=jnp.float32)
    sh_2 = jax.random.normal(ks[3], (N_EDGES, 5, 1), dtype=jnp.float32)
    sh_3 = jax.random.normal(ks[4], (N_EDGES, 7, 1), dtype=jnp.float32)
    centers = jax.random.randint(ks[5], (N_EDGES,), 0, N_ATOMS)
    neighbors = jax.random.randint(ks[6], (N_EDGES,), 0, N_ATOMS)
    initial_center_embedding = jax.random.normal(ks[7], (N_ATOMS, 1, max(K_MAX_L)), dtype=jnp.float32)
    W0 = jax.random.normal(ks[8], (N_CHANNELS, N_MAX_L[0]), dtype=jnp.float32) * 0.1
    W1 = jax.random.normal(ks[9], (N_CHANNELS, N_MAX_L[1]), dtype=jnp.float32) * 0.1
    W2 = jax.random.normal(ks[10], (N_CHANNELS, N_MAX_L[2]), dtype=jnp.float32) * 0.1
    W3 = jax.random.normal(ks[11], (N_CHANNELS, N_MAX_L[3]), dtype=jnp.float32) * 0.1
    return {"r": r, "sh_0": sh_0, "sh_1": sh_1, "sh_2": sh_2, "sh_3": sh_3,
            "initial_center_embedding": initial_center_embedding,
            "W0": W0, "W1": W1, "W2": W2, "W3": W3,
            "centers": centers, "neighbors": neighbors, "n_atoms": N_ATOMS}


def reference(r, sh_0, sh_1, sh_2, sh_3, initial_center_embedding,
              W0, W1, W2, W3, centers, neighbors, n_atoms):
    rv = r[:, 0]
    Ws = [W0, W1, W2, W3]
    shs = [sh_0, sh_1, sh_2, sh_3]
    n_atoms_static = initial_center_embedding.shape[0]
    blocks = []
    for l in range(L_MAX + 1):
        rb_l = _radial_basis_l(rv, Ws[l], N_MAX_L[l])  # [E, k_l]
        k = K_MAX_L[l]
        # spherical_harmonics_l * radial_basis_l.unsqueeze(1) * embedding[neighbors][:, :, :k]
        msg = shs[l] * rb_l[:, None, :] * initial_center_embedding[neighbors][:, :, :k]  # [E, 2l+1, k]
        zero = jnp.zeros((), dtype=rb_l.dtype) * n_atoms
        dens = (jnp.zeros((n_atoms_static, 2 * l + 1, k), dtype=rb_l.dtype) + zero).at[centers].add(msg)
        blocks.append(dens)
    return tuple(blocks)

if __name__ == "__main__":
    import jax
    _d = setup_inputs()
    print(jax.jit(kernel)(*tuple(_d.values())))

</pallas_src>

<mosaic_0001>
#map = affine_map<(d0, d1) -> (0, 0)>
#map1 = affine_map<(d0, d1) -> (0)>
#map2 = affine_map<(d0, d1) -> (0, 0, 0)>
module attributes {stable_mosaic.version = 14 : i64} {
  func.func @_body(%arg0: i32, %arg1: i32, %arg2: memref<17x327680xf32, #tpu.memory_space<hbm>>, %arg3: memref<10000x128xf32, #tpu.memory_space<hbm>>, %arg4: memref<80xf32, #tpu.memory_space<hbm>>, %arg5: memref<2x327680xi32, #tpu.memory_space<hbm>>, %arg6: memref<2x10240x128xf32, #tpu.memory_space<hbm>>, %arg7: memref<10240x128xf32, #tpu.memory_space<vmem_shared>>, %arg8: memref<17x128xf32, #tpu.memory_space<vmem>>, %arg9: memref<128x128xf32, #tpu.memory_space<vmem>>, %arg10: memref<5264xf32, #tpu.memory_space<vmem>>, %arg11: memref<128x128xf32, #tpu.memory_space<vmem>>, %arg12: memref<128xi32, #tpu.memory_space<vmem>>, %arg13: memref<128xi32, #tpu.memory_space<vmem>>, %arg14: memref<80xf32, #tpu.memory_space<vmem>>, %arg15: memref<!tpu.dma_semaphore, #tpu.memory_space<semaphore_mem>>, %arg16: memref<!tpu.dma_semaphore, #tpu.memory_space<semaphore_mem>>, %arg17: memref<!tpu.dma_semaphore, #tpu.memory_space<semaphore_mem>>) attributes {dimension_semantics = [#tpu.dimension_semantics<core_parallel>, #tpu.dimension_semantics<subcore_parallel>], iteration_bounds = array<i64: 2, 16>, scalar_prefetch = 0 : i64, scratch_operands = 11 : i64, tpu.core_type = #tpu.core_type<sc_vector_subcore>, window_params = [{transform_indices = #map}, {transform_indices = #map}, {transform_indices = #map1}, {transform_indices = #map}, {transform_indices = #map2}]} {
    %broadcast_in_dim3A = arith.constant 0.000000e+00 : f32
    %broadcast_in_dim3A_0 = vector.broadcast %broadcast_in_dim3A : f32 to vector<16xf32>
    %scan3A = arith.constant 0 : i32
    %scan3A_1 = arith.constant 0 : i32
    %scan3A_2 = arith.constant 128 : i32
    %scan3A_3 = arith.addi %scan3A_1, %scan3A_2 : i32
    %scan3A_4 = arith.constant 1 : i32
    %scan3A_5 = scf.for %scan3A_65 = %scan3A_1 to %scan3A_3 step %scan3A_4 iter_args(%scan3A_66 = %scan3A) -> (i32)  : i32 {
      %swap3A = arith.index_cast %scan3A_65 : i32 to index
      %swap3A_67 = arith.constant 0 : index
      %swap3A_68 = tpu.vector_load %arg11[%swap3A, %swap3A_67] {strides = array<i32>} : memref<128x128xf32, #tpu.memory_space<vmem>>, vector<16xf32>,
      tpu.vector_store %arg11[%swap3A, %swap3A_67], %broadcast_in_dim3A_0 {strides = array<i32>} : memref<128x128xf32, #tpu.memory_space<vmem>>, vector<16xf32>,
      %swap3A_69 = arith.index_cast %scan3A_65 : i32 to index
      %swap3A_70 = arith.constant 16 : index
      %swap3A_71 = tpu.vector_load %arg11[%swap3A_69, %swap3A_70] {strides = array<i32>} : memref<128x128xf32, #tpu.memory_space<vmem>>, vector<16xf32>,
      tpu.vector_store %arg11[%swap3A_69, %swap3A_70], %broadcast_in_dim3A_0 {strides = array<i32>} : memref<128x128xf32, #tpu.memory_space<vmem>>, vector<16xf32>,
      %swap3A_72 = arith.index_cast %scan3A_65 : i32 to index
      %swap3A_73 = arith.constant 32 : index
      %swap3A_74 = tpu.vector_load %arg11[%swap3A_72, %swap3A_73] {strides = array<i32>} : memref<128x128xf32, #tpu.memory_space<vmem>>, vector<16xf32>,
      tpu.vector_store %arg11[%swap3A_72, %swap3A_73], %broadcast_in_dim3A_0 {strides = array<i32>} : memref<128x128xf32, #tpu.memory_space<vmem>>, vector<16xf32>,
      %swap3A_75 = arith.index_cast %scan3A_65 : i32 to index
      %swap3A_76 = arith.constant 48 : index
      %swap3A_77 = tpu.vector_load %arg11[%swap3A_75, %swap3A_76] {strides = array<i32>} : memref<128x128xf32, #tpu.memory_space<vmem>>, vector<16xf32>,
      tpu.vector_store %arg11[%swap3A_75, %swap3A_76], %broadcast_in_dim3A_0 {strides = array<i32>} : memref<128x128xf32, #tpu.memory_space<vmem>>, vector<16xf32>,
      %swap3A_78 = arith.index_cast %scan3A_65 : i32 to index
      %swap3A_79 = arith.constant 64 : index
      %swap3A_80 = tpu.vector_load %arg11[%swap3A_78, %swap3A_79] {strides = array<i32>} : memref<128x128xf32, #tpu.memory_space<vmem>>, vector<16xf32>,
      tpu.vector_store %arg11[%swap3A_78, %swap3A_79], %broadcast_in_dim3A_0 {strides = array<i32>} : memref<128x128xf32, #tpu.memory_space<vmem>>, vector<16xf32>,
      %swap3A_81 = arith.index_cast %scan3A_65 : i32 to index
      %swap3A_82 = arith.constant 80 : index
      %swap3A_83 = tpu.vector_load %arg11[%swap3A_81, %swap3A_82] {strides = array<i32>} : memref<128x128xf32, #tpu.memory_space<vmem>>, vector<16xf32>,
      tpu.vector_store %arg11[%swap3A_81, %swap3A_82], %broadcast_in_dim3A_0 {strides = array<i32>} : memref<128x128xf32, #tpu.memory_space<vmem>>, vector<16xf32>,
      %swap3A_84 = arith.index_cast %scan3A_65 : i32 to index
      %swap3A_85 = arith.constant 96 : index
      %swap3A_86 = tpu.vector_load %arg11[%swap3A_84, %swap3A_85] {strides = array<i32>} : memref<128x128xf32, #tpu.memory_space<vmem>>, vector<16xf32>,
      tpu.vector_store %arg11[%swap3A_84, %swap3A_85], %broadcast_in_dim3A_0 {strides = array<i32>} : memref<128x128xf32, #tpu.memory_space<vmem>>, vector<16xf32>,
      %swap3A_87 = arith.index_cast %scan3A_65 : i32 to index
      %swap3A_88 = arith.constant 112 : index
      %swap3A_89 = tpu.vector_load %arg11[%swap3A_87, %swap3A_88] {strides = array<i32>} : memref<128x128xf32, #tpu.memory_space<vmem>>, vector<16xf32>,
      tpu.vector_store %arg11[%swap3A_87, %swap3A_88], %broadcast_in_dim3A_0 {strides = array<i32>} : memref<128x128xf32, #tpu.memory_space<vmem>>, vector<16xf32>,
      %scan3A_90 = arith.constant 0 : i32
      scf.yield %scan3A_90 : i32
    }
    %scan3A_6 = arith.constant 128 : i32
    %mul3A = arith.constant 640 : i32
    %mul3A_7 = arith.muli %arg1, %mul3A : i32
    %add3A = arith.constant 0 : i32
    %add3A_8 = arith.addi %mul3A_7, %add3A : i32
    "tpu.region"() ({
      %run_scoped3A = tpu.sem_alloc : memref<!tpu.dma_semaphore, #tpu.memory_space<semaphore_mem>>
      %dma_start3A = arith.constant 0 : i32
      %dma_start3A_65 = tpu.memref_slice %arg7[%add3A_8, %dma_start3A] : memref<10240x128xf32, #tpu.memory_space<vmem_shared>> -> memref<128x128xf32, #tpu.memory_space<vmem_shared>>
      %dma_start3A_66 = arith.constant 0 : i32
      %dma_start3A_67 = tpu.memref_slice %arg7[%add3A_8, %dma_start3A_66] : memref<10240x128xf32, #tpu.memory_space<vmem_shared>> -> memref<128x128xf32, #tpu.memory_space<vmem_shared>>
      tpu.enqueue_dma source(%arg11 : memref<128x128xf32, #tpu.memory_space<vmem>>) target(%dma_start3A_67 : memref<128x128xf32, #tpu.memory_space<vmem_shared>>) target_semaphore(%run_scoped3A : memref<!tpu.dma_semaphore, #tpu.memory_space<semaphore_mem>>)
      %dma_wait3A = arith.constant 0 : i32
      %dma_wait3A_68 = tpu.memref_slice %arg7[%add3A_8, %dma_wait3A] : memref<10240x128xf32, #tpu.memory_space<vmem_shared>> -> memref<128x128xf32, #tpu.memory_space<vmem_shared>>
      %dma_wait3A_69 = arith.constant 0 : i32
      %dma_wait3A_70 = tpu.memref_slice %arg7[%add3A_8, %dma_wait3A_69] : memref<10240x128xf32, #tpu.memory_space<vmem_shared>> -> memref<128x128xf32, #tpu.memory_space<vmem_shared>>
      tpu.wait_dma2 semaphore(%run_scoped3A : memref<!tpu.dma_semaphore, #tpu.memory_space<semaphore_mem>>) src(%arg11 : memref<128x128xf32, #tpu.memory_space<vmem>>) dst(%dma_wait3A_70 : memref<128x128xf32, #tpu.memory_space<vmem_shared>>)
      tpu.yield
    }) : () -> ()
    %mul3A_9 = arith.constant 640 : i32
    %mul3A_10 = arith.muli %arg1, %mul3A_9 : i32
    %add3A_11 = arith.constant 128 : i32
    %add3A_12 = arith.addi %mul3A_10, %add3A_11 : i32
    "tpu.region"() ({
      %run_scoped3A = tpu.sem_alloc : memref<!tpu.dma_semaphore, #tpu.memory_space<semaphore_mem>>
      %dma_start3A = arith.constant 0 : i32
      %dma_start3A_65 = tpu.memref_slice %arg7[%add3A_12, %dma_start3A] : memref<10240x128xf32, #tpu.memory_space<vmem_shared>> -> memref<128x128xf32, #tpu.memory_space<vmem_shared>>
      %dma_start3A_66 = arith.constant 0 : i32
      %dma_start3A_67 = tpu.memref_slice %arg7[%add3A_12, %dma_start3A_66] : memref<10240x128xf32, #tpu.memory_space<vmem_shared>> -> memref<128x128xf32, #tpu.memory_space<vmem_shared>>
      tpu.enqueue_dma source(%arg11 : memref<128x128xf32, #tpu.memory_space<vmem>>) target(%dma_start3A_67 : memref<128x128xf32, #tpu.memory_space<vmem_shared>>) target_semaphore(%run_scoped3A : memref<!tpu.dma_semaphore, #tpu.memory_space<semaphore_mem>>)
      %dma_wait3A = arith.constant 0 : i32
      %dma_wait3A_68 = tpu.memref_slice %arg7[%add3A_12, %dma_wait3A] : memref<10240x128xf32, #tpu.memory_space<vmem_shared>> -> memref<128x128xf32, #tpu.memory_space<vmem_shared>>
      %dma_wait3A_69 = arith.constant 0 : i32
      %dma_wait3A_70 = tpu.memref_slice %arg7[%add3A_12, %dma_wait3A_69] : memref<10240x128xf32, #tpu.memory_space<vmem_shared>> -> memref<128x128xf32, #tpu.memory_space<vmem_shared>>
      tpu.wait_dma2 semaphore(%run_scoped3A : memref<!tpu.dma_semaphore, #tpu.memory_space<semaphore_mem>>) src(%arg11 : memref<128x128xf32, #tpu.memory_space<vmem>>) dst(%dma_wait3A_70 : memref<128x128xf32, #tpu.memory_space<vmem_shared>>)
      tpu.yield
    }) : () -> ()
    %mul3A_13 = arith.constant 640 : i32
    %mul3A_14 = arith.muli %arg1, %mul3A_13 : i32
    %add3A_15 = arith.constant 256 : i32
    %add3A_16 = arith.addi %mul3A_14, %add3A_15 : i32
    "tpu.region"() ({
      %run_scoped3A = tpu.sem_alloc : memref<!tpu.dma_semaphore, #tpu.memory_space<semaphore_mem>>
      %dma_start3A = arith.constant 0 : i32
      %dma_start3A_65 = tpu.memref_slice %arg7[%add3A_16, %dma_start3A] : memref<10240x128xf32, #tpu.memory_space<vmem_shared>> -> memref<128x128xf32, #tpu.memory_space<vmem_shared>>
      %dma_start3A_66 = arith.constant 0 : i32
      %dma_start3A_67 = tpu.memref_slice %arg7[%add3A_16, %dma_start3A_66] : memref<10240x128xf32, #tpu.memory_space<vmem_shared>> -> memref<128x128xf32, #tpu.memory_space<vmem_shared>>
      tpu.enqueue_dma source(%arg11 : memref<128x128xf32, #tpu.memory_space<vmem>>) target(%dma_start3A_67 : memref<128x128xf32, #tpu.memory_space<vmem_shared>>) target_semaphore(%run_scoped3A : memref<!tpu.dma_semaphore, #tpu.memory_space<semaphore_mem>>)
      %dma_wait3A = arith.constant 0 : i32
      %dma_wait3A_68 = tpu.memref_slice %arg7[%add3A_16, %dma_wait3A] : memref<10240x128xf32, #tpu.memory_space<vmem_shared>> -> memref<128x128xf32, #tpu.memory_space<vmem_shared>>
      %dma_wait3A_69 = arith.constant 0 : i32
      %dma_wait3A_70 = tpu.memref_slice %arg7[%add3A_16, %dma_wait3A_69] : memref<10240x128xf32, #tpu.memory_space<vmem_shared>> -> memref<128x128xf32, #tpu.memory_space<vmem_shared>>
      tpu.wait_dma2 semaphore(%run_scoped3A : memref<!tpu.dma_semaphore, #tpu.memory_space<semaphore_mem>>) src(%arg11 : memref<128x128xf32, #tpu.memory_space<vmem>>) dst(%dma_wait3A_70 : memref<128x128xf32, #tpu.memory_space<vmem_shared>>)
      tpu.yield
    }) : () -> ()
    %mul3A_17 = arith.constant 640 : i32
    %mul3A_18 = arith.muli %arg1, %mul3A_17 : i32
    %add3A_19 = arith.constant 384 : i32
    %add3A_20 = arith.addi %mul3A_18, %add3A_19 : i32
    "tpu.region"() ({
      %run_scoped3A = tpu.sem_alloc : memref<!tpu.dma_semaphore, #tpu.memory_space<semaphore_mem>>
      %dma_start3A = arith.constant 0 : i32
      %dma_start3A_65 = tpu.memref_slice %arg7[%add3A_20, %dma_start3A] : memref<10240x128xf32, #tpu.memory_space<vmem_shared>> -> memref<128x128xf32, #tpu.memory_space<vmem_shared>>
      %dma_start3A_66 = arith.constant 0 : i32
      %dma_start3A_67 = tpu.memref_slice %arg7[%add3A_20, %dma_start3A_66] : memref<10240x128xf32, #tpu.memory_space<vmem_shared>> -> memref<128x128xf32, #tpu.memory_space<vmem_shared>>
      tpu.enqueue_dma source(%arg11 : memref<128x128xf32, #tpu.memory_space<vmem>>) target(%dma_start3A_67 : memref<128x128xf32, #tpu.memory_space<vmem_shared>>) target_semaphore(%run_scoped3A : memref<!tpu.dma_semaphore, #tpu.memory_space<semaphore_mem>>)
      %dma_wait3A = arith.constant 0 : i32
      %dma_wait3A_68 = tpu.memref_slice %arg7[%add3A_20, %dma_wait3A] : memref<10240x128xf32, #tpu.memory_space<vmem_shared>> -> memref<128x128xf32, #tpu.memory_space<vmem_shared>>
      %dma_wait3A_69 = arith.constant 0 : i32
      %dma_wait3A_70 = tpu.memref_slice %arg7[%add3A_20, %dma_wait3A_69] : memref<10240x128xf32, #tpu.memory_space<vmem_shared>> -> memref<128x128xf32, #tpu.memory_space<vmem_shared>>
      tpu.wait_dma2 semaphore(%run_scoped3A : memref<!tpu.dma_semaphore, #tpu.memory_space<semaphore_mem>>) src(%arg11 : memref<128x128xf32, #tpu.memory_space<vmem>>) dst(%dma_wait3A_70 : memref<128x128xf32, #tpu.memory_space<vmem_shared>>)
      tpu.yield
    }) : () -> ()
    %mul3A_21 = arith.constant 640 : i32
    %mul3A_22 = arith.muli %arg1, %mul3A_21 : i32
    %add3A_23 = arith.constant 512 : i32
    %add3A_24 = arith.addi %mul3A_22, %add3A_23 : i32
    "tpu.region"() ({
      %run_scoped3A = tpu.sem_alloc : memref<!tpu.dma_semaphore, #tpu.memory_space<semaphore_mem>>
      %dma_start3A = arith.constant 0 : i32
      %dma_start3A_65 = tpu.memref_slice %arg7[%add3A_24, %dma_start3A] : memref<10240x128xf32, #tpu.memory_space<vmem_shared>> -> memref<128x128xf32, #tpu.memory_space<vmem_shared>>
      %dma_start3A_66 = arith.constant 0 : i32
      %dma_start3A_67 = tpu.memref_slice %arg7[%add3A_24, %dma_start3A_66] : memref<10240x128xf32, #tpu.memory_space<vmem_shared>> -> memref<128x128xf32, #tpu.memory_space<vmem_shared>>
      tpu.enqueue_dma source(%arg11 : memref<128x128xf32, #tpu.memory_space<vmem>>) target(%dma_start3A_67 : memref<128x128xf32, #tpu.memory_space<vmem_shared>>) target_semaphore(%run_scoped3A : memref<!tpu.dma_semaphore, #tpu.memory_space<semaphore_mem>>)
      %dma_wait3A = arith.constant 0 : i32
      %dma_wait3A_68 = tpu.memref_slice %arg7[%add3A_24, %dma_wait3A] : memref<10240x128xf32, #tpu.memory_space<vmem_shared>> -> memref<128x128xf32, #tpu.memory_space<vmem_shared>>
      %dma_wait3A_69 = arith.constant 0 : i32
      %dma_wait3A_70 = tpu.memref_slice %arg7[%add3A_24, %dma_wait3A_69] : memref<10240x128xf32, #tpu.memory_space<vmem_shared>> -> memref<128x128xf32, #tpu.memory_space<vmem_shared>>
      tpu.wait_dma2 semaphore(%run_scoped3A : memref<!tpu.dma_semaphore, #tpu.memory_space<semaphore_mem>>) src(%arg11 : memref<128x128xf32, #tpu.memory_space<vmem>>) dst(%dma_wait3A_70 : memref<128x128xf32, #tpu.memory_space<vmem_shared>>)
      tpu.yield
    }) : () -> ()
    "tpu.region"() ({
      %run_scoped3A = tpu.sem_alloc : memref<!tpu.dma_semaphore, #tpu.memory_space<semaphore_mem>>
      tpu.enqueue_dma source(%arg4 : memref<80xf32, #tpu.memory_space<hbm>>) target(%arg14 : memref<80xf32, #tpu.memory_space<vmem>>) target_semaphore(%run_scoped3A : memref<!tpu.dma_semaphore, #tpu.memory_space<semaphore_mem>>)
      tpu.wait_dma2 semaphore(%run_scoped3A : memref<!tpu.dma_semaphore, #tpu.memory_space<semaphore_mem>>) src(%arg4 : memref<80xf32, #tpu.memory_space<hbm>>) dst(%arg14 : memref<80xf32, #tpu.memory_space<vmem>>)
      tpu.yield
    }) : () -> ()
    %barrier3A = arith.constant 0 : index
    tpu.barrier barrier_id(%barrier3A)
    %iota3A = tpu.iota {dimensions = array<i32: 0>} : vector<16xi32>
    %jit3A = arith.constant 8 : i32
    %div3A = vector.broadcast %jit3A : i32 to vector<16xi32>
    %div3A_25 = arith.divsi %iota3A, %div3A : vector<16xi32>
    %sign3A = arith.constant 0 : i32
    %sign3A_26 = vector.broadcast %sign3A : i32 to vector<16xi32>
    %sign3A_27 = arith.cmpi sgt, %iota3A, %sign3A_26 : vector<16xi32>
    %sign3A_28 = arith.extui %sign3A_27 : vector<16xi1> to vector<16xi32>
    %sign3A_29 = arith.constant 0 : i32
    %sign3A_30 = vector.broadcast %sign3A_29 : i32 to vector<16xi32>
    %sign3A_31 = arith.cmpi slt, %iota3A, %sign3A_30 : vector<16xi32>
    %sign3A_32 = arith.extui %sign3A_31 : vector<16xi1> to vector<16xi32>
    %sign3A_33 = arith.subi %sign3A_28, %sign3A_32 : vector<16xi32>
    %sign3A_34 = arith.constant 0 : i32
    %sign3A_35 = arith.cmpi sgt, %jit3A, %sign3A_34 : i32
    %sign3A_36 = arith.extui %sign3A_35 : i1 to i32
    %sign3A_37 = arith.constant 0 : i32
    %sign3A_38 = arith.cmpi slt, %jit3A, %sign3A_37 : i32
    %sign3A_39 = arith.extui %sign3A_38 : i1 to i32
    %sign3A_40 = arith.subi %sign3A_36, %sign3A_39 : i32
    %ne3A = vector.broadcast %sign3A_40 : i32 to vector<16xi32>
    %ne3A_41 = arith.cmpi ne, %sign3A_33, %ne3A : vector<16xi32>
    %rem3A = vector.broadcast %jit3A : i32 to vector<16xi32>
    %rem3A_42 = arith.remsi %iota3A, %rem3A : vector<16xi32>
    %ne3A_43 = arith.constant 0 : i32
    %ne3A_44 = vector.broadcast %ne3A_43 : i32 to vector<16xi32>
    %ne3A_45 = arith.cmpi ne, %rem3A_42, %ne3A_44 : vector<16xi32>
    %and3A = arith.andi %ne3A_41, %ne3A_45 : vector<16xi1>
    %sub3A = arith.constant 1 : i32
    %sub3A_46 = vector.broadcast %sub3A : i32 to vector<16xi32>
    %sub3A_47 = arith.subi %div3A_25, %sub3A_46 : vector<16xi32>
    %select_n3A = arith.select %and3A, %sub3A_47, %div3A_25 : vector<16xi1>, vector<16xi32>
    %lt3A = arith.constant 8 : i32
    %lt3A_48 = vector.broadcast %lt3A : i32 to vector<16xi32>
    %lt3A_49 = arith.cmpi slt, %iota3A, %lt3A_48 : vector<16xi32>
    %jit3A_50 = arith.constant 1.000000e+00 : f32
    %jit3A_51 = arith.constant 0.000000e+00 : f32
    %broadcast_in_dim3A_52 = vector.broadcast %jit3A_50 : f32 to vector<16xf32>
    %broadcast_in_dim3A_53 = vector.broadcast %jit3A_51 : f32 to vector<16xf32>
    %select_n3A_54 = arith.select %lt3A_49, %broadcast_in_dim3A_52, %broadcast_in_dim3A_53 : vector<16xi1>, vector<16xf32>
    %eq3A = arith.constant 0 : i32
    %eq3A_55 = arith.cmpi eq, %arg0, %eq3A : i32
    %convert_element_type3A = arith.extui %eq3A_55 : i1 to i32
    %cond3A = arith.constant 0 : i32
    %cond3A_56 = arith.cmpi ne, %convert_element_type3A, %cond3A : i32
    scf.if %cond3A_56 {
      %jit3A_65 = arith.constant 8 : i32
      %eq3A_66 = arith.constant 0 : i32
      %eq3A_67 = arith.cmpi eq, %jit3A_65, %eq3A_66 : i32
      %jit3A_68 = arith.constant 1 : i32
      %select_n3A_69 = arith.select %eq3A_67, %jit3A_68, %jit3A_65 : i32
      %rem3A_70 = vector.broadcast %select_n3A_69 : i32 to vector<16xi32>
      %rem3A_71 = arith.remsi %iota3A, %rem3A_70 : vector<16xi32>
      %ne3A_72 = arith.constant 0 : i32
      %ne3A_73 = vector.broadcast %ne3A_72 : i32 to vector<16xi32>
      %ne3A_74 = arith.cmpi ne, %rem3A_71, %ne3A_73 : vector<16xi32>
      %lt3A_75 = arith.constant 0 : i32
      %lt3A_76 = vector.broadcast %lt3A_75 : i32 to vector<16xi32>
      %lt3A_77 = arith.cmpi slt, %rem3A_71, %lt3A_76 : vector<16xi32>
      %lt3A_78 = arith.constant 0 : i32
      %lt3A_79 = arith.cmpi slt, %select_n3A_69, %lt3A_78 : i32
      %ne3A_80 = vector.broadcast %lt3A_79 : i1 to vector<16xi1>
      %ne3A_81 = vector.broadcast %ne3A_80 : vector<16xi1> to vector<16xi1>
      %ne3A_82 = arith.xori %lt3A_77, %ne3A_81 : vector<16xi1>
      %and3A_83 = arith.andi %ne3A_82, %ne3A_74 : vector<16xi1>
      %add3A_84 = vector.broadcast %select_n3A_69 : i32 to vector<16xi32>
      %add3A_85 = arith.addi %rem3A_71, %add3A_84 : vector<16xi32>
      %select_n3A_86 = arith.select %and3A_83, %add3A_85, %rem3A_71 : vector<16xi1>, vector<16xi32>
      %jit3A_87 = arith.constant 6 : i32
      %eq3A_88 = arith.constant 0 : i32
      %eq3A_89 = arith.cmpi eq, %jit3A_87, %eq3A_88 : i32
      %jit3A_90 = arith.constant 1 : i32
      %select_n3A_91 = arith.select %eq3A_89, %jit3A_90, %jit3A_87 : i32
      %rem3A_92 = vector.broadcast %select_n3A_91 : i32 to vector<16xi32>
      %rem3A_93 = arith.remsi %iota3A, %rem3A_92 : vector<16xi32>
      %ne3A_94 = arith.constant 0 : i32
      %ne3A_95 = vector.broadcast %ne3A_94 : i32 to vector<16xi32>
      %ne3A_96 = arith.cmpi ne, %rem3A_93, %ne3A_95 : vector<16xi32>
      %lt3A_97 = arith.constant 0 : i32
      %lt3A_98 = vector.broadcast %lt3A_97 : i32 to vector<16xi32>
      %lt3A_99 = arith.cmpi slt, %rem3A_93, %lt3A_98 : vector<16xi32>
      %lt3A_100 = arith.constant 0 : i32
      %lt3A_101 = arith.cmpi slt, %select_n3A_91, %lt3A_100 : i32
      %ne3A_102 = vector.broadcast %lt3A_101 : i1 to vector<16xi1>
      %ne3A_103 = vector.broadcast %ne3A_102 : vector<16xi1> to vector<16xi1>
      %ne3A_104 = arith.xori %lt3A_99, %ne3A_103 : vector<16xi1>
      %and3A_105 = arith.andi %ne3A_104, %ne3A_96 : vector<16xi1>
      %add3A_106 = vector.broadcast %select_n3A_91 : i32 to vector<16xi32>
      %add3A_107 = arith.addi %rem3A_93, %add3A_106 : vector<16xi32>
      %select_n3A_108 = arith.select %and3A_105, %add3A_107, %rem3A_93 : vector<16xi1>, vector<16xi32>
      %add3A_109 = arith.constant 8 : i32
      %add3A_110 = vector.broadcast %add3A_109 : i32 to vector<16xi32>
      %add3A_111 = arith.addi %add3A_110, %select_n3A_108 : vector<16xi32>
      %lt3A_112 = arith.constant 8 : i32
      %lt3A_113 = vector.broadcast %lt3A_112 : i32 to vector<16xi32>
      %lt3A_114 = arith.cmpi slt, %iota3A, %lt3A_113 : vector<16xi32>
      %add3A_115 = arith.constant 16 : i32
      %add3A_116 = vector.broadcast %add3A_115 : i32 to vector<16xi32>
      %add3A_117 = arith.addi %iota3A, %add3A_116 : vector<16xi32>
      %sub3A_118 = arith.constant 8 : i32
      %sub3A_119 = vector.broadcast %sub3A_118 : i32 to vector<16xi32>
      %sub3A_120 = arith.subi %iota3A, %sub3A_119 : vector<16xi32>
      %select_n3A_121 = arith.select %lt3A_114, %add3A_117, %sub3A_120 : vector<16xi1>, vector<16xi32>
      %jit3A_122 = arith.constant 6 : i32
      %eq3A_123 = arith.constant 0 : i32
      %eq3A_124 = arith.cmpi eq, %jit3A_122, %eq3A_123 : i32
      %jit3A_125 = arith.constant 1 : i32
      %select_n3A_126 = arith.select %eq3A_124, %jit3A_125, %jit3A_122 : i32
      %rem3A_127 = vector.broadcast %select_n3A_126 : i32 to vector<16xi32>
      %rem3A_128 = arith.remsi %select_n3A_121, %rem3A_127 : vector<16xi32>
      %ne3A_129 = arith.constant 0 : i32
      %ne3A_130 = vector.broadcast %ne3A_129 : i32 to vector<16xi32>
      %ne3A_131 = arith.cmpi ne, %rem3A_128, %ne3A_130 : vector<16xi32>
      %lt3A_132 = arith.constant 0 : i32
      %lt3A_133 = vector.broadcast %lt3A_132 : i32 to vector<16xi32>
      %lt3A_134 = arith.cmpi slt, %rem3A_128, %lt3A_133 : vector<16xi32>
      %lt3A_135 = arith.constant 0 : i32
      %lt3A_136 = arith.cmpi slt, %select_n3A_126, %lt3A_135 : i32
      %ne3A_137 = vector.broadcast %lt3A_136 : i1 to vector<16xi1>
      %ne3A_138 = vector.broadcast %ne3A_137 : vector<16xi1> to vector<16xi1>
      %ne3A_139 = arith.xori %lt3A_134, %ne3A_138 : vector<16xi1>
      %and3A_140 = arith.andi %ne3A_139, %ne3A_131 : vector<16xi1>
      %add3A_141 = vector.broadcast %select_n3A_126 : i32 to vector<16xi32>
      %add3A_142 = arith.addi %rem3A_128, %add3A_141 : vector<16xi32>
      %select_n3A_143 = arith.select %and3A_140, %add3A_142, %rem3A_128 : vector<16xi1>, vector<16xi32>
      %add3A_144 = arith.constant 8 : i32
      %add3A_145 = vector.broadcast %add3A_144 : i32 to vector<16xi32>
      %add3A_146 = arith.addi %add3A_145, %select_n3A_143 : vector<16xi32>
      %add3A_147 = arith.constant 8 : i32
      %add3A_148 = vector.broadcast %add3A_147 : i32 to vector<16xi32>
      %add3A_149 = arith.addi %iota3A, %add3A_148 : vector<16xi32>
      %jit3A_150 = arith.constant 6 : i32
      %eq3A_151 = arith.constant 0 : i32
      %eq3A_152 = arith.cmpi eq, %jit3A_150, %eq3A_151 : i32
      %jit3A_153 = arith.constant 1 : i32
      %select_n3A_154 = arith.select %eq3A_152, %jit3A_153, %jit3A_150 : i32
      %rem3A_155 = vector.broadcast %select_n3A_154 : i32 to vector<16xi32>
      %rem3A_156 = arith.remsi %add3A_149, %rem3A_155 : vector<16xi32>
      %ne3A_157 = arith.constant 0 : i32
      %ne3A_158 = vector.broadcast %ne3A_157 : i32 to vector<16xi32>
      %ne3A_159 = arith.cmpi ne, %rem3A_156, %ne3A_158 : vector<16xi32>
      %lt3A_160 = arith.constant 0 : i32
      %lt3A_161 = vector.broadcast %lt3A_160 : i32 to vector<16xi32>
      %lt3A_162 = arith.cmpi slt, %rem3A_156, %lt3A_161 : vector<16xi32>
      %lt3A_163 = arith.constant 0 : i32
      %lt3A_164 = arith.cmpi slt, %select_n3A_154, %lt3A_163 : i32
      %ne3A_165 = vector.broadcast %lt3A_164 : i1 to vector<16xi1>
      %ne3A_166 = vector.broadcast %ne3A_165 : vector<16xi1> to vector<16xi1>
      %ne3A_167 = arith.xori %lt3A_162, %ne3A_166 : vector<16xi1>
      %and3A_168 = arith.andi %ne3A_167, %ne3A_159 : vector<16xi1>
      %add3A_169 = vector.broadcast %select_n3A_154 : i32 to vector<16xi32>
      %add3A_170 = arith.addi %rem3A_156, %add3A_169 : vector<16xi32>
      %select_n3A_171 = arith.select %and3A_168, %add3A_170, %rem3A_156 : vector<16xi1>, vector<16xi32>
      %add3A_172 = arith.constant 8 : i32
      %add3A_173 = vector.broadcast %add3A_172 : i32 to vector<16xi32>
      %add3A_174 = arith.addi %add3A_173, %select_n3A_171 : vector<16xi32>
      %jit3A_175 = arith.constant 4 : i32
      %eq3A_176 = arith.constant 0 : i32
      %eq3A_177 = arith.cmpi eq, %jit3A_175, %eq3A_176 : i32
      %jit3A_178 = arith.constant 1 : i32
      %select_n3A_179 = arith.select %eq3A_177, %jit3A_178, %jit3A_175 : i32
      %rem3A_180 = vector.broadcast %select_n3A_179 : i32 to vector<16xi32>
      %rem3A_181 = arith.remsi %iota3A, %rem3A_180 : vector<16xi32>
      %ne3A_182 = arith.constant 0 : i32
      %ne3A_183 = vector.broadcast %ne3A_182 : i32 to vector<16xi32>
      %ne3A_184 = arith.cmpi ne, %rem3A_181, %ne3A_183 : vector<16xi32>
      %lt3A_185 = arith.constant 0 : i32
      %lt3A_186 = vector.broadcast %lt3A_185 : i32 to vector<16xi32>
      %lt3A_187 = arith.cmpi slt, %rem3A_181, %lt3A_186 : vector<16xi32>
      %lt3A_188 = arith.constant 0 : i32
      %lt3A_189 = arith.cmpi slt, %select_n3A_179, %lt3A_188 : i32
      %ne3A_190 = vector.broadcast %lt3A_189 : i1 to vector<16xi1>
      %ne3A_191 = vector.broadcast %ne3A_190 : vector<16xi1> to vector<16xi1>
      %ne3A_192 = arith.xori %lt3A_187, %ne3A_191 : vector<16xi1>
      %and3A_193 = arith.andi %ne3A_192, %ne3A_184 : vector<16xi1>
      %add3A_194 = vector.broadcast %select_n3A_179 : i32 to vector<16xi32>
      %add3A_195 = arith.addi %rem3A_181, %add3A_194 : vector<16xi32>
      %select_n3A_196 = arith.select %and3A_193, %add3A_195, %rem3A_181 : vector<16xi1>, vector<16xi32>
      %add3A_197 = arith.constant 6 : i32
      %add3A_198 = vector.broadcast %add3A_197 : i32 to vector<16xi32>
      %add3A_199 = arith.addi %add3A_198, %select_n3A_196 : vector<16xi32>
      %mul3A_200 = arith.constant 0 : i32
      %mul3A_201 = vector.broadcast %mul3A_200 : i32 to vector<16xi32>
      %mul3A_202 = arith.muli %iota3A, %mul3A_201 : vector<16xi32>
      %get3A = arith.constant 0 : index
      %get3A_203 = tpu.vector_load %arg14[%get3A] {strides = array<i32>} : memref<80xf32, #tpu.memory_space<vmem>>, vector<16xf32>,
      %get3A_204 = arith.constant 16 : index
      %get3A_205 = tpu.vector_load %arg14[%get3A_204] {strides = array<i32>} : memref<80xf32, #tpu.memory_space<vmem>>, vector<16xf32>,
      %get3A_206 = arith.constant 32 : index
      %get3A_207 = tpu.vector_load %arg14[%get3A_206] {strides = array<i32>} : memref<80xf32, #tpu.memory_space<vmem>>, vector<16xf32>,
      %add3A_208 = arith.constant 32 : i32
      %add3A_209 = vector.broadcast %add3A_208 : i32 to vector<16xi32>
      %add3A_210 = arith.addi %add3A_209, %select_n3A_121 : vector<16xi32>
      %gather3A = tpu.vector_load_idx %arg14[%add3A_210] : memref<80xf32, #tpu.memory_space<vmem>>[vector<16xi32>], vector<16xf32>,
      %get3A_211 = arith.constant 40 : index
      %get3A_212 = tpu.vector_load %arg14[%get3A_211] {strides = array<i32>} : memref<80xf32, #tpu.memory_space<vmem>>, vector<16xf32>,
      %mul3A_213 = arith.mulf %gather3A, %select_n3A_54 : vector<16xf32>
      %get3A_214 = arith.constant 56 : index
      %get3A_215 = tpu.vector_load %arg14[%get3A_214] {strides = array<i32>} : memref<80xf32, #tpu.memory_space<vmem>>, vector<16xf32>,
      %scan3A_216 = arith.constant 0 : i32
      %scan3A_217 = arith.constant 0 : i32
      %scan3A_218 = arith.constant 160 : i32
      %scan3A_219 = arith.addi %scan3A_217, %scan3A_218 : i32
      %scan3A_220 = arith.constant 1 : i32
      %scan3A_221 = scf.for %scan3A_225 = %scan3A_217 to %scan3A_219 step %scan3A_220 iter_args(%scan3A_226 = %scan3A_216) -> (i32)  : i32 {
        %mul3A_227 = arith.constant 20480 : i32
        %mul3A_228 = arith.muli %arg1, %mul3A_227 : i32
        %mul3A_229 = arith.constant 128 : i32
        %mul3A_230 = arith.muli %scan3A_225, %mul3A_229 : i32
        %add3A_231 = arith.addi %mul3A_228, %mul3A_230 : i32
        "tpu.region"() ({
          %run_scoped3A_285 = tpu.sem_alloc : memref<!tpu.dma_semaphore, #tpu.memory_space<semaphore_mem>>
          %dma_start3A_286 = arith.constant 0 : i32
          %dma_start3A_287 = tpu.memref_slice %arg2[%dma_start3A_286, %add3A_231] : memref<17x327680xf32, #tpu.memory_space<hbm>> -> memref<17x128xf32, #tpu.memory_space<hbm>>
          %dma_start3A_288 = arith.constant 0 : i32
          %dma_start3A_289 = tpu.memref_slice %arg2[%dma_start3A_288, %add3A_231] : memref<17x327680xf32, #tpu.memory_space<hbm>> -> memref<17x128xf32, #tpu.memory_space<hbm>>
          tpu.enqueue_dma source(%dma_start3A_289 : memref<17x128xf32, #tpu.memory_space<hbm>>) target(%arg8 : memref<17x128xf32, #tpu.memory_space<vmem>>) target_semaphore(%run_scoped3A_285 : memref<!tpu.dma_semaphore, #tpu.memory_space<semaphore_mem>>)
          %dma_wait3A_290 = arith.constant 0 : i32
          %dma_wait3A_291 = tpu.memref_slice %arg2[%dma_wait3A_290, %add3A_231] : memref<17x327680xf32, #tpu.memory_space<hbm>> -> memref<17x128xf32, #tpu.memory_space<hbm>>
          %dma_wait3A_292 = arith.constant 0 : i32
          %dma_wait3A_293 = tpu.memref_slice %arg2[%dma_wait3A_292, %add3A_231] : memref<17x327680xf32, #tpu.memory_space<hbm>> -> memref<17x128xf32, #tpu.memory_space<hbm>>
          tpu.wait_dma2 semaphore(%run_scoped3A_285 : memref<!tpu.dma_semaphore, #tpu.memory_space<semaphore_mem>>) src(%dma_wait3A_293 : memref<17x128xf32, #tpu.memory_space<hbm>>) dst(%arg8 : memref<17x128xf32, #tpu.memory_space<vmem>>)
          tpu.yield
        }) : () -> ()
        %run_scoped3A = arith.constant 1 : i32
        "tpu.region"() ({
          %run_scoped3A_285 = tpu.sem_alloc : memref<!tpu.dma_semaphore, #tpu.memory_space<semaphore_mem>>
          %dma_start3A_286 = tpu.memref_slice %arg5[%run_scoped3A, %add3A_231] : memref<2x327680xi32, #tpu.memory_space<hbm>> -> memref<1x128xi32, #tpu.memory_space<hbm>>
          %dma_start3A_287 = tpu.memref_squeeze %dma_start3A_286 : memref<1x128xi32, #tpu.memory_space<hbm>> -> memref<128xi32, #tpu.memory_space<hbm>>
          %dma_start3A_288 = tpu.memref_slice %arg5[%run_scoped3A, %add3A_231] : memref<2x327680xi32, #tpu.memory_space<hbm>> -> memref<1x128xi32, #tpu.memory_space<hbm>>
          %dma_start3A_289 = tpu.memref_squeeze %dma_start3A_288 : memref<1x128xi32, #tpu.memory_space<hbm>> -> memref<128xi32, #tpu.memory_space<hbm>>
          tpu.enqueue_dma source(%dma_start3A_289 : memref<128xi32, #tpu.memory_space<hbm>>) target(%arg13 : memref<128xi32, #tpu.memory_space<vmem>>) target_semaphore(%run_scoped3A_285 : memref<!tpu.dma_semaphore, #tpu.memory_space<semaphore_mem>>)
          %dma_wait3A_290 = tpu.memref_slice %arg5[%run_scoped3A, %add3A_231] : memref<2x327680xi32, #tpu.memory_space<hbm>> -> memref<1x128xi32, #tpu.memory_space<hbm>>
          %dma_wait3A_291 = tpu.memref_squeeze %dma_wait3A_290 : memref<1x128xi32, #tpu.memory_space<hbm>> -> memref<128xi32, #tpu.memory_space<hbm>>
          %dma_wait3A_292 = tpu.memref_slice %arg5[%run_scoped3A, %add3A_231] : memref<2x327680xi32, #tpu.memory_space<hbm>> -> memref<1x128xi32, #tpu.memory_space<hbm>>
          %dma_wait3A_293 = tpu.memref_squeeze %dma_wait3A_292 : memref<1x128xi32, #tpu.memory_space<hbm>> -> memref<128xi32, #tpu.memory_space<hbm>>
          tpu.wait_dma2 semaphore(%run_scoped3A_285 : memref<!tpu.dma_semaphore, #tpu.memory_space<semaphore_mem>>) src(%dma_wait3A_293 : memref<128xi32, #tpu.memory_space<hbm>>) dst(%arg13 : memref<128xi32, #tpu.memory_space<vmem>>)
          tpu.yield
        }) : () -> ()
        %dma_start3A = arith.constant 0 : i32
        %dma_start3A_232 = arith.constant 0 : i32
        %dma_start3A_233 = tpu.memref_slice %arg9[%dma_start3A, %dma_start3A_232] : memref<128x128xf32, #tpu.memory_space<vmem>> -> memref<64x128xf32, #tpu.memory_space<vmem>>
        %dma_start3A_234 = arith.constant 0 : i32
        %dma_start3A_235 = tpu.memref_slice %arg13[%dma_start3A_234] : memref<128xi32, #tpu.memory_space<vmem>> -> memref<64xi32, #tpu.memory_space<vmem>>
        %dma_start3A_236 = arith.constant 0 : i32
        %dma_start3A_237 = arith.constant 0 : i32
        %dma_start3A_238 = tpu.memref_slice %arg3[%dma_start3A_236, %dma_start3A_237] : memref<10000x128xf32, #tpu.memory_space<hbm>> -> memref<10000x128xf32, #tpu.memory_space<hbm>>
        tpu.enqueue_indirect_dma source(%dma_start3A_238 : memref<10000x128xf32, #tpu.memory_space<hbm>>) target(%dma_start3A_233 : memref<64x128xf32, #tpu.memory_space<vmem>>) offsets(%dma_start3A_235 : memref<64xi32, #tpu.memory_space<vmem>>) semaphore(%arg15 : memref<!tpu.dma_semaphore, #tpu.memory_space<semaphore_mem>>)
        %dma_start3A_239 = arith.constant 64 : i32
        %dma_start3A_240 = arith.constant 0 : i32
        %dma_start3A_241 = tpu.memref_slice %arg9[%dma_start3A_239, %dma_start3A_240] : memref<128x128xf32, #tpu.memory_space<vmem>> -> memref<64x128xf32, #tpu.memory_space<vmem>>
        %dma_start3A_242 = arith.constant 64 : i32
        %dma_start3A_243 = tpu.memref_slice %arg13[%dma_start3A_242] : memref<128xi32, #tpu.memory_space<vmem>> -> memref<64xi32, #tpu.memory_space<vmem>>
        %dma_start3A_244 = arith.constant 0 : i32
        %dma_start3A_245 = arith.constant 0 : i32
        %dma_start3A_246 = tpu.memref_slice %arg3[%dma_start3A_244, %dma_start3A_245] : memref<10000x128xf32, #tpu.memory_space<hbm>> -> memref<10000x128xf32, #tpu.memory_space<hbm>>
        tpu.enqueue_indirect_dma source(%dma_start3A_246 : memref<10000x128xf32, #tpu.memory_space<hbm>>) target(%dma_start3A_241 : memref<64x128xf32, #tpu.memory_space<vmem>>) offsets(%dma_start3A_243 : memref<64xi32, #tpu.memory_space<vmem>>) semaphore(%arg16 : memref<!tpu.dma_semaphore, #tpu.memory_space<semaphore_mem>>)
        %parallel_loop3A = arith.constant 0 : i32
        %parallel_loop3A_247 = arith.constant 128 : i32
        %parallel_loop3A_248 = arith.constant 16 : i32
        scf.for %parallel_loop3A_285 = %parallel_loop3A to %parallel_loop3A_247 step %parallel_loop3A_248  : i32 {
          %parallel_loop3A_286 = vector.broadcast %parallel_loop3A_285 : i32 to vector<16xi32>
          %parallel_loop3A_287 = arith.addi %parallel_loop3A_286, %iota3A : vector<16xi32>
          %parallel_loop3A_288 = arith.constant 41 : i32
          %parallel_loop3A_289 = vector.broadcast %parallel_loop3A_288 : i32 to vector<16xi32>
          %parallel_loop3A_290 = arith.muli %parallel_loop3A_287, %parallel_loop3A_289 : vector<16xi32>
          %parallel_loop3A_291 = arith.constant 0 : i32
          %parallel_loop3A_292 = vector.broadcast %parallel_loop3A_291 : i32 to vector<16xi32>
          %parallel_loop3A_293 = arith.addi %parallel_loop3A_290, %parallel_loop3A_292 : vector<16xi32>
          %parallel_loop3A_294 = arith.constant 0 : i32
          %parallel_loop3A_295 = arith.index_cast %parallel_loop3A_294 : i32 to index
          %parallel_loop3A_296 = arith.index_cast %parallel_loop3A_285 : i32 to index
          %parallel_loop3A_297 = tpu.vector_load %arg8[%parallel_loop3A_295, %parallel_loop3A_296] {strides = array<i32>} : memref<17x128xf32, #tpu.memory_space<vmem>>, vector<16xf32>,
          tpu.vector_store_idx %arg10[%parallel_loop3A_293], %parallel_loop3A_297 : memref<5264xf32, #tpu.memory_space<vmem>>[vector<16xi32>], vector<16xf32>,
          %parallel_loop3A_298 = arith.constant 1 : i32
          %parallel_loop3A_299 = vector.broadcast %parallel_loop3A_298 : i32 to vector<16xi32>
          %parallel_loop3A_300 = arith.addi %parallel_loop3A_290, %parallel_loop3A_299 : vector<16xi32>
          %parallel_loop3A_301 = arith.constant 1 : i32
          %parallel_loop3A_302 = arith.index_cast %parallel_loop3A_301 : i32 to index
          %parallel_loop3A_303 = arith.index_cast %parallel_loop3A_285 : i32 to index
          %parallel_loop3A_304 = tpu.vector_load %arg8[%parallel_loop3A_302, %parallel_loop3A_303] {strides = array<i32>} : memref<17x128xf32, #tpu.memory_space<vmem>>, vector<16xf32>,
          tpu.vector_store_idx %arg10[%parallel_loop3A_300], %parallel_loop3A_304 : memref<5264xf32, #tpu.memory_space<vmem>>[vector<16xi32>], vector<16xf32>,
          %parallel_loop3A_305 = arith.constant 2 : i32
          %parallel_loop3A_306 = vector.broadcast %parallel_loop3A_305 : i32 to vector<16xi32>
          %parallel_loop3A_307 = arith.addi %parallel_loop3A_290, %parallel_loop3A_306 : vector<16xi32>
          %parallel_loop3A_308 = arith.constant 2 : i32
          %parallel_loop3A_309 = arith.index_cast %parallel_loop3A_308 : i32 to index
          %parallel_loop3A_310 = arith.index_cast %parallel_loop3A_285 : i32 to index
          %parallel_loop3A_311 = tpu.vector_load %arg8[%parallel_loop3A_309, %parallel_loop3A_310] {strides = array<i32>} : memref<17x128xf32, #tpu.memory_space<vmem>>, vector<16xf32>,
          tpu.vector_store_idx %arg10[%parallel_loop3A_307], %parallel_loop3A_311 : memref<5264xf32, #tpu.memory_space<vmem>>[vector<16xi32>], vector<16xf32>,
          %parallel_loop3A_312 = arith.constant 3 : i32
          %parallel_loop3A_313 = vector.broadcast %parallel_loop3A_312 : i32 to vector<16xi32>
          %parallel_loop3A_314 = arith.addi %parallel_loop3A_290, %parallel_loop3A_313 : vector<16xi32>
          %parallel_loop3A_315 = arith.constant 3 : i32
          %parallel_loop3A_316 = arith.index_cast %parallel_loop3A_315 : i32 to index
          %parallel_loop3A_317 = arith.index_cast %parallel_loop3A_285 : i32 to index
          %parallel_loop3A_318 = tpu.vector_load %arg8[%parallel_loop3A_316, %parallel_loop3A_317] {strides = array<i32>} : memref<17x128xf32, #tpu.memory_space<vmem>>, vector<16xf32>,
          tpu.vector_store_idx %arg10[%parallel_loop3A_314], %parallel_loop3A_318 : memref<5264xf32, #tpu.memory_space<vmem>>[vector<16xi32>], vector<16xf32>,
          %parallel_loop3A_319 = arith.constant 4 : i32
          %parallel_loop3A_320 = vector.broadcast %parallel_loop3A_319 : i32 to vector<16xi32>
          %parallel_loop3A_321 = arith.addi %parallel_loop3A_290, %parallel_loop3A_320 : vector<16xi32>
          %parallel_loop3A_322 = arith.constant 4 : i32
          %parallel_loop3A_323 = arith.index_cast %parallel_loop3A_322 : i32 to index
          %parallel_loop3A_324 = arith.index_cast %parallel_loop3A_285 : i32 to index
          %parallel_loop3A_325 = tpu.vector_load %arg8[%parallel_loop3A_323, %parallel_loop3A_324] {strides = array<i32>} : memref<17x128xf32, #tpu.memory_space<vmem>>, vector<16xf32>,
          tpu.vector_store_idx %arg10[%parallel_loop3A_321], %parallel_loop3A_325 : memref<5264xf32, #tpu.memory_space<vmem>>[vector<16xi32>], vector<16xf32>,
          %parallel_loop3A_326 = arith.constant 16 : i32
          %parallel_loop3A_327 = arith.index_cast %parallel_loop3A_326 : i32 to index
          %parallel_loop3A_328 = arith.index_cast %parallel_loop3A_285 : i32 to index
          %parallel_loop3A_329 = tpu.vector_load %arg8[%parallel_loop3A_327, %parallel_loop3A_328] {strides = array<i32>} : memref<17x128xf32, #tpu.memory_space<vmem>>, vector<16xf32>,
          %parallel_loop3A_330 = arith.constant 2.000000e-01 : f32
          %parallel_loop3A_331 = vector.broadcast %parallel_loop3A_330 : f32 to vector<16xf32>
          %parallel_loop3A_332 = arith.mulf %parallel_loop3A_329, %parallel_loop3A_331 : vector<16xf32>
          %parallel_loop3A_333 = arith.constant 0.000000e+00 : f32
          %parallel_loop3A_334 = arith.constant 1.000000e+00 : f32
          %parallel_loop3A_335 = vector.broadcast %parallel_loop3A_333 : f32 to vector<16xf32>
          %parallel_loop3A_336 = arith.maximumf %parallel_loop3A_335, %parallel_loop3A_332 : vector<16xf32>
          %parallel_loop3A_337 = vector.broadcast %parallel_loop3A_334 : f32 to vector<16xf32>
          %parallel_loop3A_338 = arith.minimumf %parallel_loop3A_337, %parallel_loop3A_336 : vector<16xf32>
          %parallel_loop3A_339 = arith.constant 5.000000e-01 : f32
          %parallel_loop3A_340 = vector.broadcast %parallel_loop3A_339 : f32 to vector<16xf32>
          %parallel_loop3A_341 = arith.subf %parallel_loop3A_340, %parallel_loop3A_338 : vector<16xf32>
          %parallel_loop3A_342 = arith.mulf %parallel_loop3A_341, %parallel_loop3A_341 : vector<16xf32>
          %parallel_loop3A_343 = arith.constant 0.077218391 : f32
          %parallel_loop3A_344 = vector.broadcast %parallel_loop3A_343 : f32 to vector<16xf32>
          %parallel_loop3A_345 = arith.mulf %parallel_loop3A_344, %parallel_loop3A_342 : vector<16xf32>
          %parallel_loop3A_346 = arith.constant -0.598044217 : f32
          %parallel_loop3A_347 = vector.broadcast %parallel_loop3A_346 : f32 to vector<16xf32>
          %parallel_loop3A_348 = arith.addf %parallel_loop3A_345, %parallel_loop3A_347 : vector<16xf32>
          %parallel_loop3A_349 = arith.mulf %parallel_loop3A_348, %parallel_loop3A_342 : vector<16xf32>
          %parallel_loop3A_350 = arith.constant 2.55003119 : f32
          %parallel_loop3A_351 = vector.broadcast %parallel_loop3A_350 : f32 to vector<16xf32>
          %parallel_loop3A_352 = arith.addf %parallel_loop3A_349, %parallel_loop3A_351 : vector<16xf32>
          %parallel_loop3A_353 = arith.mulf %parallel_loop3A_352, %parallel_loop3A_342 : vector<16xf32>
          %parallel_loop3A_354 = arith.constant -5.16770697 : f32
          %parallel_loop3A_355 = vector.broadcast %parallel_loop3A_354 : f32 to vector<16xf32>
          %parallel_loop3A_356 = arith.addf %parallel_loop3A_353, %parallel_loop3A_355 : vector<16xf32>
          %parallel_loop3A_357 = arith.mulf %parallel_loop3A_356, %parallel_loop3A_342 : vector<16xf32>
          %parallel_loop3A_358 = arith.constant 3.1415925 : f32
          %parallel_loop3A_359 = vector.broadcast %parallel_loop3A_358 : f32 to vector<16xf32>
          %parallel_loop3A_360 = arith.addf %parallel_loop3A_357, %parallel_loop3A_359 : vector<16xf32>
          %parallel_loop3A_361 = arith.mulf %parallel_loop3A_360, %parallel_loop3A_341 : vector<16xf32>
          %parallel_loop3A_362 = arith.constant 1.000000e+00 : f32
          %parallel_loop3A_363 = vector.broadcast %parallel_loop3A_362 : f32 to vector<16xf32>
          %parallel_loop3A_364 = arith.addf %parallel_loop3A_361, %parallel_loop3A_363 : vector<16xf32>
          %parallel_loop3A_365 = arith.constant 5.000000e-01 : f32
          %parallel_loop3A_366 = vector.broadcast %parallel_loop3A_365 : f32 to vector<16xf32>
          %parallel_loop3A_367 = arith.mulf %parallel_loop3A_366, %parallel_loop3A_364 : vector<16xf32>
          %parallel_loop3A_368 = arith.constant 0.000000e+00 : f32
          %parallel_loop3A_369 = vector.broadcast %parallel_loop3A_368 : f32 to vector<16xf32>
          %parallel_loop3A_370 = arith.subf %parallel_loop3A_329, %parallel_loop3A_369 : vector<16xf32>
          %parallel_loop3A_371 = arith.mulf %parallel_loop3A_370, %parallel_loop3A_370 : vector<16xf32>
          %parallel_loop3A_372 = arith.constant -1.280000e+00 : f32
          %parallel_loop3A_373 = vector.broadcast %parallel_loop3A_372 : f32 to vector<16xf32>
          %parallel_loop3A_374 = arith.mulf %parallel_loop3A_371, %parallel_loop3A_373 : vector<16xf32>
          %parallel_loop3A_375 = math.exp %parallel_loop3A_374 : vector<16xf32>
          %parallel_loop3A_376 = arith.mulf %parallel_loop3A_375, %parallel_loop3A_367 : vector<16xf32>
          %parallel_loop3A_377 = arith.constant 16 : i32
          %parallel_loop3A_378 = vector.broadcast %parallel_loop3A_377 : i32 to vector<16xi32>
          %parallel_loop3A_379 = arith.addi %parallel_loop3A_290, %parallel_loop3A_378 : vector<16xi32>
          tpu.vector_store_idx %arg10[%parallel_loop3A_379], %parallel_loop3A_376 : memref<5264xf32, #tpu.memory_space<vmem>>[vector<16xi32>], vector<16xf32>,
          %parallel_loop3A_380 = arith.constant 0.714285731 : f32
          %parallel_loop3A_381 = vector.broadcast %parallel_loop3A_380 : f32 to vector<16xf32>
          %parallel_loop3A_382 = arith.subf %parallel_loop3A_329, %parallel_loop3A_381 : vector<16xf32>
          %parallel_loop3A_383 = arith.mulf %parallel_loop3A_382, %parallel_loop3A_382 : vector<16xf32>
          %parallel_loop3A_384 = arith.constant -1.280000e+00 : f32
          %parallel_loop3A_385 = vector.broadcast %parallel_loop3A_384 : f32 to vector<16xf32>
          %parallel_loop3A_386 = arith.mulf %parallel_loop3A_383, %parallel_loop3A_385 : vector<16xf32>
          %parallel_loop3A_387 = math.exp %parallel_loop3A_386 : vector<16xf32>
          %parallel_loop3A_388 = arith.mulf %parallel_loop3A_387, %parallel_loop3A_367 : vector<16xf32>
          %parallel_loop3A_389 = arith.constant 17 : i32
          %parallel_loop3A_390 = vector.broadcast %parallel_loop3A_389 : i32 to vector<16xi32>
          %parallel_loop3A_391 = arith.addi %parallel_loop3A_290, %parallel_loop3A_390 : vector<16xi32>
          tpu.vector_store_idx %arg10[%parallel_loop3A_391], %parallel_loop3A_388 : memref<5264xf32, #tpu.memory_space<vmem>>[vector<16xi32>], vector<16xf32>,
          %parallel_loop3A_392 = arith.constant 1.42857146 : f32
          %parallel_loop3A_393 = vector.broadcast %parallel_loop3A_392 : f32 to vector<16xf32>
          %parallel_loop3A_394 = arith.subf %parallel_loop3A_329, %parallel_loop3A_393 : vector<16xf32>
          %parallel_loop3A_395 = arith.mulf %parallel_loop3A_394, %parallel_loop3A_394 : vector<16xf32>
          %parallel_loop3A_396 = arith.constant -1.280000e+00 : f32
          %parallel_loop3A_397 = vector.broadcast %parallel_loop3A_396 : f32 to vector<16xf32>
          %parallel_loop3A_398 = arith.mulf %parallel_loop3A_395, %parallel_loop3A_397 : vector<16xf32>
          %parallel_loop3A_399 = math.exp %parallel_loop3A_398 : vector<16xf32>
          %parallel_loop3A_400 = arith.mulf %parallel_loop3A_399, %parallel_loop3A_367 : vector<16xf32>
          %parallel_loop3A_401 = arith.constant 18 : i32
          %parallel_loop3A_402 = vector.broadcast %parallel_loop3A_401 : i32 to vector<16xi32>
          %parallel_loop3A_403 = arith.addi %parallel_loop3A_290, %parallel_loop3A_402 : vector<16xi32>
          tpu.vector_store_idx %arg10[%parallel_loop3A_403], %parallel_loop3A_400 : memref<5264xf32, #tpu.memory_space<vmem>>[vector<16xi32>], vector<16xf32>,
          %parallel_loop3A_404 = arith.constant 2.14285707 : f32
          %parallel_loop3A_405 = vector.broadcast %parallel_loop3A_404 : f32 to vector<16xf32>
          %parallel_loop3A_406 = arith.subf %parallel_loop3A_329, %parallel_loop3A_405 : vector<16xf32>
          %parallel_loop3A_407 = arith.mulf %parallel_loop3A_406, %parallel_loop3A_406 : vector<16xf32>
          %parallel_loop3A_408 = arith.constant -1.280000e+00 : f32
          %parallel_loop3A_409 = vector.broadcast %parallel_loop3A_408 : f32 to vector<16xf32>
          %parallel_loop3A_410 = arith.mulf %parallel_loop3A_407, %parallel_loop3A_409 : vector<16xf32>
          %parallel_loop3A_411 = math.exp %parallel_loop3A_410 : vector<16xf32>
          %parallel_loop3A_412 = arith.mulf %parallel_loop3A_411, %parallel_loop3A_367 : vector<16xf32>
          %parallel_loop3A_413 = arith.constant 19 : i32
          %parallel_loop3A_414 = vector.broadcast %parallel_loop3A_413 : i32 to vector<16xi32>
          %parallel_loop3A_415 = arith.addi %parallel_loop3A_290, %parallel_loop3A_414 : vector<16xi32>
          tpu.vector_store_idx %arg10[%parallel_loop3A_415], %parallel_loop3A_412 : memref<5264xf32, #tpu.memory_space<vmem>>[vector<16xi32>], vector<16xf32>,
          %parallel_loop3A_416 = arith.constant 2.85714293 : f32
          %parallel_loop3A_417 = vector.broadcast %parallel_loop3A_416 : f32 to vector<16xf32>
          %parallel_loop3A_418 = arith.subf %parallel_loop3A_329, %parallel_loop3A_417 : vector<16xf32>
          %parallel_loop3A_419 = arith.mulf %parallel_loop3A_418, %parallel_loop3A_418 : vector<16xf32>
          %parallel_loop3A_420 = arith.constant -1.280000e+00 : f32
          %parallel_loop3A_421 = vector.broadcast %parallel_loop3A_420 : f32 to vector<16xf32>
          %parallel_loop3A_422 = arith.mulf %parallel_loop3A_419, %parallel_loop3A_421 : vector<16xf32>
          %parallel_loop3A_423 = math.exp %parallel_loop3A_422 : vector<16xf32>
          %parallel_loop3A_424 = arith.mulf %parallel_loop3A_423, %parallel_loop3A_367 : vector<16xf32>
          %parallel_loop3A_425 = arith.constant 20 : i32
          %parallel_loop3A_426 = vector.broadcast %parallel_loop3A_425 : i32 to vector<16xi32>
          %parallel_loop3A_427 = arith.addi %parallel_loop3A_290, %parallel_loop3A_426 : vector<16xi32>
          tpu.vector_store_idx %arg10[%parallel_loop3A_427], %parallel_loop3A_424 : memref<5264xf32, #tpu.memory_space<vmem>>[vector<16xi32>], vector<16xf32>,
          %parallel_loop3A_428 = arith.constant 3.57142854 : f32
          %parallel_loop3A_429 = vector.broadcast %parallel_loop3A_428 : f32 to vector<16xf32>
          %parallel_loop3A_430 = arith.subf %parallel_loop3A_329, %parallel_loop3A_429 : vector<16xf32>
          %parallel_loop3A_431 = arith.mulf %parallel_loop3A_430, %parallel_loop3A_430 : vector<16xf32>
          %parallel_loop3A_432 = arith.constant -1.280000e+00 : f32
          %parallel_loop3A_433 = vector.broadcast %parallel_loop3A_432 : f32 to vector<16xf32>
          %parallel_loop3A_434 = arith.mulf %parallel_loop3A_431, %parallel_loop3A_433 : vector<16xf32>
          %parallel_loop3A_435 = math.exp %parallel_loop3A_434 : vector<16xf32>
          %parallel_loop3A_436 = arith.mulf %parallel_loop3A_435, %parallel_loop3A_367 : vector<16xf32>
          %parallel_loop3A_437 = arith.constant 21 : i32
          %parallel_loop3A_438 = vector.broadcast %parallel_loop3A_437 : i32 to vector<16xi32>
          %parallel_loop3A_439 = arith.addi %parallel_loop3A_290, %parallel_loop3A_438 : vector<16xi32>
          tpu.vector_store_idx %arg10[%parallel_loop3A_439], %parallel_loop3A_436 : memref<5264xf32, #tpu.memory_space<vmem>>[vector<16xi32>], vector<16xf32>,
          %parallel_loop3A_440 = arith.constant 4.28571415 : f32
          %parallel_loop3A_441 = vector.broadcast %parallel_loop3A_440 : f32 to vector<16xf32>
          %parallel_loop3A_442 = arith.subf %parallel_loop3A_329, %parallel_loop3A_441 : vector<16xf32>
          %parallel_loop3A_443 = arith.mulf %parallel_loop3A_442, %parallel_loop3A_442 : vector<16xf32>
          %parallel_loop3A_444 = arith.constant -1.280000e+00 : f32
          %parallel_loop3A_445 = vector.broadcast %parallel_loop3A_444 : f32 to vector<16xf32>
          %parallel_loop3A_446 = arith.mulf %parallel_loop3A_443, %parallel_loop3A_445 : vector<16xf32>
          %parallel_loop3A_447 = math.exp %parallel_loop3A_446 : vector<16xf32>
          %parallel_loop3A_448 = arith.mulf %parallel_loop3A_447, %parallel_loop3A_367 : vector<16xf32>
          %parallel_loop3A_449 = arith.constant 22 : i32
          %parallel_loop3A_450 = vector.broadcast %parallel_loop3A_449 : i32 to vector<16xi32>
          %parallel_loop3A_451 = arith.addi %parallel_loop3A_290, %parallel_loop3A_450 : vector<16xi32>
          tpu.vector_store_idx %arg10[%parallel_loop3A_451], %parallel_loop3A_448 : memref<5264xf32, #tpu.memory_space<vmem>>[vector<16xi32>], vector<16xf32>,
          %parallel_loop3A_452 = arith.constant 5.000000e+00 : f32
          %parallel_loop3A_453 = vector.broadcast %parallel_loop3A_452 : f32 to vector<16xf32>
          %parallel_loop3A_454 = arith.subf %parallel_loop3A_329, %parallel_loop3A_453 : vector<16xf32>
          %parallel_loop3A_455 = arith.mulf %parallel_loop3A_454, %parallel_loop3A_454 : vector<16xf32>
          %parallel_loop3A_456 = arith.constant -1.280000e+00 : f32
          %parallel_loop3A_457 = vector.broadcast %parallel_loop3A_456 : f32 to vector<16xf32>
          %parallel_loop3A_458 = arith.mulf %parallel_loop3A_455, %parallel_loop3A_457 : vector<16xf32>
          %parallel_loop3A_459 = math.exp %parallel_loop3A_458 : vector<16xf32>
          %parallel_loop3A_460 = arith.mulf %parallel_loop3A_459, %parallel_loop3A_367 : vector<16xf32>
          %parallel_loop3A_461 = arith.constant 23 : i32
          %parallel_loop3A_462 = vector.broadcast %parallel_loop3A_461 : i32 to vector<16xi32>
          %parallel_loop3A_463 = arith.addi %parallel_loop3A_290, %parallel_loop3A_462 : vector<16xi32>
          tpu.vector_store_idx %arg10[%parallel_loop3A_463], %parallel_loop3A_460 : memref<5264xf32, #tpu.memory_space<vmem>>[vector<16xi32>], vector<16xf32>,
          %parallel_loop3A_464 = arith.constant 0.000000e+00 : f32
          %parallel_loop3A_465 = vector.broadcast %parallel_loop3A_464 : f32 to vector<16xf32>
          %parallel_loop3A_466 = arith.subf %parallel_loop3A_329, %parallel_loop3A_465 : vector<16xf32>
          %parallel_loop3A_467 = arith.mulf %parallel_loop3A_466, %parallel_loop3A_466 : vector<16xf32>
          %parallel_loop3A_468 = arith.constant -7.200000e-01 : f32
          %parallel_loop3A_469 = vector.broadcast %parallel_loop3A_468 : f32 to vector<16xf32>
          %parallel_loop3A_470 = arith.mulf %parallel_loop3A_467, %parallel_loop3A_469 : vector<16xf32>
          %parallel_loop3A_471 = math.exp %parallel_loop3A_470 : vector<16xf32>
          %parallel_loop3A_472 = arith.mulf %parallel_loop3A_471, %parallel_loop3A_367 : vector<16xf32>
          %parallel_loop3A_473 = arith.constant 24 : i32
          %parallel_loop3A_474 = vector.broadcast %parallel_loop3A_473 : i32 to vector<16xi32>
          %parallel_loop3A_475 = arith.addi %parallel_loop3A_290, %parallel_loop3A_474 : vector<16xi32>
          tpu.vector_store_idx %arg10[%parallel_loop3A_475], %parallel_loop3A_472 : memref<5264xf32, #tpu.memory_space<vmem>>[vector<16xi32>], vector<16xf32>,
          %parallel_loop3A_476 = arith.constant 1.000000e+00 : f32
          %parallel_loop3A_477 = vector.broadcast %parallel_loop3A_476 : f32 to vector<16xf32>
          %parallel_loop3A_478 = arith.subf %parallel_loop3A_329, %parallel_loop3A_477 : vector<16xf32>
          %parallel_loop3A_479 = arith.mulf %parallel_loop3A_478, %parallel_loop3A_478 : vector<16xf32>
          %parallel_loop3A_480 = arith.constant -7.200000e-01 : f32
          %parallel_loop3A_481 = vector.broadcast %parallel_loop3A_480 : f32 to vector<16xf32>
          %parallel_loop3A_482 = arith.mulf %parallel_loop3A_479, %parallel_loop3A_481 : vector<16xf32>
          %parallel_loop3A_483 = math.exp %parallel_loop3A_482 : vector<16xf32>
          %parallel_loop3A_484 = arith.mulf %parallel_loop3A_483, %parallel_loop3A_367 : vector<16xf32>
          %parallel_loop3A_485 = arith.constant 25 : i32
          %parallel_loop3A_486 = vector.broadcast %parallel_loop3A_485 : i32 to vector<16xi32>
          %parallel_loop3A_487 = arith.addi %parallel_loop3A_290, %parallel_loop3A_486 : vector<16xi32>
          tpu.vector_store_idx %arg10[%parallel_loop3A_487], %parallel_loop3A_484 : memref<5264xf32, #tpu.memory_space<vmem>>[vector<16xi32>], vector<16xf32>,
          %parallel_loop3A_488 = arith.constant 2.000000e+00 : f32
          %parallel_loop3A_489 = vector.broadcast %parallel_loop3A_488 : f32 to vector<16xf32>
          %parallel_loop3A_490 = arith.subf %parallel_loop3A_329, %parallel_loop3A_489 : vector<16xf32>
          %parallel_loop3A_491 = arith.mulf %parallel_loop3A_490, %parallel_loop3A_490 : vector<16xf32>
          %parallel_loop3A_492 = arith.constant -7.200000e-01 : f32
          %parallel_loop3A_493 = vector.broadcast %parallel_loop3A_492 : f32 to vector<16xf32>
          %parallel_loop3A_494 = arith.mulf %parallel_loop3A_491, %parallel_loop3A_493 : vector<16xf32>
          %parallel_loop3A_495 = math.exp %parallel_loop3A_494 : vector<16xf32>
          %parallel_loop3A_496 = arith.mulf %parallel_loop3A_495, %parallel_loop3A_367 : vector<16xf32>
          %parallel_loop3A_497 = arith.constant 26 : i32
          %parallel_loop3A_498 = vector.broadcast %parallel_loop3A_497 : i32 to vector<16xi32>
          %parallel_loop3A_499 = arith.addi %parallel_loop3A_290, %parallel_loop3A_498 : vector<16xi32>
          tpu.vector_store_idx %arg10[%parallel_loop3A_499], %parallel_loop3A_496 : memref<5264xf32, #tpu.memory_space<vmem>>[vector<16xi32>], vector<16xf32>,
          %parallel_loop3A_500 = arith.constant 3.000000e+00 : f32
          %parallel_loop3A_501 = vector.broadcast %parallel_loop3A_500 : f32 to vector<16xf32>
          %parallel_loop3A_502 = arith.subf %parallel_loop3A_329, %parallel_loop3A_501 : vector<16xf32>
          %parallel_loop3A_503 = arith.mulf %parallel_loop3A_502, %parallel_loop3A_502 : vector<16xf32>
          %parallel_loop3A_504 = arith.constant -7.200000e-01 : f32
          %parallel_loop3A_505 = vector.broadcast %parallel_loop3A_504 : f32 to vector<16xf32>
          %parallel_loop3A_506 = arith.mulf %parallel_loop3A_503, %parallel_loop3A_505 : vector<16xf32>
          %parallel_loop3A_507 = math.exp %parallel_loop3A_506 : vector<16xf32>
          %parallel_loop3A_508 = arith.mulf %parallel_loop3A_507, %parallel_loop3A_367 : vector<16xf32>
          %parallel_loop3A_509 = arith.constant 27 : i32
          %parallel_loop3A_510 = vector.broadcast %parallel_loop3A_509 : i32 to vector<16xi32>
          %parallel_loop3A_511 = arith.addi %parallel_loop3A_290, %parallel_loop3A_510 : vector<16xi32>
          tpu.vector_store_idx %arg10[%parallel_loop3A_511], %parallel_loop3A_508 : memref<5264xf32, #tpu.memory_space<vmem>>[vector<16xi32>], vector<16xf32>,
          %parallel_loop3A_512 = arith.constant 4.000000e+00 : f32
          %parallel_loop3A_513 = vector.broadcast %parallel_loop3A_512 : f32 to vector<16xf32>
          %parallel_loop3A_514 = arith.subf %parallel_loop3A_329, %parallel_loop3A_513 : vector<16xf32>
          %parallel_loop3A_515 = arith.mulf %parallel_loop3A_514, %parallel_loop3A_514 : vector<16xf32>
          %parallel_loop3A_516 = arith.constant -7.200000e-01 : f32
          %parallel_loop3A_517 = vector.broadcast %parallel_loop3A_516 : f32 to vector<16xf32>
          %parallel_loop3A_518 = arith.mulf %parallel_loop3A_515, %parallel_loop3A_517 : vector<16xf32>
          %parallel_loop3A_519 = math.exp %parallel_loop3A_518 : vector<16xf32>
          %parallel_loop3A_520 = arith.mulf %parallel_loop3A_519, %parallel_loop3A_367 : vector<16xf32>
          %parallel_loop3A_521 = arith.constant 28 : i32
          %parallel_loop3A_522 = vector.broadcast %parallel_loop3A_521 : i32 to vector<16xi32>
          %parallel_loop3A_523 = arith.addi %parallel_loop3A_290, %parallel_loop3A_522 : vector<16xi32>
          tpu.vector_store_idx %arg10[%parallel_loop3A_523], %parallel_loop3A_520 : memref<5264xf32, #tpu.memory_space<vmem>>[vector<16xi32>], vector<16xf32>,
          %parallel_loop3A_524 = arith.constant 5.000000e+00 : f32
          %parallel_loop3A_525 = vector.broadcast %parallel_loop3A_524 : f32 to vector<16xf32>
          %parallel_loop3A_526 = arith.subf %parallel_loop3A_329, %parallel_loop3A_525 : vector<16xf32>
          %parallel_loop3A_527 = arith.mulf %parallel_loop3A_526, %parallel_loop3A_526 : vector<16xf32>
          %parallel_loop3A_528 = arith.constant -7.200000e-01 : f32
          %parallel_loop3A_529 = vector.broadcast %parallel_loop3A_528 : f32 to vector<16xf32>
          %parallel_loop3A_530 = arith.mulf %parallel_loop3A_527, %parallel_loop3A_529 : vector<16xf32>
          %parallel_loop3A_531 = math.exp %parallel_loop3A_530 : vector<16xf32>
          %parallel_loop3A_532 = arith.mulf %parallel_loop3A_531, %parallel_loop3A_367 : vector<16xf32>
          %parallel_loop3A_533 = arith.constant 29 : i32
          %parallel_loop3A_534 = vector.broadcast %parallel_loop3A_533 : i32 to vector<16xi32>
          %parallel_loop3A_535 = arith.addi %parallel_loop3A_290, %parallel_loop3A_534 : vector<16xi32>
          tpu.vector_store_idx %arg10[%parallel_loop3A_535], %parallel_loop3A_532 : memref<5264xf32, #tpu.memory_space<vmem>>[vector<16xi32>], vector<16xf32>,
          %parallel_loop3A_536 = arith.constant 0.000000e+00 : f32
          %parallel_loop3A_537 = vector.broadcast %parallel_loop3A_536 : f32 to vector<16xf32>
          %parallel_loop3A_538 = arith.subf %parallel_loop3A_329, %parallel_loop3A_537 : vector<16xf32>
          %parallel_loop3A_539 = arith.mulf %parallel_loop3A_538, %parallel_loop3A_538 : vector<16xf32>
          %parallel_loop3A_540 = arith.constant -3.200000e-01 : f32
          %parallel_loop3A_541 = vector.broadcast %parallel_loop3A_540 : f32 to vector<16xf32>
          %parallel_loop3A_542 = arith.mulf %parallel_loop3A_539, %parallel_loop3A_541 : vector<16xf32>
          %parallel_loop3A_543 = math.exp %parallel_loop3A_542 : vector<16xf32>
          %parallel_loop3A_544 = arith.mulf %parallel_loop3A_543, %parallel_loop3A_367 : vector<16xf32>
          %parallel_loop3A_545 = arith.constant 30 : i32
          %parallel_loop3A_546 = vector.broadcast %parallel_loop3A_545 : i32 to vector<16xi32>
          %parallel_loop3A_547 = arith.addi %parallel_loop3A_290, %parallel_loop3A_546 : vector<16xi32>
          tpu.vector_store_idx %arg10[%parallel_loop3A_547], %parallel_loop3A_544 : memref<5264xf32, #tpu.memory_space<vmem>>[vector<16xi32>], vector<16xf32>,
          %parallel_loop3A_548 = arith.constant 1.66666663 : f32
          %parallel_loop3A_549 = vector.broadcast %parallel_loop3A_548 : f32 to vector<16xf32>
          %parallel_loop3A_550 = arith.subf %parallel_loop3A_329, %parallel_loop3A_549 : vector<16xf32>
          %parallel_loop3A_551 = arith.mulf %parallel_loop3A_550, %parallel_loop3A_550 : vector<16xf32>
          %parallel_loop3A_552 = arith.constant -3.200000e-01 : f32
          %parallel_loop3A_553 = vector.broadcast %parallel_loop3A_552 : f32 to vector<16xf32>
          %parallel_loop3A_554 = arith.mulf %parallel_loop3A_551, %parallel_loop3A_553 : vector<16xf32>
          %parallel_loop3A_555 = math.exp %parallel_loop3A_554 : vector<16xf32>
          %parallel_loop3A_556 = arith.mulf %parallel_loop3A_555, %parallel_loop3A_367 : vector<16xf32>
          %parallel_loop3A_557 = arith.constant 31 : i32
          %parallel_loop3A_558 = vector.broadcast %parallel_loop3A_557 : i32 to vector<16xi32>
          %parallel_loop3A_559 = arith.addi %parallel_loop3A_290, %parallel_loop3A_558 : vector<16xi32>
          tpu.vector_store_idx %arg10[%parallel_loop3A_559], %parallel_loop3A_556 : memref<5264xf32, #tpu.memory_space<vmem>>[vector<16xi32>], vector<16xf32>,
          %parallel_loop3A_560 = arith.constant 3.33333325 : f32
          %parallel_loop3A_561 = vector.broadcast %parallel_loop3A_560 : f32 to vector<16xf32>
          %parallel_loop3A_562 = arith.subf %parallel_loop3A_329, %parallel_loop3A_561 : vector<16xf32>
          %parallel_loop3A_563 = arith.mulf %parallel_loop3A_562, %parallel_loop3A_562 : vector<16xf32>
          %parallel_loop3A_564 = arith.constant -3.200000e-01 : f32
          %parallel_loop3A_565 = vector.broadcast %parallel_loop3A_564 : f32 to vector<16xf32>
          %parallel_loop3A_566 = arith.mulf %parallel_loop3A_563, %parallel_loop3A_565 : vector<16xf32>
          %parallel_loop3A_567 = math.exp %parallel_loop3A_566 : vector<16xf32>
          %parallel_loop3A_568 = arith.mulf %parallel_loop3A_567, %parallel_loop3A_367 : vector<16xf32>
          %parallel_loop3A_569 = arith.constant 32 : i32
          %parallel_loop3A_570 = vector.broadcast %parallel_loop3A_569 : i32 to vector<16xi32>
          %parallel_loop3A_571 = arith.addi %parallel_loop3A_290, %parallel_loop3A_570 : vector<16xi32>
          tpu.vector_store_idx %arg10[%parallel_loop3A_571], %parallel_loop3A_568 : memref<5264xf32, #tpu.memory_space<vmem>>[vector<16xi32>], vector<16xf32>,
          %parallel_loop3A_572 = arith.constant 5.000000e+00 : f32
          %parallel_loop3A_573 = vector.broadcast %parallel_loop3A_572 : f32 to vector<16xf32>
          %parallel_loop3A_574 = arith.subf %parallel_loop3A_329, %parallel_loop3A_573 : vector<16xf32>
          %parallel_loop3A_575 = arith.mulf %parallel_loop3A_574, %parallel_loop3A_574 : vector<16xf32>
          %parallel_loop3A_576 = arith.constant -3.200000e-01 : f32
          %parallel_loop3A_577 = vector.broadcast %parallel_loop3A_576 : f32 to vector<16xf32>
          %parallel_loop3A_578 = arith.mulf %parallel_loop3A_575, %parallel_loop3A_577 : vector<16xf32>
          %parallel_loop3A_579 = math.exp %parallel_loop3A_578 : vector<16xf32>
          %parallel_loop3A_580 = arith.mulf %parallel_loop3A_579, %parallel_loop3A_367 : vector<16xf32>
          %parallel_loop3A_581 = arith.constant 33 : i32
          %parallel_loop3A_582 = vector.broadcast %parallel_loop3A_581 : i32 to vector<16xi32>
          %parallel_loop3A_583 = arith.addi %parallel_loop3A_290, %parallel_loop3A_582 : vector<16xi32>
          tpu.vector_store_idx %arg10[%parallel_loop3A_583], %parallel_loop3A_580 : memref<5264xf32, #tpu.memory_space<vmem>>[vector<16xi32>], vector<16xf32>,
        } {sc.loop_unroll_factor = 2 : i64, sc.parallel_access}
        %gt3A = arith.constant 0 : i32
        %gt3A_249 = arith.cmpi sgt, %scan3A_225, %gt3A : i32
        %convert_element_type3A_250 = arith.extui %gt3A_249 : i1 to i32
        %cond3A_251 = arith.constant 0 : i32
        %cond3A_252 = arith.cmpi ne, %convert_element_type3A_250, %cond3A_251 : i32
        scf.if %cond3A_252 {
          %dma_wait3A_285 = arith.constant 0 : i32
          %dma_wait3A_286 = arith.constant 0 : i32
          %dma_wait3A_287 = tpu.memref_slice %arg7[%dma_wait3A_285, %dma_wait3A_286] : memref<10240x128xf32, #tpu.memory_space<vmem_shared>> -> memref<10240x128xf32, #tpu.memory_space<vmem_shared>>
          tpu.wait_indirect_dma semaphore(%arg17 : memref<!tpu.dma_semaphore, #tpu.memory_space<semaphore_mem>>) src(%arg11 : memref<128x128xf32, #tpu.memory_space<vmem>>) dst(%dma_wait3A_287 : memref<10240x128xf32, #tpu.memory_space<vmem_shared>>)
        } else {
        }
        %mul3A_253 = arith.constant 20480 : i32
        %mul3A_254 = arith.muli %arg1, %mul3A_253 : i32
        %mul3A_255 = arith.constant 128 : i32
        %mul3A_256 = arith.muli %scan3A_225, %mul3A_255 : i32
        %add3A_257 = arith.addi %mul3A_254, %mul3A_256 : i32
        %run_scoped3A_258 = arith.constant 0 : i32
        "tpu.region"() ({
          %run_scoped3A_285 = tpu.sem_alloc : memref<!tpu.dma_semaphore, #tpu.memory_space<semaphore_mem>>
          %dma_start3A_286 = tpu.memref_slice %arg5[%run_scoped3A_258, %add3A_257] : memref<2x327680xi32, #tpu.memory_space<hbm>> -> memref<1x128xi32, #tpu.memory_space<hbm>>
          %dma_start3A_287 = tpu.memref_squeeze %dma_start3A_286 : memref<1x128xi32, #tpu.memory_space<hbm>> -> memref<128xi32, #tpu.memory_space<hbm>>
          %dma_start3A_288 = tpu.memref_slice %arg5[%run_scoped3A_258, %add3A_257] : memref<2x327680xi32, #tpu.memory_space<hbm>> -> memref<1x128xi32, #tpu.memory_space<hbm>>
          %dma_start3A_289 = tpu.memref_squeeze %dma_start3A_288 : memref<1x128xi32, #tpu.memory_space<hbm>> -> memref<128xi32, #tpu.memory_space<hbm>>
          tpu.enqueue_dma source(%dma_start3A_289 : memref<128xi32, #tpu.memory_space<hbm>>) target(%arg12 : memref<128xi32, #tpu.memory_space<vmem>>) target_semaphore(%run_scoped3A_285 : memref<!tpu.dma_semaphore, #tpu.memory_space<semaphore_mem>>)
          %dma_wait3A_290 = tpu.memref_slice %arg5[%run_scoped3A_258, %add3A_257] : memref<2x327680xi32, #tpu.memory_space<hbm>> -> memref<1x128xi32, #tpu.memory_space<hbm>>
          %dma_wait3A_291 = tpu.memref_squeeze %dma_wait3A_290 : memref<1x128xi32, #tpu.memory_space<hbm>> -> memref<128xi32, #tpu.memory_space<hbm>>
          %dma_wait3A_292 = tpu.memref_slice %arg5[%run_scoped3A_258, %add3A_257] : memref<2x327680xi32, #tpu.memory_space<hbm>> -> memref<1x128xi32, #tpu.memory_space<hbm>>
          %dma_wait3A_293 = tpu.memref_squeeze %dma_wait3A_292 : memref<1x128xi32, #tpu.memory_space<hbm>> -> memref<128xi32, #tpu.memory_space<hbm>>
          tpu.wait_dma2 semaphore(%run_scoped3A_285 : memref<!tpu.dma_semaphore, #tpu.memory_space<semaphore_mem>>) src(%dma_wait3A_293 : memref<128xi32, #tpu.memory_space<hbm>>) dst(%arg12 : memref<128xi32, #tpu.memory_space<vmem>>)
          tpu.yield
        }) : () -> ()
        %dma_wait3A_259 = arith.constant 0 : i32
        %dma_wait3A_260 = arith.constant 0 : i32
        %dma_wait3A_261 = tpu.memref_slice %arg9[%dma_wait3A_259, %dma_wait3A_260] : memref<128x128xf32, #tpu.memory_space<vmem>> -> memref<64x128xf32, #tpu.memory_space<vmem>>
        %dma_wait3A_262 = arith.constant 0 : i32
        %dma_wait3A_263 = tpu.memref_slice %arg13[%dma_wait3A_262] : memref<128xi32, #tpu.memory_space<vmem>> -> memref<64xi32, #tpu.memory_space<vmem>>
        %dma_wait3A_264 = arith.constant 0 : i32
        %dma_wait3A_265 = arith.constant 0 : i32
        %dma_wait3A_266 = tpu.memref_slice %arg3[%dma_wait3A_264, %dma_wait3A_265] : memref<10000x128xf32, #tpu.memory_space<hbm>> -> memref<10000x128xf32, #tpu.memory_space<hbm>>
        tpu.wait_indirect_dma semaphore(%arg15 : memref<!tpu.dma_semaphore, #tpu.memory_space<semaphore_mem>>) src(%dma_wait3A_266 : memref<10000x128xf32, #tpu.memory_space<hbm>>) dst(%dma_wait3A_261 : memref<64x128xf32, #tpu.memory_space<vmem>>)
        %parallel_loop3A_267 = arith.constant 0 : i32
        %parallel_loop3A_268 = arith.constant 64 : i32
        %parallel_loop3A_269 = arith.constant 1 : i32
        scf.for %parallel_loop3A_285 = %parallel_loop3A_267 to %parallel_loop3A_268 step %parallel_loop3A_269  : i32 {
          %parallel_loop3A_286 = arith.constant 41 : i32
          %parallel_loop3A_287 = arith.muli %parallel_loop3A_285, %parallel_loop3A_286 : i32
          %parallel_loop3A_288 = vector.broadcast %parallel_loop3A_285 : i32 to vector<16xi32>
          %parallel_loop3A_289 = arith.index_cast %parallel_loop3A_287 : i32 to index
          %parallel_loop3A_290 = tpu.vector_load %arg10[%parallel_loop3A_289] {strides = array<i32>} : memref<5264xf32, #tpu.memory_space<vmem>>, vector<16xf32>,
          %parallel_loop3A_291 = arith.constant 16 : i32
          %parallel_loop3A_292 = arith.addi %parallel_loop3A_287, %parallel_loop3A_291 : i32
          %parallel_loop3A_293 = arith.index_cast %parallel_loop3A_292 : i32 to index
          %parallel_loop3A_294 = tpu.vector_load %arg10[%parallel_loop3A_293] {strides = array<i32>} : memref<5264xf32, #tpu.memory_space<vmem>>, vector<16xf32>,
          %parallel_loop3A_295 = arith.constant 24 : i32
          %parallel_loop3A_296 = arith.addi %parallel_loop3A_287, %parallel_loop3A_295 : i32
          %parallel_loop3A_297 = arith.index_cast %parallel_loop3A_296 : i32 to index
          %parallel_loop3A_298 = tpu.vector_load %arg10[%parallel_loop3A_297] {strides = array<i32>} : memref<5264xf32, #tpu.memory_space<vmem>>, vector<16xf32>,
          %parallel_loop3A_299 = arith.index_cast %parallel_loop3A_285 : i32 to index
          %parallel_loop3A_300 = arith.constant 0 : index
          %parallel_loop3A_301 = tpu.vector_load %arg9[%parallel_loop3A_299, %parallel_loop3A_300] {strides = array<i32>} : memref<128x128xf32, #tpu.memory_space<vmem>>, vector<16xf32>,
          %parallel_loop3A_302 = arith.index_cast %parallel_loop3A_285 : i32 to index
          %parallel_loop3A_303 = arith.constant 16 : index
          %parallel_loop3A_304 = tpu.vector_load %arg9[%parallel_loop3A_302, %parallel_loop3A_303] {strides = array<i32>} : memref<128x128xf32, #tpu.memory_space<vmem>>, vector<16xf32>,
          %parallel_loop3A_305 = arith.index_cast %parallel_loop3A_285 : i32 to index
          %parallel_loop3A_306 = arith.constant 8 : index
          %parallel_loop3A_307 = tpu.vector_load %arg9[%parallel_loop3A_305, %parallel_loop3A_306] {strides = array<i32>} : memref<128x128xf32, #tpu.memory_space<vmem>>, vector<16xf32>,
          %parallel_loop3A_308 = tpu.vector_load_idx %arg9[%parallel_loop3A_288, %select_n3A_121] : memref<128x128xf32, #tpu.memory_space<vmem>>[vector<16xi32>, vector<16xi32>], vector<16xf32>,
          %parallel_loop3A_309 = arith.constant 0 : i32
          %parallel_loop3A_310 = vector.broadcast %parallel_loop3A_309 : i32 to vector<16xi32>
          %parallel_loop3A_311 = arith.cmpi slt, %select_n3A_86, %parallel_loop3A_310 : vector<16xi32>
          %parallel_loop3A_312 = arith.constant 16 : i32
          %parallel_loop3A_313 = vector.broadcast %parallel_loop3A_312 : i32 to vector<16xi32>
          %parallel_loop3A_314 = arith.addi %select_n3A_86, %parallel_loop3A_313 : vector<16xi32>
          %parallel_loop3A_315 = arith.select %parallel_loop3A_311, %parallel_loop3A_314, %select_n3A_86 : vector<16xi1>, vector<16xi32>
          %parallel_loop3A_316 = vector.shape_cast %parallel_loop3A_315 : vector<16xi32> to vector<16x1xi32>
          %parallel_loop3A_317 = vector.shape_cast %parallel_loop3A_316 : vector<16x1xi32> to vector<16xi32>
          %parallel_loop3A_318 = tpu.dynamic_gather %parallel_loop3A_294[%parallel_loop3A_317] in [0] : vector<16xf32>, vector<16xi32> -> vector<16xf32>
          %parallel_loop3A_319 = arith.constant 0 : i32
          %parallel_loop3A_320 = vector.broadcast %parallel_loop3A_319 : i32 to vector<16xi32>
          %parallel_loop3A_321 = arith.cmpi slt, %mul3A_202, %parallel_loop3A_320 : vector<16xi32>
          %parallel_loop3A_322 = arith.constant 16 : i32
          %parallel_loop3A_323 = vector.broadcast %parallel_loop3A_322 : i32 to vector<16xi32>
          %parallel_loop3A_324 = arith.addi %mul3A_202, %parallel_loop3A_323 : vector<16xi32>
          %parallel_loop3A_325 = arith.select %parallel_loop3A_321, %parallel_loop3A_324, %mul3A_202 : vector<16xi1>, vector<16xi32>
          %parallel_loop3A_326 = vector.shape_cast %parallel_loop3A_325 : vector<16xi32> to vector<16x1xi32>
          %parallel_loop3A_327 = vector.shape_cast %parallel_loop3A_326 : vector<16x1xi32> to vector<16xi32>
          %parallel_loop3A_328 = tpu.dynamic_gather %parallel_loop3A_290[%parallel_loop3A_327] in [0] : vector<16xf32>, vector<16xi32> -> vector<16xf32>
          %parallel_loop3A_329 = arith.mulf %parallel_loop3A_318, %get3A_203 : vector<16xf32>
          %parallel_loop3A_330 = arith.mulf %parallel_loop3A_328, %parallel_loop3A_329 : vector<16xf32>
          %parallel_loop3A_331 = arith.mulf %parallel_loop3A_330, %parallel_loop3A_301 : vector<16xf32>
          %parallel_loop3A_332 = arith.index_cast %parallel_loop3A_285 : i32 to index
          %parallel_loop3A_333 = arith.constant 0 : index
          %parallel_loop3A_334 = tpu.vector_load %arg11[%parallel_loop3A_332, %parallel_loop3A_333] {strides = array<i32>} : memref<128x128xf32, #tpu.memory_space<vmem>>, vector<16xf32>,
          tpu.vector_store %arg11[%parallel_loop3A_332, %parallel_loop3A_333], %parallel_loop3A_331 {strides = array<i32>} : memref<128x128xf32, #tpu.memory_space<vmem>>, vector<16xf32>,
          %parallel_loop3A_335 = arith.mulf %parallel_loop3A_318, %get3A_205 : vector<16xf32>
          %parallel_loop3A_336 = arith.mulf %parallel_loop3A_328, %parallel_loop3A_335 : vector<16xf32>
          %parallel_loop3A_337 = arith.mulf %parallel_loop3A_336, %parallel_loop3A_304 : vector<16xf32>
          %parallel_loop3A_338 = arith.index_cast %parallel_loop3A_285 : i32 to index
          %parallel_loop3A_339 = arith.constant 16 : index
          %parallel_loop3A_340 = tpu.vector_load %arg11[%parallel_loop3A_338, %parallel_loop3A_339] {strides = array<i32>} : memref<128x128xf32, #tpu.memory_space<vmem>>, vector<16xf32>,
          tpu.vector_store %arg11[%parallel_loop3A_338, %parallel_loop3A_339], %parallel_loop3A_337 {strides = array<i32>} : memref<128x128xf32, #tpu.memory_space<vmem>>, vector<16xf32>,
          %parallel_loop3A_341 = arith.constant 0 : i32
          %parallel_loop3A_342 = vector.broadcast %parallel_loop3A_341 : i32 to vector<16xi32>
          %parallel_loop3A_343 = arith.cmpi slt, %add3A_111, %parallel_loop3A_342 : vector<16xi32>
          %parallel_loop3A_344 = arith.constant 16 : i32
          %parallel_loop3A_345 = vector.broadcast %parallel_loop3A_344 : i32 to vector<16xi32>
          %parallel_loop3A_346 = arith.addi %add3A_111, %parallel_loop3A_345 : vector<16xi32>
          %parallel_loop3A_347 = arith.select %parallel_loop3A_343, %parallel_loop3A_346, %add3A_111 : vector<16xi1>, vector<16xi32>
          %parallel_loop3A_348 = vector.shape_cast %parallel_loop3A_347 : vector<16xi32> to vector<16x1xi32>
          %parallel_loop3A_349 = vector.shape_cast %parallel_loop3A_348 : vector<16x1xi32> to vector<16xi32>
          %parallel_loop3A_350 = tpu.dynamic_gather %parallel_loop3A_294[%parallel_loop3A_349] in [0] : vector<16xf32>, vector<16xi32> -> vector<16xf32>
          %parallel_loop3A_351 = arith.constant 0 : i32
          %parallel_loop3A_352 = vector.broadcast %parallel_loop3A_351 : i32 to vector<16xi32>
          %parallel_loop3A_353 = arith.cmpi slt, %add3A_146, %parallel_loop3A_352 : vector<16xi32>
          %parallel_loop3A_354 = arith.constant 16 : i32
          %parallel_loop3A_355 = vector.broadcast %parallel_loop3A_354 : i32 to vector<16xi32>
          %parallel_loop3A_356 = arith.addi %add3A_146, %parallel_loop3A_355 : vector<16xi32>
          %parallel_loop3A_357 = arith.select %parallel_loop3A_353, %parallel_loop3A_356, %add3A_146 : vector<16xi1>, vector<16xi32>
          %parallel_loop3A_358 = vector.shape_cast %parallel_loop3A_357 : vector<16xi32> to vector<16x1xi32>
          %parallel_loop3A_359 = vector.shape_cast %parallel_loop3A_358 : vector<16x1xi32> to vector<16xi32>
          %parallel_loop3A_360 = tpu.dynamic_gather %parallel_loop3A_294[%parallel_loop3A_359] in [0] : vector<16xf32>, vector<16xi32> -> vector<16xf32>
          %parallel_loop3A_361 = arith.constant 0 : i32
          %parallel_loop3A_362 = vector.broadcast %parallel_loop3A_361 : i32 to vector<16xi32>
          %parallel_loop3A_363 = arith.cmpi slt, %add3A_174, %parallel_loop3A_362 : vector<16xi32>
          %parallel_loop3A_364 = arith.constant 16 : i32
          %parallel_loop3A_365 = vector.broadcast %parallel_loop3A_364 : i32 to vector<16xi32>
          %parallel_loop3A_366 = arith.addi %add3A_174, %parallel_loop3A_365 : vector<16xi32>
          %parallel_loop3A_367 = arith.select %parallel_loop3A_363, %parallel_loop3A_366, %add3A_174 : vector<16xi1>, vector<16xi32>
          %parallel_loop3A_368 = vector.shape_cast %parallel_loop3A_367 : vector<16xi32> to vector<16x1xi32>
          %parallel_loop3A_369 = vector.shape_cast %parallel_loop3A_368 : vector<16x1xi32> to vector<16xi32>
          %parallel_loop3A_370 = tpu.dynamic_gather %parallel_loop3A_294[%parallel_loop3A_369] in [0] : vector<16xf32>, vector<16xi32> -> vector<16xf32>
          %parallel_loop3A_371 = arith.constant 1 : i32
          %parallel_loop3A_372 = vector.broadcast %parallel_loop3A_371 : i32 to vector<16xi32>
          %parallel_loop3A_373 = arith.addi %mul3A_202, %parallel_loop3A_372 : vector<16xi32>
          %parallel_loop3A_374 = arith.constant 0 : i32
          %parallel_loop3A_375 = vector.broadcast %parallel_loop3A_374 : i32 to vector<16xi32>
          %parallel_loop3A_376 = arith.cmpi slt, %parallel_loop3A_373, %parallel_loop3A_375 : vector<16xi32>
          %parallel_loop3A_377 = arith.constant 16 : i32
          %parallel_loop3A_378 = vector.broadcast %parallel_loop3A_377 : i32 to vector<16xi32>
          %parallel_loop3A_379 = arith.addi %parallel_loop3A_373, %parallel_loop3A_378 : vector<16xi32>
          %parallel_loop3A_380 = arith.select %parallel_loop3A_376, %parallel_loop3A_379, %parallel_loop3A_373 : vector<16xi1>, vector<16xi32>
          %parallel_loop3A_381 = vector.shape_cast %parallel_loop3A_380 : vector<16xi32> to vector<16x1xi32>
          %parallel_loop3A_382 = vector.shape_cast %parallel_loop3A_381 : vector<16x1xi32> to vector<16xi32>
          %parallel_loop3A_383 = tpu.dynamic_gather %parallel_loop3A_290[%parallel_loop3A_382] in [0] : vector<16xf32>, vector<16xi32> -> vector<16xf32>
          %parallel_loop3A_384 = arith.constant 2 : i32
          %parallel_loop3A_385 = vector.broadcast %parallel_loop3A_384 : i32 to vector<16xi32>
          %parallel_loop3A_386 = arith.addi %mul3A_202, %parallel_loop3A_385 : vector<16xi32>
          %parallel_loop3A_387 = arith.constant 0 : i32
          %parallel_loop3A_388 = vector.broadcast %parallel_loop3A_387 : i32 to vector<16xi32>
          %parallel_loop3A_389 = arith.cmpi slt, %parallel_loop3A_386, %parallel_loop3A_388 : vector<16xi32>
          %parallel_loop3A_390 = arith.constant 16 : i32
          %parallel_loop3A_391 = vector.broadcast %parallel_loop3A_390 : i32 to vector<16xi32>
          %parallel_loop3A_392 = arith.addi %parallel_loop3A_386, %parallel_loop3A_391 : vector<16xi32>
          %parallel_loop3A_393 = arith.select %parallel_loop3A_389, %parallel_loop3A_392, %parallel_loop3A_386 : vector<16xi1>, vector<16xi32>
          %parallel_loop3A_394 = vector.shape_cast %parallel_loop3A_393 : vector<16xi32> to vector<16x1xi32>
          %parallel_loop3A_395 = vector.shape_cast %parallel_loop3A_394 : vector<16x1xi32> to vector<16xi32>
          %parallel_loop3A_396 = tpu.dynamic_gather %parallel_loop3A_290[%parallel_loop3A_395] in [0] : vector<16xf32>, vector<16xi32> -> vector<16xf32>
          %parallel_loop3A_397 = arith.constant 3 : i32
          %parallel_loop3A_398 = vector.broadcast %parallel_loop3A_397 : i32 to vector<16xi32>
          %parallel_loop3A_399 = arith.addi %mul3A_202, %parallel_loop3A_398 : vector<16xi32>
          %parallel_loop3A_400 = arith.constant 0 : i32
          %parallel_loop3A_401 = vector.broadcast %parallel_loop3A_400 : i32 to vector<16xi32>
          %parallel_loop3A_402 = arith.cmpi slt, %parallel_loop3A_399, %parallel_loop3A_401 : vector<16xi32>
          %parallel_loop3A_403 = arith.constant 16 : i32
          %parallel_loop3A_404 = vector.broadcast %parallel_loop3A_403 : i32 to vector<16xi32>
          %parallel_loop3A_405 = arith.addi %parallel_loop3A_399, %parallel_loop3A_404 : vector<16xi32>
          %parallel_loop3A_406 = arith.select %parallel_loop3A_402, %parallel_loop3A_405, %parallel_loop3A_399 : vector<16xi1>, vector<16xi32>
          %parallel_loop3A_407 = vector.shape_cast %parallel_loop3A_406 : vector<16xi32> to vector<16x1xi32>
          %parallel_loop3A_408 = vector.shape_cast %parallel_loop3A_407 : vector<16x1xi32> to vector<16xi32>
          %parallel_loop3A_409 = tpu.dynamic_gather %parallel_loop3A_290[%parallel_loop3A_408] in [0] : vector<16xf32>, vector<16xi32> -> vector<16xf32>
          %parallel_loop3A_410 = arith.constant 8 : i32
          %parallel_loop3A_411 = vector.broadcast %parallel_loop3A_410 : i32 to vector<16xi32>
          %parallel_loop3A_412 = arith.cmpi slt, %iota3A, %parallel_loop3A_411 : vector<16xi32>
          %parallel_loop3A_413 = arith.select %parallel_loop3A_412, %parallel_loop3A_383, %parallel_loop3A_396 : vector<16xi1>, vector<16xf32>
          %parallel_loop3A_414 = arith.mulf %parallel_loop3A_350, %get3A_207 : vector<16xf32>
          %parallel_loop3A_415 = arith.mulf %parallel_loop3A_383, %parallel_loop3A_414 : vector<16xf32>
          %parallel_loop3A_416 = arith.mulf %parallel_loop3A_415, %parallel_loop3A_301 : vector<16xf32>
          %parallel_loop3A_417 = arith.index_cast %parallel_loop3A_285 : i32 to index
          %parallel_loop3A_418 = arith.constant 32 : index
          %parallel_loop3A_419 = tpu.vector_load %arg11[%parallel_loop3A_417, %parallel_loop3A_418] {strides = array<i32>} : memref<128x128xf32, #tpu.memory_space<vmem>>, vector<16xf32>,
          tpu.vector_store %arg11[%parallel_loop3A_417, %parallel_loop3A_418], %parallel_loop3A_416 {strides = array<i32>} : memref<128x128xf32, #tpu.memory_space<vmem>>, vector<16xf32>,
          %parallel_loop3A_420 = arith.mulf %parallel_loop3A_360, %gather3A : vector<16xf32>
          %parallel_loop3A_421 = arith.mulf %parallel_loop3A_413, %parallel_loop3A_420 : vector<16xf32>
          %parallel_loop3A_422 = arith.mulf %parallel_loop3A_421, %parallel_loop3A_308 : vector<16xf32>
          %parallel_loop3A_423 = arith.index_cast %parallel_loop3A_285 : i32 to index
          %parallel_loop3A_424 = arith.constant 48 : index
          %parallel_loop3A_425 = tpu.vector_load %arg11[%parallel_loop3A_423, %parallel_loop3A_424] {strides = array<i32>} : memref<128x128xf32, #tpu.memory_space<vmem>>, vector<16xf32>,
          tpu.vector_store %arg11[%parallel_loop3A_423, %parallel_loop3A_424], %parallel_loop3A_422 {strides = array<i32>} : memref<128x128xf32, #tpu.memory_space<vmem>>, vector<16xf32>,
          %parallel_loop3A_426 = arith.mulf %parallel_loop3A_370, %get3A_212 : vector<16xf32>
          %parallel_loop3A_427 = arith.mulf %parallel_loop3A_396, %parallel_loop3A_426 : vector<16xf32>
          %parallel_loop3A_428 = arith.mulf %parallel_loop3A_427, %parallel_loop3A_307 : vector<16xf32>
          %parallel_loop3A_429 = arith.index_cast %parallel_loop3A_285 : i32 to index
          %parallel_loop3A_430 = arith.constant 64 : index
          %parallel_loop3A_431 = tpu.vector_load %arg11[%parallel_loop3A_429, %parallel_loop3A_430] {strides = array<i32>} : memref<128x128xf32, #tpu.memory_space<vmem>>, vector<16xf32>,
          tpu.vector_store %arg11[%parallel_loop3A_429, %parallel_loop3A_430], %parallel_loop3A_428 {strides = array<i32>} : memref<128x128xf32, #tpu.memory_space<vmem>>, vector<16xf32>,
          %parallel_loop3A_432 = arith.mulf %parallel_loop3A_409, %parallel_loop3A_414 : vector<16xf32>
          %parallel_loop3A_433 = arith.mulf %parallel_loop3A_432, %parallel_loop3A_301 : vector<16xf32>
          %parallel_loop3A_434 = arith.index_cast %parallel_loop3A_285 : i32 to index
          %parallel_loop3A_435 = arith.constant 80 : index
          %parallel_loop3A_436 = tpu.vector_load %arg11[%parallel_loop3A_434, %parallel_loop3A_435] {strides = array<i32>} : memref<128x128xf32, #tpu.memory_space<vmem>>, vector<16xf32>,
          tpu.vector_store %arg11[%parallel_loop3A_434, %parallel_loop3A_435], %parallel_loop3A_433 {strides = array<i32>} : memref<128x128xf32, #tpu.memory_space<vmem>>, vector<16xf32>,
          %parallel_loop3A_437 = arith.mulf %parallel_loop3A_360, %mul3A_213 : vector<16xf32>
          %parallel_loop3A_438 = arith.mulf %parallel_loop3A_409, %parallel_loop3A_437 : vector<16xf32>
          %parallel_loop3A_439 = arith.mulf %parallel_loop3A_438, %parallel_loop3A_308 : vector<16xf32>
          %parallel_loop3A_440 = arith.index_cast %parallel_loop3A_285 : i32 to index
          %parallel_loop3A_441 = arith.constant 96 : index
          %parallel_loop3A_442 = tpu.vector_load %arg11[%parallel_loop3A_440, %parallel_loop3A_441] {strides = array<i32>} : memref<128x128xf32, #tpu.memory_space<vmem>>, vector<16xf32>,
          tpu.vector_store %arg11[%parallel_loop3A_440, %parallel_loop3A_441], %parallel_loop3A_439 {strides = array<i32>} : memref<128x128xf32, #tpu.memory_space<vmem>>, vector<16xf32>,
          %parallel_loop3A_443 = arith.constant 0 : i32
          %parallel_loop3A_444 = vector.broadcast %parallel_loop3A_443 : i32 to vector<16xi32>
          %parallel_loop3A_445 = arith.cmpi slt, %add3A_199, %parallel_loop3A_444 : vector<16xi32>
          %parallel_loop3A_446 = arith.constant 16 : i32
          %parallel_loop3A_447 = vector.broadcast %parallel_loop3A_446 : i32 to vector<16xi32>
          %parallel_loop3A_448 = arith.addi %add3A_199, %parallel_loop3A_447 : vector<16xi32>
          %parallel_loop3A_449 = arith.select %parallel_loop3A_445, %parallel_loop3A_448, %add3A_199 : vector<16xi1>, vector<16xi32>
          %parallel_loop3A_450 = vector.shape_cast %parallel_loop3A_449 : vector<16xi32> to vector<16x1xi32>
          %parallel_loop3A_451 = vector.shape_cast %parallel_loop3A_450 : vector<16x1xi32> to vector<16xi32>
          %parallel_loop3A_452 = tpu.dynamic_gather %parallel_loop3A_298[%parallel_loop3A_451] in [0] : vector<16xf32>, vector<16xi32> -> vector<16xf32>
          %parallel_loop3A_453 = arith.constant 4 : i32
          %parallel_loop3A_454 = vector.broadcast %parallel_loop3A_453 : i32 to vector<16xi32>
          %parallel_loop3A_455 = arith.addi %mul3A_202, %parallel_loop3A_454 : vector<16xi32>
          %parallel_loop3A_456 = arith.constant 0 : i32
          %parallel_loop3A_457 = vector.broadcast %parallel_loop3A_456 : i32 to vector<16xi32>
          %parallel_loop3A_458 = arith.cmpi slt, %parallel_loop3A_455, %parallel_loop3A_457 : vector<16xi32>
          %parallel_loop3A_459 = arith.constant 16 : i32
          %parallel_loop3A_460 = vector.broadcast %parallel_loop3A_459 : i32 to vector<16xi32>
          %parallel_loop3A_461 = arith.addi %parallel_loop3A_455, %parallel_loop3A_460 : vector<16xi32>
          %parallel_loop3A_462 = arith.select %parallel_loop3A_458, %parallel_loop3A_461, %parallel_loop3A_455 : vector<16xi1>, vector<16xi32>
          %parallel_loop3A_463 = vector.shape_cast %parallel_loop3A_462 : vector<16xi32> to vector<16x1xi32>
          %parallel_loop3A_464 = vector.shape_cast %parallel_loop3A_463 : vector<16x1xi32> to vector<16xi32>
          %parallel_loop3A_465 = tpu.dynamic_gather %parallel_loop3A_290[%parallel_loop3A_464] in [0] : vector<16xf32>, vector<16xi32> -> vector<16xf32>
          %parallel_loop3A_466 = arith.mulf %parallel_loop3A_452, %get3A_215 : vector<16xf32>
          %parallel_loop3A_467 = arith.mulf %parallel_loop3A_465, %parallel_loop3A_466 : vector<16xf32>
          %parallel_loop3A_468 = arith.mulf %parallel_loop3A_467, %parallel_loop3A_301 : vector<16xf32>
          %parallel_loop3A_469 = arith.index_cast %parallel_loop3A_285 : i32 to index
          %parallel_loop3A_470 = arith.constant 112 : index
          %parallel_loop3A_471 = tpu.vector_load %arg11[%parallel_loop3A_469, %parallel_loop3A_470] {strides = array<i32>} : memref<128x128xf32, #tpu.memory_space<vmem>>, vector<16xf32>,
          tpu.vector_store %arg11[%parallel_loop3A_469, %parallel_loop3A_470], %parallel_loop3A_468 {strides = array<i32>} : memref<128x128xf32, #tpu.memory_space<vmem>>, vector<16xf32>,
        } {sc.loop_unroll_factor = 4 : i64, sc.parallel_access}
        %dma_wait3A_270 = arith.constant 64 : i32
        %dma_wait3A_271 = arith.constant 0 : i32
        %dma_wait3A_272 = tpu.memref_slice %arg9[%dma_wait3A_270, %dma_wait3A_271] : memref<128x128xf32, #tpu.memory_space<vmem>> -> memref<64x128xf32, #tpu.memory_space<vmem>>
        %dma_wait3A_273 = arith.constant 64 : i32
        %dma_wait3A_274 = tpu.memref_slice %arg13[%dma_wait3A_273] : memref<128xi32, #tpu.memory_space<vmem>> -> memref<64xi32, #tpu.memory_space<vmem>>
        %dma_wait3A_275 = arith.constant 0 : i32
        %dma_wait3A_276 = arith.constant 0 : i32
        %dma_wait3A_277 = tpu.memref_slice %arg3[%dma_wait3A_275, %dma_wait3A_276] : memref<10000x128xf32, #tpu.memory_space<hbm>> -> memref<10000x128xf32, #tpu.memory_space<hbm>>
        tpu.wait_indirect_dma semaphore(%arg16 : memref<!tpu.dma_semaphore, #tpu.memory_space<semaphore_mem>>) src(%dma_wait3A_277 : memref<10000x128xf32, #tpu.memory_space<hbm>>) dst(%dma_wait3A_272 : memref<64x128xf32, #tpu.memory_space<vmem>>)
        %parallel_loop3A_278 = arith.constant 64 : i32
        %parallel_loop3A_279 = arith.constant 128 : i32
        %parallel_loop3A_280 = arith.constant 1 : i32
        scf.for %parallel_loop3A_285 = %parallel_loop3A_278 to %parallel_loop3A_279 step %parallel_loop3A_280  : i32 {
          %parallel_loop3A_286 = arith.constant 41 : i32
          %parallel_loop3A_287 = arith.muli %parallel_loop3A_285, %parallel_loop3A_286 : i32
          %parallel_loop3A_288 = vector.broadcast %parallel_loop3A_285 : i32 to vector<16xi32>
          %parallel_loop3A_289 = arith.index_cast %parallel_loop3A_287 : i32 to index
          %parallel_loop3A_290 = tpu.vector_load %arg10[%parallel_loop3A_289] {strides = array<i32>} : memref<5264xf32, #tpu.memory_space<vmem>>, vector<16xf32>,
          %parallel_loop3A_291 = arith.constant 16 : i32
          %parallel_loop3A_292 = arith.addi %parallel_loop3A_287, %parallel_loop3A_291 : i32
          %parallel_loop3A_293 = arith.index_cast %parallel_loop3A_292 : i32 to index
          %parallel_loop3A_294 = tpu.vector_load %arg10[%parallel_loop3A_293] {strides = array<i32>} : memref<5264xf32, #tpu.memory_space<vmem>>, vector<16xf32>,
          %parallel_loop3A_295 = arith.constant 24 : i32
          %parallel_loop3A_296 = arith.addi %parallel_loop3A_287, %parallel_loop3A_295 : i32
          %parallel_loop3A_297 = arith.index_cast %parallel_loop3A_296 : i32 to index
          %parallel_loop3A_298 = tpu.vector_load %arg10[%parallel_loop3A_297] {strides = array<i32>} : memref<5264xf32, #tpu.memory_space<vmem>>, vector<16xf32>,
          %parallel_loop3A_299 = arith.index_cast %parallel_loop3A_285 : i32 to index
          %parallel_loop3A_300 = arith.constant 0 : index
          %parallel_loop3A_301 = tpu.vector_load %arg9[%parallel_loop3A_299, %parallel_loop3A_300] {strides = array<i32>} : memref<128x128xf32, #tpu.memory_space<vmem>>, vector<16xf32>,
          %parallel_loop3A_302 = arith.index_cast %parallel_loop3A_285 : i32 to index
          %parallel_loop3A_303 = arith.constant 16 : index
          %parallel_loop3A_304 = tpu.vector_load %arg9[%parallel_loop3A_302, %parallel_loop3A_303] {strides = array<i32>} : memref<128x128xf32, #tpu.memory_space<vmem>>, vector<16xf32>,
          %parallel_loop3A_305 = arith.index_cast %parallel_loop3A_285 : i32 to index
          %parallel_loop3A_306 = arith.constant 8 : index
          %parallel_loop3A_307 = tpu.vector_load %arg9[%parallel_loop3A_305, %parallel_loop3A_306] {strides = array<i32>} : memref<128x128xf32, #tpu.memory_space<vmem>>, vector<16xf32>,
          %parallel_loop3A_308 = tpu.vector_load_idx %arg9[%parallel_loop3A_288, %select_n3A_121] : memref<128x128xf32, #tpu.memory_space<vmem>>[vector<16xi32>, vector<16xi32>], vector<16xf32>,
          %parallel_loop3A_309 = arith.constant 0 : i32
          %parallel_loop3A_310 = vector.broadcast %parallel_loop3A_309 : i32 to vector<16xi32>
          %parallel_loop3A_311 = arith.cmpi slt, %select_n3A_86, %parallel_loop3A_310 : vector<16xi32>
          %parallel_loop3A_312 = arith.constant 16 : i32
          %parallel_loop3A_313 = vector.broadcast %parallel_loop3A_312 : i32 to vector<16xi32>
          %parallel_loop3A_314 = arith.addi %select_n3A_86, %parallel_loop3A_313 : vector<16xi32>
          %parallel_loop3A_315 = arith.select %parallel_loop3A_311, %parallel_loop3A_314, %select_n3A_86 : vector<16xi1>, vector<16xi32>
          %parallel_loop3A_316 = vector.shape_cast %parallel_loop3A_315 : vector<16xi32> to vector<16x1xi32>
          %parallel_loop3A_317 = vector.shape_cast %parallel_loop3A_316 : vector<16x1xi32> to vector<16xi32>
          %parallel_loop3A_318 = tpu.dynamic_gather %parallel_loop3A_294[%parallel_loop3A_317] in [0] : vector<16xf32>, vector<16xi32> -> vector<16xf32>
          %parallel_loop3A_319 = arith.constant 0 : i32
          %parallel_loop3A_320 = vector.broadcast %parallel_loop3A_319 : i32 to vector<16xi32>
          %parallel_loop3A_321 = arith.cmpi slt, %mul3A_202, %parallel_loop3A_320 : vector<16xi32>
          %parallel_loop3A_322 = arith.constant 16 : i32
          %parallel_loop3A_323 = vector.broadcast %parallel_loop3A_322 : i32 to vector<16xi32>
          %parallel_loop3A_324 = arith.addi %mul3A_202, %parallel_loop3A_323 : vector<16xi32>
          %parallel_loop3A_325 = arith.select %parallel_loop3A_321, %parallel_loop3A_324, %mul3A_202 : vector<16xi1>, vector<16xi32>
          %parallel_loop3A_326 = vector.shape_cast %parallel_loop3A_325 : vector<16xi32> to vector<16x1xi32>
          %parallel_loop3A_327 = vector.shape_cast %parallel_loop3A_326 : vector<16x1xi32> to vector<16xi32>
          %parallel_loop3A_328 = tpu.dynamic_gather %parallel_loop3A_290[%parallel_loop3A_327] in [0] : vector<16xf32>, vector<16xi32> -> vector<16xf32>
          %parallel_loop3A_329 = arith.mulf %parallel_loop3A_318, %get3A_203 : vector<16xf32>
          %parallel_loop3A_330 = arith.mulf %parallel_loop3A_328, %parallel_loop3A_329 : vector<16xf32>
          %parallel_loop3A_331 = arith.mulf %parallel_loop3A_330, %parallel_loop3A_301 : vector<16xf32>
          %parallel_loop3A_332 = arith.index_cast %parallel_loop3A_285 : i32 to index
          %parallel_loop3A_333 = arith.constant 0 : index
          %parallel_loop3A_334 = tpu.vector_load %arg11[%parallel_loop3A_332, %parallel_loop3A_333] {strides = array<i32>} : memref<128x128xf32, #tpu.memory_space<vmem>>, vector<16xf32>,
          tpu.vector_store %arg11[%parallel_loop3A_332, %parallel_loop3A_333], %parallel_loop3A_331 {strides = array<i32>} : memref<128x128xf32, #tpu.memory_space<vmem>>, vector<16xf32>,
          %parallel_loop3A_335 = arith.mulf %parallel_loop3A_318, %get3A_205 : vector<16xf32>
          %parallel_loop3A_336 = arith.mulf %parallel_loop3A_328, %parallel_loop3A_335 : vector<16xf32>
          %parallel_loop3A_337 = arith.mulf %parallel_loop3A_336, %parallel_loop3A_304 : vector<16xf32>
          %parallel_loop3A_338 = arith.index_cast %parallel_loop3A_285 : i32 to index
          %parallel_loop3A_339 = arith.constant 16 : index
          %parallel_loop3A_340 = tpu.vector_load %arg11[%parallel_loop3A_338, %parallel_loop3A_339] {strides = array<i32>} : memref<128x128xf32, #tpu.memory_space<vmem>>, vector<16xf32>,
          tpu.vector_store %arg11[%parallel_loop3A_338, %parallel_loop3A_339], %parallel_loop3A_337 {strides = array<i32>} : memref<128x128xf32, #tpu.memory_space<vmem>>, vector<16xf32>,
          %parallel_loop3A_341 = arith.constant 0 : i32
          %parallel_loop3A_342 = vector.broadcast %parallel_loop3A_341 : i32 to vector<16xi32>
          %parallel_loop3A_343 = arith.cmpi slt, %add3A_111, %parallel_loop3A_342 : vector<16xi32>
          %parallel_loop3A_344 = arith.constant 16 : i32
          %parallel_loop3A_345 = vector.broadcast %parallel_loop3A_344 : i32 to vector<16xi32>
          %parallel_loop3A_346 = arith.addi %add3A_111, %parallel_loop3A_345 : vector<16xi32>
          %parallel_loop3A_347 = arith.select %parallel_loop3A_343, %parallel_loop3A_346, %add3A_111 : vector<16xi1>, vector<16xi32>
          %parallel_loop3A_348 = vector.shape_cast %parallel_loop3A_347 : vector<16xi32> to vector<16x1xi32>
          %parallel_loop3A_349 = vector.shape_cast %parallel_loop3A_348 : vector<16x1xi32> to vector<16xi32>
          %parallel_loop3A_350 = tpu.dynamic_gather %parallel_loop3A_294[%parallel_loop3A_349] in [0] : vector<16xf32>, vector<16xi32> -> vector<16xf32>
          %parallel_loop3A_351 = arith.constant 0 : i32
          %parallel_loop3A_352 = vector.broadcast %parallel_loop3A_351 : i32 to vector<16xi32>
          %parallel_loop3A_353 = arith.cmpi slt, %add3A_146, %parallel_loop3A_352 : vector<16xi32>
          %parallel_loop3A_354 = arith.constant 16 : i32
          %parallel_loop3A_355 = vector.broadcast %parallel_loop3A_354 : i32 to vector<16xi32>
          %parallel_loop3A_356 = arith.addi %add3A_146, %parallel_loop3A_355 : vector<16xi32>
          %parallel_loop3A_357 = arith.select %parallel_loop3A_353, %parallel_loop3A_356, %add3A_146 : vector<16xi1>, vector<16xi32>
          %parallel_loop3A_358 = vector.shape_cast %parallel_loop3A_357 : vector<16xi32> to vector<16x1xi32>
          %parallel_loop3A_359 = vector.shape_cast %parallel_loop3A_358 : vector<16x1xi32> to vector<16xi32>
          %parallel_loop3A_360 = tpu.dynamic_gather %parallel_loop3A_294[%parallel_loop3A_359] in [0] : vector<16xf32>, vector<16xi32> -> vector<16xf32>
          %parallel_loop3A_361 = arith.constant 0 : i32
          %parallel_loop3A_362 = vector.broadcast %parallel_loop3A_361 : i32 to vector<16xi32>
          %parallel_loop3A_363 = arith.cmpi slt, %add3A_174, %parallel_loop3A_362 : vector<16xi32>
          %parallel_loop3A_364 = arith.constant 16 : i32
          %parallel_loop3A_365 = vector.broadcast %parallel_loop3A_364 : i32 to vector<16xi32>
          %parallel_loop3A_366 = arith.addi %add3A_174, %parallel_loop3A_365 : vector<16xi32>
          %parallel_loop3A_367 = arith.select %parallel_loop3A_363, %parallel_loop3A_366, %add3A_174 : vector<16xi1>, vector<16xi32>
          %parallel_loop3A_368 = vector.shape_cast %parallel_loop3A_367 : vector<16xi32> to vector<16x1xi32>
          %parallel_loop3A_369 = vector.shape_cast %parallel_loop3A_368 : vector<16x1xi32> to vector<16xi32>
          %parallel_loop3A_370 = tpu.dynamic_gather %parallel_loop3A_294[%parallel_loop3A_369] in [0] : vector<16xf32>, vector<16xi32> -> vector<16xf32>
          %parallel_loop3A_371 = arith.constant 1 : i32
          %parallel_loop3A_372 = vector.broadcast %parallel_loop3A_371 : i32 to vector<16xi32>
          %parallel_loop3A_373 = arith.addi %mul3A_202, %parallel_loop3A_372 : vector<16xi32>
          %parallel_loop3A_374 = arith.constant 0 : i32
          %parallel_loop3A_375 = vector.broadcast %parallel_loop3A_374 : i32 to vector<16xi32>
          %parallel_loop3A_376 = arith.cmpi slt, %parallel_loop3A_373, %parallel_loop3A_375 : vector<16xi32>
          %parallel_loop3A_377 = arith.constant 16 : i32
          %parallel_loop3A_378 = vector.broadcast %parallel_loop3A_377 : i32 to vector<16xi32>
          %parallel_loop3A_379 = arith.addi %parallel_loop3A_373, %parallel_loop3A_378 : vector<16xi32>
          %parallel_loop3A_380 = arith.select %parallel_loop3A_376, %parallel_loop3A_379, %parallel_loop3A_373 : vector<16xi1>, vector<16xi32>
          %parallel_loop3A_381 = vector.shape_cast %parallel_loop3A_380 : vector<16xi32> to vector<16x1xi32>
          %parallel_loop3A_382 = vector.shape_cast %parallel_loop3A_381 : vector<16x1xi32> to vector<16xi32>
          %parallel_loop3A_383 = tpu.dynamic_gather %parallel_loop3A_290[%parallel_loop3A_382] in [0] : vector<16xf32>, vector<16xi32> -> vector<16xf32>
          %parallel_loop3A_384 = arith.constant 2 : i32
          %parallel_loop3A_385 = vector.broadcast %parallel_loop3A_384 : i32 to vector<16xi32>
          %parallel_loop3A_386 = arith.addi %mul3A_202, %parallel_loop3A_385 : vector<16xi32>
          %parallel_loop3A_387 = arith.constant 0 : i32
          %parallel_loop3A_388 = vector.broadcast %parallel_loop3A_387 : i32 to vector<16xi32>
          %parallel_loop3A_389 = arith.cmpi slt, %parallel_loop3A_386, %parallel_loop3A_388 : vector<16xi32>
          %parallel_loop3A_390 = arith.constant 16 : i32
          %parallel_loop3A_391 = vector.broadcast %parallel_loop3A_390 : i32 to vector<16xi32>
          %parallel_loop3A_392 = arith.addi %parallel_loop3A_386, %parallel_loop3A_391 : vector<16xi32>
          %parallel_loop3A_393 = arith.select %parallel_loop3A_389, %parallel_loop3A_392, %parallel_loop3A_386 : vector<16xi1>, vector<16xi32>
          %parallel_loop3A_394 = vector.shape_cast %parallel_loop3A_393 : vector<16xi32> to vector<16x1xi32>
          %parallel_loop3A_395 = vector.shape_cast %parallel_loop3A_394 : vector<16x1xi32> to vector<16xi32>
          %parallel_loop3A_396 = tpu.dynamic_gather %parallel_loop3A_290[%parallel_loop3A_395] in [0] : vector<16xf32>, vector<16xi32> -> vector<16xf32>
          %parallel_loop3A_397 = arith.constant 3 : i32
          %parallel_loop3A_398 = vector.broadcast %parallel_loop3A_397 : i32 to vector<16xi32>
          %parallel_loop3A_399 = arith.addi %mul3A_202, %parallel_loop3A_398 : vector<16xi32>
          %parallel_loop3A_400 = arith.constant 0 : i32
          %parallel_loop3A_401 = vector.broadcast %parallel_loop3A_400 : i32 to vector<16xi32>
          %parallel_loop3A_402 = arith.cmpi slt, %parallel_loop3A_399, %parallel_loop3A_401 : vector<16xi32>
          %parallel_loop3A_403 = arith.constant 16 : i32
          %parallel_loop3A_404 = vector.broadcast %parallel_loop3A_403 : i32 to vector<16xi32>
          %parallel_loop3A_405 = arith.addi %parallel_loop3A_399, %parallel_loop3A_404 : vector<16xi32>
          %parallel_loop3A_406 = arith.select %parallel_loop3A_402, %parallel_loop3A_405, %parallel_loop3A_399 : vector<16xi1>, vector<16xi32>
          %parallel_loop3A_407 = vector.shape_cast %parallel_loop3A_406 : vector<16xi32> to vector<16x1xi32>
          %parallel_loop3A_408 = vector.shape_cast %parallel_loop3A_407 : vector<16x1xi32> to vector<16xi32>
          %parallel_loop3A_409 = tpu.dynamic_gather %parallel_loop3A_290[%parallel_loop3A_408] in [0] : vector<16xf32>, vector<16xi32> -> vector<16xf32>
          %parallel_loop3A_410 = arith.constant 8 : i32
          %parallel_loop3A_411 = vector.broadcast %parallel_loop3A_410 : i32 to vector<16xi32>
          %parallel_loop3A_412 = arith.cmpi slt, %iota3A, %parallel_loop3A_411 : vector<16xi32>
          %parallel_loop3A_413 = arith.select %parallel_loop3A_412, %parallel_loop3A_383, %parallel_loop3A_396 : vector<16xi1>, vector<16xf32>
          %parallel_loop3A_414 = arith.mulf %parallel_loop3A_350, %get3A_207 : vector<16xf32>
          %parallel_loop3A_415 = arith.mulf %parallel_loop3A_383, %parallel_loop3A_414 : vector<16xf32>
          %parallel_loop3A_416 = arith.mulf %parallel_loop3A_415, %parallel_loop3A_301 : vector<16xf32>
          %parallel_loop3A_417 = arith.index_cast %parallel_loop3A_285 : i32 to index
          %parallel_loop3A_418 = arith.constant 32 : index
          %parallel_loop3A_419 = tpu.vector_load %arg11[%parallel_loop3A_417, %parallel_loop3A_418] {strides = array<i32>} : memref<128x128xf32, #tpu.memory_space<vmem>>, vector<16xf32>,
          tpu.vector_store %arg11[%parallel_loop3A_417, %parallel_loop3A_418], %parallel_loop3A_416 {strides = array<i32>} : memref<128x128xf32, #tpu.memory_space<vmem>>, vector<16xf32>,
          %parallel_loop3A_420 = arith.mulf %parallel_loop3A_360, %gather3A : vector<16xf32>
          %parallel_loop3A_421 = arith.mulf %parallel_loop3A_413, %parallel_loop3A_420 : vector<16xf32>
          %parallel_loop3A_422 = arith.mulf %parallel_loop3A_421, %parallel_loop3A_308 : vector<16xf32>
          %parallel_loop3A_423 = arith.index_cast %parallel_loop3A_285 : i32 to index
          %parallel_loop3A_424 = arith.constant 48 : index
          %parallel_loop3A_425 = tpu.vector_load %arg11[%parallel_loop3A_423, %parallel_loop3A_424] {strides = array<i32>} : memref<128x128xf32, #tpu.memory_space<vmem>>, vector<16xf32>,
          tpu.vector_store %arg11[%parallel_loop3A_423, %parallel_loop3A_424], %parallel_loop3A_422 {strides = array<i32>} : memref<128x128xf32, #tpu.memory_space<vmem>>, vector<16xf32>,
          %parallel_loop3A_426 = arith.mulf %parallel_loop3A_370, %get3A_212 : vector<16xf32>
          %parallel_loop3A_427 = arith.mulf %parallel_loop3A_396, %parallel_loop3A_426 : vector<16xf32>
          %parallel_loop3A_428 = arith.mulf %parallel_loop3A_427, %parallel_loop3A_307 : vector<16xf32>
          %parallel_loop3A_429 = arith.index_cast %parallel_loop3A_285 : i32 to index
          %parallel_loop3A_430 = arith.constant 64 : index
          %parallel_loop3A_431 = tpu.vector_load %arg11[%parallel_loop3A_429, %parallel_loop3A_430] {strides = array<i32>} : memref<128x128xf32, #tpu.memory_space<vmem>>, vector<16xf32>,
          tpu.vector_store %arg11[%parallel_loop3A_429, %parallel_loop3A_430], %parallel_loop3A_428 {strides = array<i32>} : memref<128x128xf32, #tpu.memory_space<vmem>>, vector<16xf32>,
          %parallel_loop3A_432 = arith.mulf %parallel_loop3A_409, %parallel_loop3A_414 : vector<16xf32>
          %parallel_loop3A_433 = arith.mulf %parallel_loop3A_432, %parallel_loop3A_301 : vector<16xf32>
          %parallel_loop3A_434 = arith.index_cast %parallel_loop3A_285 : i32 to index
          %parallel_loop3A_435 = arith.constant 80 : index
          %parallel_loop3A_436 = tpu.vector_load %arg11[%parallel_loop3A_434, %parallel_loop3A_435] {strides = array<i32>} : memref<128x128xf32, #tpu.memory_space<vmem>>, vector<16xf32>,
          tpu.vector_store %arg11[%parallel_loop3A_434, %parallel_loop3A_435], %parallel_loop3A_433 {strides = array<i32>} : memref<128x128xf32, #tpu.memory_space<vmem>>, vector<16xf32>,
          %parallel_loop3A_437 = arith.mulf %parallel_loop3A_360, %mul3A_213 : vector<16xf32>
          %parallel_loop3A_438 = arith.mulf %parallel_loop3A_409, %parallel_loop3A_437 : vector<16xf32>
          %parallel_loop3A_439 = arith.mulf %parallel_loop3A_438, %parallel_loop3A_308 : vector<16xf32>
          %parallel_loop3A_440 = arith.index_cast %parallel_loop3A_285 : i32 to index
          %parallel_loop3A_441 = arith.constant 96 : index
          %parallel_loop3A_442 = tpu.vector_load %arg11[%parallel_loop3A_440, %parallel_loop3A_441] {strides = array<i32>} : memref<128x128xf32, #tpu.memory_space<vmem>>, vector<16xf32>,
          tpu.vector_store %arg11[%parallel_loop3A_440, %parallel_loop3A_441], %parallel_loop3A_439 {strides = array<i32>} : memref<128x128xf32, #tpu.memory_space<vmem>>, vector<16xf32>,
          %parallel_loop3A_443 = arith.constant 0 : i32
          %parallel_loop3A_444 = vector.broadcast %parallel_loop3A_443 : i32 to vector<16xi32>
          %parallel_loop3A_445 = arith.cmpi slt, %add3A_199, %parallel_loop3A_444 : vector<16xi32>
          %parallel_loop3A_446 = arith.constant 16 : i32
          %parallel_loop3A_447 = vector.broadcast %parallel_loop3A_446 : i32 to vector<16xi32>
          %parallel_loop3A_448 = arith.addi %add3A_199, %parallel_loop3A_447 : vector<16xi32>
          %parallel_loop3A_449 = arith.select %parallel_loop3A_445, %parallel_loop3A_448, %add3A_199 : vector<16xi1>, vector<16xi32>
          %parallel_loop3A_450 = vector.shape_cast %parallel_loop3A_449 : vector<16xi32> to vector<16x1xi32>
          %parallel_loop3A_451 = vector.shape_cast %parallel_loop3A_450 : vector<16x1xi32> to vector<16xi32>
          %parallel_loop3A_452 = tpu.dynamic_gather %parallel_loop3A_298[%parallel_loop3A_451] in [0] : vector<16xf32>, vector<16xi32> -> vector<16xf32>
          %parallel_loop3A_453 = arith.constant 4 : i32
          %parallel_loop3A_454 = vector.broadcast %parallel_loop3A_453 : i32 to vector<16xi32>
          %parallel_loop3A_455 = arith.addi %mul3A_202, %parallel_loop3A_454 : vector<16xi32>
          %parallel_loop3A_456 = arith.constant 0 : i32
          %parallel_loop3A_457 = vector.broadcast %parallel_loop3A_456 : i32 to vector<16xi32>
          %parallel_loop3A_458 = arith.cmpi slt, %parallel_loop3A_455, %parallel_loop3A_457 : vector<16xi32>
          %parallel_loop3A_459 = arith.constant 16 : i32
          %parallel_loop3A_460 = vector.broadcast %parallel_loop3A_459 : i32 to vector<16xi32>
          %parallel_loop3A_461 = arith.addi %parallel_loop3A_455, %parallel_loop3A_460 : vector<16xi32>
          %parallel_loop3A_462 = arith.select %parallel_loop3A_458, %parallel_loop3A_461, %parallel_loop3A_455 : vector<16xi1>, vector<16xi32>
          %parallel_loop3A_463 = vector.shape_cast %parallel_loop3A_462 : vector<16xi32> to vector<16x1xi32>
          %parallel_loop3A_464 = vector.shape_cast %parallel_loop3A_463 : vector<16x1xi32> to vector<16xi32>
          %parallel_loop3A_465 = tpu.dynamic_gather %parallel_loop3A_290[%parallel_loop3A_464] in [0] : vector<16xf32>, vector<16xi32> -> vector<16xf32>
          %parallel_loop3A_466 = arith.mulf %parallel_loop3A_452, %get3A_215 : vector<16xf32>
          %parallel_loop3A_467 = arith.mulf %parallel_loop3A_465, %parallel_loop3A_466 : vector<16xf32>
          %parallel_loop3A_468 = arith.mulf %parallel_loop3A_467, %parallel_loop3A_301 : vector<16xf32>
          %parallel_loop3A_469 = arith.index_cast %parallel_loop3A_285 : i32 to index
          %parallel_loop3A_470 = arith.constant 112 : index
          %parallel_loop3A_471 = tpu.vector_load %arg11[%parallel_loop3A_469, %parallel_loop3A_470] {strides = array<i32>} : memref<128x128xf32, #tpu.memory_space<vmem>>, vector<16xf32>,
          tpu.vector_store %arg11[%parallel_loop3A_469, %parallel_loop3A_470], %parallel_loop3A_468 {strides = array<i32>} : memref<128x128xf32, #tpu.memory_space<vmem>>, vector<16xf32>,
        } {sc.loop_unroll_factor = 4 : i64, sc.parallel_access}
        %dma_start3A_281 = arith.constant 0 : i32
        %dma_start3A_282 = arith.constant 0 : i32
        %dma_start3A_283 = tpu.memref_slice %arg7[%dma_start3A_281, %dma_start3A_282] : memref<10240x128xf32, #tpu.memory_space<vmem_shared>> -> memref<10240x128xf32, #tpu.memory_space<vmem_shared>>
        tpu.enqueue_indirect_dma source(%arg11 : memref<128x128xf32, #tpu.memory_space<vmem>>) target(%dma_start3A_283 : memref<10240x128xf32, #tpu.memory_space<vmem_shared>>) offsets(%arg12 : memref<128xi32, #tpu.memory_space<vmem>>) semaphore(%arg17 : memref<!tpu.dma_semaphore, #tpu.memory_space<semaphore_mem>>) {add = true}
        %scan3A_284 = arith.constant 0 : i32
        scf.yield %scan3A_284 : i32
      }
      %scan3A_222 = arith.constant 160 : i32
      %dma_wait3A = arith.constant 0 : i32
      %dma_wait3A_223 = arith.constant 0 : i32
      %dma_wait3A_224 = tpu.memref_slice %arg7[%dma_wait3A, %dma_wait3A_223] : memref<10240x128xf32, #tpu.memory_space<vmem_shared>> -> memref<10240x128xf32, #tpu.memory_space<vmem_shared>>
      tpu.wait_indirect_dma semaphore(%arg17 : memref<!tpu.dma_semaphore, #tpu.memory_space<semaphore_mem>>) src(%arg11 : memref<128x128xf32, #tpu.memory_space<vmem>>) dst(%dma_wait3A_224 : memref<10240x128xf32, #tpu.memory_space<vmem_shared>>)
    } else {
    }
    %eq3A_57 = arith.constant 1 : i32
    %eq3A_58 = arith.cmpi eq, %arg0, %eq3A_57 : i32
    %convert_element_type3A_59 = arith.extui %eq3A_58 : i1 to i32
    %cond3A_60 = arith.constant 0 : i32
    %cond3A_61 = arith.cmpi ne, %convert_element_type3A_59, %cond3A_60 : i32
    scf.if %cond3A_61 {
      %jit3A_65 = arith.constant 4 : i32
      %eq3A_66 = arith.constant 0 : i32
      %eq3A_67 = arith.cmpi eq, %jit3A_65, %eq3A_66 : i32
      %jit3A_68 = arith.constant 1 : i32
      %select_n3A_69 = arith.select %eq3A_67, %jit3A_68, %jit3A_65 : i32
      %rem3A_70 = vector.broadcast %select_n3A_69 : i32 to vector<16xi32>
      %rem3A_71 = arith.remsi %iota3A, %rem3A_70 : vector<16xi32>
      %ne3A_72 = arith.constant 0 : i32
      %ne3A_73 = vector.broadcast %ne3A_72 : i32 to vector<16xi32>
      %ne3A_74 = arith.cmpi ne, %rem3A_71, %ne3A_73 : vector<16xi32>
      %lt3A_75 = arith.constant 0 : i32
      %lt3A_76 = vector.broadcast %lt3A_75 : i32 to vector<16xi32>
      %lt3A_77 = arith.cmpi slt, %rem3A_71, %lt3A_76 : vector<16xi32>
      %lt3A_78 = arith.constant 0 : i32
      %lt3A_79 = arith.cmpi slt, %select_n3A_69, %lt3A_78 : i32
      %ne3A_80 = vector.broadcast %lt3A_79 : i1 to vector<16xi1>
      %ne3A_81 = vector.broadcast %ne3A_80 : vector<16xi1> to vector<16xi1>
      %ne3A_82 = arith.xori %lt3A_77, %ne3A_81 : vector<16xi1>
      %and3A_83 = arith.andi %ne3A_82, %ne3A_74 : vector<16xi1>
      %add3A_84 = vector.broadcast %select_n3A_69 : i32 to vector<16xi32>
      %add3A_85 = arith.addi %rem3A_71, %add3A_84 : vector<16xi32>
      %select_n3A_86 = arith.select %and3A_83, %add3A_85, %rem3A_71 : vector<16xi1>, vector<16xi32>
      %jit3A_87 = arith.constant 2 : i32
      %eq3A_88 = arith.constant 0 : i32
      %eq3A_89 = arith.cmpi eq, %jit3A_87, %eq3A_88 : i32
      %jit3A_90 = arith.constant 1 : i32
      %select_n3A_91 = arith.select %eq3A_89, %jit3A_90, %jit3A_87 : i32
      %rem3A_92 = vector.broadcast %select_n3A_91 : i32 to vector<16xi32>
      %rem3A_93 = arith.remsi %iota3A, %rem3A_92 : vector<16xi32>
      %ne3A_94 = arith.constant 0 : i32
      %ne3A_95 = vector.broadcast %ne3A_94 : i32 to vector<16xi32>
      %ne3A_96 = arith.cmpi ne, %rem3A_93, %ne3A_95 : vector<16xi32>
      %lt3A_97 = arith.constant 0 : i32
      %lt3A_98 = vector.broadcast %lt3A_97 : i32 to vector<16xi32>
      %lt3A_99 = arith.cmpi slt, %rem3A_93, %lt3A_98 : vector<16xi32>
      %lt3A_100 = arith.constant 0 : i32
      %lt3A_101 = arith.cmpi slt, %select_n3A_91, %lt3A_100 : i32
      %ne3A_102 = vector.broadcast %lt3A_101 : i1 to vector<16xi1>
      %ne3A_103 = vector.broadcast %ne3A_102 : vector<16xi1> to vector<16xi1>
      %ne3A_104 = arith.xori %lt3A_99, %ne3A_103 : vector<16xi1>
      %and3A_105 = arith.andi %ne3A_104, %ne3A_96 : vector<16xi1>
      %add3A_106 = vector.broadcast %select_n3A_91 : i32 to vector<16xi32>
      %add3A_107 = arith.addi %rem3A_93, %add3A_106 : vector<16xi32>
      %select_n3A_108 = arith.select %and3A_105, %add3A_107, %rem3A_93 : vector<16xi1>, vector<16xi32>
      %add3A_109 = arith.constant 4 : i32
      %add3A_110 = vector.broadcast %add3A_109 : i32 to vector<16xi32>
      %add3A_111 = arith.addi %add3A_110, %select_n3A_108 : vector<16xi32>
      %jit3A_112 = arith.constant 8 : i32
      %eq3A_113 = arith.constant 0 : i32
      %eq3A_114 = arith.cmpi eq, %jit3A_112, %eq3A_113 : i32
      %jit3A_115 = arith.constant 1 : i32
      %select_n3A_116 = arith.select %eq3A_114, %jit3A_115, %jit3A_112 : i32
      %rem3A_117 = vector.broadcast %select_n3A_116 : i32 to vector<16xi32>
      %rem3A_118 = arith.remsi %iota3A, %rem3A_117 : vector<16xi32>
      %ne3A_119 = arith.constant 0 : i32
      %ne3A_120 = vector.broadcast %ne3A_119 : i32 to vector<16xi32>
      %ne3A_121 = arith.cmpi ne, %rem3A_118, %ne3A_120 : vector<16xi32>
      %lt3A_122 = arith.constant 0 : i32
      %lt3A_123 = vector.broadcast %lt3A_122 : i32 to vector<16xi32>
      %lt3A_124 = arith.cmpi slt, %rem3A_118, %lt3A_123 : vector<16xi32>
      %lt3A_125 = arith.constant 0 : i32
      %lt3A_126 = arith.cmpi slt, %select_n3A_116, %lt3A_125 : i32
      %ne3A_127 = vector.broadcast %lt3A_126 : i1 to vector<16xi1>
      %ne3A_128 = vector.broadcast %ne3A_127 : vector<16xi1> to vector<16xi1>
      %ne3A_129 = arith.xori %lt3A_124, %ne3A_128 : vector<16xi1>
      %and3A_130 = arith.andi %ne3A_129, %ne3A_121 : vector<16xi1>
      %add3A_131 = vector.broadcast %select_n3A_116 : i32 to vector<16xi32>
      %add3A_132 = arith.addi %rem3A_118, %add3A_131 : vector<16xi32>
      %select_n3A_133 = arith.select %and3A_130, %add3A_132, %rem3A_118 : vector<16xi1>, vector<16xi32>
      %mul3A_134 = arith.constant 0 : i32
      %mul3A_135 = vector.broadcast %mul3A_134 : i32 to vector<16xi32>
      %mul3A_136 = arith.muli %iota3A, %mul3A_135 : vector<16xi32>
      %add3A_137 = arith.constant 0 : i32
      %add3A_138 = vector.broadcast %add3A_137 : i32 to vector<16xi32>
      %add3A_139 = arith.addi %add3A_138, %select_n3A : vector<16xi32>
      %min3A = arith.constant 6 : i32
      %min3A_140 = vector.broadcast %min3A : i32 to vector<16xi32>
      %min3A_141 = arith.minsi %add3A_139, %min3A_140 : vector<16xi32>
      %add3A_142 = arith.constant 9 : i32
      %add3A_143 = vector.broadcast %add3A_142 : i32 to vector<16xi32>
      %add3A_144 = arith.addi %add3A_143, %min3A_141 : vector<16xi32>
      %add3A_145 = arith.constant 2 : i32
      %add3A_146 = vector.broadcast %add3A_145 : i32 to vector<16xi32>
      %add3A_147 = arith.addi %add3A_146, %select_n3A : vector<16xi32>
      %min3A_148 = arith.constant 6 : i32
      %min3A_149 = vector.broadcast %min3A_148 : i32 to vector<16xi32>
      %min3A_150 = arith.minsi %add3A_147, %min3A_149 : vector<16xi32>
      %add3A_151 = arith.constant 9 : i32
      %add3A_152 = vector.broadcast %add3A_151 : i32 to vector<16xi32>
      %add3A_153 = arith.addi %add3A_152, %min3A_150 : vector<16xi32>
      %add3A_154 = arith.constant 4 : i32
      %add3A_155 = vector.broadcast %add3A_154 : i32 to vector<16xi32>
      %add3A_156 = arith.addi %add3A_155, %select_n3A : vector<16xi32>
      %min3A_157 = arith.constant 6 : i32
      %min3A_158 = vector.broadcast %min3A_157 : i32 to vector<16xi32>
      %min3A_159 = arith.minsi %add3A_156, %min3A_158 : vector<16xi32>
      %add3A_160 = arith.constant 9 : i32
      %add3A_161 = vector.broadcast %add3A_160 : i32 to vector<16xi32>
      %add3A_162 = arith.addi %add3A_161, %min3A_159 : vector<16xi32>
      %add3A_163 = arith.constant 6 : i32
      %add3A_164 = vector.broadcast %add3A_163 : i32 to vector<16xi32>
      %add3A_165 = arith.addi %add3A_164, %select_n3A : vector<16xi32>
      %min3A_166 = arith.constant 6 : i32
      %min3A_167 = vector.broadcast %min3A_166 : i32 to vector<16xi32>
      %min3A_168 = arith.minsi %add3A_165, %min3A_167 : vector<16xi32>
      %add3A_169 = arith.constant 9 : i32
      %add3A_170 = vector.broadcast %add3A_169 : i32 to vector<16xi32>
      %add3A_171 = arith.addi %add3A_170, %min3A_168 : vector<16xi32>
      %get3A = arith.constant 56 : index
      %get3A_172 = tpu.vector_load %arg14[%get3A] {strides = array<i32>} : memref<80xf32, #tpu.memory_space<vmem>>, vector<16xf32>,
      %add3A_173 = arith.constant 72 : i32
      %add3A_174 = vector.broadcast %add3A_173 : i32 to vector<16xi32>
      %add3A_175 = arith.addi %add3A_174, %select_n3A_133 : vector<16xi32>
      %gather3A = tpu.vector_load_idx %arg14[%add3A_175] : memref<80xf32, #tpu.memory_space<vmem>>[vector<16xi32>], vector<16xf32>,
      %mul3A_176 = arith.mulf %gather3A, %select_n3A_54 : vector<16xf32>
      %scan3A_177 = arith.constant 0 : i32
      %scan3A_178 = arith.constant 0 : i32
      %scan3A_179 = arith.constant 160 : i32
      %scan3A_180 = arith.addi %scan3A_178, %scan3A_179 : i32
      %scan3A_181 = arith.constant 1 : i32
      %scan3A_182 = scf.for %scan3A_186 = %scan3A_178 to %scan3A_180 step %scan3A_181 iter_args(%scan3A_187 = %scan3A_177) -> (i32)  : i32 {
        %mul3A_188 = arith.constant 20480 : i32
        %mul3A_189 = arith.muli %arg1, %mul3A_188 : i32
        %mul3A_190 = arith.constant 128 : i32
        %mul3A_191 = arith.muli %scan3A_186, %mul3A_190 : i32
        %add3A_192 = arith.addi %mul3A_189, %mul3A_191 : i32
        "tpu.region"() ({
          %run_scoped3A_246 = tpu.sem_alloc : memref<!tpu.dma_semaphore, #tpu.memory_space<semaphore_mem>>
          %dma_start3A_247 = arith.constant 0 : i32
          %dma_start3A_248 = tpu.memref_slice %arg2[%dma_start3A_247, %add3A_192] : memref<17x327680xf32, #tpu.memory_space<hbm>> -> memref<17x128xf32, #tpu.memory_space<hbm>>
          %dma_start3A_249 = arith.constant 0 : i32
          %dma_start3A_250 = tpu.memref_slice %arg2[%dma_start3A_249, %add3A_192] : memref<17x327680xf32, #tpu.memory_space<hbm>> -> memref<17x128xf32, #tpu.memory_space<hbm>>
          tpu.enqueue_dma source(%dma_start3A_250 : memref<17x128xf32, #tpu.memory_space<hbm>>) target(%arg8 : memref<17x128xf32, #tpu.memory_space<vmem>>) target_semaphore(%run_scoped3A_246 : memref<!tpu.dma_semaphore, #tpu.memory_space<semaphore_mem>>)
          %dma_wait3A_251 = arith.constant 0 : i32
          %dma_wait3A_252 = tpu.memref_slice %arg2[%dma_wait3A_251, %add3A_192] : memref<17x327680xf32, #tpu.memory_space<hbm>> -> memref<17x128xf32, #tpu.memory_space<hbm>>
          %dma_wait3A_253 = arith.constant 0 : i32
          %dma_wait3A_254 = tpu.memref_slice %arg2[%dma_wait3A_253, %add3A_192] : memref<17x327680xf32, #tpu.memory_space<hbm>> -> memref<17x128xf32, #tpu.memory_space<hbm>>
          tpu.wait_dma2 semaphore(%run_scoped3A_246 : memref<!tpu.dma_semaphore, #tpu.memory_space<semaphore_mem>>) src(%dma_wait3A_254 : memref<17x128xf32, #tpu.memory_space<hbm>>) dst(%arg8 : memref<17x128xf32, #tpu.memory_space<vmem>>)
          tpu.yield
        }) : () -> ()
        %run_scoped3A = arith.constant 1 : i32
        "tpu.region"() ({
          %run_scoped3A_246 = tpu.sem_alloc : memref<!tpu.dma_semaphore, #tpu.memory_space<semaphore_mem>>
          %dma_start3A_247 = tpu.memref_slice %arg5[%run_scoped3A, %add3A_192] : memref<2x327680xi32, #tpu.memory_space<hbm>> -> memref<1x128xi32, #tpu.memory_space<hbm>>
          %dma_start3A_248 = tpu.memref_squeeze %dma_start3A_247 : memref<1x128xi32, #tpu.memory_space<hbm>> -> memref<128xi32, #tpu.memory_space<hbm>>
          %dma_start3A_249 = tpu.memref_slice %arg5[%run_scoped3A, %add3A_192] : memref<2x327680xi32, #tpu.memory_space<hbm>> -> memref<1x128xi32, #tpu.memory_space<hbm>>
          %dma_start3A_250 = tpu.memref_squeeze %dma_start3A_249 : memref<1x128xi32, #tpu.memory_space<hbm>> -> memref<128xi32, #tpu.memory_space<hbm>>
          tpu.enqueue_dma source(%dma_start3A_250 : memref<128xi32, #tpu.memory_space<hbm>>) target(%arg13 : memref<128xi32, #tpu.memory_space<vmem>>) target_semaphore(%run_scoped3A_246 : memref<!tpu.dma_semaphore, #tpu.memory_space<semaphore_mem>>)
          %dma_wait3A_251 = tpu.memref_slice %arg5[%run_scoped3A, %add3A_192] : memref<2x327680xi32, #tpu.memory_space<hbm>> -> memref<1x128xi32, #tpu.memory_space<hbm>>
          %dma_wait3A_252 = tpu.memref_squeeze %dma_wait3A_251 : memref<1x128xi32, #tpu.memory_space<hbm>> -> memref<128xi32, #tpu.memory_space<hbm>>
          %dma_wait3A_253 = tpu.memref_slice %arg5[%run_scoped3A, %add3A_192] : memref<2x327680xi32, #tpu.memory_space<hbm>> -> memref<1x128xi32, #tpu.memory_space<hbm>>
          %dma_wait3A_254 = tpu.memref_squeeze %dma_wait3A_253 : memref<1x128xi32, #tpu.memory_space<hbm>> -> memref<128xi32, #tpu.memory_space<hbm>>
          tpu.wait_dma2 semaphore(%run_scoped3A_246 : memref<!tpu.dma_semaphore, #tpu.memory_space<semaphore_mem>>) src(%dma_wait3A_254 : memref<128xi32, #tpu.memory_space<hbm>>) dst(%arg13 : memref<128xi32, #tpu.memory_space<vmem>>)
          tpu.yield
        }) : () -> ()
        %dma_start3A = arith.constant 0 : i32
        %dma_start3A_193 = arith.constant 0 : i32
        %dma_start3A_194 = tpu.memref_slice %arg9[%dma_start3A, %dma_start3A_193] : memref<128x128xf32, #tpu.memory_space<vmem>> -> memref<64x128xf32, #tpu.memory_space<vmem>>
        %dma_start3A_195 = arith.constant 0 : i32
        %dma_start3A_196 = tpu.memref_slice %arg13[%dma_start3A_195] : memref<128xi32, #tpu.memory_space<vmem>> -> memref<64xi32, #tpu.memory_space<vmem>>
        %dma_start3A_197 = arith.constant 0 : i32
        %dma_start3A_198 = arith.constant 0 : i32
        %dma_start3A_199 = tpu.memref_slice %arg3[%dma_start3A_197, %dma_start3A_198] : memref<10000x128xf32, #tpu.memory_space<hbm>> -> memref<10000x128xf32, #tpu.memory_space<hbm>>
        tpu.enqueue_indirect_dma source(%dma_start3A_199 : memref<10000x128xf32, #tpu.memory_space<hbm>>) target(%dma_start3A_194 : memref<64x128xf32, #tpu.memory_space<vmem>>) offsets(%dma_start3A_196 : memref<64xi32, #tpu.memory_space<vmem>>) semaphore(%arg15 : memref<!tpu.dma_semaphore, #tpu.memory_space<semaphore_mem>>)
        %dma_start3A_200 = arith.constant 64 : i32
        %dma_start3A_201 = arith.constant 0 : i32
        %dma_start3A_202 = tpu.memref_slice %arg9[%dma_start3A_200, %dma_start3A_201] : memref<128x128xf32, #tpu.memory_space<vmem>> -> memref<64x128xf32, #tpu.memory_space<vmem>>
        %dma_start3A_203 = arith.constant 64 : i32
        %dma_start3A_204 = tpu.memref_slice %arg13[%dma_start3A_203] : memref<128xi32, #tpu.memory_space<vmem>> -> memref<64xi32, #tpu.memory_space<vmem>>
        %dma_start3A_205 = arith.constant 0 : i32
        %dma_start3A_206 = arith.constant 0 : i32
        %dma_start3A_207 = tpu.memref_slice %arg3[%dma_start3A_205, %dma_start3A_206] : memref<10000x128xf32, #tpu.memory_space<hbm>> -> memref<10000x128xf32, #tpu.memory_space<hbm>>
        tpu.enqueue_indirect_dma source(%dma_start3A_207 : memref<10000x128xf32, #tpu.memory_space<hbm>>) target(%dma_start3A_202 : memref<64x128xf32, #tpu.memory_space<vmem>>) offsets(%dma_start3A_204 : memref<64xi32, #tpu.memory_space<vmem>>) semaphore(%arg16 : memref<!tpu.dma_semaphore, #tpu.memory_space<semaphore_mem>>)
        %parallel_loop3A = arith.constant 0 : i32
        %parallel_loop3A_208 = arith.constant 128 : i32
        %parallel_loop3A_209 = arith.constant 16 : i32
        scf.for %parallel_loop3A_246 = %parallel_loop3A to %parallel_loop3A_208 step %parallel_loop3A_209  : i32 {
          %parallel_loop3A_247 = vector.broadcast %parallel_loop3A_246 : i32 to vector<16xi32>
          %parallel_loop3A_248 = arith.addi %parallel_loop3A_247, %iota3A : vector<16xi32>
          %parallel_loop3A_249 = arith.constant 41 : i32
          %parallel_loop3A_250 = vector.broadcast %parallel_loop3A_249 : i32 to vector<16xi32>
          %parallel_loop3A_251 = arith.muli %parallel_loop3A_248, %parallel_loop3A_250 : vector<16xi32>
          %parallel_loop3A_252 = arith.constant 5 : i32
          %parallel_loop3A_253 = vector.broadcast %parallel_loop3A_252 : i32 to vector<16xi32>
          %parallel_loop3A_254 = arith.addi %parallel_loop3A_251, %parallel_loop3A_253 : vector<16xi32>
          %parallel_loop3A_255 = arith.constant 5 : i32
          %parallel_loop3A_256 = arith.index_cast %parallel_loop3A_255 : i32 to index
          %parallel_loop3A_257 = arith.index_cast %parallel_loop3A_246 : i32 to index
          %parallel_loop3A_258 = tpu.vector_load %arg8[%parallel_loop3A_256, %parallel_loop3A_257] {strides = array<i32>} : memref<17x128xf32, #tpu.memory_space<vmem>>, vector<16xf32>,
          tpu.vector_store_idx %arg10[%parallel_loop3A_254], %parallel_loop3A_258 : memref<5264xf32, #tpu.memory_space<vmem>>[vector<16xi32>], vector<16xf32>,
          %parallel_loop3A_259 = arith.constant 6 : i32
          %parallel_loop3A_260 = vector.broadcast %parallel_loop3A_259 : i32 to vector<16xi32>
          %parallel_loop3A_261 = arith.addi %parallel_loop3A_251, %parallel_loop3A_260 : vector<16xi32>
          %parallel_loop3A_262 = arith.constant 6 : i32
          %parallel_loop3A_263 = arith.index_cast %parallel_loop3A_262 : i32 to index
          %parallel_loop3A_264 = arith.index_cast %parallel_loop3A_246 : i32 to index
          %parallel_loop3A_265 = tpu.vector_load %arg8[%parallel_loop3A_263, %parallel_loop3A_264] {strides = array<i32>} : memref<17x128xf32, #tpu.memory_space<vmem>>, vector<16xf32>,
          tpu.vector_store_idx %arg10[%parallel_loop3A_261], %parallel_loop3A_265 : memref<5264xf32, #tpu.memory_space<vmem>>[vector<16xi32>], vector<16xf32>,
          %parallel_loop3A_266 = arith.constant 7 : i32
          %parallel_loop3A_267 = vector.broadcast %parallel_loop3A_266 : i32 to vector<16xi32>
          %parallel_loop3A_268 = arith.addi %parallel_loop3A_251, %parallel_loop3A_267 : vector<16xi32>
          %parallel_loop3A_269 = arith.constant 7 : i32
          %parallel_loop3A_270 = arith.index_cast %parallel_loop3A_269 : i32 to index
          %parallel_loop3A_271 = arith.index_cast %parallel_loop3A_246 : i32 to index
          %parallel_loop3A_272 = tpu.vector_load %arg8[%parallel_loop3A_270, %parallel_loop3A_271] {strides = array<i32>} : memref<17x128xf32, #tpu.memory_space<vmem>>, vector<16xf32>,
          tpu.vector_store_idx %arg10[%parallel_loop3A_268], %parallel_loop3A_272 : memref<5264xf32, #tpu.memory_space<vmem>>[vector<16xi32>], vector<16xf32>,
          %parallel_loop3A_273 = arith.constant 8 : i32
          %parallel_loop3A_274 = vector.broadcast %parallel_loop3A_273 : i32 to vector<16xi32>
          %parallel_loop3A_275 = arith.addi %parallel_loop3A_251, %parallel_loop3A_274 : vector<16xi32>
          %parallel_loop3A_276 = arith.constant 8 : i32
          %parallel_loop3A_277 = arith.index_cast %parallel_loop3A_276 : i32 to index
          %parallel_loop3A_278 = arith.index_cast %parallel_loop3A_246 : i32 to index
          %parallel_loop3A_279 = tpu.vector_load %arg8[%parallel_loop3A_277, %parallel_loop3A_278] {strides = array<i32>} : memref<17x128xf32, #tpu.memory_space<vmem>>, vector<16xf32>,
          tpu.vector_store_idx %arg10[%parallel_loop3A_275], %parallel_loop3A_279 : memref<5264xf32, #tpu.memory_space<vmem>>[vector<16xi32>], vector<16xf32>,
          %parallel_loop3A_280 = arith.constant 9 : i32
          %parallel_loop3A_281 = vector.broadcast %parallel_loop3A_280 : i32 to vector<16xi32>
          %parallel_loop3A_282 = arith.addi %parallel_loop3A_251, %parallel_loop3A_281 : vector<16xi32>
          %parallel_loop3A_283 = arith.constant 9 : i32
          %parallel_loop3A_284 = arith.index_cast %parallel_loop3A_283 : i32 to index
          %parallel_loop3A_285 = arith.index_cast %parallel_loop3A_246 : i32 to index
          %parallel_loop3A_286 = tpu.vector_load %arg8[%parallel_loop3A_284, %parallel_loop3A_285] {strides = array<i32>} : memref<17x128xf32, #tpu.memory_space<vmem>>, vector<16xf32>,
          tpu.vector_store_idx %arg10[%parallel_loop3A_282], %parallel_loop3A_286 : memref<5264xf32, #tpu.memory_space<vmem>>[vector<16xi32>], vector<16xf32>,
          %parallel_loop3A_287 = arith.constant 10 : i32
          %parallel_loop3A_288 = vector.broadcast %parallel_loop3A_287 : i32 to vector<16xi32>
          %parallel_loop3A_289 = arith.addi %parallel_loop3A_251, %parallel_loop3A_288 : vector<16xi32>
          %parallel_loop3A_290 = arith.constant 10 : i32
          %parallel_loop3A_291 = arith.index_cast %parallel_loop3A_290 : i32 to index
          %parallel_loop3A_292 = arith.index_cast %parallel_loop3A_246 : i32 to index
          %parallel_loop3A_293 = tpu.vector_load %arg8[%parallel_loop3A_291, %parallel_loop3A_292] {strides = array<i32>} : memref<17x128xf32, #tpu.memory_space<vmem>>, vector<16xf32>,
          tpu.vector_store_idx %arg10[%parallel_loop3A_289], %parallel_loop3A_293 : memref<5264xf32, #tpu.memory_space<vmem>>[vector<16xi32>], vector<16xf32>,
          %parallel_loop3A_294 = arith.constant 11 : i32
          %parallel_loop3A_295 = vector.broadcast %parallel_loop3A_294 : i32 to vector<16xi32>
          %parallel_loop3A_296 = arith.addi %parallel_loop3A_251, %parallel_loop3A_295 : vector<16xi32>
          %parallel_loop3A_297 = arith.constant 11 : i32
          %parallel_loop3A_298 = arith.index_cast %parallel_loop3A_297 : i32 to index
          %parallel_loop3A_299 = arith.index_cast %parallel_loop3A_246 : i32 to index
          %parallel_loop3A_300 = tpu.vector_load %arg8[%parallel_loop3A_298, %parallel_loop3A_299] {strides = array<i32>} : memref<17x128xf32, #tpu.memory_space<vmem>>, vector<16xf32>,
          tpu.vector_store_idx %arg10[%parallel_loop3A_296], %parallel_loop3A_300 : memref<5264xf32, #tpu.memory_space<vmem>>[vector<16xi32>], vector<16xf32>,
          %parallel_loop3A_301 = arith.constant 12 : i32
          %parallel_loop3A_302 = vector.broadcast %parallel_loop3A_301 : i32 to vector<16xi32>
          %parallel_loop3A_303 = arith.addi %parallel_loop3A_251, %parallel_loop3A_302 : vector<16xi32>
          %parallel_loop3A_304 = arith.constant 12 : i32
          %parallel_loop3A_305 = arith.index_cast %parallel_loop3A_304 : i32 to index
          %parallel_loop3A_306 = arith.index_cast %parallel_loop3A_246 : i32 to index
          %parallel_loop3A_307 = tpu.vector_load %arg8[%parallel_loop3A_305, %parallel_loop3A_306] {strides = array<i32>} : memref<17x128xf32, #tpu.memory_space<vmem>>, vector<16xf32>,
          tpu.vector_store_idx %arg10[%parallel_loop3A_303], %parallel_loop3A_307 : memref<5264xf32, #tpu.memory_space<vmem>>[vector<16xi32>], vector<16xf32>,
          %parallel_loop3A_308 = arith.constant 13 : i32
          %parallel_loop3A_309 = vector.broadcast %parallel_loop3A_308 : i32 to vector<16xi32>
          %parallel_loop3A_310 = arith.addi %parallel_loop3A_251, %parallel_loop3A_309 : vector<16xi32>
          %parallel_loop3A_311 = arith.constant 13 : i32
          %parallel_loop3A_312 = arith.index_cast %parallel_loop3A_311 : i32 to index
          %parallel_loop3A_313 = arith.index_cast %parallel_loop3A_246 : i32 to index
          %parallel_loop3A_314 = tpu.vector_load %arg8[%parallel_loop3A_312, %parallel_loop3A_313] {strides = array<i32>} : memref<17x128xf32, #tpu.memory_space<vmem>>, vector<16xf32>,
          tpu.vector_store_idx %arg10[%parallel_loop3A_310], %parallel_loop3A_314 : memref<5264xf32, #tpu.memory_space<vmem>>[vector<16xi32>], vector<16xf32>,
          %parallel_loop3A_315 = arith.constant 14 : i32
          %parallel_loop3A_316 = vector.broadcast %parallel_loop3A_315 : i32 to vector<16xi32>
          %parallel_loop3A_317 = arith.addi %parallel_loop3A_251, %parallel_loop3A_316 : vector<16xi32>
          %parallel_loop3A_318 = arith.constant 14 : i32
          %parallel_loop3A_319 = arith.index_cast %parallel_loop3A_318 : i32 to index
          %parallel_loop3A_320 = arith.index_cast %parallel_loop3A_246 : i32 to index
          %parallel_loop3A_321 = tpu.vector_load %arg8[%parallel_loop3A_319, %parallel_loop3A_320] {strides = array<i32>} : memref<17x128xf32, #tpu.memory_space<vmem>>, vector<16xf32>,
          tpu.vector_store_idx %arg10[%parallel_loop3A_317], %parallel_loop3A_321 : memref<5264xf32, #tpu.memory_space<vmem>>[vector<16xi32>], vector<16xf32>,
          %parallel_loop3A_322 = arith.constant 15 : i32
          %parallel_loop3A_323 = vector.broadcast %parallel_loop3A_322 : i32 to vector<16xi32>
          %parallel_loop3A_324 = arith.addi %parallel_loop3A_251, %parallel_loop3A_323 : vector<16xi32>
          %parallel_loop3A_325 = arith.constant 15 : i32
          %parallel_loop3A_326 = arith.index_cast %parallel_loop3A_325 : i32 to index
          %parallel_loop3A_327 = arith.index_cast %parallel_loop3A_246 : i32 to index
          %parallel_loop3A_328 = tpu.vector_load %arg8[%parallel_loop3A_326, %parallel_loop3A_327] {strides = array<i32>} : memref<17x128xf32, #tpu.memory_space<vmem>>, vector<16xf32>,
          tpu.vector_store_idx %arg10[%parallel_loop3A_324], %parallel_loop3A_328 : memref<5264xf32, #tpu.memory_space<vmem>>[vector<16xi32>], vector<16xf32>,
          %parallel_loop3A_329 = arith.constant 16 : i32
          %parallel_loop3A_330 = arith.index_cast %parallel_loop3A_329 : i32 to index
          %parallel_loop3A_331 = arith.index_cast %parallel_loop3A_246 : i32 to index
          %parallel_loop3A_332 = tpu.vector_load %arg8[%parallel_loop3A_330, %parallel_loop3A_331] {strides = array<i32>} : memref<17x128xf32, #tpu.memory_space<vmem>>, vector<16xf32>,
          %parallel_loop3A_333 = arith.constant 2.000000e-01 : f32
          %parallel_loop3A_334 = vector.broadcast %parallel_loop3A_333 : f32 to vector<16xf32>
          %parallel_loop3A_335 = arith.mulf %parallel_loop3A_332, %parallel_loop3A_334 : vector<16xf32>
          %parallel_loop3A_336 = arith.constant 0.000000e+00 : f32
          %parallel_loop3A_337 = arith.constant 1.000000e+00 : f32
          %parallel_loop3A_338 = vector.broadcast %parallel_loop3A_336 : f32 to vector<16xf32>
          %parallel_loop3A_339 = arith.maximumf %parallel_loop3A_338, %parallel_loop3A_335 : vector<16xf32>
          %parallel_loop3A_340 = vector.broadcast %parallel_loop3A_337 : f32 to vector<16xf32>
          %parallel_loop3A_341 = arith.minimumf %parallel_loop3A_340, %parallel_loop3A_339 : vector<16xf32>
          %parallel_loop3A_342 = arith.constant 5.000000e-01 : f32
          %parallel_loop3A_343 = vector.broadcast %parallel_loop3A_342 : f32 to vector<16xf32>
          %parallel_loop3A_344 = arith.subf %parallel_loop3A_343, %parallel_loop3A_341 : vector<16xf32>
          %parallel_loop3A_345 = arith.mulf %parallel_loop3A_344, %parallel_loop3A_344 : vector<16xf32>
          %parallel_loop3A_346 = arith.constant 0.077218391 : f32
          %parallel_loop3A_347 = vector.broadcast %parallel_loop3A_346 : f32 to vector<16xf32>
          %parallel_loop3A_348 = arith.mulf %parallel_loop3A_347, %parallel_loop3A_345 : vector<16xf32>
          %parallel_loop3A_349 = arith.constant -0.598044217 : f32
          %parallel_loop3A_350 = vector.broadcast %parallel_loop3A_349 : f32 to vector<16xf32>
          %parallel_loop3A_351 = arith.addf %parallel_loop3A_348, %parallel_loop3A_350 : vector<16xf32>
          %parallel_loop3A_352 = arith.mulf %parallel_loop3A_351, %parallel_loop3A_345 : vector<16xf32>
          %parallel_loop3A_353 = arith.constant 2.55003119 : f32
          %parallel_loop3A_354 = vector.broadcast %parallel_loop3A_353 : f32 to vector<16xf32>
          %parallel_loop3A_355 = arith.addf %parallel_loop3A_352, %parallel_loop3A_354 : vector<16xf32>
          %parallel_loop3A_356 = arith.mulf %parallel_loop3A_355, %parallel_loop3A_345 : vector<16xf32>
          %parallel_loop3A_357 = arith.constant -5.16770697 : f32
          %parallel_loop3A_358 = vector.broadcast %parallel_loop3A_357 : f32 to vector<16xf32>
          %parallel_loop3A_359 = arith.addf %parallel_loop3A_356, %parallel_loop3A_358 : vector<16xf32>
          %parallel_loop3A_360 = arith.mulf %parallel_loop3A_359, %parallel_loop3A_345 : vector<16xf32>
          %parallel_loop3A_361 = arith.constant 3.1415925 : f32
          %parallel_loop3A_362 = vector.broadcast %parallel_loop3A_361 : f32 to vector<16xf32>
          %parallel_loop3A_363 = arith.addf %parallel_loop3A_360, %parallel_loop3A_362 : vector<16xf32>
          %parallel_loop3A_364 = arith.mulf %parallel_loop3A_363, %parallel_loop3A_344 : vector<16xf32>
          %parallel_loop3A_365 = arith.constant 1.000000e+00 : f32
          %parallel_loop3A_366 = vector.broadcast %parallel_loop3A_365 : f32 to vector<16xf32>
          %parallel_loop3A_367 = arith.addf %parallel_loop3A_364, %parallel_loop3A_366 : vector<16xf32>
          %parallel_loop3A_368 = arith.constant 5.000000e-01 : f32
          %parallel_loop3A_369 = vector.broadcast %parallel_loop3A_368 : f32 to vector<16xf32>
          %parallel_loop3A_370 = arith.mulf %parallel_loop3A_369, %parallel_loop3A_367 : vector<16xf32>
          %parallel_loop3A_371 = arith.constant 0.000000e+00 : f32
          %parallel_loop3A_372 = vector.broadcast %parallel_loop3A_371 : f32 to vector<16xf32>
          %parallel_loop3A_373 = arith.subf %parallel_loop3A_332, %parallel_loop3A_372 : vector<16xf32>
          %parallel_loop3A_374 = arith.mulf %parallel_loop3A_373, %parallel_loop3A_373 : vector<16xf32>
          %parallel_loop3A_375 = arith.constant -3.200000e-01 : f32
          %parallel_loop3A_376 = vector.broadcast %parallel_loop3A_375 : f32 to vector<16xf32>
          %parallel_loop3A_377 = arith.mulf %parallel_loop3A_374, %parallel_loop3A_376 : vector<16xf32>
          %parallel_loop3A_378 = math.exp %parallel_loop3A_377 : vector<16xf32>
          %parallel_loop3A_379 = arith.mulf %parallel_loop3A_378, %parallel_loop3A_370 : vector<16xf32>
          %parallel_loop3A_380 = arith.constant 16 : i32
          %parallel_loop3A_381 = vector.broadcast %parallel_loop3A_380 : i32 to vector<16xi32>
          %parallel_loop3A_382 = arith.addi %parallel_loop3A_251, %parallel_loop3A_381 : vector<16xi32>
          tpu.vector_store_idx %arg10[%parallel_loop3A_382], %parallel_loop3A_379 : memref<5264xf32, #tpu.memory_space<vmem>>[vector<16xi32>], vector<16xf32>,
          %parallel_loop3A_383 = arith.constant 1.66666663 : f32
          %parallel_loop3A_384 = vector.broadcast %parallel_loop3A_383 : f32 to vector<16xf32>
          %parallel_loop3A_385 = arith.subf %parallel_loop3A_332, %parallel_loop3A_384 : vector<16xf32>
          %parallel_loop3A_386 = arith.mulf %parallel_loop3A_385, %parallel_loop3A_385 : vector<16xf32>
          %parallel_loop3A_387 = arith.constant -3.200000e-01 : f32
          %parallel_loop3A_388 = vector.broadcast %parallel_loop3A_387 : f32 to vector<16xf32>
          %parallel_loop3A_389 = arith.mulf %parallel_loop3A_386, %parallel_loop3A_388 : vector<16xf32>
          %parallel_loop3A_390 = math.exp %parallel_loop3A_389 : vector<16xf32>
          %parallel_loop3A_391 = arith.mulf %parallel_loop3A_390, %parallel_loop3A_370 : vector<16xf32>
          %parallel_loop3A_392 = arith.constant 17 : i32
          %parallel_loop3A_393 = vector.broadcast %parallel_loop3A_392 : i32 to vector<16xi32>
          %parallel_loop3A_394 = arith.addi %parallel_loop3A_251, %parallel_loop3A_393 : vector<16xi32>
          tpu.vector_store_idx %arg10[%parallel_loop3A_394], %parallel_loop3A_391 : memref<5264xf32, #tpu.memory_space<vmem>>[vector<16xi32>], vector<16xf32>,
          %parallel_loop3A_395 = arith.constant 3.33333325 : f32
          %parallel_loop3A_396 = vector.broadcast %parallel_loop3A_395 : f32 to vector<16xf32>
          %parallel_loop3A_397 = arith.subf %parallel_loop3A_332, %parallel_loop3A_396 : vector<16xf32>
          %parallel_loop3A_398 = arith.mulf %parallel_loop3A_397, %parallel_loop3A_397 : vector<16xf32>
          %parallel_loop3A_399 = arith.constant -3.200000e-01 : f32
          %parallel_loop3A_400 = vector.broadcast %parallel_loop3A_399 : f32 to vector<16xf32>
          %parallel_loop3A_401 = arith.mulf %parallel_loop3A_398, %parallel_loop3A_400 : vector<16xf32>
          %parallel_loop3A_402 = math.exp %parallel_loop3A_401 : vector<16xf32>
          %parallel_loop3A_403 = arith.mulf %parallel_loop3A_402, %parallel_loop3A_370 : vector<16xf32>
          %parallel_loop3A_404 = arith.constant 18 : i32
          %parallel_loop3A_405 = vector.broadcast %parallel_loop3A_404 : i32 to vector<16xi32>
          %parallel_loop3A_406 = arith.addi %parallel_loop3A_251, %parallel_loop3A_405 : vector<16xi32>
          tpu.vector_store_idx %arg10[%parallel_loop3A_406], %parallel_loop3A_403 : memref<5264xf32, #tpu.memory_space<vmem>>[vector<16xi32>], vector<16xf32>,
          %parallel_loop3A_407 = arith.constant 5.000000e+00 : f32
          %parallel_loop3A_408 = vector.broadcast %parallel_loop3A_407 : f32 to vector<16xf32>
          %parallel_loop3A_409 = arith.subf %parallel_loop3A_332, %parallel_loop3A_408 : vector<16xf32>
          %parallel_loop3A_410 = arith.mulf %parallel_loop3A_409, %parallel_loop3A_409 : vector<16xf32>
          %parallel_loop3A_411 = arith.constant -3.200000e-01 : f32
          %parallel_loop3A_412 = vector.broadcast %parallel_loop3A_411 : f32 to vector<16xf32>
          %parallel_loop3A_413 = arith.mulf %parallel_loop3A_410, %parallel_loop3A_412 : vector<16xf32>
          %parallel_loop3A_414 = math.exp %parallel_loop3A_413 : vector<16xf32>
          %parallel_loop3A_415 = arith.mulf %parallel_loop3A_414, %parallel_loop3A_370 : vector<16xf32>
          %parallel_loop3A_416 = arith.constant 19 : i32
          %parallel_loop3A_417 = vector.broadcast %parallel_loop3A_416 : i32 to vector<16xi32>
          %parallel_loop3A_418 = arith.addi %parallel_loop3A_251, %parallel_loop3A_417 : vector<16xi32>
          tpu.vector_store_idx %arg10[%parallel_loop3A_418], %parallel_loop3A_415 : memref<5264xf32, #tpu.memory_space<vmem>>[vector<16xi32>], vector<16xf32>,
          %parallel_loop3A_419 = arith.constant 0.000000e+00 : f32
          %parallel_loop3A_420 = vector.broadcast %parallel_loop3A_419 : f32 to vector<16xf32>
          %parallel_loop3A_421 = arith.subf %parallel_loop3A_332, %parallel_loop3A_420 : vector<16xf32>
          %parallel_loop3A_422 = arith.mulf %parallel_loop3A_421, %parallel_loop3A_421 : vector<16xf32>
          %parallel_loop3A_423 = arith.constant -8.000000e-02 : f32
          %parallel_loop3A_424 = vector.broadcast %parallel_loop3A_423 : f32 to vector<16xf32>
          %parallel_loop3A_425 = arith.mulf %parallel_loop3A_422, %parallel_loop3A_424 : vector<16xf32>
          %parallel_loop3A_426 = math.exp %parallel_loop3A_425 : vector<16xf32>
          %parallel_loop3A_427 = arith.mulf %parallel_loop3A_426, %parallel_loop3A_370 : vector<16xf32>
          %parallel_loop3A_428 = arith.constant 20 : i32
          %parallel_loop3A_429 = vector.broadcast %parallel_loop3A_428 : i32 to vector<16xi32>
          %parallel_loop3A_430 = arith.addi %parallel_loop3A_251, %parallel_loop3A_429 : vector<16xi32>
          tpu.vector_store_idx %arg10[%parallel_loop3A_430], %parallel_loop3A_427 : memref<5264xf32, #tpu.memory_space<vmem>>[vector<16xi32>], vector<16xf32>,
          %parallel_loop3A_431 = arith.constant 5.000000e+00 : f32
          %parallel_loop3A_432 = vector.broadcast %parallel_loop3A_431 : f32 to vector<16xf32>
          %parallel_loop3A_433 = arith.subf %parallel_loop3A_332, %parallel_loop3A_432 : vector<16xf32>
          %parallel_loop3A_434 = arith.mulf %parallel_loop3A_433, %parallel_loop3A_433 : vector<16xf32>
          %parallel_loop3A_435 = arith.constant -8.000000e-02 : f32
          %parallel_loop3A_436 = vector.broadcast %parallel_loop3A_435 : f32 to vector<16xf32>
          %parallel_loop3A_437 = arith.mulf %parallel_loop3A_434, %parallel_loop3A_436 : vector<16xf32>
          %parallel_loop3A_438 = math.exp %parallel_loop3A_437 : vector<16xf32>
          %parallel_loop3A_439 = arith.mulf %parallel_loop3A_438, %parallel_loop3A_370 : vector<16xf32>
          %parallel_loop3A_440 = arith.constant 21 : i32
          %parallel_loop3A_441 = vector.broadcast %parallel_loop3A_440 : i32 to vector<16xi32>
          %parallel_loop3A_442 = arith.addi %parallel_loop3A_251, %parallel_loop3A_441 : vector<16xi32>
          tpu.vector_store_idx %arg10[%parallel_loop3A_442], %parallel_loop3A_439 : memref<5264xf32, #tpu.memory_space<vmem>>[vector<16xi32>], vector<16xf32>,
        } {sc.loop_unroll_factor = 2 : i64, sc.parallel_access}
        %gt3A = arith.constant 0 : i32
        %gt3A_210 = arith.cmpi sgt, %scan3A_186, %gt3A : i32
        %convert_element_type3A_211 = arith.extui %gt3A_210 : i1 to i32
        %cond3A_212 = arith.constant 0 : i32
        %cond3A_213 = arith.cmpi ne, %convert_element_type3A_211, %cond3A_212 : i32
        scf.if %cond3A_213 {
          %dma_wait3A_246 = arith.constant 0 : i32
          %dma_wait3A_247 = arith.constant 0 : i32
          %dma_wait3A_248 = tpu.memref_slice %arg7[%dma_wait3A_246, %dma_wait3A_247] : memref<10240x128xf32, #tpu.memory_space<vmem_shared>> -> memref<10240x128xf32, #tpu.memory_space<vmem_shared>>
          tpu.wait_indirect_dma semaphore(%arg17 : memref<!tpu.dma_semaphore, #tpu.memory_space<semaphore_mem>>) src(%arg11 : memref<128x128xf32, #tpu.memory_space<vmem>>) dst(%dma_wait3A_248 : memref<10240x128xf32, #tpu.memory_space<vmem_shared>>)
        } else {
        }
        %mul3A_214 = arith.constant 20480 : i32
        %mul3A_215 = arith.muli %arg1, %mul3A_214 : i32
        %mul3A_216 = arith.constant 128 : i32
        %mul3A_217 = arith.muli %scan3A_186, %mul3A_216 : i32
        %add3A_218 = arith.addi %mul3A_215, %mul3A_217 : i32
        %run_scoped3A_219 = arith.constant 0 : i32
        "tpu.region"() ({
          %run_scoped3A_246 = tpu.sem_alloc : memref<!tpu.dma_semaphore, #tpu.memory_space<semaphore_mem>>
          %dma_start3A_247 = tpu.memref_slice %arg5[%run_scoped3A_219, %add3A_218] : memref<2x327680xi32, #tpu.memory_space<hbm>> -> memref<1x128xi32, #tpu.memory_space<hbm>>
          %dma_start3A_248 = tpu.memref_squeeze %dma_start3A_247 : memref<1x128xi32, #tpu.memory_space<hbm>> -> memref<128xi32, #tpu.memory_space<hbm>>
          %dma_start3A_249 = tpu.memref_slice %arg5[%run_scoped3A_219, %add3A_218] : memref<2x327680xi32, #tpu.memory_space<hbm>> -> memref<1x128xi32, #tpu.memory_space<hbm>>
          %dma_start3A_250 = tpu.memref_squeeze %dma_start3A_249 : memref<1x128xi32, #tpu.memory_space<hbm>> -> memref<128xi32, #tpu.memory_space<hbm>>
          tpu.enqueue_dma source(%dma_start3A_250 : memref<128xi32, #tpu.memory_space<hbm>>) target(%arg12 : memref<128xi32, #tpu.memory_space<vmem>>) target_semaphore(%run_scoped3A_246 : memref<!tpu.dma_semaphore, #tpu.memory_space<semaphore_mem>>)
          %dma_wait3A_251 = tpu.memref_slice %arg5[%run_scoped3A_219, %add3A_218] : memref<2x327680xi32, #tpu.memory_space<hbm>> -> memref<1x128xi32, #tpu.memory_space<hbm>>
          %dma_wait3A_252 = tpu.memref_squeeze %dma_wait3A_251 : memref<1x128xi32, #tpu.memory_space<hbm>> -> memref<128xi32, #tpu.memory_space<hbm>>
          %dma_wait3A_253 = tpu.memref_slice %arg5[%run_scoped3A_219, %add3A_218] : memref<2x327680xi32, #tpu.memory_space<hbm>> -> memref<1x128xi32, #tpu.memory_space<hbm>>
          %dma_wait3A_254 = tpu.memref_squeeze %dma_wait3A_253 : memref<1x128xi32, #tpu.memory_space<hbm>> -> memref<128xi32, #tpu.memory_space<hbm>>
          tpu.wait_dma2 semaphore(%run_scoped3A_246 : memref<!tpu.dma_semaphore, #tpu.memory_space<semaphore_mem>>) src(%dma_wait3A_254 : memref<128xi32, #tpu.memory_space<hbm>>) dst(%arg12 : memref<128xi32, #tpu.memory_space<vmem>>)
          tpu.yield
        }) : () -> ()
        %dma_wait3A_220 = arith.constant 0 : i32
        %dma_wait3A_221 = arith.constant 0 : i32
        %dma_wait3A_222 = tpu.memref_slice %arg9[%dma_wait3A_220, %dma_wait3A_221] : memref<128x128xf32, #tpu.memory_space<vmem>> -> memref<64x128xf32, #tpu.memory_space<vmem>>
        %dma_wait3A_223 = arith.constant 0 : i32
        %dma_wait3A_224 = tpu.memref_slice %arg13[%dma_wait3A_223] : memref<128xi32, #tpu.memory_space<vmem>> -> memref<64xi32, #tpu.memory_space<vmem>>
        %dma_wait3A_225 = arith.constant 0 : i32
        %dma_wait3A_226 = arith.constant 0 : i32
        %dma_wait3A_227 = tpu.memref_slice %arg3[%dma_wait3A_225, %dma_wait3A_226] : memref<10000x128xf32, #tpu.memory_space<hbm>> -> memref<10000x128xf32, #tpu.memory_space<hbm>>
        tpu.wait_indirect_dma semaphore(%arg15 : memref<!tpu.dma_semaphore, #tpu.memory_space<semaphore_mem>>) src(%dma_wait3A_227 : memref<10000x128xf32, #tpu.memory_space<hbm>>) dst(%dma_wait3A_222 : memref<64x128xf32, #tpu.memory_space<vmem>>)
        %parallel_loop3A_228 = arith.constant 0 : i32
        %parallel_loop3A_229 = arith.constant 64 : i32
        %parallel_loop3A_230 = arith.constant 1 : i32
        scf.for %parallel_loop3A_246 = %parallel_loop3A_228 to %parallel_loop3A_229 step %parallel_loop3A_230  : i32 {
          %parallel_loop3A_247 = arith.constant 41 : i32
          %parallel_loop3A_248 = arith.muli %parallel_loop3A_246, %parallel_loop3A_247 : i32
          %parallel_loop3A_249 = vector.broadcast %parallel_loop3A_246 : i32 to vector<16xi32>
          %parallel_loop3A_250 = arith.index_cast %parallel_loop3A_248 : i32 to index
          %parallel_loop3A_251 = tpu.vector_load %arg10[%parallel_loop3A_250] {strides = array<i32>} : memref<5264xf32, #tpu.memory_space<vmem>>, vector<16xf32>,
          %parallel_loop3A_252 = arith.constant 16 : i32
          %parallel_loop3A_253 = arith.addi %parallel_loop3A_248, %parallel_loop3A_252 : i32
          %parallel_loop3A_254 = arith.index_cast %parallel_loop3A_253 : i32 to index
          %parallel_loop3A_255 = tpu.vector_load %arg10[%parallel_loop3A_254] {strides = array<i32>} : memref<5264xf32, #tpu.memory_space<vmem>>, vector<16xf32>,
          %parallel_loop3A_256 = arith.index_cast %parallel_loop3A_246 : i32 to index
          %parallel_loop3A_257 = arith.constant 0 : index
          %parallel_loop3A_258 = tpu.vector_load %arg9[%parallel_loop3A_256, %parallel_loop3A_257] {strides = array<i32>} : memref<128x128xf32, #tpu.memory_space<vmem>>, vector<16xf32>,
          %parallel_loop3A_259 = tpu.vector_load_idx %arg9[%parallel_loop3A_249, %select_n3A_133] : memref<128x128xf32, #tpu.memory_space<vmem>>[vector<16xi32>, vector<16xi32>], vector<16xf32>,
          %parallel_loop3A_260 = arith.constant 0 : i32
          %parallel_loop3A_261 = vector.broadcast %parallel_loop3A_260 : i32 to vector<16xi32>
          %parallel_loop3A_262 = arith.cmpi slt, %select_n3A_86, %parallel_loop3A_261 : vector<16xi32>
          %parallel_loop3A_263 = arith.constant 16 : i32
          %parallel_loop3A_264 = vector.broadcast %parallel_loop3A_263 : i32 to vector<16xi32>
          %parallel_loop3A_265 = arith.addi %select_n3A_86, %parallel_loop3A_264 : vector<16xi32>
          %parallel_loop3A_266 = arith.select %parallel_loop3A_262, %parallel_loop3A_265, %select_n3A_86 : vector<16xi1>, vector<16xi32>
          %parallel_loop3A_267 = vector.shape_cast %parallel_loop3A_266 : vector<16xi32> to vector<16x1xi32>
          %parallel_loop3A_268 = vector.shape_cast %parallel_loop3A_267 : vector<16x1xi32> to vector<16xi32>
          %parallel_loop3A_269 = tpu.dynamic_gather %parallel_loop3A_255[%parallel_loop3A_268] in [0] : vector<16xf32>, vector<16xi32> -> vector<16xf32>
          %parallel_loop3A_270 = arith.mulf %parallel_loop3A_269, %get3A_172 : vector<16xf32>
          %parallel_loop3A_271 = arith.constant 5 : i32
          %parallel_loop3A_272 = vector.broadcast %parallel_loop3A_271 : i32 to vector<16xi32>
          %parallel_loop3A_273 = arith.addi %mul3A_136, %parallel_loop3A_272 : vector<16xi32>
          %parallel_loop3A_274 = arith.constant 0 : i32
          %parallel_loop3A_275 = vector.broadcast %parallel_loop3A_274 : i32 to vector<16xi32>
          %parallel_loop3A_276 = arith.addi %parallel_loop3A_273, %parallel_loop3A_275 : vector<16xi32>
          %parallel_loop3A_277 = arith.constant 0 : i32
          %parallel_loop3A_278 = vector.broadcast %parallel_loop3A_277 : i32 to vector<16xi32>
          %parallel_loop3A_279 = arith.cmpi slt, %parallel_loop3A_276, %parallel_loop3A_278 : vector<16xi32>
          %parallel_loop3A_280 = arith.constant 16 : i32
          %parallel_loop3A_281 = vector.broadcast %parallel_loop3A_280 : i32 to vector<16xi32>
          %parallel_loop3A_282 = arith.addi %parallel_loop3A_276, %parallel_loop3A_281 : vector<16xi32>
          %parallel_loop3A_283 = arith.select %parallel_loop3A_279, %parallel_loop3A_282, %parallel_loop3A_276 : vector<16xi1>, vector<16xi32>
          %parallel_loop3A_284 = vector.shape_cast %parallel_loop3A_283 : vector<16xi32> to vector<16x1xi32>
          %parallel_loop3A_285 = vector.shape_cast %parallel_loop3A_284 : vector<16x1xi32> to vector<16xi32>
          %parallel_loop3A_286 = tpu.dynamic_gather %parallel_loop3A_251[%parallel_loop3A_285] in [0] : vector<16xf32>, vector<16xi32> -> vector<16xf32>
          %parallel_loop3A_287 = arith.mulf %parallel_loop3A_286, %parallel_loop3A_270 : vector<16xf32>
          %parallel_loop3A_288 = arith.mulf %parallel_loop3A_287, %parallel_loop3A_258 : vector<16xf32>
          %parallel_loop3A_289 = arith.index_cast %parallel_loop3A_246 : i32 to index
          %parallel_loop3A_290 = arith.constant 0 : index
          %parallel_loop3A_291 = tpu.vector_load %arg11[%parallel_loop3A_289, %parallel_loop3A_290] {strides = array<i32>} : memref<128x128xf32, #tpu.memory_space<vmem>>, vector<16xf32>,
          tpu.vector_store %arg11[%parallel_loop3A_289, %parallel_loop3A_290], %parallel_loop3A_288 {strides = array<i32>} : memref<128x128xf32, #tpu.memory_space<vmem>>, vector<16xf32>,
          %parallel_loop3A_292 = arith.constant 5 : i32
          %parallel_loop3A_293 = vector.broadcast %parallel_loop3A_292 : i32 to vector<16xi32>
          %parallel_loop3A_294 = arith.addi %mul3A_136, %parallel_loop3A_293 : vector<16xi32>
          %parallel_loop3A_295 = arith.constant 1 : i32
          %parallel_loop3A_296 = vector.broadcast %parallel_loop3A_295 : i32 to vector<16xi32>
          %parallel_loop3A_297 = arith.addi %parallel_loop3A_294, %parallel_loop3A_296 : vector<16xi32>
          %parallel_loop3A_298 = arith.constant 0 : i32
          %parallel_loop3A_299 = vector.broadcast %parallel_loop3A_298 : i32 to vector<16xi32>
          %parallel_loop3A_300 = arith.cmpi slt, %parallel_loop3A_297, %parallel_loop3A_299 : vector<16xi32>
          %parallel_loop3A_301 = arith.constant 16 : i32
          %parallel_loop3A_302 = vector.broadcast %parallel_loop3A_301 : i32 to vector<16xi32>
          %parallel_loop3A_303 = arith.addi %parallel_loop3A_297, %parallel_loop3A_302 : vector<16xi32>
          %parallel_loop3A_304 = arith.select %parallel_loop3A_300, %parallel_loop3A_303, %parallel_loop3A_297 : vector<16xi1>, vector<16xi32>
          %parallel_loop3A_305 = vector.shape_cast %parallel_loop3A_304 : vector<16xi32> to vector<16x1xi32>
          %parallel_loop3A_306 = vector.shape_cast %parallel_loop3A_305 : vector<16x1xi32> to vector<16xi32>
          %parallel_loop3A_307 = tpu.dynamic_gather %parallel_loop3A_251[%parallel_loop3A_306] in [0] : vector<16xf32>, vector<16xi32> -> vector<16xf32>
          %parallel_loop3A_308 = arith.mulf %parallel_loop3A_307, %parallel_loop3A_270 : vector<16xf32>
          %parallel_loop3A_309 = arith.mulf %parallel_loop3A_308, %parallel_loop3A_258 : vector<16xf32>
          %parallel_loop3A_310 = arith.index_cast %parallel_loop3A_246 : i32 to index
          %parallel_loop3A_311 = arith.constant 16 : index
          %parallel_loop3A_312 = tpu.vector_load %arg11[%parallel_loop3A_310, %parallel_loop3A_311] {strides = array<i32>} : memref<128x128xf32, #tpu.memory_space<vmem>>, vector<16xf32>,
          tpu.vector_store %arg11[%parallel_loop3A_310, %parallel_loop3A_311], %parallel_loop3A_309 {strides = array<i32>} : memref<128x128xf32, #tpu.memory_space<vmem>>, vector<16xf32>,
          %parallel_loop3A_313 = arith.constant 5 : i32
          %parallel_loop3A_314 = vector.broadcast %parallel_loop3A_313 : i32 to vector<16xi32>
          %parallel_loop3A_315 = arith.addi %mul3A_136, %parallel_loop3A_314 : vector<16xi32>
          %parallel_loop3A_316 = arith.constant 2 : i32
          %parallel_loop3A_317 = vector.broadcast %parallel_loop3A_316 : i32 to vector<16xi32>
          %parallel_loop3A_318 = arith.addi %parallel_loop3A_315, %parallel_loop3A_317 : vector<16xi32>
          %parallel_loop3A_319 = arith.constant 0 : i32
          %parallel_loop3A_320 = vector.broadcast %parallel_loop3A_319 : i32 to vector<16xi32>
          %parallel_loop3A_321 = arith.cmpi slt, %parallel_loop3A_318, %parallel_loop3A_320 : vector<16xi32>
          %parallel_loop3A_322 = arith.constant 16 : i32
          %parallel_loop3A_323 = vector.broadcast %parallel_loop3A_322 : i32 to vector<16xi32>
          %parallel_loop3A_324 = arith.addi %parallel_loop3A_318, %parallel_loop3A_323 : vector<16xi32>
          %parallel_loop3A_325 = arith.select %parallel_loop3A_321, %parallel_loop3A_324, %parallel_loop3A_318 : vector<16xi1>, vector<16xi32>
          %parallel_loop3A_326 = vector.shape_cast %parallel_loop3A_325 : vector<16xi32> to vector<16x1xi32>
          %parallel_loop3A_327 = vector.shape_cast %parallel_loop3A_326 : vector<16x1xi32> to vector<16xi32>
          %parallel_loop3A_328 = tpu.dynamic_gather %parallel_loop3A_251[%parallel_loop3A_327] in [0] : vector<16xf32>, vector<16xi32> -> vector<16xf32>
          %parallel_loop3A_329 = arith.mulf %parallel_loop3A_328, %parallel_loop3A_270 : vector<16xf32>
          %parallel_loop3A_330 = arith.mulf %parallel_loop3A_329, %parallel_loop3A_258 : vector<16xf32>
          %parallel_loop3A_331 = arith.index_cast %parallel_loop3A_246 : i32 to index
          %parallel_loop3A_332 = arith.constant 32 : index
          %parallel_loop3A_333 = tpu.vector_load %arg11[%parallel_loop3A_331, %parallel_loop3A_332] {strides = array<i32>} : memref<128x128xf32, #tpu.memory_space<vmem>>, vector<16xf32>,
          tpu.vector_store %arg11[%parallel_loop3A_331, %parallel_loop3A_332], %parallel_loop3A_330 {strides = array<i32>} : memref<128x128xf32, #tpu.memory_space<vmem>>, vector<16xf32>,
          %parallel_loop3A_334 = arith.constant 5 : i32
          %parallel_loop3A_335 = vector.broadcast %parallel_loop3A_334 : i32 to vector<16xi32>
          %parallel_loop3A_336 = arith.addi %mul3A_136, %parallel_loop3A_335 : vector<16xi32>
          %parallel_loop3A_337 = arith.constant 3 : i32
          %parallel_loop3A_338 = vector.broadcast %parallel_loop3A_337 : i32 to vector<16xi32>
          %parallel_loop3A_339 = arith.addi %parallel_loop3A_336, %parallel_loop3A_338 : vector<16xi32>
          %parallel_loop3A_340 = arith.constant 0 : i32
          %parallel_loop3A_341 = vector.broadcast %parallel_loop3A_340 : i32 to vector<16xi32>
          %parallel_loop3A_342 = arith.cmpi slt, %parallel_loop3A_339, %parallel_loop3A_341 : vector<16xi32>
          %parallel_loop3A_343 = arith.constant 16 : i32
          %parallel_loop3A_344 = vector.broadcast %parallel_loop3A_343 : i32 to vector<16xi32>
          %parallel_loop3A_345 = arith.addi %parallel_loop3A_339, %parallel_loop3A_344 : vector<16xi32>
          %parallel_loop3A_346 = arith.select %parallel_loop3A_342, %parallel_loop3A_345, %parallel_loop3A_339 : vector<16xi1>, vector<16xi32>
          %parallel_loop3A_347 = vector.shape_cast %parallel_loop3A_346 : vector<16xi32> to vector<16x1xi32>
          %parallel_loop3A_348 = vector.shape_cast %parallel_loop3A_347 : vector<16x1xi32> to vector<16xi32>
          %parallel_loop3A_349 = tpu.dynamic_gather %parallel_loop3A_251[%parallel_loop3A_348] in [0] : vector<16xf32>, vector<16xi32> -> vector<16xf32>
          %parallel_loop3A_350 = arith.mulf %parallel_loop3A_349, %parallel_loop3A_270 : vector<16xf32>
          %parallel_loop3A_351 = arith.mulf %parallel_loop3A_350, %parallel_loop3A_258 : vector<16xf32>
          %parallel_loop3A_352 = arith.index_cast %parallel_loop3A_246 : i32 to index
          %parallel_loop3A_353 = arith.constant 48 : index
          %parallel_loop3A_354 = tpu.vector_load %arg11[%parallel_loop3A_352, %parallel_loop3A_353] {strides = array<i32>} : memref<128x128xf32, #tpu.memory_space<vmem>>, vector<16xf32>,
          tpu.vector_store %arg11[%parallel_loop3A_352, %parallel_loop3A_353], %parallel_loop3A_351 {strides = array<i32>} : memref<128x128xf32, #tpu.memory_space<vmem>>, vector<16xf32>,
          %parallel_loop3A_355 = arith.constant 0 : i32
          %parallel_loop3A_356 = vector.broadcast %parallel_loop3A_355 : i32 to vector<16xi32>
          %parallel_loop3A_357 = arith.cmpi slt, %add3A_111, %parallel_loop3A_356 : vector<16xi32>
          %parallel_loop3A_358 = arith.constant 16 : i32
          %parallel_loop3A_359 = vector.broadcast %parallel_loop3A_358 : i32 to vector<16xi32>
          %parallel_loop3A_360 = arith.addi %add3A_111, %parallel_loop3A_359 : vector<16xi32>
          %parallel_loop3A_361 = arith.select %parallel_loop3A_357, %parallel_loop3A_360, %add3A_111 : vector<16xi1>, vector<16xi32>
          %parallel_loop3A_362 = vector.shape_cast %parallel_loop3A_361 : vector<16xi32> to vector<16x1xi32>
          %parallel_loop3A_363 = vector.shape_cast %parallel_loop3A_362 : vector<16x1xi32> to vector<16xi32>
          %parallel_loop3A_364 = tpu.dynamic_gather %parallel_loop3A_255[%parallel_loop3A_363] in [0] : vector<16xf32>, vector<16xi32> -> vector<16xf32>
          %parallel_loop3A_365 = arith.mulf %parallel_loop3A_364, %gather3A : vector<16xf32>
          %parallel_loop3A_366 = arith.mulf %parallel_loop3A_364, %mul3A_176 : vector<16xf32>
          %parallel_loop3A_367 = arith.constant 0 : i32
          %parallel_loop3A_368 = vector.broadcast %parallel_loop3A_367 : i32 to vector<16xi32>
          %parallel_loop3A_369 = arith.cmpi slt, %add3A_144, %parallel_loop3A_368 : vector<16xi32>
          %parallel_loop3A_370 = arith.constant 16 : i32
          %parallel_loop3A_371 = vector.broadcast %parallel_loop3A_370 : i32 to vector<16xi32>
          %parallel_loop3A_372 = arith.addi %add3A_144, %parallel_loop3A_371 : vector<16xi32>
          %parallel_loop3A_373 = arith.select %parallel_loop3A_369, %parallel_loop3A_372, %add3A_144 : vector<16xi1>, vector<16xi32>
          %parallel_loop3A_374 = vector.shape_cast %parallel_loop3A_373 : vector<16xi32> to vector<16x1xi32>
          %parallel_loop3A_375 = vector.shape_cast %parallel_loop3A_374 : vector<16x1xi32> to vector<16xi32>
          %parallel_loop3A_376 = tpu.dynamic_gather %parallel_loop3A_251[%parallel_loop3A_375] in [0] : vector<16xf32>, vector<16xi32> -> vector<16xf32>
          %parallel_loop3A_377 = arith.mulf %parallel_loop3A_376, %parallel_loop3A_365 : vector<16xf32>
          %parallel_loop3A_378 = arith.mulf %parallel_loop3A_377, %parallel_loop3A_259 : vector<16xf32>
          %parallel_loop3A_379 = arith.index_cast %parallel_loop3A_246 : i32 to index
          %parallel_loop3A_380 = arith.constant 64 : index
          %parallel_loop3A_381 = tpu.vector_load %arg11[%parallel_loop3A_379, %parallel_loop3A_380] {strides = array<i32>} : memref<128x128xf32, #tpu.memory_space<vmem>>, vector<16xf32>,
          tpu.vector_store %arg11[%parallel_loop3A_379, %parallel_loop3A_380], %parallel_loop3A_378 {strides = array<i32>} : memref<128x128xf32, #tpu.memory_space<vmem>>, vector<16xf32>,
          %parallel_loop3A_382 = arith.constant 0 : i32
          %parallel_loop3A_383 = vector.broadcast %parallel_loop3A_382 : i32 to vector<16xi32>
          %parallel_loop3A_384 = arith.cmpi slt, %add3A_153, %parallel_loop3A_383 : vector<16xi32>
          %parallel_loop3A_385 = arith.constant 16 : i32
          %parallel_loop3A_386 = vector.broadcast %parallel_loop3A_385 : i32 to vector<16xi32>
          %parallel_loop3A_387 = arith.addi %add3A_153, %parallel_loop3A_386 : vector<16xi32>
          %parallel_loop3A_388 = arith.select %parallel_loop3A_384, %parallel_loop3A_387, %add3A_153 : vector<16xi1>, vector<16xi32>
          %parallel_loop3A_389 = vector.shape_cast %parallel_loop3A_388 : vector<16xi32> to vector<16x1xi32>
          %parallel_loop3A_390 = vector.shape_cast %parallel_loop3A_389 : vector<16x1xi32> to vector<16xi32>
          %parallel_loop3A_391 = tpu.dynamic_gather %parallel_loop3A_251[%parallel_loop3A_390] in [0] : vector<16xf32>, vector<16xi32> -> vector<16xf32>
          %parallel_loop3A_392 = arith.mulf %parallel_loop3A_391, %parallel_loop3A_365 : vector<16xf32>
          %parallel_loop3A_393 = arith.mulf %parallel_loop3A_392, %parallel_loop3A_259 : vector<16xf32>
          %parallel_loop3A_394 = arith.index_cast %parallel_loop3A_246 : i32 to index
          %parallel_loop3A_395 = arith.constant 80 : index
          %parallel_loop3A_396 = tpu.vector_load %arg11[%parallel_loop3A_394, %parallel_loop3A_395] {strides = array<i32>} : memref<128x128xf32, #tpu.memory_space<vmem>>, vector<16xf32>,
          tpu.vector_store %arg11[%parallel_loop3A_394, %parallel_loop3A_395], %parallel_loop3A_393 {strides = array<i32>} : memref<128x128xf32, #tpu.memory_space<vmem>>, vector<16xf32>,
          %parallel_loop3A_397 = arith.constant 0 : i32
          %parallel_loop3A_398 = vector.broadcast %parallel_loop3A_397 : i32 to vector<16xi32>
          %parallel_loop3A_399 = arith.cmpi slt, %add3A_162, %parallel_loop3A_398 : vector<16xi32>
          %parallel_loop3A_400 = arith.constant 16 : i32
          %parallel_loop3A_401 = vector.broadcast %parallel_loop3A_400 : i32 to vector<16xi32>
          %parallel_loop3A_402 = arith.addi %add3A_162, %parallel_loop3A_401 : vector<16xi32>
          %parallel_loop3A_403 = arith.select %parallel_loop3A_399, %parallel_loop3A_402, %add3A_162 : vector<16xi1>, vector<16xi32>
          %parallel_loop3A_404 = vector.shape_cast %parallel_loop3A_403 : vector<16xi32> to vector<16x1xi32>
          %parallel_loop3A_405 = vector.shape_cast %parallel_loop3A_404 : vector<16x1xi32> to vector<16xi32>
          %parallel_loop3A_406 = tpu.dynamic_gather %parallel_loop3A_251[%parallel_loop3A_405] in [0] : vector<16xf32>, vector<16xi32> -> vector<16xf32>
          %parallel_loop3A_407 = arith.mulf %parallel_loop3A_406, %parallel_loop3A_365 : vector<16xf32>
          %parallel_loop3A_408 = arith.mulf %parallel_loop3A_407, %parallel_loop3A_259 : vector<16xf32>
          %parallel_loop3A_409 = arith.index_cast %parallel_loop3A_246 : i32 to index
          %parallel_loop3A_410 = arith.constant 96 : index
          %parallel_loop3A_411 = tpu.vector_load %arg11[%parallel_loop3A_409, %parallel_loop3A_410] {strides = array<i32>} : memref<128x128xf32, #tpu.memory_space<vmem>>, vector<16xf32>,
          tpu.vector_store %arg11[%parallel_loop3A_409, %parallel_loop3A_410], %parallel_loop3A_408 {strides = array<i32>} : memref<128x128xf32, #tpu.memory_space<vmem>>, vector<16xf32>,
          %parallel_loop3A_412 = arith.constant 0 : i32
          %parallel_loop3A_413 = vector.broadcast %parallel_loop3A_412 : i32 to vector<16xi32>
          %parallel_loop3A_414 = arith.cmpi slt, %add3A_171, %parallel_loop3A_413 : vector<16xi32>
          %parallel_loop3A_415 = arith.constant 16 : i32
          %parallel_loop3A_416 = vector.broadcast %parallel_loop3A_415 : i32 to vector<16xi32>
          %parallel_loop3A_417 = arith.addi %add3A_171, %parallel_loop3A_416 : vector<16xi32>
          %parallel_loop3A_418 = arith.select %parallel_loop3A_414, %parallel_loop3A_417, %add3A_171 : vector<16xi1>, vector<16xi32>
          %parallel_loop3A_419 = vector.shape_cast %parallel_loop3A_418 : vector<16xi32> to vector<16x1xi32>
          %parallel_loop3A_420 = vector.shape_cast %parallel_loop3A_419 : vector<16x1xi32> to vector<16xi32>
          %parallel_loop3A_421 = tpu.dynamic_gather %parallel_loop3A_251[%parallel_loop3A_420] in [0] : vector<16xf32>, vector<16xi32> -> vector<16xf32>
          %parallel_loop3A_422 = arith.mulf %parallel_loop3A_421, %parallel_loop3A_366 : vector<16xf32>
          %parallel_loop3A_423 = arith.mulf %parallel_loop3A_422, %parallel_loop3A_259 : vector<16xf32>
          %parallel_loop3A_424 = arith.index_cast %parallel_loop3A_246 : i32 to index
          %parallel_loop3A_425 = arith.constant 112 : index
          %parallel_loop3A_426 = tpu.vector_load %arg11[%parallel_loop3A_424, %parallel_loop3A_425] {strides = array<i32>} : memref<128x128xf32, #tpu.memory_space<vmem>>, vector<16xf32>,
          tpu.vector_store %arg11[%parallel_loop3A_424, %parallel_loop3A_425], %parallel_loop3A_423 {strides = array<i32>} : memref<128x128xf32, #tpu.memory_space<vmem>>, vector<16xf32>,
        } {sc.loop_unroll_factor = 4 : i64, sc.parallel_access}
        %dma_wait3A_231 = arith.constant 64 : i32
        %dma_wait3A_232 = arith.constant 0 : i32
        %dma_wait3A_233 = tpu.memref_slice %arg9[%dma_wait3A_231, %dma_wait3A_232] : memref<128x128xf32, #tpu.memory_space<vmem>> -> memref<64x128xf32, #tpu.memory_space<vmem>>
        %dma_wait3A_234 = arith.constant 64 : i32
        %dma_wait3A_235 = tpu.memref_slice %arg13[%dma_wait3A_234] : memref<128xi32, #tpu.memory_space<vmem>> -> memref<64xi32, #tpu.memory_space<vmem>>
        %dma_wait3A_236 = arith.constant 0 : i32
        %dma_wait3A_237 = arith.constant 0 : i32
        %dma_wait3A_238 = tpu.memref_slice %arg3[%dma_wait3A_236, %dma_wait3A_237] : memref<10000x128xf32, #tpu.memory_space<hbm>> -> memref<10000x128xf32, #tpu.memory_space<hbm>>
        tpu.wait_indirect_dma semaphore(%arg16 : memref<!tpu.dma_semaphore, #tpu.memory_space<semaphore_mem>>) src(%dma_wait3A_238 : memref<10000x128xf32, #tpu.memory_space<hbm>>) dst(%dma_wait3A_233 : memref<64x128xf32, #tpu.memory_space<vmem>>)
        %parallel_loop3A_239 = arith.constant 64 : i32
        %parallel_loop3A_240 = arith.constant 128 : i32
        %parallel_loop3A_241 = arith.constant 1 : i32
        scf.for %parallel_loop3A_246 = %parallel_loop3A_239 to %parallel_loop3A_240 step %parallel_loop3A_241  : i32 {
          %parallel_loop3A_247 = arith.constant 41 : i32
          %parallel_loop3A_248 = arith.muli %parallel_loop3A_246, %parallel_loop3A_247 : i32
          %parallel_loop3A_249 = vector.broadcast %parallel_loop3A_246 : i32 to vector<16xi32>
          %parallel_loop3A_250 = arith.index_cast %parallel_loop3A_248 : i32 to index
          %parallel_loop3A_251 = tpu.vector_load %arg10[%parallel_loop3A_250] {strides = array<i32>} : memref<5264xf32, #tpu.memory_space<vmem>>, vector<16xf32>,
          %parallel_loop3A_252 = arith.constant 16 : i32
          %parallel_loop3A_253 = arith.addi %parallel_loop3A_248, %parallel_loop3A_252 : i32
          %parallel_loop3A_254 = arith.index_cast %parallel_loop3A_253 : i32 to index
          %parallel_loop3A_255 = tpu.vector_load %arg10[%parallel_loop3A_254] {strides = array<i32>} : memref<5264xf32, #tpu.memory_space<vmem>>, vector<16xf32>,
          %parallel_loop3A_256 = arith.index_cast %parallel_loop3A_246 : i32 to index
          %parallel_loop3A_257 = arith.constant 0 : index
          %parallel_loop3A_258 = tpu.vector_load %arg9[%parallel_loop3A_256, %parallel_loop3A_257] {strides = array<i32>} : memref<128x128xf32, #tpu.memory_space<vmem>>, vector<16xf32>,
          %parallel_loop3A_259 = tpu.vector_load_idx %arg9[%parallel_loop3A_249, %select_n3A_133] : memref<128x128xf32, #tpu.memory_space<vmem>>[vector<16xi32>, vector<16xi32>], vector<16xf32>,
          %parallel_loop3A_260 = arith.constant 0 : i32
          %parallel_loop3A_261 = vector.broadcast %parallel_loop3A_260 : i32 to vector<16xi32>
          %parallel_loop3A_262 = arith.cmpi slt, %select_n3A_86, %parallel_loop3A_261 : vector<16xi32>
          %parallel_loop3A_263 = arith.constant 16 : i32
          %parallel_loop3A_264 = vector.broadcast %parallel_loop3A_263 : i32 to vector<16xi32>
          %parallel_loop3A_265 = arith.addi %select_n3A_86, %parallel_loop3A_264 : vector<16xi32>
          %parallel_loop3A_266 = arith.select %parallel_loop3A_262, %parallel_loop3A_265, %select_n3A_86 : vector<16xi1>, vector<16xi32>
          %parallel_loop3A_267 = vector.shape_cast %parallel_loop3A_266 : vector<16xi32> to vector<16x1xi32>
          %parallel_loop3A_268 = vector.shape_cast %parallel_loop3A_267 : vector<16x1xi32> to vector<16xi32>
          %parallel_loop3A_269 = tpu.dynamic_gather %parallel_loop3A_255[%parallel_loop3A_268] in [0] : vector<16xf32>, vector<16xi32> -> vector<16xf32>
          %parallel_loop3A_270 = arith.mulf %parallel_loop3A_269, %get3A_172 : vector<16xf32>
          %parallel_loop3A_271 = arith.constant 5 : i32
          %parallel_loop3A_272 = vector.broadcast %parallel_loop3A_271 : i32 to vector<16xi32>
          %parallel_loop3A_273 = arith.addi %mul3A_136, %parallel_loop3A_272 : vector<16xi32>
          %parallel_loop3A_274 = arith.constant 0 : i32
          %parallel_loop3A_275 = vector.broadcast %parallel_loop3A_274 : i32 to vector<16xi32>
          %parallel_loop3A_276 = arith.addi %parallel_loop3A_273, %parallel_loop3A_275 : vector<16xi32>
          %parallel_loop3A_277 = arith.constant 0 : i32
          %parallel_loop3A_278 = vector.broadcast %parallel_loop3A_277 : i32 to vector<16xi32>
          %parallel_loop3A_279 = arith.cmpi slt, %parallel_loop3A_276, %parallel_loop3A_278 : vector<16xi32>
          %parallel_loop3A_280 = arith.constant 16 : i32
          %parallel_loop3A_281 = vector.broadcast %parallel_loop3A_280 : i32 to vector<16xi32>
          %parallel_loop3A_282 = arith.addi %parallel_loop3A_276, %parallel_loop3A_281 : vector<16xi32>
          %parallel_loop3A_283 = arith.select %parallel_loop3A_279, %parallel_loop3A_282, %parallel_loop3A_276 : vector<16xi1>, vector<16xi32>
          %parallel_loop3A_284 = vector.shape_cast %parallel_loop3A_283 : vector<16xi32> to vector<16x1xi32>
          %parallel_loop3A_285 = vector.shape_cast %parallel_loop3A_284 : vector<16x1xi32> to vector<16xi32>
          %parallel_loop3A_286 = tpu.dynamic_gather %parallel_loop3A_251[%parallel_loop3A_285] in [0] : vector<16xf32>, vector<16xi32> -> vector<16xf32>
          %parallel_loop3A_287 = arith.mulf %parallel_loop3A_286, %parallel_loop3A_270 : vector<16xf32>
          %parallel_loop3A_288 = arith.mulf %parallel_loop3A_287, %parallel_loop3A_258 : vector<16xf32>
          %parallel_loop3A_289 = arith.index_cast %parallel_loop3A_246 : i32 to index
          %parallel_loop3A_290 = arith.constant 0 : index
          %parallel_loop3A_291 = tpu.vector_load %arg11[%parallel_loop3A_289, %parallel_loop3A_290] {strides = array<i32>} : memref<128x128xf32, #tpu.memory_space<vmem>>, vector<16xf32>,
          tpu.vector_store %arg11[%parallel_loop3A_289, %parallel_loop3A_290], %parallel_loop3A_288 {strides = array<i32>} : memref<128x128xf32, #tpu.memory_space<vmem>>, vector<16xf32>,
          %parallel_loop3A_292 = arith.constant 5 : i32
          %parallel_loop3A_293 = vector.broadcast %parallel_loop3A_292 : i32 to vector<16xi32>
          %parallel_loop3A_294 = arith.addi %mul3A_136, %parallel_loop3A_293 : vector<16xi32>
          %parallel_loop3A_295 = arith.constant 1 : i32
          %parallel_loop3A_296 = vector.broadcast %parallel_loop3A_295 : i32 to vector<16xi32>
          %parallel_loop3A_297 = arith.addi %parallel_loop3A_294, %parallel_loop3A_296 : vector<16xi32>
          %parallel_loop3A_298 = arith.constant 0 : i32
          %parallel_loop3A_299 = vector.broadcast %parallel_loop3A_298 : i32 to vector<16xi32>
          %parallel_loop3A_300 = arith.cmpi slt, %parallel_loop3A_297, %parallel_loop3A_299 : vector<16xi32>
          %parallel_loop3A_301 = arith.constant 16 : i32
          %parallel_loop3A_302 = vector.broadcast %parallel_loop3A_301 : i32 to vector<16xi32>
          %parallel_loop3A_303 = arith.addi %parallel_loop3A_297, %parallel_loop3A_302 : vector<16xi32>
          %parallel_loop3A_304 = arith.select %parallel_loop3A_300, %parallel_loop3A_303, %parallel_loop3A_297 : vector<16xi1>, vector<16xi32>
          %parallel_loop3A_305 = vector.shape_cast %parallel_loop3A_304 : vector<16xi32> to vector<16x1xi32>
          %parallel_loop3A_306 = vector.shape_cast %parallel_loop3A_305 : vector<16x1xi32> to vector<16xi32>
          %parallel_loop3A_307 = tpu.dynamic_gather %parallel_loop3A_251[%parallel_loop3A_306] in [0] : vector<16xf32>, vector<16xi32> -> vector<16xf32>
          %parallel_loop3A_308 = arith.mulf %parallel_loop3A_307, %parallel_loop3A_270 : vector<16xf32>
          %parallel_loop3A_309 = arith.mulf %parallel_loop3A_308, %parallel_loop3A_258 : vector<16xf32>
          %parallel_loop3A_310 = arith.index_cast %parallel_loop3A_246 : i32 to index
          %parallel_loop3A_311 = arith.constant 16 : index
          %parallel_loop3A_312 = tpu.vector_load %arg11[%parallel_loop3A_310, %parallel_loop3A_311] {strides = array<i32>} : memref<128x128xf32, #tpu.memory_space<vmem>>, vector<16xf32>,
          tpu.vector_store %arg11[%parallel_loop3A_310, %parallel_loop3A_311], %parallel_loop3A_309 {strides = array<i32>} : memref<128x128xf32, #tpu.memory_space<vmem>>, vector<16xf32>,
          %parallel_loop3A_313 = arith.constant 5 : i32
          %parallel_loop3A_314 = vector.broadcast %parallel_loop3A_313 : i32 to vector<16xi32>
          %parallel_loop3A_315 = arith.addi %mul3A_136, %parallel_loop3A_314 : vector<16xi32>
          %parallel_loop3A_316 = arith.constant 2 : i32
          %parallel_loop3A_317 = vector.broadcast %parallel_loop3A_316 : i32 to vector<16xi32>
          %parallel_loop3A_318 = arith.addi %parallel_loop3A_315, %parallel_loop3A_317 : vector<16xi32>
          %parallel_loop3A_319 = arith.constant 0 : i32
          %parallel_loop3A_320 = vector.broadcast %parallel_loop3A_319 : i32 to vector<16xi32>
          %parallel_loop3A_321 = arith.cmpi slt, %parallel_loop3A_318, %parallel_loop3A_320 : vector<16xi32>
          %parallel_loop3A_322 = arith.constant 16 : i32
          %parallel_loop3A_323 = vector.broadcast %parallel_loop3A_322 : i32 to vector<16xi32>
          %parallel_loop3A_324 = arith.addi %parallel_loop3A_318, %parallel_loop3A_323 : vector<16xi32>
          %parallel_loop3A_325 = arith.select %parallel_loop3A_321, %parallel_loop3A_324, %parallel_loop3A_318 : vector<16xi1>, vector<16xi32>
          %parallel_loop3A_326 = vector.shape_cast %parallel_loop3A_325 : vector<16xi32> to vector<16x1xi32>
          %parallel_loop3A_327 = vector.shape_cast %parallel_loop3A_326 : vector<16x1xi32> to vector<16xi32>
          %parallel_loop3A_328 = tpu.dynamic_gather %parallel_loop3A_251[%parallel_loop3A_327] in [0] : vector<16xf32>, vector<16xi32> -> vector<16xf32>
          %parallel_loop3A_329 = arith.mulf %parallel_loop3A_328, %parallel_loop3A_270 : vector<16xf32>
          %parallel_loop3A_330 = arith.mulf %parallel_loop3A_329, %parallel_loop3A_258 : vector<16xf32>
          %parallel_loop3A_331 = arith.index_cast %parallel_loop3A_246 : i32 to index
          %parallel_loop3A_332 = arith.constant 32 : index
          %parallel_loop3A_333 = tpu.vector_load %arg11[%parallel_loop3A_331, %parallel_loop3A_332] {strides = array<i32>} : memref<128x128xf32, #tpu.memory_space<vmem>>, vector<16xf32>,
          tpu.vector_store %arg11[%parallel_loop3A_331, %parallel_loop3A_332], %parallel_loop3A_330 {strides = array<i32>} : memref<128x128xf32, #tpu.memory_space<vmem>>, vector<16xf32>,
          %parallel_loop3A_334 = arith.constant 5 : i32
          %parallel_loop3A_335 = vector.broadcast %parallel_loop3A_334 : i32 to vector<16xi32>
          %parallel_loop3A_336 = arith.addi %mul3A_136, %parallel_loop3A_335 : vector<16xi32>
          %parallel_loop3A_337 = arith.constant 3 : i32
          %parallel_loop3A_338 = vector.broadcast %parallel_loop3A_337 : i32 to vector<16xi32>
          %parallel_loop3A_339 = arith.addi %parallel_loop3A_336, %parallel_loop3A_338 : vector<16xi32>
          %parallel_loop3A_340 = arith.constant 0 : i32
          %parallel_loop3A_341 = vector.broadcast %parallel_loop3A_340 : i32 to vector<16xi32>
          %parallel_loop3A_342 = arith.cmpi slt, %parallel_loop3A_339, %parallel_loop3A_341 : vector<16xi32>
          %parallel_loop3A_343 = arith.constant 16 : i32
          %parallel_loop3A_344 = vector.broadcast %parallel_loop3A_343 : i32 to vector<16xi32>
          %parallel_loop3A_345 = arith.addi %parallel_loop3A_339, %parallel_loop3A_344 : vector<16xi32>
          %parallel_loop3A_346 = arith.select %parallel_loop3A_342, %parallel_loop3A_345, %parallel_loop3A_339 : vector<16xi1>, vector<16xi32>
          %parallel_loop3A_347 = vector.shape_cast %parallel_loop3A_346 : vector<16xi32> to vector<16x1xi32>
          %parallel_loop3A_348 = vector.shape_cast %parallel_loop3A_347 : vector<16x1xi32> to vector<16xi32>
          %parallel_loop3A_349 = tpu.dynamic_gather %parallel_loop3A_251[%parallel_loop3A_348] in [0] : vector<16xf32>, vector<16xi32> -> vector<16xf32>
          %parallel_loop3A_350 = arith.mulf %parallel_loop3A_349, %parallel_loop3A_270 : vector<16xf32>
          %parallel_loop3A_351 = arith.mulf %parallel_loop3A_350, %parallel_loop3A_258 : vector<16xf32>
          %parallel_loop3A_352 = arith.index_cast %parallel_loop3A_246 : i32 to index
          %parallel_loop3A_353 = arith.constant 48 : index
          %parallel_loop3A_354 = tpu.vector_load %arg11[%parallel_loop3A_352, %parallel_loop3A_353] {strides = array<i32>} : memref<128x128xf32, #tpu.memory_space<vmem>>, vector<16xf32>,
          tpu.vector_store %arg11[%parallel_loop3A_352, %parallel_loop3A_353], %parallel_loop3A_351 {strides = array<i32>} : memref<128x128xf32, #tpu.memory_space<vmem>>, vector<16xf32>,
          %parallel_loop3A_355 = arith.constant 0 : i32
          %parallel_loop3A_356 = vector.broadcast %parallel_loop3A_355 : i32 to vector<16xi32>
          %parallel_loop3A_357 = arith.cmpi slt, %add3A_111, %parallel_loop3A_356 : vector<16xi32>
          %parallel_loop3A_358 = arith.constant 16 : i32
          %parallel_loop3A_359 = vector.broadcast %parallel_loop3A_358 : i32 to vector<16xi32>
          %parallel_loop3A_360 = arith.addi %add3A_111, %parallel_loop3A_359 : vector<16xi32>
          %parallel_loop3A_361 = arith.select %parallel_loop3A_357, %parallel_loop3A_360, %add3A_111 : vector<16xi1>, vector<16xi32>
          %parallel_loop3A_362 = vector.shape_cast %parallel_loop3A_361 : vector<16xi32> to vector<16x1xi32>
          %parallel_loop3A_363 = vector.shape_cast %parallel_loop3A_362 : vector<16x1xi32> to vector<16xi32>
          %parallel_loop3A_364 = tpu.dynamic_gather %parallel_loop3A_255[%parallel_loop3A_363] in [0] : vector<16xf32>, vector<16xi32> -> vector<16xf32>
          %parallel_loop3A_365 = arith.mulf %parallel_loop3A_364, %gather3A : vector<16xf32>
          %parallel_loop3A_366 = arith.mulf %parallel_loop3A_364, %mul3A_176 : vector<16xf32>
          %parallel_loop3A_367 = arith.constant 0 : i32
          %parallel_loop3A_368 = vector.broadcast %parallel_loop3A_367 : i32 to vector<16xi32>
          %parallel_loop3A_369 = arith.cmpi slt, %add3A_144, %parallel_loop3A_368 : vector<16xi32>
          %parallel_loop3A_370 = arith.constant 16 : i32
          %parallel_loop3A_371 = vector.broadcast %parallel_loop3A_370 : i32 to vector<16xi32>
          %parallel_loop3A_372 = arith.addi %add3A_144, %parallel_loop3A_371 : vector<16xi32>
          %parallel_loop3A_373 = arith.select %parallel_loop3A_369, %parallel_loop3A_372, %add3A_144 : vector<16xi1>, vector<16xi32>
          %parallel_loop3A_374 = vector.shape_cast %parallel_loop3A_373 : vector<16xi32> to vector<16x1xi32>
          %parallel_loop3A_375 = vector.shape_cast %parallel_loop3A_374 : vector<16x1xi32> to vector<16xi32>
          %parallel_loop3A_376 = tpu.dynamic_gather %parallel_loop3A_251[%parallel_loop3A_375] in [0] : vector<16xf32>, vector<16xi32> -> vector<16xf32>
          %parallel_loop3A_377 = arith.mulf %parallel_loop3A_376, %parallel_loop3A_365 : vector<16xf32>
          %parallel_loop3A_378 = arith.mulf %parallel_loop3A_377, %parallel_loop3A_259 : vector<16xf32>
          %parallel_loop3A_379 = arith.index_cast %parallel_loop3A_246 : i32 to index
          %parallel_loop3A_380 = arith.constant 64 : index
          %parallel_loop3A_381 = tpu.vector_load %arg11[%parallel_loop3A_379, %parallel_loop3A_380] {strides = array<i32>} : memref<128x128xf32, #tpu.memory_space<vmem>>, vector<16xf32>,
          tpu.vector_store %arg11[%parallel_loop3A_379, %parallel_loop3A_380], %parallel_loop3A_378 {strides = array<i32>} : memref<128x128xf32, #tpu.memory_space<vmem>>, vector<16xf32>,
          %parallel_loop3A_382 = arith.constant 0 : i32
          %parallel_loop3A_383 = vector.broadcast %parallel_loop3A_382 : i32 to vector<16xi32>
          %parallel_loop3A_384 = arith.cmpi slt, %add3A_153, %parallel_loop3A_383 : vector<16xi32>
          %parallel_loop3A_385 = arith.constant 16 : i32
          %parallel_loop3A_386 = vector.broadcast %parallel_loop3A_385 : i32 to vector<16xi32>
          %parallel_loop3A_387 = arith.addi %add3A_153, %parallel_loop3A_386 : vector<16xi32>
          %parallel_loop3A_388 = arith.select %parallel_loop3A_384, %parallel_loop3A_387, %add3A_153 : vector<16xi1>, vector<16xi32>
          %parallel_loop3A_389 = vector.shape_cast %parallel_loop3A_388 : vector<16xi32> to vector<16x1xi32>
          %parallel_loop3A_390 = vector.shape_cast %parallel_loop3A_389 : vector<16x1xi32> to vector<16xi32>
          %parallel_loop3A_391 = tpu.dynamic_gather %parallel_loop3A_251[%parallel_loop3A_390] in [0] : vector<16xf32>, vector<16xi32> -> vector<16xf32>
          %parallel_loop3A_392 = arith.mulf %parallel_loop3A_391, %parallel_loop3A_365 : vector<16xf32>
          %parallel_loop3A_393 = arith.mulf %parallel_loop3A_392, %parallel_loop3A_259 : vector<16xf32>
          %parallel_loop3A_394 = arith.index_cast %parallel_loop3A_246 : i32 to index
          %parallel_loop3A_395 = arith.constant 80 : index
          %parallel_loop3A_396 = tpu.vector_load %arg11[%parallel_loop3A_394, %parallel_loop3A_395] {strides = array<i32>} : memref<128x128xf32, #tpu.memory_space<vmem>>, vector<16xf32>,
          tpu.vector_store %arg11[%parallel_loop3A_394, %parallel_loop3A_395], %parallel_loop3A_393 {strides = array<i32>} : memref<128x128xf32, #tpu.memory_space<vmem>>, vector<16xf32>,
          %parallel_loop3A_397 = arith.constant 0 : i32
          %parallel_loop3A_398 = vector.broadcast %parallel_loop3A_397 : i32 to vector<16xi32>
          %parallel_loop3A_399 = arith.cmpi slt, %add3A_162, %parallel_loop3A_398 : vector<16xi32>
          %parallel_loop3A_400 = arith.constant 16 : i32
          %parallel_loop3A_401 = vector.broadcast %parallel_loop3A_400 : i32 to vector<16xi32>
          %parallel_loop3A_402 = arith.addi %add3A_162, %parallel_loop3A_401 : vector<16xi32>
          %parallel_loop3A_403 = arith.select %parallel_loop3A_399, %parallel_loop3A_402, %add3A_162 : vector<16xi1>, vector<16xi32>
          %parallel_loop3A_404 = vector.shape_cast %parallel_loop3A_403 : vector<16xi32> to vector<16x1xi32>
          %parallel_loop3A_405 = vector.shape_cast %parallel_loop3A_404 : vector<16x1xi32> to vector<16xi32>
          %parallel_loop3A_406 = tpu.dynamic_gather %parallel_loop3A_251[%parallel_loop3A_405] in [0] : vector<16xf32>, vector<16xi32> -> vector<16xf32>
          %parallel_loop3A_407 = arith.mulf %parallel_loop3A_406, %parallel_loop3A_365 : vector<16xf32>
          %parallel_loop3A_408 = arith.mulf %parallel_loop3A_407, %parallel_loop3A_259 : vector<16xf32>
          %parallel_loop3A_409 = arith.index_cast %parallel_loop3A_246 : i32 to index
          %parallel_loop3A_410 = arith.constant 96 : index
          %parallel_loop3A_411 = tpu.vector_load %arg11[%parallel_loop3A_409, %parallel_loop3A_410] {strides = array<i32>} : memref<128x128xf32, #tpu.memory_space<vmem>>, vector<16xf32>,
          tpu.vector_store %arg11[%parallel_loop3A_409, %parallel_loop3A_410], %parallel_loop3A_408 {strides = array<i32>} : memref<128x128xf32, #tpu.memory_space<vmem>>, vector<16xf32>,
          %parallel_loop3A_412 = arith.constant 0 : i32
          %parallel_loop3A_413 = vector.broadcast %parallel_loop3A_412 : i32 to vector<16xi32>
          %parallel_loop3A_414 = arith.cmpi slt, %add3A_171, %parallel_loop3A_413 : vector<16xi32>
          %parallel_loop3A_415 = arith.constant 16 : i32
          %parallel_loop3A_416 = vector.broadcast %parallel_loop3A_415 : i32 to vector<16xi32>
          %parallel_loop3A_417 = arith.addi %add3A_171, %parallel_loop3A_416 : vector<16xi32>
          %parallel_loop3A_418 = arith.select %parallel_loop3A_414, %parallel_loop3A_417, %add3A_171 : vector<16xi1>, vector<16xi32>
          %parallel_loop3A_419 = vector.shape_cast %parallel_loop3A_418 : vector<16xi32> to vector<16x1xi32>
          %parallel_loop3A_420 = vector.shape_cast %parallel_loop3A_419 : vector<16x1xi32> to vector<16xi32>
          %parallel_loop3A_421 = tpu.dynamic_gather %parallel_loop3A_251[%parallel_loop3A_420] in [0] : vector<16xf32>, vector<16xi32> -> vector<16xf32>
          %parallel_loop3A_422 = arith.mulf %parallel_loop3A_421, %parallel_loop3A_366 : vector<16xf32>
          %parallel_loop3A_423 = arith.mulf %parallel_loop3A_422, %parallel_loop3A_259 : vector<16xf32>
          %parallel_loop3A_424 = arith.index_cast %parallel_loop3A_246 : i32 to index
          %parallel_loop3A_425 = arith.constant 112 : index
          %parallel_loop3A_426 = tpu.vector_load %arg11[%parallel_loop3A_424, %parallel_loop3A_425] {strides = array<i32>} : memref<128x128xf32, #tpu.memory_space<vmem>>, vector<16xf32>,
          tpu.vector_store %arg11[%parallel_loop3A_424, %parallel_loop3A_425], %parallel_loop3A_423 {strides = array<i32>} : memref<128x128xf32, #tpu.memory_space<vmem>>, vector<16xf32>,
        } {sc.loop_unroll_factor = 4 : i64, sc.parallel_access}
        %dma_start3A_242 = arith.constant 0 : i32
        %dma_start3A_243 = arith.constant 0 : i32
        %dma_start3A_244 = tpu.memref_slice %arg7[%dma_start3A_242, %dma_start3A_243] : memref<10240x128xf32, #tpu.memory_space<vmem_shared>> -> memref<10240x128xf32, #tpu.memory_space<vmem_shared>>
        tpu.enqueue_indirect_dma source(%arg11 : memref<128x128xf32, #tpu.memory_space<vmem>>) target(%dma_start3A_244 : memref<10240x128xf32, #tpu.memory_space<vmem_shared>>) offsets(%arg12 : memref<128xi32, #tpu.memory_space<vmem>>) semaphore(%arg17 : memref<!tpu.dma_semaphore, #tpu.memory_space<semaphore_mem>>) {add = true}
        %scan3A_245 = arith.constant 0 : i32
        scf.yield %scan3A_245 : i32
      }
      %scan3A_183 = arith.constant 160 : i32
      %dma_wait3A = arith.constant 0 : i32
      %dma_wait3A_184 = arith.constant 0 : i32
      %dma_wait3A_185 = tpu.memref_slice %arg7[%dma_wait3A, %dma_wait3A_184] : memref<10240x128xf32, #tpu.memory_space<vmem_shared>> -> memref<10240x128xf32, #tpu.memory_space<vmem_shared>>
      tpu.wait_indirect_dma semaphore(%arg17 : memref<!tpu.dma_semaphore, #tpu.memory_space<semaphore_mem>>) src(%arg11 : memref<128x128xf32, #tpu.memory_space<vmem>>) dst(%dma_wait3A_185 : memref<10240x128xf32, #tpu.memory_space<vmem_shared>>)
    } else {
    }
    %barrier3A_62 = arith.constant 0 : index
    tpu.barrier barrier_id(%barrier3A_62)
    %mul3A_63 = arith.constant 640 : i32
    %mul3A_64 = arith.muli %arg1, %mul3A_63 : i32
    "tpu.region"() ({
      %run_scoped3A = tpu.sem_alloc : memref<!tpu.dma_semaphore, #tpu.memory_space<semaphore_mem>>
      %dma_start3A = arith.constant 0 : i32
      %dma_start3A_65 = tpu.memref_slice %arg6[%arg0, %mul3A_64, %dma_start3A] : memref<2x10240x128xf32, #tpu.memory_space<hbm>> -> memref<1x640x128xf32, #tpu.memory_space<hbm>>
      %dma_start3A_66 = tpu.memref_squeeze %dma_start3A_65 : memref<1x640x128xf32, #tpu.memory_space<hbm>> -> memref<640x128xf32, #tpu.memory_space<hbm>>
      %dma_start3A_67 = arith.constant 0 : i32
      %dma_start3A_68 = tpu.memref_slice %arg7[%mul3A_64, %dma_start3A_67] : memref<10240x128xf32, #tpu.memory_space<vmem_shared>> -> memref<640x128xf32, #tpu.memory_space<vmem_shared>>
      tpu.enqueue_dma source(%dma_start3A_68 : memref<640x128xf32, #tpu.memory_space<vmem_shared>>) target(%dma_start3A_66 : memref<640x128xf32, #tpu.memory_space<hbm>>) target_semaphore(%run_scoped3A : memref<!tpu.dma_semaphore, #tpu.memory_space<semaphore_mem>>)
      %dma_wait3A = arith.constant 0 : i32
      %dma_wait3A_69 = tpu.memref_slice %arg6[%arg0, %mul3A_64, %dma_wait3A] : memref<2x10240x128xf32, #tpu.memory_space<hbm>> -> memref<1x640x128xf32, #tpu.memory_space<hbm>>
      %dma_wait3A_70 = tpu.memref_squeeze %dma_wait3A_69 : memref<1x640x128xf32, #tpu.memory_space<hbm>> -> memref<640x128xf32, #tpu.memory_space<hbm>>
      %dma_wait3A_71 = arith.constant 0 : i32
      %dma_wait3A_72 = tpu.memref_slice %arg7[%mul3A_64, %dma_wait3A_71] : memref<10240x128xf32, #tpu.memory_space<vmem_shared>> -> memref<640x128xf32, #tpu.memory_space<vmem_shared>>
      tpu.wait_dma2 semaphore(%run_scoped3A : memref<!tpu.dma_semaphore, #tpu.memory_space<semaphore_mem>>) src(%dma_wait3A_72 : memref<640x128xf32, #tpu.memory_space<vmem_shared>>) dst(%dma_wait3A_70 : memref<640x128xf32, #tpu.memory_space<hbm>>)
      tpu.yield
    }) : () -> ()
    return
  }
}

</mosaic_0001>

<sc_bundles>
// kernel: _sc_call.3.cloned.1.call-start
scs
__scs_entry_jumppad:
0x0: {  	(pc) =	sbr.rel $0x88, $3  }
0x1: {  	(tag) =	ssettag $0x0;
	lr =	simm.s32 $0x1  }
0x2: {  	[smem:$0x3F9D] =	sst lr;
	_ =	strace $0xD0000000  }
0x3: {  	_ = 	snop  }
0x4: {  	_ = 	snop  }
0x5: {  	_ = 	snop  }
0x6: {  	_ = 	snop  }
0x7: {  	_ = 	snop  }
__scs_overlays_trampoline_lowered:
0x8: {  	[smem:$0x3FAC] =	sst s0  }
0x9: {  	[smem:$0x3FAD] =	sst s1  }
0xa: {  	[smem:$0x3FAE] =	sst s2  }
0xb: {  	[smem:$0x3FAF] =	sst s3  }
0xc: {  	[smem:$0x3FB0] =	sst s4  }
0xd: {  	[smem:$0x3FB1] =	sst s5  }
0xe: {  	[smem:$0x3FB2] =	sst s6  }
0xf: {  	[smem:$0x3FB3] =	sst s7  }
0x10: {  	[smem:$0x3FB4] =	sst s8  }
0x11: {  	[smem:$0x3FB5] =	sst s9;
	s0 =	simm.s32 @!p0 $0x0  }
0x12: {  	s1 =	sld [smem:$0x3F9B];
	s0 =	simm.s32 @p0 $0x1  }
0x13: {  	[smem:$0x3FB6] =	sst s0;
	s0 =	simm.s32 @!p1 $0x0  }
0x14: {  	s2 =	sld [smem:$0x3F9A];
	s0 =	simm.s32 @p1 $0x1  }
0x15: {  	[smem:$0x3FB7] =	sst s0;
	s0 =	simm.s32 @!p2 $0x0  }
0x16: {  	s3 =	sld [smem:$0x3FDB];
	s0 =	simm.s32 @p2 $0x1  }
0x17: {  	s4 =	simm.s32 $0x1BF5;
	[smem:$0x3FB9] =	sst s0  }
0x18: {  	s0 =	sld [smem:$0x3F9C];
	_ =	swait.ge [sflag:s4], $0x0  }
0x19: {  	s7 =	sld [smem:$0x3F9D]  }
0x1a: {  	s8 =	sadd.s32 $0xFFFFE003, lr  }
0x1b: {  	s9 =	sadd.s32 $0xFFFFFEF7, lr;
	s5 =	simm.s32 $0xFFFFFFFF;
	p2 =	slt.u32 s8, $0xFFFFF086  }
0x1c: {  	p1 =	slt.u32 s9, $0xF7A;
	s5 =	simm.s32 @!p2 $0x0  }
0x1d: {  	s5 =	simm.s32 @p1 $0x1;
	p0 =	seq.s32 s7, s2  }
0x1e: {  	s7 =	smul.u32 @!p0 $0xF7A, s2;
	p2 =	seq.s32 @!p0 s5, $0x0  }
0x1f: {  	s9 =	smul.u32 $0xF7A, s1;
	s8 =	simm.s32 @!p0 $0x1BF5;
	p2 =	por !p2, p0  }
0x20: {  	[sflag:s8] =	ssyncset.s32 @!p0 $0xFFFFF086;
	s6 =	sadd.s32 @!p0 s3, s7;
	s7 =	simm.s32 @!p0 $0x108  }
0x21: {  	s3 =	sadd.s32 s3, s9;
	s6 =	sadd.s32 @!p0 $0x88, s6;
	s7 =	simm.s32 @p2 $0x1082  }
0x22: {  	[simem:s7], [sflag:s8] =	dma.local @!p0 [hbm:s6], $0xF7A  }
0x23: {  	s9 =	sor.u32 $0xD0000000, s2;
	s6 =	simm.s32 $0x108;
	_ =	swait.ge @!p0 [sflag:s8], $0x0  }
0x24: {  	s3 =	sadd.s32 $0x88, s3;
	s6 =	simm.s32 @!p1 $0x1082;
	[sflag:s4] =	ssyncset.s32 $0xFFFFF086  }
0x25: {  	[simem:s6], [sflag:s4] =	dma.local [hbm:s3], $0xF7A  }
0x26: {  	[smem:$0x3F9D] =	sst s1;
	(tag) =	ssettag s2;
	_ =	strace s9  }
0x27: {  	s1 =	sld [smem:$0x3FAD]  }
0x28: {  	s2 =	sld [smem:$0x3FAE]  }
0x29: {  	s4 =	sld [smem:$0x3FB0]  }
0x2a: {  	p0 =	seq.s32 s5, $0x0;
	s5 =	sld [smem:$0x3FB1]  }
0x2b: {  	s6 =	sld [smem:$0x3FB2]  }
0x2c: {  	s7 =	sld [smem:$0x3FB3]  }
0x2d: {  	s3 =	simm.s32 $0x108;
	s8 =	sld [smem:$0x3FB4]  }
0x2e: {  	s3 =	simm.s32 @!p0 $0x1082;
	s9 =	sld [smem:$0x3FB5]  }
0x2f: {  	lr =	sadd.s32 s0, s3;
	s0 =	sld [smem:$0x3FAC]  }
0x30: {  	s3 =	sld [smem:$0x3FAF]  }
0x31: {  	[smem:$0x3FB8] =	sst s10  }
0x32: {  	s10 =	sld [smem:$0x3FB6];
	_ =	sdelay $0x3  }
0x33: {  	p0 =	seq.s32 s10, $0x1;
	s10 =	sld [smem:$0x3FB8];
	_ =	sdelay $0x3  }
0x34: {  	[smem:$0x3FB8] =	sst s10  }
0x35: {  	s10 =	sld [smem:$0x3FB7];
	_ =	sdelay $0x3  }
0x36: {  	p1 =	seq.s32 s10, $0x1;
	s10 =	sld [smem:$0x3FB8];
	_ =	sdelay $0x3  }
0x37: {  	[smem:$0x3FB8] =	sst s10  }
0x38: {  	s10 =	sld [smem:$0x3FB9]  }
0x39: {  	_ = 	snop;
	(pc) =	sbr.ind lr, $3  }
0x3a: {  	_ = 	snop  }
0x3b: {  	_ = 	snop  }
0x3c: {  	p2 =	seq.s32 s10, $0x1;
	s10 =	sld [smem:$0x3FB8]  }
0x3d: {  	_ =	shalt  }
0x3e: {  	_ =	shalt  }
0x3f: {  	_ =	shalt  }
0x40: {  	_ =	shalt  }
0x41: {  	_ =	shalt  }
0x42: {  	_ =	shalt  }
0x43: {  	_ =	shalt  }
0x44: {  	_ =	shalt  }
0x45: {  	_ =	shalt  }
0x46: {  	_ =	shalt  }
0x47: {  	_ =	shalt  }
0x48: {  	_ =	shalt  }
0x49: {  	_ =	shalt  }
0x4a: {  	_ =	shalt  }
0x4b: {  	_ =	shalt  }
0x4c: {  	_ =	shalt  }
0x4d: {  	_ =	shalt  }
0x4e: {  	_ =	shalt  }
0x4f: {  	_ =	shalt  }
0x50: {  	_ =	shalt  }
0x51: {  	_ =	shalt  }
0x52: {  	_ =	shalt  }
0x53: {  	_ =	shalt  }
0x54: {  	_ =	shalt  }
0x55: {  	_ =	shalt  }
0x56: {  	_ =	shalt  }
0x57: {  	_ =	shalt  }
0x58: {  	_ =	shalt  }
0x59: {  	_ =	shalt  }
0x5a: {  	_ =	shalt  }
0x5b: {  	_ =	shalt  }
0x5c: {  	_ =	shalt  }
0x5d: {  	_ =	shalt  }
0x5e: {  	_ =	shalt  }
0x5f: {  	_ =	shalt  }
0x60: {  	_ =	shalt  }
0x61: {  	_ =	shalt  }
0x62: {  	_ =	shalt  }
0x63: {  	_ =	shalt  }
0x64: {  	_ =	shalt  }
0x65: {  	_ =	shalt  }
0x66: {  	_ =	shalt  }
0x67: {  	_ =	shalt  }
0x68: {  	_ =	shalt  }
0x69: {  	_ =	shalt  }
0x6a: {  	_ =	shalt  }
0x6b: {  	_ =	shalt  }
0x6c: {  	_ =	shalt  }
0x6d: {  	_ =	shalt  }
0x6e: {  	_ =	shalt  }
0x6f: {  	_ =	shalt  }
0x70: {  	_ =	shalt  }
0x71: {  	_ =	shalt  }
0x72: {  	_ =	shalt  }
0x73: {  	_ =	shalt  }
0x74: {  	_ =	shalt  }
0x75: {  	_ =	shalt  }
0x76: {  	_ =	shalt  }
0x77: {  	_ =	shalt  }
0x78: {  	_ =	shalt  }
0x79: {  	_ =	shalt  }
0x7a: {  	_ =	shalt  }
0x7b: {  	_ =	shalt  }
0x7c: {  	_ =	shalt  }
0x7d: {  	_ =	shalt  }
0x7e: {  	_ =	shalt  }
0x7f: {  	_ =	shalt  }
0x80: {  	_ =	shalt  }
0x81: {  	_ =	shalt  }
0x82: {  	_ =	shalt  }
0x83: {  	_ =	shalt  }
0x84: {  	_ =	shalt  }
0x85: {  	_ =	shalt  }
0x86: {  	_ =	shalt  }
0x87: {  	_ =	shalt  }
.Lfunc_end0:
.L_simem_size_0:
called_computation_lowered:
.L_overlay_start_0:
0x88: {  	s2 =	sld [smem:$0x3FD9]  }
0x89: {  	s3 =	sld [smem:$0x3FFE];
	_ =	sdelay $0x1  }
0x8a: {  	s1 =	srdreg.scid  }
0x8b: {  	s0 =	sand.u32 $0x1, s1  }
0x8c: {  	s18 =	sshll.u32 s0, $0xA;
	s2 =	sadd.s32 s3, s2  }
0x8d: {  	s2 =	sadd.s32 s2, s18  }
0x8e: {  	[smem:$0x3FC4] =	sst s2  }
0x8f: {  	_ = 	snop  }
0x90: {  	s2 =	sld [smem:$0x3FC9]  }
0x91: {  	s19 =	sld [smem:$0x3FC8]  }
0x92: {  	s4 =	sld [smem:$0x3FC7]  }
0x93: {  	s5 =	sld [smem:$0x3FC6]  }
0x94: {  	s6 =	sld [smem:$0x3FD0];
	(tm) =	ssettm $0x1  }
0x95: {  	s7 =	sld [smem:$0x3FFB];
	_ =	sdelay $0x3  }
0x96: {  	_ =	strace s7  }
0x97: {  	s7 =	sld [smem:$0x3FFC];
	_ =	sdelay $0x3  }
0x98: {  	_ =	strace s7  }
0x99: {  	s7 =	sld [smem:$0x3FFD];
	_ =	sdelay $0x3  }
0x9a: {  	_ =	strace s7  }
0x9b: {  	_ =	strace $0x8FFFFFFF  }
0x9c: {  	s20 =	sld [smem:$0x3FDB];
	_ =	sdelay $0x1  }
0x9d: {  	s8 =	simm.s32 $_scs_section_size  }
0x9e: {  	s9 =	simm.s32 $_size__tile_overlayer_lowered;
	s10 =	simm.s32 $_tile_overlayer_lowered  }
0x9f: {  	s23 =	simm.s32 $0x1BFF;
	s22 =	sshll.u32 s10, $0x1;
	s7 =	sadd.s32 s8, s20  }
0xa0: {  	s11 =	simm.s32 $0x0;
	s21 =	sshll.u32 s9, $0x1;
	s9 =	sadd.s32 s22, s7  }
0xa1: {  	[timem:s11], [sflag:s23] =	dma.local [hbm:s9], s21  }
0xa2: {  	_ =	swait.ge [sflag:s23], s21  }
0xa3: {  	s8 =	ssub.s32 $0x0, s21;
	[sflag:s23] =	ssyncset.done $0x0  }
0xa4: {  	[sflag:s23] =	ssyncadd.s32 s8;
	_ =	sdelay $0x1  }
0xa5: {  	s24 =	simm.s32 $0x1B8B  }
0xa6: {  	_ =	swait.ge [sflag:s24], $0x1  }
0xa7: {  	[sflag:s24] =	ssyncset.done $0x0  }
0xa8: {  	s25 =	simm.s32 $0x1B8E;
	[sflag:s24] =	ssyncadd.s32 $0xFFFFFFFF  }
0xa9: {  	s26 =	simm.s32 $execute0_lowered;
	[smem:$0x3FD2] =	sst s25  }
0xaa: {  	s8 =	sshll.u32 s26, $0x1;
	_ =	strace $0x80000046;
	[dreg:$0x1] =	wrdreg $0xFFFFFFFF  }
0xab: {  	s28 =	simm.s32 $_size_execute0_lowered;
	s7 =	sadd.s32 s7, s8;
	[dreg:$0x0] =	wrdreg $0x0  }
0xac: {  	s8 =	sshll.u32 s28, $0x1;
	[dreg:$0x2] =	wrdreg s7  }
0xad: {  	[dreg:$0x3] =	wrdreg s8  }
0xae: {  	[dreg:$0x4] =	wrdreg $0xC0  }
0xaf: {  	_ =	task [dreg:s11], $0x5FFFF  }
0xb0: {  	[dreg:$0x1] =	wrdreg $0xFFFFFFFF  }
0xb1: {  	[dreg:$0x0] =	wrdreg $0x60  }
0xb2: {  	[dreg:$0x2] =	wrdreg s2  }
0xb3: {  	[dreg:$0x3] =	wrdreg s19  }
0xb4: {  	[dreg:$0x4] =	wrdreg s4  }
0xb5: {  	[dreg:$0x5] =	wrdreg s5  }
0xb6: {  	[dreg:$0x6] =	wrdreg s6  }
0xb7: {  	[dreg:$0x7] =	wrdreg $0x0  }
0xb8: {  	[dreg:$0x8] =	wrdreg $0x9  }
0xb9: {  	_ =	task.clear_ibuf [dreg:s11], $0x9FFFF;
	_ =	strace $0x90000046  }
0xba: {  	s29 =	simm.s32 $0x9;
	_ =	strace $0x80000048  }
0xbb: {  	_ =	swait.ge [sflag:s29], $0x1  }
0xbc: {  	[sflag:s29] =	ssyncadd.s32 $0xFFFFFFFF  }
0xbd: {  	_ =	strace $0x90000048  }
0xbe: {  	_ =	sfence  }
0xbf: {  	s30 =	sld [smem:$0x0];
	_ =	sdelay $0x2  }
0xc0: {  	s31 =	sshll.u32 s1, $0xD;
	s1 =	sshrl.u32 s1, $0x2  }
0xc1: {  	s3 =	sand.u32 $0x4000, s31;
	s1 =	sadd.s32 s1, s30  }
0xc2: {  	s0 =	sor.u32 s3, s0;
	s1 =	sshll.u32 s1, $0x11  }
0xc3: {  	s0 =	sor.u32 s1, s0  }
0xc4: {  	s0 =	sadd.s32 $0x8F2B, s0  }
0xc5: {  	[sflag:s0] =	ssyncadd.remote.s32 $0x1  }
0xc6: {  	_ =	sfence.sel $0xFFFF  }
0xc7: {  	[dreg:$0x0] =	wrdreg $0xFFFFFFFF;
	(pc) =	sbr.abs _section_cstart, $3  }
0xc8: {  	[dreg:$0x1] =	wrdreg $0xFFFFFFFF  }
0xc9: {  	_ =	task.clear_ibuf [dreg:s11], $0x2FFFF;
	_ =	strace $0x9FFFFFFF  }
0xca: {  	(tm) =	ssettm $0x7FFFFFFF  }
0xcb: {  	_ =	shalt  }
tec
execute0_lowered:
.L_overlay_start_1:
0x0: {  	(tag) =	ssettag $0x1  }
0x1: {  	s0 =	rddreg [dreg:$0x0]  }
0x2: {  	v0 =	vlaneseq.u32;
	s1 =	rddreg [dreg:$0x1]  }
0x3: {  	v7 =	vimm.f32 $0.0e+00;
	vm0 =	vcmask $0x1F00;
	s3 =	rddreg [dreg:$0x3];
	v1 =	vor.u32 $0x48, v0  }
0x4: {  	s2 =	rddreg [dreg:$0x4];
	s6 =	simm.s32 $0x0;
	v37 =	vsel vm0, $0x3F800000, v7;
	[tilespmem:$0x1FE10] =	vst v1  }
0x5: {  	v55 =	vand.u32 $0x7, v0;
	[smem:$0x7FF] =	sst s6;
	[tilespmem:$0x1FE20] =	vst v37  }
0x6: {  	s5 =	rddreg [dreg:$0x5];
	v6 =	vmul.u32 $0x29, v0;
	v54 =	vand.u32 $0x3, v0;
	_ =	strace $0x80000047;
	[tilespmem:$0x1FEC0] =	vst v55  }
0x7: {  	v38 =	vand.u32 $0x1, v0;
	[tilespmem:$0x1FED0] =	vst v54  }
0x8: {  	v0 =	vshrl.u32 v0, $0x3;
	v16 =	vor.u32 $0x4, v38;
	[tilespmem:$0x1FEE0] =	vst v6  }
0x9: {  	v60 =	vadd.s32 $0x9, v0;
	[tilespmem:$0x1FFC0] =	vst v16  }
0xa: {  	v61 =	vadd.s32 $0xB, v0;
	[tilespmem:$0x1FFD0] =	vst v60  }
0xb: {  	v62 =	vadd.s32 $0xD, v0;
	[tilespmem:$0x1FFE0] =	vst v61  }
0xc: {  	v45 =	vadd.s32 $0x10, v6;
	[tilespmem:$0x1FFF0] =	vst v62  }
0xd: {  	v46 =	vadd.s32 $0x11, v6;
	[tilespmem:$0x1FE80] =	vst v45  }
0xe: {  	v47 =	vadd.s32 $0x12, v6;
	[tilespmem:$0x1FE90] =	vst v46  }
0xf: {  	v39 =	vimm.s32 $0x23222120;
	v48 =	vadd.s32 $0x13, v6;
	[tilespmem:$0x1FEA0] =	vst v47  }
0x10: {  	v41 =	vimm.s32 $0x27262524;
	v2 =	vimm.s32 $0x33323130;
	v33 =	vadd.s32 $0x5, v6;
	[tilespmem:$0x1FEB0] =	vst v48  }
0x11: {  	v3 =	vimm.s32 $0x37363534;
	v42 =	vimm.s32 $0x76543210;
	v34 =	vadd.s32 $0x6, v6;
	[tilespmem:$0x1FEF0] =	vst v33  }
0x12: {  	v43 =	vimm.s32 $0x13121110;
	s17 =	simm.s32 $0x1A100;
	v35 =	vadd.s32 $0x7, v6;
	[tilespmem:$0x1FF00] =	vst v34  }
0x13: {  	s10 =	stileid.u32;
	v49 =	vimm.s32 $0x17161514;
	v50 =	vimm.s32 $0x98DCBA98;
	v36 =	vadd.s32 $0x8, v6;
	[tilespmem:$0x1FF10] =	vst v35  }
0x14: {  	s4 =	srdreg.scid;
	v4 =	vimm.s32 $0xBA98DCBA;
	s28 =	simm.s32 $0x1E1C0;
	s19 =	smul.u32 $0x50000, s10;
	v37 =	vadd.s32 $0x9, v6;
	[tilespmem:$0x1FF20] =	vst v36  }
0x15: {  	s29 =	simm.s32 $0x16C00;
	s30 =	simm.s32 $0x18C00;
	s20 =	smul.u32 $0x14000, s10;
	v8 =	vadd.s32 $0xA, v6;
	[tilespmem:$0x1FF30] =	vst v37  }
0x16: {  	v5 =	vimm.s32 $0xDCBA98DC;
	s31 =	simm.s32 $0x1E100;
	s4 =	sand.u32 $0x1, s4;
	s13 =	smul.u32 $0xA0, s10;
	v9 =	vadd.s32 $0xB, v6;
	[tilespmem:$0x1FF40] =	vst v8  }
0x17: {  	v40 =	vunpack.c.0.s8.s32 v39;
	vm0 =	vcmask $0x1F10;
	s14 =	sadd.s32 $0x10, s3;
	s7 =	ssub.s32 $0x2, s4;
	s9 =	smul.u32 $0x140000, s4;
	v10 =	vadd.s32 $0xC, v6;
	[tilespmem:$0x1FF50] =	vst v9  }
0x18: {  	v2 =	vunpack.c.0.s8.s32 v2;
	v3 =	vunpack.c.0.s8.s32 v3;
	p0 =	seq.s32 s4, $0x1;
	v11 =	vadd.s32 $0xD, v6;
	s8 =	sshrl.u32 s7, $0x1;
	s6 =	sshrl.u32 s19, $0x2;
	[tilespmem:$0x1FF60] =	vst v10  }
0x19: {  	v44 =	vunpack.c.0.s8.s32 v43;
	v51 =	vunpack.c.l.s4.s8 v4;
	v12 =	vadd.s32 $0xE, v6;
	s19 =	simm.s32 $0x400;
	s7 =	ssub.s32 s7, s8;
	s11 =	sadd.s32 s6, s5;
	[tilespmem:$0x1FF70] =	vst v11  }
0x1a: {  	v4 =	vunpack.c.l.s4.s8 v5;
	v1 =	vunpack.c.0.s8.s32 v41;
	v13 =	vadd.s32 $0xF, v6;
	s25 =	sadd.s32 s20, s9;
	s9 =	simm.s32 $0x1E200;
	s20 =	simm.s32 $0x280000;
	[tilespmem:$0x1FF80] =	vst v12  }
0x1b: {  	v14 =	vadd.s32 $0x14, v6;
	v15 =	vadd.s32 $0x15, v6;
	v2 =	vsel vm0, v3, v2;
	s8 =	simm.s32 $0x0;
	[tilespmem:$0x1FF90] =	vst v13;
	s21 =	sadd.s32 $0x4000, s11;
	[dreg:$0x7] =	wrdreg s11  }
0x1c: {  	v59 =	vunpack.c.0.s8.s32 v51;
	v0 =	vsel vm0, v1, v40;
	v1 =	vunpack.c.l.s4.s8 v42;
	[tilespmem:$0x1FFA0] =	vst v14;
	s22 =	sadd.s32 $0x8000, s11;
	s23 =	sadd.s32 $0xC000, s11;
	[dreg:$0x8] =	wrdreg s21  }
0x1d: {  	v3 =	vunpack.c.l.s4.s8 v50;
	[tilespmem:$0x1FFB0] =	vst v15;
	s24 =	sadd.s32 $0x10000, s11;
	s4 =	sshrl.u32 s25, $0x3;
	v0 =	vcombine.low v2, v0;
	v2 =	vunpack.c.0.s8.s32 v49;
	[dreg:$0x9] =	wrdreg s22  }
.Ltmp0:
0x1e: {  	v63 =	vunpack.c.0.s8.s32 v4;
	s26 =	smax.u32 s7, $0x1;
	[tilespmem:$0x1FE60] =	vst v59;
	[dreg:$0xa] =	wrdreg s23;
	v1 =	vunpack.c.0.s8.s32 v1;
	(pc) =	sbr.rel .LBB2_1-.Ltmp0, $4  }
0x1f: {  	s25 =	simm.s32 $0x40;
	v53 =	vunpack.c.0.s8.s32 v3;
	s7 =	simm.s32 $0x80;
	[dreg:$0xb] =	wrdreg s24;
	[tilespmem:$0x1FE30] =	vst v0;
	v0 =	vsel vm0, v2, v44  }
0x20: {  	[tilespmem:$0x1FE70] =	vst v63;
	s2 =	sadd.s32 s2, s4;
	[dreg:$0xd] =	wrdreg s26;
	s21 =	simm.s32 $0x4;
	v0 =	vcombine.low v0, v1  }
0x21: {  	v56 =	vimm.s32 $0x5;
	v57 =	vimm.s32 $0x6;
	s23 =	simm.s32 $0x14800;
	s24 =	simm.s32 $0x1E180;
	s26 =	simm.s32 $0x14C00;
	[tilespmem:$0x1FE50] =	vst v53  }
0x22: {  	v58 =	vimm.s32 $0x7;
	v52 =	vimm.s32 $0x8;
	s4 =	simm.s32 $0x1;
	[dreg:$0xc] =	wrdreg s2;
	s2 =	simm.s32 $0x2;
	vm0 =	vmmov $0xff;
	[tilespmem:$0x1FE40] =	vst v0  }
.LBB2_20:
0x23: {  	s6 =	simm.s32 $0x3  }
0x24: {  	_ =	swait.ge [sflag:s6], $0x4000  }
0x25: {  	[sflag:s6] =	ssyncset.done $0x0  }
0x26: {  	[sflag:s6] =	ssyncadd.s32 $0xFFFFC000  }
0x27: {  	s16 =	stileid.u32;
	[bflag:$0x0] =	sbarrier.arrive $0xFFFF  }
0x28: {  	s6 =	sshll.u32 s16, $0x6;
	s11 =	rddreg [dreg:$0x7]  }
0x29: {  	s6 =	sor.u32 $0x1C04, s6;
	s9 =	rddreg [dreg:$0xc];
	s8 =	sshrl.u32 s11, $0x3  }
0x2a: {  	[hbm:s9], [sflag:s6] =	dma.local [spmem:s8], $0x2800  }
0x2b: {  	_ =	swait.ge [sflag:s21], $0x2800  }
0x2c: {  	s18 =	rddreg [dreg:$0xe]  }
0x2d: {  	s22 =	rddreg [dreg:$0xd];
	s8 =	sadd.s32 $0x1, s18  }
0x2e: {  	p1 =	sne.s32 s8, s22  }
.Ltmp1:
0x2f: {  	_ = 	snop;
	(pc) =	sbr.rel @!p1 .LBB2_21-.Ltmp1, $3  }
0x30: {  	_ =	sdelay $0x1  }
0x31: {  	[sflag:s21] =	ssyncset.done $0x0  }
0x32: {  	v7 =	vimm.f32 $0.0e+00;
	s9 =	simm.s32 $0x1E200;
	[sflag:s21] =	ssyncadd.s32 $0xFFFFD800  }
.LBB2_1:
0x33: {  	[dreg:$0xe] =	wrdreg s8;
	s6 =	simm.s32 $0x0;
	s8 =	simm.s32 $0x200  }
.LBB2_2:
0x34: {  	p1 =	sne.s32 s8, $0xFE00;
	[tilespmem:s6+$0x1A170] =	vst v7  }
0x35: {  	[tilespmem:s6+$0x1A100] =	vst v7  }
0x36: {  	[tilespmem:s6+$0x1A110] =	vst v7  }
.Ltmp2:
0x37: {  	[tilespmem:s6+$0x1A120] =	vst v7;
	(pc) =	sbr.rel @p1 .LBB2_2-.Ltmp2, $4  }
0x38: {  	[tilespmem:s6+$0x1A130] =	vst v7  }
0x39: {  	[tilespmem:s6+$0x1A140] =	vst v7  }
0x3a: {  	[tilespmem:s6+$0x1A150] =	vst v7  }
0x3b: {  	[tilespmem:s6+$0x1A160] =	vst v7;
	s6 =	sshra.s32 s8, $0x2;
	s8 =	sadd.s32 $0x200, s8  }
0x3c: {  	[tilespmem:s6+$0x1A170] =	vst v7  }
0x3d: {  	[tilespmem:s6+$0x1A100] =	vst v7  }
0x3e: {  	[tilespmem:s6+$0x1A110] =	vst v7  }
0x3f: {  	[tilespmem:s6+$0x1A120] =	vst v7  }
0x40: {  	[tilespmem:s6+$0x1A130] =	vst v7  }
0x41: {  	[tilespmem:s6+$0x1A140] =	vst v7  }
0x42: {  	[tilespmem:s6+$0x1A150] =	vst v7  }
0x43: {  	[tilespmem:s6+$0x1A160] =	vst v7  }
0x44: {  	[spmem:s11] =	stream.linear.scatter [tilespmem:s17], [sflag:$0x4], $0x4000, $0x38;
	[tilespmem:$0x1E280] =	vst v63  }
0x45: {  	_ =	swait.ge [sflag:s21], $0x4000  }
0x46: {  	[sflag:s21] =	ssyncset.done $0x0  }
0x47: {  	s12 =	rddreg [dreg:$0x8];
	[sflag:s21] =	ssyncadd.s32 $0xFFFFC000  }
0x48: {  	[spmem:s12] =	stream.linear.scatter [tilespmem:s17], [sflag:$0x4], $0x4000, $0x38;
	[tilespmem:$0x1E280] =	vst v63  }
0x49: {  	_ =	swait.ge [sflag:s21], $0x4000  }
0x4a: {  	[sflag:s21] =	ssyncset.done $0x0  }
0x4b: {  	s15 =	rddreg [dreg:$0x9];
	[sflag:s21] =	ssyncadd.s32 $0xFFFFC000  }
0x4c: {  	[spmem:s15] =	stream.linear.scatter [tilespmem:s17], [sflag:$0x4], $0x4000, $0x38;
	[tilespmem:$0x1E280] =	vst v63  }
0x4d: {  	_ =	swait.ge [sflag:s21], $0x4000  }
0x4e: {  	[sflag:s21] =	ssyncset.done $0x0  }
0x4f: {  	s16 =	rddreg [dreg:$0xa];
	[sflag:s21] =	ssyncadd.s32 $0xFFFFC000  }
0x50: {  	[spmem:s16] =	stream.linear.scatter [tilespmem:s17], [sflag:$0x4], $0x4000, $0x38;
	[tilespmem:$0x1E280] =	vst v63  }
0x51: {  	_ =	swait.ge [sflag:s21], $0x4000  }
0x52: {  	[sflag:s21] =	ssyncset.done $0x0  }
0x53: {  	s18 =	rddreg [dreg:$0xb];
	[sflag:s21] =	ssyncadd.s32 $0xFFFFC000  }
0x54: {  	[spmem:s18] =	stream.linear.scatter [tilespmem:s17], [sflag:$0x4], $0x4000, $0x38;
	[tilespmem:$0x1E280] =	vst v63  }
0x55: {  	_ =	swait.ge [sflag:s21], $0x4000  }
0x56: {  	[sflag:s21] =	ssyncset.done $0x0  }
0x57: {  	[sflag:s21] =	ssyncadd.s32 $0xFFFFC000  }
0x58: {  	s8 =	simm.s32 $0x0;
	s22 =	rddreg [dreg:$0x2]  }
0x59: {  	[tilespmem:s9], [sflag:$0x4] =	stream.linear.gather [hbm4b:s22+s8], $0x80, $0x38;
	[tilespmem:$0x1E280] =	vst v63  }
.Ltmp3:
0x5a: {  	_ =	swait.ge [sflag:s21], $0x80;
	(pc) =	sbr.rel @!p0 .LBB2_4-.Ltmp3, $3  }
0x5b: {  	[sflag:s21] =	ssyncset.done $0x0  }
0x5c: {  	[sflag:s21] =	ssyncadd.s32 $0xFFFFFF80  }
0x5d: {  	[bflag:$0x0] =	sbarrier.arrive $0xFFFF;
	_ =	sdelay $0x1  }
0x5e: {  	v0 =	vld [tilespmem:$0x1FE10];
	_ =	sdelay $0x5  }
0x5f: {  	v59 =	vld [tilespmem:$0x1E238]  }
0x60: {  	v63 =	vld [tilespmem:$0x1FE20]  }
0x61: {  	v1 =	vld.idx.msk [tilespmem:v0+s9+$0x0], $0xffff;
	_ =	sdelay $0x4  }
0x62: {  	[tilespmem:$0x1F940] =	vst v59;
	v0 =	vmul.f32 v63, v1  }
0x63: {  	[tilespmem:$0x1F950] =	vst v1  }
0x64: {  	s10 =	simm.s32 $0x0;
	s9 =	simm.s32 $0x0;
	[tilespmem:$0x1F960] =	vst v0  }
.LBB2_13:
0x65: {  	s6 =	sadd.s32 s13, s10  }
0x66: {  	s8 =	sshll.u32 s6, $0x7  }
0x67: {  	s11 =	simm.s32 $0x14000;
	s8 =	sadd.s32 s0, s8  }
0x68: {  	[tilespmem:s11], [sflag:$0x4] =	stream.strided.gather [hbm4b:s8+s19], $0x800, s20, s19, $0x38;
	[tilespmem:$0x1E280] =	vst v63  }
0x69: {  	s8 =	sadd.s32 $0xA0000, s8  }
0x6a: {  	[tilespmem:s23], [sflag:$0x4] =	stream.linear.gather [hbm4b:s8+s9], $0x80, $0x38;
	[tilespmem:$0x1E280] =	vst v63  }
0x6b: {  	_ =	swait.ge [sflag:s21], $0x880  }
0x6c: {  	s11 =	sshll.u32 s6, $0x5;
	[sflag:s21] =	ssyncset.done $0x0  }
0x6d: {  	s6 =	sadd.s32 s11, s14;
	[sflag:s21] =	ssyncadd.s32 $0xFFFFF780  }
0x6e: {  	[tilespmem:s24], [sflag:$0x4] =	stream.linear.gather [hbm4b:s6+s9], $0x80, $0x38;
	[tilespmem:$0x1E280] =	vst v63  }
0x6f: {  	s15 =	simm.s32 $0x10;
	_ =	swait.ge [sflag:s21], $0x80  }
0x70: {  	v0 =	vmov s15;
	[sflag:s21] =	ssyncset.done $0x0  }
0x71: {  	v0 =	vmul.u32 $0x29, v0;
	[sflag:s21] =	ssyncadd.s32 $0xFFFFFF80  }
0x72: {  	[tilespmem:s26], [sflag:$0x1] =	stream.indirect.gather [hbm4b:s1+s25], $0x80, s24, s25, $0xb8;
	[tilespmem:$0x1E280] =	vst v63  }
0x73: {  	s16 =	simm.s32 $0x14410;
	v1 =	vbroadcast v0, $0x0  }
0x74: {  	[tilespmem:s29], [sflag:$0x2] =	stream.indirect.gather [hbm4b:s1+s25], $0x80, s28, s25, $0xb8;
	[tilespmem:$0x1E280] =	vst v63  }
0x75: {  	v0 =	vmov s9;
	v2 =	vadd.s32 v33, v1;
	v4 =	vld [tilespmem:s16+$0xFFFFFE80]  }
0x76: {  	v0 =	vmul.u32 $0x29, v0;
	_ =	sdelay $0x1  }
0x77: {  	v3 =	vbroadcast v0, $0x0;
	_ =	sdelay $0x1  }
0x78: {  	v5 =	vadd.s32 v33, v3;
	v0 =	vld [tilespmem:s16+$0xFFFFFE70];
	[tilespmem:v2+s30+$0x0] =	vst.idx.msk $0xffff, v4  }
0x79: {  	v2 =	vadd.s32 v34, v1;
	v4 =	vld [tilespmem:s16+$0xFFFFFF00];
	_ =	sdelay $0x3  }
0x7a: {  	[tilespmem:v5+s30+$0x0] =	vst.idx.msk $0xffff, v0  }
0x7b: {  	v0 =	vadd.s32 v34, v3;
	v5 =	vld [tilespmem:s16+$0xFFFFFEF0];
	[tilespmem:v2+s30+$0x0] =	vst.idx.msk $0xffff, v4  }
0x7c: {  	v2 =	vadd.s32 v35, v1;
	v4 =	vld [tilespmem:s16+$0xFFFFFF80];
	_ =	sdelay $0x3  }
0x7d: {  	[tilespmem:v0+s30+$0x0] =	vst.idx.msk $0xffff, v5  }
0x7e: {  	v0 =	vadd.s32 v35, v3;
	v5 =	vld [tilespmem:s16+$0xFFFFFF70];
	[tilespmem:v2+s30+$0x0] =	vst.idx.msk $0xffff, v4  }
0x7f: {  	v2 =	vadd.s32 v36, v1;
	v4 =	vld [tilespmem:s16+$0x0];
	_ =	sdelay $0x3  }
0x80: {  	[tilespmem:v0+s30+$0x0] =	vst.idx.msk $0xffff, v5  }
0x81: {  	v0 =	vadd.s32 v36, v3;
	v5 =	vld [tilespmem:s16+$0xFFFFFFF0];
	[tilespmem:v2+s30+$0x0] =	vst.idx.msk $0xffff, v4  }
0x82: {  	v2 =	vadd.s32 v37, v1;
	v4 =	vld [tilespmem:s16+$0x80];
	_ =	sdelay $0x3  }
0x83: {  	[tilespmem:v0+s30+$0x0] =	vst.idx.msk $0xffff, v5  }
0x84: {  	[tilespmem:v2+s30+$0x0] =	vst.idx.msk $0xffff, v4  }
0x85: {  	v27 =	vld [tilespmem:$0x1FF40];
	_ =	sdelay $0x3  }
0x86: {  	v0 =	vadd.s32 v37, v3;
	v5 =	vld [tilespmem:s16+$0x70]  }
0x87: {  	v4 =	vld [tilespmem:s16+$0x100];
	v2 =	vadd.s32 v27, v1;
	_ =	sdelay $0x3  }
0x88: {  	[tilespmem:v0+s30+$0x0] =	vst.idx.msk $0xffff, v5  }
0x89: {  	[tilespmem:v2+s30+$0x0] =	vst.idx.msk $0xffff, v4  }
0x8a: {  	v28 =	vld [tilespmem:$0x1FF50];
	_ =	sdelay $0x3  }
0x8b: {  	v5 =	vld [tilespmem:s16+$0xF0];
	v0 =	vadd.s32 v27, v3  }
0x8c: {  	v4 =	vld [tilespmem:s16+$0x180];
	v2 =	vadd.s32 v28, v1;
	_ =	sdelay $0x3  }
0x8d: {  	[tilespmem:v0+s30+$0x0] =	vst.idx.msk $0xffff, v5  }
0x8e: {  	[tilespmem:v2+s30+$0x0] =	vst.idx.msk $0xffff, v4  }
0x8f: {  	v29 =	vld [tilespmem:$0x1FF60];
	_ =	sdelay $0x3  }
0x90: {  	v5 =	vld [tilespmem:s16+$0x170];
	v0 =	vadd.s32 v28, v3  }
0x91: {  	v4 =	vld [tilespmem:s16+$0x200];
	v2 =	vadd.s32 v29, v1;
	_ =	sdelay $0x3  }
0x92: {  	[tilespmem:v0+s30+$0x0] =	vst.idx.msk $0xffff, v5  }
0x93: {  	[tilespmem:v2+s30+$0x0] =	vst.idx.msk $0xffff, v4  }
0x94: {  	v30 =	vld [tilespmem:$0x1FF70];
	_ =	sdelay $0x3  }
0x95: {  	v5 =	vld [tilespmem:s16+$0x1F0];
	v0 =	vadd.s32 v29, v3  }
0x96: {  	v6 =	vld [tilespmem:s16+$0x280];
	v4 =	vadd.s32 v30, v1;
	_ =	sdelay $0x3  }
0x97: {  	s18 =	simm.s32 $0x30;
	[tilespmem:v0+s30+$0x0] =	vst.idx.msk $0xffff, v5  }
0x98: {  	v2 =	vmov s18;
	[tilespmem:v4+s30+$0x0] =	vst.idx.msk $0xffff, v6  }
0x99: {  	v2 =	vmul.u32 $0x29, v2;
	v31 =	vld [tilespmem:$0x1FF80];
	_ =	sdelay $0x1  }
0x9a: {  	v2 =	vbroadcast v2, $0x0  }
0x9b: {  	s12 =	simm.s32 $0x14430;
	v7 =	vld [tilespmem:s16+$0x270];
	v5 =	vadd.s32 v30, v3  }
0x9c: {  	v9 =	vld [tilespmem:s12+$0xFFFFFE80];
	v8 =	vadd.s32 v33, v2  }
0x9d: {  	s22 =	simm.s32 $0x20;
	v10 =	vld [tilespmem:s16+$0x300];
	v6 =	vadd.s32 v31, v1  }
0x9e: {  	v0 =	vmov s22  }
0x9f: {  	v0 =	vmul.u32 $0x29, v0  }
0xa0: {  	[tilespmem:v5+s30+$0x0] =	vst.idx.msk $0xffff, v7  }
0xa1: {  	v4 =	vbroadcast v0, $0x0;
	[tilespmem:v8+s30+$0x0] =	vst.idx.msk $0xffff, v9  }
0xa2: {  	v0 =	vld [tilespmem:s12+$0xFFFFFE70];
	[tilespmem:v6+s30+$0x0] =	vst.idx.msk $0xffff, v10  }
0xa3: {  	v11 =	vadd.s32 v33, v4;
	v32 =	vld [tilespmem:$0x1FF90]  }
0xa4: {  	v7 =	vld [tilespmem:s16+$0x2F0];
	v5 =	vadd.s32 v31, v3  }
0xa5: {  	v8 =	vadd.s32 v34, v2;
	v6 =	vld [tilespmem:s12+$0xFFFFFF00];
	_ =	sdelay $0x2  }
0xa6: {  	v9 =	vld [tilespmem:s16+$0x380];
	[tilespmem:v11+s30+$0x0] =	vst.idx.msk $0xffff, v0;
	v10 =	vadd.s32 v32, v1  }
0xa7: {  	[tilespmem:v5+s30+$0x0] =	vst.idx.msk $0xffff, v7  }
0xa8: {  	[tilespmem:v8+s30+$0x0] =	vst.idx.msk $0xffff, v6;
	v6 =	vld [tilespmem:s16+$0x370];
	v5 =	vadd.s32 v32, v3  }
0xa9: {  	v7 =	vadd.s32 v34, v4;
	v0 =	vld [tilespmem:s12+$0xFFFFFEF0];
	_ =	sdelay $0x1  }
0xaa: {  	v8 =	vld [tilespmem:s12+$0xFFFFFF80];
	[tilespmem:v10+s30+$0x0] =	vst.idx.msk $0xffff, v9;
	v9 =	vadd.s32 v35, v2  }
0xab: {  	v10 =	vld [tilespmem:s16+$0x400]  }
0xac: {  	[tilespmem:v5+s30+$0x0] =	vst.idx.msk $0xffff, v6  }
0xad: {  	[tilespmem:v7+s30+$0x0] =	vst.idx.msk $0xffff, v0;
	v11 =	vld [tilespmem:s16+$0x3F0]  }
0xae: {  	v12 =	vld [tilespmem:s12+$0xFFFFFF70];
	v6 =	vadd.s32 v35, v4  }
0xaf: {  	[tilespmem:v9+s30+$0x0] =	vst.idx.msk $0xffff, v8  }
0xb0: {  	v7 =	vadd.s32 v36, v2;
	v0 =	vmul.f32 $2.000000030e-01, v10;
	v13 =	vld [tilespmem:s12+$0x0]  }
0xb1: {  	v5 =	vmul.f32 v10, v10;
	v8 =	vadd.f32 $-1.666666630e+00, v10;
	v14 =	vadd.f32 $-3.333333250e+00, v10  }
0xb2: {  	v16 =	vadd.s32 v36, v4;
	v10 =	vadd.f32 $-5.000000000e+00, v10;
	v17 =	vadd.f32 $-1.666666630e+00, v11  }
0xb3: {  	[tilespmem:v6+s30+$0x0] =	vst.idx.msk $0xffff, v12;
	v6 =	vmul.f32 v11, v11;
	v0 =	vmax.f32 v0, $0.0e+00;
	v18 =	vmul.f32 $-3.199999930e-01, v5  }
0xb4: {  	v14 =	vmul.f32 v14, v14;
	v12 =	vmul.f32 v8, v8;
	v15 =	vmin.f32 v0, $1.000000000e+00  }
0xb5: {  	v19 =	vld [tilespmem:s12+$0xFFFFFFF0];
	v0 =	vmul.f32 v10, v10;
	v10 =	vmul.f32 $2.000000030e-01, v11;
	v8 =	vsub.f32 $5.000000000e-01, v15;
	[tilespmem:v7+s30+$0x0] =	vst.idx.msk $0xffff, v13  }
0xb6: {  	v9 =	vadd.s32 v37, v2;
	v21 =	vmul.f32 $-3.199999930e-01, v14;
	v13 =	vmul.f32 v17, v17;
	v17 =	vld [tilespmem:s12+$0x80]  }
0xb7: {  	v7 =	vadd.f32 $-3.333333250e+00, v11;
	v10 =	vmax.f32 v10, $0.0e+00;
	v14 =	vmul.f32 v8, v8  }
0xb8: {  	v5 =	vmul.f32 $-7.999999820e-02, v5;
	v15 =	vmul.f32 $-3.199999930e-01, v6;
	v10 =	vmin.f32 v10, $1.000000000e+00  }
0xb9: {  	v20 =	vmul.f32 v7, v7;
	v7 =	vsub.f32 $5.000000000e-01, v10;
	v22 =	vmul.f32 $7.721839100e-02, v14  }
0xba: {  	v12 =	vmul.f32 $-3.199999930e-01, v12;
	v11 =	vadd.f32 $-5.000000000e+00, v11;
	[tilespmem:v16+s30+$0x0] =	vst.idx.msk $0xffff, v19;
	v10 =	vmul.f32 $-3.199999930e-01, v13  }
0xbb: {  	v19 =	vadd.s32 v37, v4;
	v13 =	vmul.f32 v7, v7;
	v16 =	vadd.f32 $-5.980442170e-01, v22;
	v22 =	vld [tilespmem:s12+$0x70];
	[tilespmem:v9+s30+$0x0] =	vst.idx.msk $0xffff, v17  }
0xbc: {  	v23 =	vadd.s32 v27, v2;
	v20 =	vmul.f32 $-3.199999930e-01, v20;
	v10 =	vmul.f32 $1.442695020e+00, v10;
	v24 =	vld [tilespmem:s12+$0x100]  }
0xbd: {  	v9 =	vmul.f32 v11, v11;
	v11 =	vmul.f32 $7.721839100e-02, v13  }
0xbe: {  	v17 =	vmul.f32 $1.442695020e+00, v12;
	v16 =	vmul.f32 v16, v14  }
0xbf: {  	v12 =	vmul.f32 $1.442695020e+00, v20;
	v20 =	vmul.f32 $-3.199999930e-01, v9;
	v11 =	vadd.f32 $-5.980442170e-01, v11  }
0xc0: {  	v25 =	vmul.f32 $-7.999999820e-02, v9;
	(erf) = vpow2.f32 v17;
	v16 =	vadd.f32 $2.550031190e+00, v16;
	[tilespmem:v19+s30+$0x0] =	vst.idx.msk $0xffff, v22  }
0xc1: {  	v17 =	vadd.s32 v27, v4;
	v9 =	vmul.f32 $1.442695020e+00, v20;
	v26 =	vmul.f32 v11, v13;
	v20 =	vld [tilespmem:s12+$0xF0];
	[tilespmem:v23+s30+$0x0] =	vst.idx.msk $0xffff, v24  }
0xc2: {  	s15 =	simm.s32 $0x14430;
	v11 =	vmul.f32 $1.442695020e+00, v25;
	v19 =	vadd.s32 v28, v2;
	v22 =	vmul.f32 v16, v14;
	v23 =	vld [tilespmem:s12+$0x180]  }
0xc3: {  	v16 =	vmul.f32 $1.442695020e+00, v21;
	v24 =	vmul.f32 $1.442695020e+00, v18;
	v26 =	vadd.f32 $2.550031190e+00, v26;
	v39 =	vld [tilespmem:$0x1FFA0]  }
0xc4: {  	s6 =	simm.s32 $0x40;
	v18 =	vmul.f32 $-3.199999930e-01, v0;
	v25 =	vadd.f32 $-5.167706970e+00, v22;
	v40 =	vld [tilespmem:$0x1FFB0]  }
.LBB2_14:
0xc5: {  	p1 =	slt.u32 s6, $0x60;
	v21 =	vadd.s32 v29, v2;
	v15 =	vmul.f32 $1.442695020e+00, v15;
	(erf) = vpow2.f32 v24;
	s8 =	smov.u32 s6;
	s6 =	sadd.s32 $0x20, s6  }
0xc6: {  	[tilespmem:v17+s30+$0x0] =	vst.idx.msk $0xffff, v20;
	v17 =	vmul.f32 v26, v13;
	v14 =	vmul.f32 v25, v14  }
0xc7: {  	s16 =	sadd.s32 $0x10, s8;
	v20 =	vadd.s32 v28, v4;
	v18 =	vmul.f32 $1.442695020e+00, v18;
	v22 =	vld [tilespmem:s12+$0x170];
	(erf) = vpow2.f32 v15  }
0xc8: {  	v15 =	vmov s8;
	v25 =	vmov s16;
	[tilespmem:v19+s30+$0x0] =	vst.idx.msk $0xffff, v23;
	v14 =	vadd.f32 $3.141592500e+00, v14  }
0xc9: {  	v15 =	vmul.u32 $0x29, v15;
	v19 =	vmul.u32 $0x29, v25;
	v17 =	vadd.f32 $-5.167706970e+00, v17;
	v23 =	vld [tilespmem:s12+$0x200];
	v24 =	vpop (erf)  }
0xca: {  	v25 =	vadd.s32 v47, v3;
	v8 =	vmul.f32 v14, v8;
	(erf) = vpow2.f32 v18  }
0xcb: {  	v14 =	vbroadcast v19, $0x0;
	v18 =	vadd.s32 v29, v4;
	v13 =	vmul.f32 v17, v13  }
0xcc: {  	s12 =	sadd.s32 $0x20, s12;
	v15 =	vbroadcast v15, $0x0;
	[tilespmem:v20+s30+$0x0] =	vst.idx.msk $0xffff, v22;
	v8 =	vadd.f32 $1.000000000e+00, v8;
	(erf) = vpow2.f32 v10  }
0xcd: {  	v10 =	vadd.s32 v33, v14;
	v13 =	vadd.f32 $3.141592500e+00, v13;
	v17 =	vld [tilespmem:s15+$0x1F0];
	(erf) = vpow2.f32 v12  }
0xce: {  	v5 =	vmul.f32 $1.442695020e+00, v5;
	v12 =	vadd.s32 v45, v1;
	[tilespmem:v21+s30+$0x0] =	vst.idx.msk $0xffff, v23;
	v8 =	vmul.f32 $5.000000000e-01, v8;
	v19 =	vpop (erf)  }
0xcf: {  	v20 =	vadd.s32 v30, v2;
	v7 =	vmul.f32 v13, v7;
	v21 =	vld [tilespmem:s15+$0x280];
	(erf) = vpow2.f32 v16  }
0xd0: {  	v16 =	vadd.s32 v46, v1;
	v22 =	vmul.f32 v8, v19;
	v19 =	vpop (erf);
	(erf) = vpow2.f32 v5  }
0xd1: {  	v6 =	vmul.f32 $-7.999999820e-02, v6;
	v7 =	vadd.f32 $1.000000000e+00, v7;
	v5 =	vld [tilespmem:s12+$0xFFFFFE80];
	(erf) = vpow2.f32 v11  }
0xd2: {  	v0 =	vmul.f32 $-7.999999820e-02, v0;
	v11 =	vadd.s32 v45, v3;
	[tilespmem:v18+s30+$0x0] =	vst.idx.msk $0xffff, v17;
	(erf) = vpow2.f32 v9  }
0xd3: {  	v23 =	vmul.f32 v8, v24;
	v7 =	vmul.f32 $5.000000000e-01, v7;
	v17 =	vadd.s32 v46, v3;
	v9 =	vld [tilespmem:s12+$0xFFFFFE70];
	[tilespmem:v12+s30+$0x0] =	vst.idx.msk $0xffff, v22;
	v13 =	vpop (erf)  }
0xd4: {  	v6 =	vmul.f32 $1.442695020e+00, v6;
	v0 =	vmul.f32 $1.442695020e+00, v0;
	v18 =	vadd.s32 v30, v4;
	v22 =	vld [tilespmem:s15+$0x270];
	[tilespmem:v20+s30+$0x0] =	vst.idx.msk $0xffff, v21  }
0xd5: {  	v20 =	vadd.s32 v31, v2;
	v19 =	vmul.f32 v7, v19;
	v21 =	vld [tilespmem:s15+$0x300];
	[tilespmem:v16+s30+$0x0] =	vst.idx.msk $0xffff, v23;
	v12 =	vpop (erf)  }
0xd6: {  	[tilespmem:v10+s30+$0x0] =	vst.idx.msk $0xffff, v5;
	v5 =	vmul.f32 v7, v12;
	v10 =	vadd.s32 v47, v1;
	v12 =	vpop (erf)  }
0xd7: {  	v16 =	vadd.s32 v33, v15;
	v23 =	vadd.s32 v34, v14;
	[tilespmem:v11+s30+$0x0] =	vst.idx.msk $0xffff, v19;
	(erf) = vpow2.f32 v6  }
0xd8: {  	[tilespmem:v17+s30+$0x0] =	vst.idx.msk $0xffff, v5;
	v5 =	vadd.s32 v48, v1;
	v6 =	vpop (erf)  }
0xd9: {  	v11 =	vadd.s32 v39, v1;
	[tilespmem:v18+s30+$0x0] =	vst.idx.msk $0xffff, v22;
	v6 =	vmul.f32 v8, v6;
	v17 =	vpop (erf);
	(erf) = vpow2.f32 v0  }
0xda: {  	v12 =	vmul.f32 v7, v12;
	v0 =	vadd.s32 v31, v4;
	v18 =	vld [tilespmem:s15+$0x2F0];
	[tilespmem:v20+s30+$0x0] =	vst.idx.msk $0xffff, v21;
	v19 =	vpop (erf)  }
0xdb: {  	v20 =	vld [tilespmem:s12+$0xFFFFFF00];
	[tilespmem:v10+s30+$0x0] =	vst.idx.msk $0xffff, v6;
	v6 =	vmul.f32 v8, v13;
	v10 =	vmul.f32 v8, v17;
	v13 =	vpop (erf)  }
0xdc: {  	v17 =	vld [tilespmem:s15+$0x380];
	[tilespmem:v25+s30+$0x0] =	vst.idx.msk $0xffff, v12;
	v12 =	vmul.f32 v7, v13;
	v13 =	vadd.s32 v48, v3  }
0xdd: {  	v21 =	vadd.s32 v32, v2;
	v19 =	vmul.f32 v7, v19;
	[tilespmem:v5+s30+$0x0] =	vst.idx.msk $0xffff, v6  }
0xde: {  	v5 =	vadd.s32 v39, v3;
	[tilespmem:v11+s30+$0x0] =	vst.idx.msk $0xffff, v10  }
0xdf: {  	[tilespmem:v0+s30+$0x0] =	vst.idx.msk $0xffff, v18  }
0xe0: {  	v6 =	vadd.s32 v40, v1;
	v1 =	vmov v2;
	v0 =	vadd.s32 v40, v3;
	[tilespmem:v16+s30+$0x0] =	vst.idx.msk $0xffff, v9;
	v3 =	vpop (erf)  }
0xe1: {  	v2 =	vmovc v14;
	[tilespmem:v13+s30+$0x0] =	vst.idx.msk $0xffff, v12;
	v7 =	vmul.f32 v7, v3;
	v3 =	vmov v4;
	v4 =	vmov v15  }
0xe2: {  	[tilespmem:v21+s30+$0x0] =	vst.idx.msk $0xffff, v17;
	v9 =	vpop (erf)  }
0xe3: {  	v10 =	vadd.s32 v34, v4;
	v11 =	vld [tilespmem:s12+$0xFFFFFEF0];
	[tilespmem:v5+s30+$0x0] =	vst.idx.msk $0xffff, v7;
	v5 =	vmul.f32 v8, v9  }
0xe4: {  	v7 =	vadd.s32 v32, v3;
	[tilespmem:v23+s30+$0x0] =	vst.idx.msk $0xffff, v20;
	v8 =	vld [tilespmem:s15+$0x370]  }
0xe5: {  	v9 =	vadd.s32 v35, v2;
	v12 =	vld [tilespmem:s12+$0xFFFFFF80];
	[tilespmem:v0+s30+$0x0] =	vst.idx.msk $0xffff, v19  }
0xe6: {  	v0 =	vld [tilespmem:s15+$0x400];
	[tilespmem:v6+s30+$0x0] =	vst.idx.msk $0xffff, v5;
	_ =	sdelay $0x1  }
0xe7: {  	[tilespmem:v10+s30+$0x0] =	vst.idx.msk $0xffff, v11  }
0xe8: {  	v6 =	vadd.s32 v35, v4;
	v10 =	vld [tilespmem:s12+$0xFFFFFF70];
	[tilespmem:v7+s30+$0x0] =	vst.idx.msk $0xffff, v8  }
0xe9: {  	v7 =	vadd.s32 v36, v2;
	[tilespmem:v9+s30+$0x0] =	vst.idx.msk $0xffff, v12;
	v9 =	vadd.s32 v37, v2;
	v11 =	vld [tilespmem:s15+$0x3F0];
	s15 =	smov.u32 s12  }
0xea: {  	v8 =	vld [tilespmem:s12+$0x0];
	v5 =	vmul.f32 $2.000000030e-01, v0;
	v12 =	vmul.f32 v0, v0;
	v13 =	vadd.f32 $-1.666666630e+00, v0  }
0xeb: {  	v16 =	vadd.s32 v36, v4;
	v14 =	vadd.f32 $-3.333333250e+00, v0;
	v0 =	vadd.f32 $-5.000000000e+00, v0  }
0xec: {  	v15 =	vmax.f32 v5, $0.0e+00;
	v18 =	vmul.f32 $-3.199999930e-01, v12;
	v5 =	vmul.f32 $-7.999999820e-02, v12  }
0xed: {  	v12 =	vmul.f32 v14, v14;
	v0 =	vmul.f32 v0, v0;
	[tilespmem:v6+s30+$0x0] =	vst.idx.msk $0xffff, v10;
	v10 =	vmin.f32 v15, $1.000000000e+00  }
0xee: {  	v13 =	vmul.f32 v13, v13;
	v17 =	vld [tilespmem:s12+$0xFFFFFFF0];
	v14 =	vmul.f32 $2.000000030e-01, v11;
	v15 =	vadd.f32 $-1.666666630e+00, v11  }
0xef: {  	v6 =	vmul.f32 v11, v11;
	[tilespmem:v7+s30+$0x0] =	vst.idx.msk $0xffff, v8;
	v7 =	vadd.f32 $-3.333333250e+00, v11;
	v8 =	vsub.f32 $5.000000000e-01, v10  }
0xf0: {  	v21 =	vmul.f32 $-3.199999930e-01, v12;
	v19 =	vld [tilespmem:s12+$0x80];
	v10 =	vmax.f32 v14, $0.0e+00;
	v20 =	vmul.f32 v15, v15  }
0xf1: {  	v10 =	vmin.f32 v10, $1.000000000e+00;
	v12 =	vmul.f32 v7, v7;
	v14 =	vmul.f32 v8, v8  }
0xf2: {  	v11 =	vadd.f32 $-5.000000000e+00, v11;
	v15 =	vmul.f32 $-3.199999930e-01, v6;
	v20 =	vmul.f32 $-3.199999930e-01, v20  }
0xf3: {  	v7 =	vsub.f32 $5.000000000e-01, v10;
	[tilespmem:v16+s30+$0x0] =	vst.idx.msk $0xffff, v17;
	v12 =	vmul.f32 $-3.199999930e-01, v12;
	v16 =	vmul.f32 $7.721839100e-02, v14  }
0xf4: {  	v17 =	vadd.s32 v37, v4;
	v22 =	vld [tilespmem:s12+$0x70];
	v10 =	vmul.f32 $1.442695020e+00, v20;
	v20 =	vmul.f32 $-3.199999930e-01, v13  }
0xf5: {  	v13 =	vmul.f32 v7, v7;
	[tilespmem:v9+s30+$0x0] =	vst.idx.msk $0xffff, v19;
	v12 =	vmul.f32 $1.442695020e+00, v12;
	v9 =	vadd.f32 $-5.980442170e-01, v16  }
0xf6: {  	v11 =	vmul.f32 v11, v11;
	v16 =	vadd.s32 v27, v2;
	v19 =	vld [tilespmem:s12+$0x100];
	v20 =	vmul.f32 $1.442695020e+00, v20  }
0xf7: {  	v23 =	vmul.f32 $7.721839100e-02, v13;
	v9 =	vmul.f32 v9, v14  }
0xf8: {  	v24 =	vmul.f32 $-3.199999930e-01, v11;
	v11 =	vmul.f32 $-7.999999820e-02, v11  }
.Ltmp4:
0xf9: {  	[tilespmem:v17+s30+$0x0] =	vst.idx.msk $0xffff, v22;
	v22 =	vadd.f32 $-5.980442170e-01, v23;
	v23 =	vadd.f32 $2.550031190e+00, v9;
	(erf) = vpow2.f32 v20;
	(pc) =	sbr.rel @p1 .LBB2_14-.Ltmp4, $4  }
0xfa: {  	v11 =	vmul.f32 $1.442695020e+00, v11;
	v17 =	vadd.s32 v27, v4;
	v9 =	vmul.f32 $1.442695020e+00, v24;
	v20 =	vld [tilespmem:s12+$0xF0]  }
0xfb: {  	[tilespmem:v16+s30+$0x0] =	vst.idx.msk $0xffff, v19;
	v22 =	vmul.f32 v22, v13;
	v25 =	vmul.f32 v23, v14  }
0xfc: {  	v24 =	vmul.f32 $1.442695020e+00, v18;
	v19 =	vadd.s32 v28, v2;
	v16 =	vmul.f32 $1.442695020e+00, v21;
	v23 =	vld [tilespmem:s12+$0x180]  }
0xfd: {  	v18 =	vmul.f32 $-3.199999930e-01, v0;
	v26 =	vadd.f32 $2.550031190e+00, v22;
	v25 =	vadd.f32 $-5.167706970e+00, v25  }
0xfe: {  	_ =	sdelay $0x3  }
0xff: {  	[tilespmem:v17+s30+$0x0] =	vst.idx.msk $0xffff, v20  }
0x100: {  	v17 =	vadd.s32 v28, v4;
	v20 =	vld [tilespmem:s12+$0x170];
	[tilespmem:v19+s30+$0x0] =	vst.idx.msk $0xffff, v23  }
0x101: {  	v19 =	vadd.s32 v29, v2;
	v21 =	vld [tilespmem:s12+$0x200];
	_ =	sdelay $0x3  }
0x102: {  	[tilespmem:v17+s30+$0x0] =	vst.idx.msk $0xffff, v20  }
0x103: {  	v17 =	vadd.s32 v29, v4;
	v20 =	vld [tilespmem:s15+$0x1F0];
	[tilespmem:v19+s30+$0x0] =	vst.idx.msk $0xffff, v21  }
0x104: {  	v19 =	vadd.s32 v30, v2;
	v21 =	vld [tilespmem:s15+$0x280]  }
0x105: {  	v15 =	vmul.f32 $1.442695020e+00, v15  }
0x106: {  	(erf) = vpow2.f32 v24;
	v5 =	vmul.f32 $1.442695020e+00, v5  }
0x107: {  	v6 =	vmul.f32 $-7.999999820e-02, v6;
	v22 =	vmul.f32 v26, v13  }
0x108: {  	v14 =	vmul.f32 v25, v14;
	[tilespmem:v17+s30+$0x0] =	vst.idx.msk $0xffff, v20;
	v17 =	vmul.f32 $1.442695020e+00, v18  }
0x109: {  	(erf) = vpow2.f32 v15;
	v22 =	vadd.f32 $-5.167706970e+00, v22;
	v18 =	vadd.s32 v30, v4;
	v20 =	vld [tilespmem:s15+$0x270];
	[tilespmem:v19+s30+$0x0] =	vst.idx.msk $0xffff, v21  }
0x10a: {  	v15 =	vadd.s32 v31, v2;
	v14 =	vadd.f32 $3.141592500e+00, v14;
	(erf) = vpow2.f32 v17;
	v19 =	vld [tilespmem:s15+$0x300]  }
0x10b: {  	v13 =	vmul.f32 v22, v13;
	(erf) = vpow2.f32 v10  }
0x10c: {  	v8 =	vmul.f32 v14, v8;
	(erf) = vpow2.f32 v12  }
0x10d: {  	v0 =	vmul.f32 $-7.999999820e-02, v0;
	v10 =	vadd.f32 $3.141592500e+00, v13;
	(erf) = vpow2.f32 v16  }
0x10e: {  	v6 =	vmul.f32 $1.442695020e+00, v6;
	v8 =	vadd.f32 $1.000000000e+00, v8;
	[tilespmem:v18+s30+$0x0] =	vst.idx.msk $0xffff, v20;
	(erf) = vpow2.f32 v5  }
0x10f: {  	v7 =	vmul.f32 v10, v7;
	v10 =	vadd.s32 v31, v4;
	v12 =	vld [tilespmem:s15+$0x2F0];
	(erf) = vpow2.f32 v11;
	[tilespmem:v15+s30+$0x0] =	vst.idx.msk $0xffff, v19  }
0x110: {  	v0 =	vmul.f32 $1.442695020e+00, v0;
	v13 =	vadd.s32 v32, v2;
	v11 =	vpop (erf);
	(erf) = vpow2.f32 v9;
	v5 =	vld [tilespmem:s15+$0x380]  }
0x111: {  	v9 =	vpop (erf);
	(erf) = vpow2.f32 v6  }
0x112: {  	v7 =	vadd.f32 $1.000000000e+00, v7;
	v6 =	vpop (erf);
	(erf) = vpow2.f32 v0  }
0x113: {  	v0 =	vmul.f32 $5.000000000e-01, v8;
	v8 =	vpop (erf)  }
0x114: {  	v7 =	vmul.f32 $5.000000000e-01, v7;
	[tilespmem:v10+s30+$0x0] =	vst.idx.msk $0xffff, v12;
	v10 =	vpop (erf)  }
0x115: {  	v12 =	vadd.s32 v32, v4;
	v14 =	vpop (erf);
	[tilespmem:v13+s30+$0x0] =	vst.idx.msk $0xffff, v5;
	v5 =	vld [tilespmem:s15+$0x370]  }
0x116: {  	v6 =	vmul.f32 v7, v6;
	v9 =	vmul.f32 v0, v9;
	v15 =	vpop (erf);
	v13 =	vld [tilespmem:s15+$0x400]  }
0x117: {  	v11 =	vmul.f32 v0, v11;
	v8 =	vmul.f32 v0, v8;
	v16 =	vpop (erf)  }
0x118: {  	v10 =	vmul.f32 v7, v10;
	v14 =	vmul.f32 v7, v14;
	v17 =	vpop (erf)  }
0x119: {  	v35 =	vadd.s32 v45, v3;
	v15 =	vmul.f32 v0, v15;
	v16 =	vmul.f32 v0, v16;
	v18 =	vpop (erf)  }
0x11a: {  	v17 =	vmul.f32 v7, v17;
	[tilespmem:v12+s30+$0x0] =	vst.idx.msk $0xffff, v5;
	v12 =	vmul.f32 v7, v18;
	v18 =	vpop (erf)  }
0x11b: {  	v36 =	vadd.s32 v46, v3;
	v19 =	vld [tilespmem:s15+$0x3F0];
	v7 =	vmul.f32 v7, v18;
	v18 =	vpop (erf);
	v20 =	vmul.f32 v13, v13  }
0x11c: {  	v5 =	vmul.f32 $2.000000030e-01, v13;
	v21 =	vadd.f32 $-1.666666630e+00, v13;
	v0 =	vmul.f32 v0, v18  }
0x11d: {  	v18 =	vadd.f32 $-3.333333250e+00, v13;
	v13 =	vadd.f32 $-5.000000000e+00, v13;
	v22 =	vmul.f32 $-3.199999930e-01, v20  }
0x11e: {  	v20 =	vmul.f32 $-7.999999820e-02, v20;
	v21 =	vmul.f32 v21, v21  }
0x11f: {  	v5 =	vmax.f32 v5, $0.0e+00;
	v18 =	vmul.f32 v18, v18;
	v13 =	vmul.f32 v13, v13  }
0x120: {  	[tilespmem:v35+s30+$0x0] =	vst.idx.msk $0xffff, v6;
	v5 =	vmin.f32 v5, $1.000000000e+00;
	v21 =	vmul.f32 $-3.199999930e-01, v21;
	v24 =	vmul.f32 $2.000000030e-01, v19  }
0x121: {  	[tilespmem:v36+s30+$0x0] =	vst.idx.msk $0xffff, v10;
	v5 =	vsub.f32 $5.000000000e-01, v5;
	v22 =	vmul.f32 $1.442695020e+00, v22;
	v10 =	vmul.f32 $1.442695020e+00, v20  }
0x122: {  	v26 =	vadd.f32 $-1.666666630e+00, v19;
	v27 =	vmul.f32 v19, v19;
	v24 =	vmax.f32 v24, $0.0e+00  }
0x123: {  	v18 =	vmul.f32 $-3.199999930e-01, v18;
	v25 =	vmul.f32 v5, v5;
	v24 =	vmin.f32 v24, $1.000000000e+00  }
0x124: {  	v50 =	vmul.f32 $-3.199999930e-01, v13;
	v13 =	vmul.f32 $-7.999999820e-02, v13;
	v24 =	vsub.f32 $5.000000000e-01, v24  }
0x125: {  	v29 =	vadd.f32 $-3.333333250e+00, v19;
	v21 =	vmul.f32 $1.442695020e+00, v21;
	v28 =	vmul.f32 $7.721839100e-02, v25  }
0x126: {  	v19 =	vadd.f32 $-5.000000000e+00, v19;
	v26 =	vmul.f32 v26, v26;
	v49 =	vmul.f32 v24, v24  }
0x127: {  	v29 =	vmul.f32 v29, v29;
	v33 =	vmul.f32 $-3.199999930e-01, v27;
	v28 =	vadd.f32 $-5.980442170e-01, v28  }
0x128: {  	v19 =	vmul.f32 v19, v19;
	v34 =	vmul.f32 $7.721839100e-02, v49  }
0x129: {  	v30 =	vadd.s32 v45, v1;
	v18 =	vmul.f32 $1.442695020e+00, v18;
	v28 =	vmul.f32 v28, v25  }
0x12a: {  	(erf) = vpow2.f32 v21;
	v26 =	vmul.f32 $-3.199999930e-01, v26;
	v34 =	vadd.f32 $-5.980442170e-01, v34  }
0x12b: {  	v29 =	vmul.f32 $-3.199999930e-01, v29;
	v37 =	vmul.f32 $-3.199999930e-01, v19;
	v28 =	vadd.f32 $2.550031190e+00, v28  }
0x12c: {  	v31 =	vadd.s32 v46, v1;
	v33 =	vmul.f32 $1.442695020e+00, v33;
	v34 =	vmul.f32 v34, v49  }
0x12d: {  	v38 =	vadd.s32 v47, v1;
	(erf) = vpow2.f32 v22;
	v28 =	vmul.f32 v28, v25  }
0x12e: {  	v26 =	vmul.f32 $1.442695020e+00, v26;
	v29 =	vmul.f32 $1.442695020e+00, v29;
	v34 =	vadd.f32 $2.550031190e+00, v34  }
0x12f: {  	v21 =	vmul.f32 $1.442695020e+00, v37;
	v37 =	vmul.f32 $1.442695020e+00, v50;
	v28 =	vadd.f32 $-5.167706970e+00, v28  }
0x130: {  	v23 =	vadd.s32 v47, v3;
	[tilespmem:v30+s30+$0x0] =	vst.idx.msk $0xffff, v9;
	(erf) = vpow2.f32 v33;
	v22 =	vmul.f32 v34, v49  }
0x131: {  	[tilespmem:v31+s30+$0x0] =	vst.idx.msk $0xffff, v11;
	v11 =	vadd.s32 v48, v3;
	(erf) = vpow2.f32 v37;
	v25 =	vmul.f32 v28, v25  }
0x132: {  	v19 =	vmul.f32 $-7.999999820e-02, v19;
	(erf) = vpow2.f32 v26;
	v9 =	vadd.f32 $-5.167706970e+00, v22  }
0x133: {  	(erf) = vpow2.f32 v29;
	v28 =	vadd.s32 v48, v1;
	v25 =	vadd.f32 $3.141592500e+00, v25  }
0x134: {  	v51 =	vadd.s32 v39, v1;
	(erf) = vpow2.f32 v18;
	v6 =	vmul.f32 v9, v49  }
0x135: {  	[tilespmem:v23+s30+$0x0] =	vst.idx.msk $0xffff, v14;
	(erf) = vpow2.f32 v10;
	v5 =	vmul.f32 v25, v5;
	v9 =	vadd.s32 v39, v3  }
0x136: {  	[tilespmem:v38+s30+$0x0] =	vst.idx.msk $0xffff, v15;
	v10 =	vmul.f32 $-7.999999820e-02, v27;
	v3 =	vadd.s32 v40, v3;
	v6 =	vadd.f32 $3.141592500e+00, v6  }
0x137: {  	[tilespmem:v11+s30+$0x0] =	vst.idx.msk $0xffff, v12;
	v19 =	vmul.f32 $1.442695020e+00, v19;
	v1 =	vadd.s32 v40, v1;
	v5 =	vadd.f32 $1.000000000e+00, v5  }
0x138: {  	v14 =	vadd.s32 v45, v2;
	v10 =	vmul.f32 $1.442695020e+00, v10;
	[tilespmem:v28+s30+$0x0] =	vst.idx.msk $0xffff, v8;
	v6 =	vmul.f32 v6, v24  }
0x139: {  	v12 =	vadd.s32 v46, v2;
	(erf) = vpow2.f32 v19;
	v8 =	vpop (erf);
	[tilespmem:v51+s30+$0x0] =	vst.idx.msk $0xffff, v16;
	v5 =	vmul.f32 $5.000000000e-01, v5  }
0x13a: {  	v13 =	vmul.f32 $1.442695020e+00, v13;
	(erf) = vpow2.f32 v21;
	v11 =	vpop (erf);
	[tilespmem:v9+s30+$0x0] =	vst.idx.msk $0xffff, v7;
	v6 =	vadd.f32 $1.000000000e+00, v6  }
0x13b: {  	(erf) = vpow2.f32 v10;
	v7 =	vpop (erf);
	[tilespmem:v3+s30+$0x0] =	vst.idx.msk $0xffff, v17;
	v3 =	vmul.f32 v5, v11  }
0x13c: {  	[tilespmem:v1+s30+$0x0] =	vst.idx.msk $0xffff, v0;
	v9 =	vadd.s32 v45, v4;
	v0 =	vmul.f32 v5, v8;
	v10 =	vpop (erf);
	v6 =	vmul.f32 $5.000000000e-01, v6  }
0x13d: {  	v11 =	vadd.s32 v46, v4;
	v1 =	vpop (erf);
	[tilespmem:v14+s30+$0x0] =	vst.idx.msk $0xffff, v3  }
0x13e: {  	v8 =	vadd.s32 v47, v2;
	(erf) = vpow2.f32 v13;
	[tilespmem:v12+s30+$0x0] =	vst.idx.msk $0xffff, v0;
	v0 =	vmul.f32 v6, v1  }
0x13f: {  	v13 =	vadd.s32 v47, v4;
	v3 =	vmul.f32 v6, v7;
	v7 =	vpop (erf)  }
0x140: {  	v1 =	vadd.s32 v48, v2;
	v12 =	vpop (erf)  }
0x141: {  	[tilespmem:v9+s30+$0x0] =	vst.idx.msk $0xffff, v3;
	v3 =	vmul.f32 v5, v12;
	v9 =	vadd.s32 v39, v2  }
0x142: {  	v7 =	vmul.f32 v6, v7;
	[tilespmem:v11+s30+$0x0] =	vst.idx.msk $0xffff, v0;
	v11 =	vadd.s32 v48, v4;
	v0 =	vpop (erf)  }
0x143: {  	[tilespmem:v8+s30+$0x0] =	vst.idx.msk $0xffff, v3;
	v3 =	vmul.f32 v5, v10;
	v8 =	vadd.s32 v39, v4;
	v12 =	vpop (erf)  }
0x144: {  	[tilespmem:v13+s30+$0x0] =	vst.idx.msk $0xffff, v7;
	v4 =	vadd.s32 v40, v4;
	v0 =	vmul.f32 v5, v0;
	v10 =	vpop (erf)  }
0x145: {  	[tilespmem:v1+s30+$0x0] =	vst.idx.msk $0xffff, v3;
	v1 =	vadd.s32 v40, v2;
	v7 =	vmul.f32 v6, v10;
	v2 =	vpop (erf)  }
0x146: {  	[tilespmem:v9+s30+$0x0] =	vst.idx.msk $0xffff, v0;
	v0 =	vmul.f32 v6, v2  }
0x147: {  	v2 =	vmul.f32 v6, v12;
	v3 =	vpop (erf);
	[tilespmem:v11+s30+$0x0] =	vst.idx.msk $0xffff, v7  }
0x148: {  	[tilespmem:v8+s30+$0x0] =	vst.idx.msk $0xffff, v0;
	v0 =	vmul.f32 v5, v3  }
0x149: {  	p1 =	seq.s32 s10, $0x0;
	[tilespmem:v4+s30+$0x0] =	vst.idx.msk $0xffff, v2  }
0x14a: {  	s6 =	simm.s32 @!p1 $0x3;
	[tilespmem:v1+s30+$0x0] =	vst.idx.msk $0xffff, v0  }
0x14b: {  	_ =	swait.ge @!p1 [sflag:s6], $0x4000  }
0x14c: {  	[sflag:s6] =	ssyncset.done @!p1 $0x0  }
0x14d: {  	s8 =	simm.s32 $0x0;
	s12 =	sadd.s32 s3, s11;
	[sflag:s6] =	ssyncadd.s32 @!p1 $0xFFFFC000  }
0x14e: {  	[tilespmem:s31], [sflag:$0x4] =	stream.linear.gather [hbm4b:s12+s8], $0x80, $0x38;
	[tilespmem:$0x1E280] =	vst v63  }
0x14f: {  	_ =	swait.ge [sflag:s21], $0x80  }
0x150: {  	[sflag:s21] =	ssyncset.done $0x0  }
0x151: {  	[sflag:s21] =	ssyncadd.s32 $0xFFFFFF80  }
0x152: {  	_ =	swait.ge [sflag:s4], $0x2000  }
0x153: {  	[sflag:s4] =	ssyncset.done $0x0  }
0x154: {  	s11 =	simm.s32 $0x18C52;
	v59 =	vld [tilespmem:$0x1FFC0];
	[sflag:s4] =	ssyncadd.s32 $0xFFFFE000  }
0x155: {  	v0 =	vld [tilespmem:s11+$0x39]  }
0x156: {  	v1 =	vld [tilespmem:s11+$0xFFFFFFBE]  }
0x157: {  	v2 =	vld [tilespmem:s11+$0x29]  }
0x158: {  	v3 =	vld [tilespmem:s11+$0xFFFFFFE7]  }
0x159: {  	v4 =	vld [tilespmem:s11+$0x10]  }
0x15a: {  	v21 =	vld [tilespmem:s11+$0x0]  }
0x15b: {  	v5 =	vperm.xlane v0, v54;
	v0 =	vperm.xlane v0, v59  }
0x15c: {  	v63 =	vimm.s32 $0xF;
	v6 =	vperm.xlane v1, v54;
	v1 =	vperm.xlane v1, v59  }
0x15d: {  	v8 =	vperm.xlane v2, v63;
	v9 =	vperm.xlane v3, v54  }
0x15e: {  	v44 =	vld [tilespmem:$0x1F960];
	v3 =	vperm.xlane v3, v59;
	v10 =	vperm.xlane v4, v54  }
0x15f: {  	v43 =	vld [tilespmem:$0x1F940];
	v4 =	vperm.xlane v4, v59;
	v30 =	vperm.xlane v21, v56  }
0x160: {  	v42 =	vld [tilespmem:$0x1F950];
	v31 =	vperm.xlane v21, v57;
	v32 =	vperm.xlane v21, v58  }
0x161: {  	v33 =	vperm.xlane v21, v52;
	v34 =	vperm.xlane v21, v60  }
0x162: {  	v35 =	vperm.xlane v21, v61;
	v53 =	vperm.xlane v21, v62  }
0x163: {  	v21 =	vperm.xlane v21, v63;
	v7 =	vmul.f32 v0, v44  }
0x164: {  	v6 =	vmul.f32 v6, v43;
	v9 =	vmul.f32 v9, v43  }
0x165: {  	v13 =	vmul.f32 v4, v42;
	v15 =	vmul.f32 v4, v44;
	v4 =	vld [tilespmem:s11+$0xFFFFFFD7]  }
0x166: {  	v11 =	vmul.f32 v3, v42;
	v3 =	vmul.f32 v3, v44  }
0x167: {  	v12 =	vmul.f32 v10, v43;
	v17 =	vmul.f32 v5, v43  }
0x168: {  	v0 =	vmul.f32 v0, v42;
	v14 =	vmul.f32 v8, v7  }
0x169: {  	v7 =	vld [tilespmem:s11+$0xFFFFFFAE];
	v8 =	vmul.f32 v1, v42;
	v1 =	vmul.f32 v1, v44  }
0x16a: {  	v15 =	vmul.f32 v21, v15;
	v23 =	vperm.xlane v4, v56  }
0x16b: {  	v24 =	vperm.xlane v4, v57;
	v25 =	vperm.xlane v4, v58  }
0x16c: {  	v26 =	vperm.xlane v4, v52;
	v27 =	vperm.xlane v4, v60  }
0x16d: {  	v28 =	vperm.xlane v4, v61;
	v29 =	vperm.xlane v4, v62  }
0x16e: {  	v4 =	vperm.xlane v4, v63;
	v5 =	vperm.xlane v7, v56  }
0x16f: {  	v10 =	vperm.xlane v7, v57;
	v16 =	vperm.xlane v7, v58  }
0x170: {  	v18 =	vperm.xlane v7, v52;
	v19 =	vperm.xlane v7, v60  }
0x171: {  	v20 =	vperm.xlane v7, v61;
	v22 =	vperm.xlane v7, v62  }
0x172: {  	v7 =	vperm.xlane v7, v63;
	v50 =	vmul.f32 v9, v23  }
0x173: {  	v51 =	vmul.f32 v24, v9;
	v23 =	vmul.f32 v11, v27  }
0x174: {  	v24 =	vmul.f32 v28, v11;
	v3 =	vmul.f32 v4, v3  }
0x175: {  	v4 =	vmul.f32 v33, v12;
	v27 =	vmul.f32 v13, v34  }
0x176: {  	v28 =	vmul.f32 v35, v13;
	v37 =	vmul.f32 v6, v5  }
0x177: {  	v38 =	vmul.f32 v10, v6;
	v48 =	vmul.f32 v16, v6  }
0x178: {  	v49 =	vmul.f32 v18, v6;
	v16 =	vperm.xlane v2, v56  }
0x179: {  	s15 =	simm.s32 $0x180;
	v18 =	vmul.f32 v8, v19;
	v19 =	vmul.f32 v20, v8  }
0x17a: {  	s16 =	simm.s32 $0x80;
	v20 =	vmul.f32 v22, v8;
	v41 =	vmul.f32 v7, v1;
	v1 =	vor.u32 s15, v55  }
0x17b: {  	v5 =	vmul.f32 v25, v9;
	v25 =	vmul.f32 v29, v11;
	v11 =	vor.u32 s16, v55  }
0x17c: {  	v22 =	vperm.xlane v2, v57;
	v6 =	vmul.f32 v26, v9  }
0x17d: {  	s18 =	simm.s32 $0x100;
	v9 =	vperm.xlane v2, v58;
	v8 =	vmul.f32 v12, v30  }
0x17e: {  	v10 =	vmul.f32 v31, v12;
	v7 =	vmul.f32 v32, v12;
	v26 =	vor.u32 s18, v55  }
0x17f: {  	s22 =	simm.s32 $0x0;
	v29 =	vmul.f32 v53, v13;
	v31 =	vperm.xlane v2, v52;
	v1 =	vld.idx.msk [tilespmem:v1+s26+$0x0], $0xffff  }
0x180: {  	v30 =	vor.u32 s22, v55;
	v53 =	vperm.xlane v2, v60;
	v16 =	vmul.f32 v17, v16;
	v21 =	vld.idx.msk [tilespmem:v11+s26+$0x0], $0xffff  }
0x181: {  	v12 =	vmul.f32 v22, v17;
	v13 =	vmul.f32 v9, v17  }
0x182: {  	v11 =	vmul.f32 v31, v17;
	v17 =	vperm.xlane v2, v61  }
0x183: {  	v9 =	vld.idx.msk [tilespmem:v26+s26+$0x0], $0xffff;
	v2 =	vperm.xlane v2, v62;
	v26 =	vmul.f32 v0, v53  }
0x184: {  	v17 =	vmul.f32 v17, v0;
	v14 =	vmul.f32 v14, v1  }
0x185: {  	s12 =	simm.s32 $0x1A200;
	s15 =	simm.s32 $0x14D00;
	v22 =	vld.idx.msk [tilespmem:v30+s26+$0x0], $0xffff;
	v30 =	vmul.f32 v2, v0;
	v23 =	vmul.f32 v23, v21  }
0x186: {  	v0 =	vld [tilespmem:s15+$0x80];
	v3 =	vmul.f32 v3, v21;
	v31 =	vmul.f32 v17, v1;
	[tilespmem:s12+$0xF0] =	vst v14  }
0x187: {  	v2 =	vld [tilespmem:s15+$0xFFFFFF80];
	v14 =	vmul.f32 v24, v21;
	v24 =	vmul.f32 v25, v21;
	[tilespmem:s12+$0xFFFFFFC0] =	vst v23  }
0x188: {  	v21 =	vmul.f32 v27, v9;
	v27 =	vmul.f32 v28, v9;
	[tilespmem:s12+$0xFFFFFFF0] =	vst v3  }
0x189: {  	v28 =	vmul.f32 v29, v9;
	v9 =	vmul.f32 v15, v9;
	[tilespmem:s12+$0xFFFFFFD0] =	vst v14;
	v14 =	vld [tilespmem:s15+$0xFFFFFF00]  }
0x18a: {  	v15 =	vmul.f32 v26, v1;
	v26 =	vmul.f32 v30, v1;
	[tilespmem:s12+$0xFFFFFFE0] =	vst v24  }
0x18b: {  	v1 =	vld [tilespmem:s15+$0x0];
	v25 =	vmul.f32 v18, v22;
	v23 =	vmul.f32 v20, v22;
	[tilespmem:s12+$0x40] =	vst v21  }
0x18c: {  	v20 =	vmul.f32 v41, v22;
	v24 =	vmul.f32 v19, v22;
	[tilespmem:s12+$0x70] =	vst v9  }
0x18d: {  	[tilespmem:s12+$0xC0] =	vst v15;
	v15 =	vmul.f32 v50, v2;
	v9 =	vmul.f32 v51, v2  }
0x18e: {  	[tilespmem:s12+$0x50] =	vst v27;
	v19 =	vmul.f32 v37, v14;
	v18 =	vmul.f32 v38, v14  }
0x18f: {  	s6 =	simm.s32 $0x8;
	s8 =	simm.s32 $0x200;
	s16 =	simm.s32 $0x1A200;
	[tilespmem:s12+$0x60] =	vst v28;
	v17 =	vmul.f32 v48, v14;
	v14 =	vmul.f32 v49, v14  }
.LBB2_16:
0x190: {  	s11 =	sadd.s32 $0xA4, s11;
	[tilespmem:s12+$0xD0] =	vst v31  }
0x191: {  	v22 =	vld [tilespmem:s11+$0xFFFFFFBE];
	[tilespmem:s12+$0xFFFFFF40] =	vst v25  }
0x192: {  	v8 =	vmul.f32 v8, v1;
	v10 =	vmul.f32 v10, v1;
	[tilespmem:s12+$0xFFFFFF50] =	vst v24  }
0x193: {  	v7 =	vmul.f32 v7, v1;
	v4 =	vmul.f32 v4, v1;
	v1 =	vld [tilespmem:s11+$0xFFFFFFE7];
	[tilespmem:s12+$0xFFFFFF60] =	vst v23  }
0x194: {  	v5 =	vmul.f32 v5, v2;
	v2 =	vmul.f32 v6, v2;
	[tilespmem:s12+$0xFFFFFF10] =	vst v18;
	v18 =	vld [tilespmem:s11+$0x0]  }
0x195: {  	v16 =	vmul.f32 v16, v0;
	v12 =	vmul.f32 v12, v0;
	[tilespmem:s12+$0xFFFFFF70] =	vst v20  }
0x196: {  	v13 =	vmul.f32 v13, v0;
	v11 =	vmul.f32 v11, v0;
	[tilespmem:s12+$0xFFFFFF00] =	vst v19  }
0x197: {  	[tilespmem:s12+$0xFFFFFF20] =	vst v17;
	v6 =	vld [tilespmem:s11+$0x39];
	v0 =	vperm.xlane v22, v54;
	v19 =	vperm.xlane v22, v59  }
0x198: {  	[tilespmem:s12+$0xE0] =	vst v26;
	v29 =	vld [tilespmem:s11+$0xFFFFFFAE];
	v30 =	vperm.xlane v1, v54;
	v1 =	vperm.xlane v1, v59  }
0x199: {  	v25 =	vld [tilespmem:s11+$0x29];
	v37 =	vperm.xlane v18, v56;
	v38 =	vperm.xlane v18, v57  }
0x19a: {  	v39 =	vperm.xlane v18, v58;
	v40 =	vperm.xlane v18, v52  }
0x19b: {  	v41 =	vperm.xlane v18, v60;
	v45 =	vperm.xlane v18, v61  }
0x19c: {  	s22 =	sadd.s32 $0x80, s8;
	v46 =	vperm.xlane v18, v62;
	v18 =	vperm.xlane v18, v63  }
0x19d: {  	v23 =	vld [tilespmem:s11+$0x10];
	v26 =	vor.u32 s22, v55;
	v20 =	vperm.xlane v6, v54;
	v6 =	vperm.xlane v6, v59  }
0x19e: {  	v21 =	vor.u32 s8, v55;
	v32 =	vperm.xlane v29, v62;
	v28 =	vperm.xlane v25, v63  }
0x19f: {  	v47 =	vperm.xlane v25, v56;
	v48 =	vperm.xlane v25, v57  }
0x1a0: {  	s18 =	sadd.s32 $0x180, s8;
	s8 =	sadd.s32 $0x100, s8;
	v49 =	vperm.xlane v25, v58;
	v50 =	vperm.xlane v25, v52  }
0x1a1: {  	[tilespmem:s12+$0xFFFFFF30] =	vst v14;
	v27 =	vor.u32 s8, v55;
	v22 =	vld [tilespmem:s11+$0xFFFFFFD7];
	v51 =	vperm.xlane v25, v60;
	v24 =	vmul.f32 v6, v44  }
0x1a2: {  	v17 =	vld.idx.msk [tilespmem:v26+s26+$0x0], $0xffff;
	v26 =	vperm.xlane v23, v54;
	v23 =	vperm.xlane v23, v59;
	[tilespmem:s12+$0xFFFFFF90] =	vst v9  }
0x1a3: {  	v9 =	vld.idx.msk [tilespmem:v21+s26+$0x0], $0xffff;
	v21 =	vmul.f32 v19, v42;
	[tilespmem:s12+$0xFFFFFFA0] =	vst v5;
	v5 =	vmul.f32 v19, v44  }
0x1a4: {  	v19 =	vmul.f32 v30, v43;
	v20 =	vmul.f32 v20, v43  }
0x1a5: {  	v3 =	vor.u32 s18, v55;
	[tilespmem:s12+$0xFFFFFF80] =	vst v15;
	v31 =	vmul.f32 v6, v42;
	v6 =	vperm.xlane v29, v57  }
0x1a6: {  	v15 =	vld.idx.msk [tilespmem:v27+s26+$0x0], $0xffff;
	v27 =	vmul.f32 v1, v42;
	[tilespmem:s16+$0x0] =	vst v8;
	v8 =	vperm.xlane v29, v56  }
0x1a7: {  	[tilespmem:s16+$0x10] =	vst v10;
	v10 =	vperm.xlane v29, v60;
	v14 =	vmul.f32 v28, v24  }
0x1a8: {  	s15 =	sadd.s32 $0x200, s15;
	v24 =	vmul.f32 v0, v43;
	v28 =	vmul.f32 v1, v44  }
0x1a9: {  	v26 =	vmul.f32 v26, v43;
	v30 =	vmul.f32 v23, v42;
	v1 =	vld [tilespmem:s15+$0x0];
	[tilespmem:s16+$0x20] =	vst v7  }
0x1aa: {  	v3 =	vld.idx.msk [tilespmem:v3+s26+$0x0], $0xffff;
	v23 =	vmul.f32 v23, v44;
	v7 =	vperm.xlane v29, v58;
	[tilespmem:s16+$0x30] =	vst v4  }
0x1ab: {  	v0 =	vld [tilespmem:s15+$0x80];
	v4 =	vperm.xlane v29, v52;
	[tilespmem:s16+$0x80] =	vst v16;
	v16 =	vperm.xlane v29, v61  }
0x1ac: {  	[tilespmem:s16+$0x90] =	vst v12;
	v12 =	vperm.xlane v29, v63;
	v29 =	vperm.xlane v22, v56  }
0x1ad: {  	[tilespmem:s16+$0xA0] =	vst v13;
	v13 =	vperm.xlane v22, v57;
	v33 =	vperm.xlane v22, v58  }
0x1ae: {  	[tilespmem:s16+$0xB0] =	vst v11;
	v11 =	vperm.xlane v22, v52;
	v34 =	vperm.xlane v22, v60  }
0x1af: {  	v35 =	vperm.xlane v22, v61;
	v36 =	vperm.xlane v22, v62  }
0x1b0: {  	v22 =	vperm.xlane v22, v63;
	v52 =	vperm.xlane v25, v61  }
0x1b1: {  	v25 =	vperm.xlane v25, v62;
	v53 =	vmul.f32 v24, v8  }
0x1b2: {  	v54 =	vmul.f32 v6, v24;
	v55 =	vmul.f32 v7, v24  }
0x1b3: {  	v56 =	vmul.f32 v4, v24;
	v24 =	vmul.f32 v21, v10  }
0x1b4: {  	v57 =	vmul.f32 v16, v21;
	v21 =	vmul.f32 v32, v21  }
0x1b5: {  	v32 =	vmul.f32 v12, v5;
	v29 =	vmul.f32 v19, v29  }
0x1b6: {  	v58 =	vmul.f32 v13, v19;
	v5 =	vmul.f32 v33, v19  }
0x1b7: {  	v6 =	vmul.f32 v11, v19;
	v19 =	vmul.f32 v27, v34  }
0x1b8: {  	v33 =	vmul.f32 v35, v27;
	v27 =	vmul.f32 v36, v27  }
0x1b9: {  	v22 =	vmul.f32 v22, v28;
	v8 =	vmul.f32 v26, v37  }
0x1ba: {  	v10 =	vmul.f32 v38, v26;
	v7 =	vmul.f32 v39, v26  }
0x1bb: {  	v4 =	vmul.f32 v40, v26;
	v26 =	vmul.f32 v30, v41  }
0x1bc: {  	v28 =	vmul.f32 v45, v30;
	v30 =	vmul.f32 v46, v30  }
0x1bd: {  	v18 =	vmul.f32 v18, v23;
	v16 =	vmul.f32 v20, v47  }
0x1be: {  	v12 =	vmul.f32 v48, v20;
	v13 =	vmul.f32 v49, v20  }
0x1bf: {  	v11 =	vmul.f32 v50, v20;
	v20 =	vmul.f32 v31, v51  }
0x1c0: {  	v23 =	vmul.f32 v52, v31;
	v14 =	vmul.f32 v14, v3  }
0x1c1: {  	s12 =	sadd.s32 $0x200, s12;
	[tilespmem:s16+$0xFFFFFFB0] =	vst v2;
	v25 =	vmul.f32 v25, v31;
	v19 =	vmul.f32 v19, v17  }
0x1c2: {  	v31 =	vmul.f32 v33, v17;
	v27 =	vmul.f32 v27, v17;
	[tilespmem:s12+$0xF0] =	vst v14  }
0x1c3: {  	v2 =	vld [tilespmem:s15+$0xFFFFFF80];
	v17 =	vmul.f32 v22, v17;
	v22 =	vmul.f32 v28, v15;
	[tilespmem:s12+$0xFFFFFFC0] =	vst v19  }
0x1c4: {  	v28 =	vmul.f32 v30, v15;
	v19 =	vmul.f32 v26, v15;
	[tilespmem:s12+$0xFFFFFFD0] =	vst v31  }
0x1c5: {  	v14 =	vld [tilespmem:s15+$0xFFFFFF00];
	[tilespmem:s12+$0xFFFFFFE0] =	vst v27;
	v15 =	vmul.f32 v18, v15;
	v27 =	vmul.f32 v20, v3  }
0x1c6: {  	p1 =	slt.u32 s6, $0x3C;
	[tilespmem:s12+$0xFFFFFFF0] =	vst v17;
	v31 =	vmul.f32 v23, v3;
	v26 =	vmul.f32 v25, v3  }
.Ltmp5:
0x1c7: {  	v25 =	vmul.f32 v24, v9;
	v24 =	vmul.f32 v57, v9;
	[tilespmem:s12+$0x50] =	vst v22;
	(pc) =	sbr.rel @p1 .LBB2_16-.Ltmp5, $4  }
0x1c8: {  	v52 =	vimm.s32 $0x8;
	v23 =	vmul.f32 v21, v9;
	v20 =	vmul.f32 v32, v9;
	[tilespmem:s12+$0x60] =	vst v28  }
0x1c9: {  	v57 =	vimm.s32 $0x6;
	v9 =	vmul.f32 v58, v2;
	[tilespmem:s12+$0x70] =	vst v15;
	v15 =	vmul.f32 v29, v2  }
0x1ca: {  	v58 =	vimm.s32 $0x7;
	[tilespmem:s12+$0x40] =	vst v19;
	v19 =	vmul.f32 v53, v14;
	v18 =	vmul.f32 v54, v14;
	v54 =	vld [tilespmem:$0x1FED0]  }
0x1cb: {  	s8 =	sshll.u32 s6, $0x7;
	s6 =	sadd.s32 $0x4, s6;
	s16 =	smov.u32 s12;
	[tilespmem:s12+$0xC0] =	vst v27;
	v17 =	vmul.f32 v55, v14;
	v55 =	vld [tilespmem:$0x1FEC0];
	v14 =	vmul.f32 v56, v14;
	v56 =	vimm.s32 $0x5  }
0x1cc: {  	s6 =	sadd.s32 $0xA4, s11  }
0x1cd: {  	v5 =	vmul.f32 v5, v2;
	v6 =	vmul.f32 v6, v2;
	v2 =	vld [tilespmem:s6+$0x39]  }
0x1ce: {  	v21 =	vld [tilespmem:s6+$0xFFFFFFBE]  }
0x1cf: {  	v8 =	vmul.f32 v8, v1;
	v10 =	vmul.f32 v10, v1;
	v22 =	vld [tilespmem:s6+$0x29]  }
0x1d0: {  	v7 =	vmul.f32 v7, v1;
	v4 =	vmul.f32 v4, v1;
	v1 =	vld [tilespmem:s6+$0xFFFFFFE7]  }
0x1d1: {  	v16 =	vmul.f32 v16, v0;
	v12 =	vmul.f32 v12, v0;
	v27 =	vld [tilespmem:s6+$0x10]  }
0x1d2: {  	v13 =	vmul.f32 v13, v0;
	v11 =	vmul.f32 v11, v0;
	[tilespmem:s12+$0xD0] =	vst v31;
	v34 =	vld [tilespmem:s6+$0xFFFFFFAE]  }
0x1d3: {  	[tilespmem:s12+$0xE0] =	vst v26;
	v0 =	vperm.xlane v2, v54;
	v28 =	vperm.xlane v2, v59  }
0x1d4: {  	[tilespmem:s12+$0xFFFFFF50] =	vst v24;
	v2 =	vperm.xlane v21, v54;
	v21 =	vperm.xlane v21, v59  }
0x1d5: {  	[tilespmem:s12+$0xFFFFFF60] =	vst v23;
	v24 =	vld [tilespmem:s6+$0xFFFFFFD7];
	v30 =	vperm.xlane v22, v63;
	v32 =	vperm.xlane v1, v54  }
0x1d6: {  	[tilespmem:s12+$0xFFFFFF70] =	vst v20;
	v1 =	vperm.xlane v1, v59;
	v33 =	vperm.xlane v27, v54  }
0x1d7: {  	[tilespmem:s12+$0xFFFFFF00] =	vst v19;
	v27 =	vperm.xlane v27, v59;
	v23 =	vperm.xlane v34, v56  }
0x1d8: {  	[tilespmem:s12+$0xFFFFFF10] =	vst v18;
	v20 =	vperm.xlane v34, v57;
	v19 =	vperm.xlane v34, v52  }
0x1d9: {  	v18 =	vld [tilespmem:s6+$0x0];
	[tilespmem:s12+$0xFFFFFF20] =	vst v17;
	v36 =	vperm.xlane v34, v61;
	v37 =	vperm.xlane v34, v62  }
0x1da: {  	[tilespmem:s12+$0xFFFFFF30] =	vst v14;
	v17 =	vperm.xlane v34, v63;
	v14 =	vperm.xlane v24, v57  }
0x1db: {  	[tilespmem:s12+$0xFFFFFF80] =	vst v15;
	v38 =	vperm.xlane v24, v58;
	v15 =	vperm.xlane v24, v52  }
0x1dc: {  	[tilespmem:s12+$0xFFFFFF90] =	vst v9;
	v39 =	vperm.xlane v24, v60;
	v9 =	vperm.xlane v24, v61  }
0x1dd: {  	[tilespmem:s12+$0xFFFFFFA0] =	vst v5;
	v41 =	vperm.xlane v24, v62;
	v5 =	vperm.xlane v24, v63  }
0x1de: {  	[tilespmem:s16+$0x0] =	vst v8;
	v45 =	vperm.xlane v18, v57;
	v46 =	vperm.xlane v18, v58  }
0x1df: {  	[tilespmem:s16+$0x10] =	vst v10;
	v47 =	vperm.xlane v18, v60;
	v8 =	vperm.xlane v18, v61  }
0x1e0: {  	[tilespmem:s16+$0x20] =	vst v7;
	v49 =	vperm.xlane v18, v62;
	v10 =	vperm.xlane v18, v63  }
0x1e1: {  	[tilespmem:s16+$0x30] =	vst v4;
	v7 =	vperm.xlane v22, v57;
	v50 =	vperm.xlane v22, v58  }
0x1e2: {  	s22 =	sadd.s32 $0x180, s8;
	[tilespmem:s16+$0x80] =	vst v16;
	v4 =	vperm.xlane v22, v52;
	v51 =	vperm.xlane v22, v60  }
0x1e3: {  	[tilespmem:s16+$0x90] =	vst v12;
	v3 =	vor.u32 s22, v55;
	v16 =	vperm.xlane v22, v61;
	v12 =	vperm.xlane v22, v62  }
0x1e4: {  	s11 =	sadd.s32 $0x80, s8;
	v35 =	vmul.f32 v21, v42;
	v21 =	vmul.f32 v21, v44  }
0x1e5: {  	v40 =	vor.u32 s11, v55;
	v26 =	vmul.f32 v1, v42;
	v31 =	vmul.f32 v1, v44  }
0x1e6: {  	[tilespmem:s12+$0xFFFFFF40] =	vst v25;
	v1 =	vmul.f32 v33, v43;
	v25 =	vmul.f32 v27, v42  }
0x1e7: {  	s22 =	sadd.s32 $0x100, s8;
	v27 =	vmul.f32 v27, v44;
	v0 =	vmul.f32 v0, v43  }
0x1e8: {  	v48 =	vor.u32 s22, v55;
	v33 =	vperm.xlane v34, v60;
	v29 =	vld.idx.msk [tilespmem:v3+s26+$0x0], $0xffff;
	v3 =	vmul.f32 v28, v44  }
0x1e9: {  	v28 =	vmul.f32 v28, v42;
	v39 =	vmul.f32 v26, v39  }
0x1ea: {  	[tilespmem:s16+$0xA0] =	vst v13;
	v40 =	vld.idx.msk [tilespmem:v40+s26+$0x0], $0xffff;
	v9 =	vmul.f32 v9, v26;
	v13 =	vmul.f32 v41, v26  }
0x1eb: {  	[tilespmem:s16+$0xB0] =	vst v11;
	v5 =	vmul.f32 v5, v31;
	v11 =	vmul.f32 v25, v47  }
0x1ec: {  	v8 =	vmul.f32 v8, v25;
	v30 =	vmul.f32 v30, v3  }
0x1ed: {  	v48 =	vld.idx.msk [tilespmem:v48+s26+$0x0], $0xffff;
	v10 =	vmul.f32 v10, v27;
	v3 =	vmul.f32 v2, v43  }
0x1ee: {  	v2 =	vmul.f32 v32, v43;
	v30 =	vmul.f32 v30, v29  }
0x1ef: {  	s15 =	sadd.s32 $0x200, s15;
	s18 =	sadd.s32 $0x200, s12;
	[tilespmem:s16+$0xFFFFFFB0] =	vst v6;
	v32 =	vperm.xlane v34, v58;
	v9 =	vmul.f32 v9, v40  }
0x1f0: {  	v6 =	vld [tilespmem:s15+$0x80];
	v26 =	vor.u32 s8, v55;
	v34 =	vperm.xlane v24, v56;
	v13 =	vmul.f32 v13, v40;
	[tilespmem:s18+$0xF0] =	vst v30  }
0x1f1: {  	v53 =	vld [tilespmem:s15+$0xFFFFFF80];
	v24 =	vperm.xlane v18, v56;
	v5 =	vmul.f32 v5, v40;
	[tilespmem:s18+$0xFFFFFFD0] =	vst v9  }
0x1f2: {  	v11 =	vmul.f32 v11, v48;
	v8 =	vmul.f32 v8, v48;
	[tilespmem:s18+$0xFFFFFFE0] =	vst v13  }
0x1f3: {  	v10 =	vmul.f32 v10, v48;
	v30 =	vperm.xlane v18, v52;
	[tilespmem:s18+$0xFFFFFFF0] =	vst v5  }
0x1f4: {  	v18 =	vperm.xlane v22, v56;
	v9 =	vmul.f32 v49, v25;
	v13 =	vld [tilespmem:s15+$0x0];
	[tilespmem:s18+$0x40] =	vst v11  }
0x1f5: {  	v22 =	vmul.f32 v39, v40;
	v5 =	vld.idx.msk [tilespmem:v26+s26+$0x0], $0xffff;
	v11 =	vmul.f32 v16, v28;
	[tilespmem:s18+$0x50] =	vst v8  }
0x1f6: {  	v8 =	vmul.f32 v12, v28;
	[tilespmem:s18+$0x70] =	vst v10;
	v9 =	vmul.f32 v9, v48  }
0x1f7: {  	v10 =	vld [tilespmem:s15+$0xFFFFFF00];
	[tilespmem:s18+$0xFFFFFFC0] =	vst v22;
	v22 =	vmul.f32 v28, v51;
	v11 =	vmul.f32 v11, v29  }
0x1f8: {  	v16 =	vmul.f32 v36, v35;
	v8 =	vmul.f32 v8, v29;
	[tilespmem:s18+$0x60] =	vst v9  }
0x1f9: {  	v12 =	vmul.f32 v22, v29;
	v9 =	vmul.f32 v35, v33;
	[tilespmem:s18+$0xD0] =	vst v11  }
0x1fa: {  	v16 =	vmul.f32 v16, v5;
	[tilespmem:s18+$0xE0] =	vst v8;
	v8 =	vmul.f32 v3, v23  }
0x1fb: {  	[tilespmem:s18+$0xC0] =	vst v12;
	v12 =	vmul.f32 v37, v35;
	v9 =	vmul.f32 v9, v5  }
0x1fc: {  	v11 =	vmul.f32 v17, v21;
	[tilespmem:s18+$0xFFFFFF50] =	vst v16;
	v8 =	vmul.f32 v8, v10  }
0x1fd: {  	v12 =	vmul.f32 v12, v5;
	[tilespmem:s18+$0xFFFFFF40] =	vst v9;
	v9 =	vmul.f32 v20, v3  }
0x1fe: {  	v5 =	vmul.f32 v11, v5;
	v11 =	vmul.f32 v32, v3;
	[tilespmem:s18+$0xFFFFFF00] =	vst v8  }
0x1ff: {  	v3 =	vmul.f32 v19, v3;
	[tilespmem:s18+$0xFFFFFF60] =	vst v12;
	v9 =	vmul.f32 v9, v10  }
0x200: {  	v8 =	vmul.f32 v14, v2;
	[tilespmem:s18+$0xFFFFFF70] =	vst v5;
	v11 =	vmul.f32 v11, v10  }
0x201: {  	v5 =	vmul.f32 v2, v34;
	v3 =	vmul.f32 v3, v10;
	[tilespmem:s18+$0xFFFFFF10] =	vst v9  }
0x202: {  	v8 =	vmul.f32 v8, v53;
	v9 =	vmul.f32 v38, v2;
	[tilespmem:s18+$0xFFFFFF20] =	vst v11  }
0x203: {  	v5 =	vmul.f32 v5, v53;
	v2 =	vmul.f32 v15, v2;
	[tilespmem:s18+$0xFFFFFF30] =	vst v3  }
0x204: {  	v3 =	vmul.f32 v1, v24;
	[tilespmem:s18+$0xFFFFFF90] =	vst v8;
	v9 =	vmul.f32 v9, v53  }
0x205: {  	v8 =	vmul.f32 v46, v1;
	[tilespmem:s18+$0xFFFFFF80] =	vst v5;
	v2 =	vmul.f32 v2, v53  }
0x206: {  	v5 =	vmul.f32 v45, v1;
	v3 =	vmul.f32 v3, v13;
	[tilespmem:s18+$0xFFFFFFA0] =	vst v9  }
0x207: {  	v1 =	vmul.f32 v30, v1;
	v8 =	vmul.f32 v8, v13;
	[tilespmem:s18+$0xFFFFFFB0] =	vst v2  }
0x208: {  	v5 =	vmul.f32 v5, v13;
	v2 =	vmul.f32 v0, v18;
	[tilespmem:s18+$0x0] =	vst v3  }
0x209: {  	v3 =	vmul.f32 v7, v0;
	v1 =	vmul.f32 v1, v13;
	[tilespmem:s18+$0x20] =	vst v8  }
0x20a: {  	[tilespmem:s18+$0x10] =	vst v5;
	v5 =	vmul.f32 v50, v0;
	v2 =	vmul.f32 v2, v6  }
0x20b: {  	v0 =	vmul.f32 v4, v0;
	v3 =	vmul.f32 v3, v6;
	[tilespmem:s18+$0x30] =	vst v1  }
0x20c: {  	v1 =	vmul.f32 v5, v6;
	[tilespmem:s18+$0x80] =	vst v2  }
0x20d: {  	v0 =	vmul.f32 v0, v6;
	[tilespmem:s18+$0x90] =	vst v3  }
0x20e: {  	[tilespmem:s18+$0xA0] =	vst v1  }
0x20f: {  	[tilespmem:s18+$0xB0] =	vst v0  }
0x210: {  	_ =	swait.ge [sflag:s2], $0x2000  }
0x211: {  	[sflag:s2] =	ssyncset.done $0x0  }
0x212: {  	s11 =	simm.s32 $0x196CB;
	[sflag:s2] =	ssyncadd.s32 $0xFFFFE000  }
0x213: {  	v0 =	vld [tilespmem:s11+$0x0]  }
0x214: {  	s15 =	simm.s32 $0x2180;
	v2 =	vld [tilespmem:s11+$0xFFFFFF85]  }
0x215: {  	v1 =	vor.u32 s15, v55;
	v3 =	vld [tilespmem:s11+$0xFFFFFFF0]  }
0x216: {  	v4 =	vld [tilespmem:s11+$0xFFFFFFAE]  }
0x217: {  	v5 =	vld [tilespmem:s11+$0xFFFFFFD7]  }
0x218: {  	v13 =	vld [tilespmem:s11+$0xFFFFFF9E]  }
0x219: {  	v6 =	vperm.xlane v0, v54;
	v0 =	vperm.xlane v0, v59  }
0x21a: {  	v10 =	vld.idx.msk [tilespmem:v1+s26+$0x0], $0xffff;
	v1 =	vperm.xlane v2, v54;
	v2 =	vperm.xlane v2, v59  }
0x21b: {  	v8 =	vperm.xlane v3, v63;
	v9 =	vperm.xlane v4, v54  }
0x21c: {  	v21 =	vld [tilespmem:s11+$0xFFFFFFC7];
	v4 =	vperm.xlane v4, v59;
	v11 =	vperm.xlane v5, v54  }
0x21d: {  	v5 =	vperm.xlane v5, v59;
	v24 =	vperm.xlane v13, v56  }
0x21e: {  	v25 =	vperm.xlane v13, v57;
	v26 =	vperm.xlane v13, v58  }
0x21f: {  	v27 =	vperm.xlane v13, v52;
	v28 =	vperm.xlane v13, v60  }
0x220: {  	v29 =	vperm.xlane v13, v61;
	v30 =	vperm.xlane v13, v62  }
0x221: {  	v13 =	vperm.xlane v13, v63;
	v31 =	vperm.xlane v21, v56  }
0x222: {  	v32 =	vperm.xlane v21, v57;
	v33 =	vperm.xlane v21, v58  }
0x223: {  	v34 =	vperm.xlane v21, v52;
	v35 =	vperm.xlane v21, v60  }
0x224: {  	v36 =	vperm.xlane v21, v61;
	v37 =	vperm.xlane v21, v62  }
0x225: {  	v21 =	vperm.xlane v21, v63;
	v38 =	vperm.xlane v3, v56  }
0x226: {  	v39 =	vperm.xlane v3, v57;
	v40 =	vperm.xlane v3, v58  }
0x227: {  	v41 =	vperm.xlane v3, v52;
	v45 =	vperm.xlane v3, v60  }
0x228: {  	v46 =	vperm.xlane v3, v61;
	v3 =	vperm.xlane v3, v62  }
0x229: {  	v7 =	vmul.f32 v0, v44;
	v1 =	vmul.f32 v1, v43  }
0x22a: {  	v12 =	vmul.f32 v2, v42;
	v2 =	vmul.f32 v2, v44  }
0x22b: {  	v11 =	vmul.f32 v11, v43;
	v14 =	vmul.f32 v5, v42  }
0x22c: {  	v5 =	vmul.f32 v5, v44;
	v7 =	vmul.f32 v8, v7  }
0x22d: {  	v18 =	vmul.f32 v6, v43;
	v19 =	vmul.f32 v0, v42;
	v8 =	vld [tilespmem:s11+$0xFFFFFF75]  }
0x22e: {  	v5 =	vmul.f32 v21, v5;
	v16 =	vmul.f32 v7, v10  }
0x22f: {  	v7 =	vmul.f32 v9, v43;
	v9 =	vmul.f32 v4, v42  }
0x230: {  	v3 =	vmul.f32 v3, v19;
	v4 =	vmul.f32 v4, v44  }
0x231: {  	v53 =	vmul.f32 v25, v7;
	v25 =	vmul.f32 v30, v9  }
0x232: {  	v30 =	vmul.f32 v37, v14;
	v6 =	vperm.xlane v8, v56  }
0x233: {  	v0 =	vperm.xlane v8, v57;
	v15 =	vperm.xlane v8, v58  }
0x234: {  	v17 =	vperm.xlane v8, v52;
	v20 =	vperm.xlane v8, v60  }
0x235: {  	v22 =	vperm.xlane v8, v61;
	v23 =	vperm.xlane v8, v62  }
0x236: {  	v8 =	vperm.xlane v8, v63;
	v52 =	vmul.f32 v7, v24  }
0x237: {  	v24 =	vmul.f32 v29, v9;
	v29 =	vmul.f32 v36, v14  }
0x238: {  	s16 =	simm.s32 $0x2080;
	v47 =	vmul.f32 v1, v6;
	v48 =	vmul.f32 v0, v1  }
0x239: {  	v49 =	vmul.f32 v15, v1;
	v20 =	vmul.f32 v12, v20;
	v0 =	vor.u32 s16, v55  }
0x23a: {  	v22 =	vmul.f32 v22, v12;
	v23 =	vmul.f32 v23, v12  }
0x23b: {  	s18 =	simm.s32 $0x2100;
	v51 =	vmul.f32 v8, v2;
	v6 =	vmul.f32 v26, v7  }
0x23c: {  	s22 =	simm.s32 $0x2000;
	v7 =	vmul.f32 v27, v7;
	v2 =	vor.u32 s18, v55;
	v26 =	vmul.f32 v13, v4  }
0x23d: {  	v12 =	vmul.f32 v11, v31;
	v13 =	vmul.f32 v32, v11;
	v27 =	vor.u32 s22, v55  }
0x23e: {  	v8 =	vmul.f32 v33, v11;
	v4 =	vmul.f32 v34, v11;
	v11 =	vld.idx.msk [tilespmem:v0+s26+$0x0], $0xffff  }
0x23f: {  	v50 =	vmul.f32 v17, v1;
	v1 =	vmul.f32 v9, v28  }
0x240: {  	v28 =	vmul.f32 v14, v35;
	v17 =	vmul.f32 v18, v38  }
0x241: {  	v14 =	vmul.f32 v39, v18;
	v31 =	vmul.f32 v46, v19;
	v21 =	vld.idx.msk [tilespmem:v2+s26+$0x0], $0xffff  }
0x242: {  	s15 =	simm.s32 $0x16D80;
	v15 =	vmul.f32 v40, v18;
	v9 =	vmul.f32 v41, v18;
	v18 =	vld.idx.msk [tilespmem:v27+s26+$0x0], $0xffff  }
0x243: {  	s12 =	simm.s32 $0x1C2F0;
	v46 =	vld [tilespmem:s15+$0xFFFFFE80];
	v31 =	vmul.f32 v31, v10;
	v1 =	vmul.f32 v1, v11  }
0x244: {  	v27 =	vmul.f32 v19, v45;
	v0 =	vld [tilespmem:s15+$0x0];
	[tilespmem:s12+$0x0] =	vst v16;
	v16 =	vmul.f32 v24, v11  }
0x245: {  	v2 =	vld [tilespmem:s15+$0xFFFFFF00];
	v19 =	vmul.f32 v25, v11;
	v11 =	vmul.f32 v26, v11;
	[tilespmem:s12+$0xFFFFFED0] =	vst v1  }
0x246: {  	v28 =	vmul.f32 v28, v21;
	v5 =	vmul.f32 v5, v21;
	[tilespmem:s12+$0xFFFFFEE0] =	vst v16  }
0x247: {  	v26 =	vmul.f32 v3, v10;
	v25 =	vmul.f32 v20, v18;
	[tilespmem:s12+$0xFFFFFEF0] =	vst v19  }
0x248: {  	v24 =	vmul.f32 v22, v18;
	v23 =	vmul.f32 v23, v18;
	[tilespmem:s12+$0xFFFFFF00] =	vst v11  }
0x249: {  	v20 =	vmul.f32 v51, v18;
	v16 =	vmul.f32 v29, v21;
	v1 =	vld [tilespmem:s15+$0xFFFFFF80];
	[tilespmem:s12+$0xFFFFFF50] =	vst v28  }
0x24a: {  	v18 =	vmul.f32 v48, v46;
	v29 =	vmul.f32 v30, v21;
	[tilespmem:s12+$0xFFFFFF80] =	vst v5  }
0x24b: {  	v21 =	vmul.f32 v27, v10;
	v19 =	vmul.f32 v47, v46;
	[tilespmem:s12+$0xFFFFFF60] =	vst v16  }
0x24c: {  	v10 =	vmul.f32 v50, v46;
	v11 =	vmul.f32 v52, v2;
	[tilespmem:s12+$0xFFFFFF70] =	vst v29  }
0x24d: {  	s6 =	simm.s32 $0x48;
	s8 =	simm.s32 $0x2200;
	v63 =	vimm.s32 $0xF;
	s16 =	simm.s32 $0x1C2F0;
	v5 =	vmul.f32 v53, v2;
	v16 =	vmul.f32 v49, v46;
	[tilespmem:s12+$0xFFFFFFD0] =	vst v21  }
.LBB2_18:
0x24e: {  	s11 =	sadd.s32 $0xA4, s11;
	[tilespmem:s12+$0xFFFFFFE0] =	vst v31  }
0x24f: {  	v22 =	vld [tilespmem:s11+$0xFFFFFF85];
	[tilespmem:s12+$0xFFFFFE50] =	vst v25  }
0x250: {  	v12 =	vmul.f32 v12, v1;
	v13 =	vmul.f32 v13, v1;
	[tilespmem:s12+$0xFFFFFE60] =	vst v24  }
0x251: {  	v8 =	vmul.f32 v8, v1;
	v4 =	vmul.f32 v4, v1;
	v1 =	vld [tilespmem:s11+$0xFFFFFFAE];
	[tilespmem:s12+$0xFFFFFE70] =	vst v23  }
0x252: {  	v6 =	vmul.f32 v6, v2;
	v2 =	vmul.f32 v7, v2;
	[tilespmem:s12+$0xFFFFFE20] =	vst v18;
	v18 =	vld [tilespmem:s11+$0xFFFFFFC7]  }
0x253: {  	v17 =	vmul.f32 v17, v0;
	v14 =	vmul.f32 v14, v0;
	[tilespmem:s12+$0xFFFFFE80] =	vst v20  }
0x254: {  	v15 =	vmul.f32 v15, v0;
	v9 =	vmul.f32 v9, v0;
	[tilespmem:s12+$0xFFFFFE10] =	vst v19  }
0x255: {  	[tilespmem:s12+$0xFFFFFE30] =	vst v16;
	v7 =	vld [tilespmem:s11+$0x0];
	v0 =	vperm.xlane v22, v54;
	v19 =	vperm.xlane v22, v59  }
0x256: {  	[tilespmem:s12+$0xFFFFFFF0] =	vst v26;
	v29 =	vld [tilespmem:s11+$0xFFFFFF75];
	v30 =	vperm.xlane v1, v54;
	v1 =	vperm.xlane v1, v59  }
0x257: {  	v50 =	vimm.s32 $0x8;
	v25 =	vld [tilespmem:s11+$0xFFFFFFF0];
	v37 =	vperm.xlane v18, v56;
	v38 =	vperm.xlane v18, v57  }
0x258: {  	v39 =	vperm.xlane v18, v58;
	v40 =	vperm.xlane v18, v50  }
0x259: {  	v41 =	vperm.xlane v18, v60;
	v45 =	vperm.xlane v18, v61  }
0x25a: {  	s22 =	sadd.s32 $0x80, s8;
	v46 =	vperm.xlane v18, v62;
	v18 =	vperm.xlane v18, v63  }
0x25b: {  	v23 =	vld [tilespmem:s11+$0xFFFFFFD7];
	v26 =	vor.u32 s22, v55;
	v20 =	vperm.xlane v7, v54;
	v7 =	vperm.xlane v7, v59  }
0x25c: {  	v21 =	vor.u32 s8, v55;
	v32 =	vperm.xlane v29, v62;
	v28 =	vperm.xlane v25, v63  }
0x25d: {  	v47 =	vperm.xlane v25, v56;
	v48 =	vperm.xlane v25, v57  }
0x25e: {  	s18 =	sadd.s32 $0x180, s8;
	s8 =	sadd.s32 $0x100, s8;
	v49 =	vperm.xlane v25, v58;
	v51 =	vperm.xlane v25, v60  }
0x25f: {  	[tilespmem:s12+$0xFFFFFE40] =	vst v10;
	v27 =	vor.u32 s8, v55;
	v22 =	vld [tilespmem:s11+$0xFFFFFF9E];
	v52 =	vperm.xlane v25, v61;
	v24 =	vmul.f32 v7, v44  }
0x260: {  	v16 =	vld.idx.msk [tilespmem:v26+s26+$0x0], $0xffff;
	v26 =	vperm.xlane v23, v54;
	v23 =	vperm.xlane v23, v59;
	[tilespmem:s12+$0xFFFFFEA0] =	vst v5  }
0x261: {  	v5 =	vld.idx.msk [tilespmem:v21+s26+$0x0], $0xffff;
	v21 =	vmul.f32 v19, v42;
	[tilespmem:s12+$0xFFFFFEB0] =	vst v6;
	v6 =	vmul.f32 v19, v44  }
0x262: {  	v19 =	vmul.f32 v30, v43;
	v20 =	vmul.f32 v20, v43  }
0x263: {  	v3 =	vor.u32 s18, v55;
	[tilespmem:s12+$0xFFFFFE90] =	vst v11;
	v31 =	vmul.f32 v7, v42;
	v7 =	vperm.xlane v29, v57  }
0x264: {  	v11 =	vld.idx.msk [tilespmem:v27+s26+$0x0], $0xffff;
	v27 =	vmul.f32 v1, v42;
	[tilespmem:s16+$0xFFFFFF10] =	vst v12;
	v12 =	vperm.xlane v29, v56  }
0x265: {  	[tilespmem:s16+$0xFFFFFF20] =	vst v13;
	v13 =	vperm.xlane v29, v60;
	v10 =	vmul.f32 v28, v24  }
0x266: {  	s15 =	sadd.s32 $0x200, s15;
	v24 =	vmul.f32 v0, v43;
	v28 =	vmul.f32 v1, v44  }
0x267: {  	v26 =	vmul.f32 v26, v43;
	v30 =	vmul.f32 v23, v42;
	v1 =	vld [tilespmem:s15+$0xFFFFFF80];
	[tilespmem:s16+$0xFFFFFF30] =	vst v8  }
0x268: {  	v3 =	vld.idx.msk [tilespmem:v3+s26+$0x0], $0xffff;
	v23 =	vmul.f32 v23, v44;
	v8 =	vperm.xlane v29, v58;
	[tilespmem:s16+$0xFFFFFF40] =	vst v4  }
0x269: {  	v0 =	vld [tilespmem:s15+$0x0];
	v4 =	vperm.xlane v29, v50;
	[tilespmem:s16+$0xFFFFFF90] =	vst v17;
	v17 =	vperm.xlane v29, v61  }
0x26a: {  	[tilespmem:s16+$0xFFFFFFA0] =	vst v14;
	v14 =	vperm.xlane v29, v63;
	v29 =	vperm.xlane v22, v56  }
0x26b: {  	[tilespmem:s16+$0xFFFFFFB0] =	vst v15;
	v15 =	vperm.xlane v22, v57;
	v33 =	vperm.xlane v22, v58  }
0x26c: {  	[tilespmem:s16+$0xFFFFFFC0] =	vst v9;
	v9 =	vperm.xlane v22, v50;
	v34 =	vperm.xlane v22, v60  }
0x26d: {  	v35 =	vperm.xlane v22, v61;
	v36 =	vperm.xlane v22, v62  }
0x26e: {  	v22 =	vperm.xlane v22, v63;
	v50 =	vperm.xlane v25, v50  }
0x26f: {  	v25 =	vperm.xlane v25, v62;
	v53 =	vmul.f32 v24, v12  }
0x270: {  	v54 =	vmul.f32 v7, v24;
	v55 =	vmul.f32 v8, v24  }
0x271: {  	v56 =	vmul.f32 v4, v24;
	v24 =	vmul.f32 v21, v13  }
0x272: {  	v57 =	vmul.f32 v17, v21;
	v21 =	vmul.f32 v32, v21  }
0x273: {  	v32 =	vmul.f32 v14, v6;
	v29 =	vmul.f32 v19, v29  }
0x274: {  	v58 =	vmul.f32 v15, v19;
	v6 =	vmul.f32 v33, v19  }
0x275: {  	v7 =	vmul.f32 v9, v19;
	v19 =	vmul.f32 v27, v34  }
0x276: {  	v33 =	vmul.f32 v35, v27;
	v27 =	vmul.f32 v36, v27  }
0x277: {  	v22 =	vmul.f32 v22, v28;
	v12 =	vmul.f32 v26, v37  }
0x278: {  	v13 =	vmul.f32 v38, v26;
	v8 =	vmul.f32 v39, v26  }
0x279: {  	v4 =	vmul.f32 v40, v26;
	v26 =	vmul.f32 v30, v41  }
0x27a: {  	v28 =	vmul.f32 v45, v30;
	v30 =	vmul.f32 v46, v30  }
0x27b: {  	v18 =	vmul.f32 v18, v23;
	v17 =	vmul.f32 v20, v47  }
0x27c: {  	v14 =	vmul.f32 v48, v20;
	v15 =	vmul.f32 v49, v20  }
0x27d: {  	v9 =	vmul.f32 v50, v20;
	v20 =	vmul.f32 v31, v51  }
0x27e: {  	v23 =	vmul.f32 v52, v31;
	v10 =	vmul.f32 v10, v3  }
0x27f: {  	s12 =	sadd.s32 $0x200, s12;
	[tilespmem:s16+$0xFFFFFEC0] =	vst v2;
	v25 =	vmul.f32 v25, v31;
	v19 =	vmul.f32 v19, v16  }
0x280: {  	v31 =	vmul.f32 v33, v16;
	v27 =	vmul.f32 v27, v16;
	[tilespmem:s12+$0x0] =	vst v10  }
0x281: {  	v2 =	vld [tilespmem:s15+$0xFFFFFF00];
	v16 =	vmul.f32 v22, v16;
	v22 =	vmul.f32 v28, v11;
	[tilespmem:s12+$0xFFFFFED0] =	vst v19  }
0x282: {  	v28 =	vmul.f32 v30, v11;
	v19 =	vmul.f32 v26, v11;
	[tilespmem:s12+$0xFFFFFEE0] =	vst v31  }
0x283: {  	v10 =	vld [tilespmem:s15+$0xFFFFFE80];
	[tilespmem:s12+$0xFFFFFEF0] =	vst v27;
	v11 =	vmul.f32 v18, v11;
	v27 =	vmul.f32 v20, v3  }
0x284: {  	p1 =	slt.u32 s6, $0x7C;
	[tilespmem:s12+$0xFFFFFF00] =	vst v16;
	v31 =	vmul.f32 v23, v3;
	v26 =	vmul.f32 v25, v3  }
.Ltmp6:
0x285: {  	v25 =	vmul.f32 v24, v5;
	v24 =	vmul.f32 v57, v5;
	[tilespmem:s12+$0xFFFFFF60] =	vst v22;
	(pc) =	sbr.rel @p1 .LBB2_18-.Ltmp6, $4  }
0x286: {  	v23 =	vmul.f32 v21, v5;
	v20 =	vmul.f32 v32, v5;
	[tilespmem:s12+$0xFFFFFF70] =	vst v28  }
0x287: {  	v57 =	vimm.s32 $0x6;
	v5 =	vmul.f32 v58, v2;
	[tilespmem:s12+$0xFFFFFF80] =	vst v11;
	v11 =	vmul.f32 v29, v2  }
0x288: {  	v58 =	vimm.s32 $0x7;
	[tilespmem:s12+$0xFFFFFF50] =	vst v19;
	v19 =	vmul.f32 v53, v10;
	v18 =	vmul.f32 v54, v10;
	v54 =	vld [tilespmem:$0x1FED0]  }
0x289: {  	s8 =	sshll.u32 s6, $0x7;
	s6 =	sadd.s32 $0x4, s6;
	s16 =	smov.u32 s12;
	[tilespmem:s12+$0xFFFFFFD0] =	vst v27;
	v16 =	vmul.f32 v55, v10;
	v55 =	vld [tilespmem:$0x1FEC0];
	v10 =	vmul.f32 v56, v10;
	v56 =	vimm.s32 $0x5  }
0x28a: {  	s6 =	sadd.s32 $0xA4, s11  }
0x28b: {  	v46 =	vld [tilespmem:s6+$0x0]  }
0x28c: {  	v6 =	vmul.f32 v6, v2;
	v7 =	vmul.f32 v7, v2;
	v21 =	vld [tilespmem:s6+$0xFFFFFF85]  }
0x28d: {  	v12 =	vmul.f32 v12, v1;
	v13 =	vmul.f32 v13, v1;
	v22 =	vld [tilespmem:s6+$0xFFFFFFF0]  }
0x28e: {  	v8 =	vmul.f32 v8, v1;
	v4 =	vmul.f32 v4, v1;
	v47 =	vld [tilespmem:s6+$0xFFFFFFAE]  }
0x28f: {  	v17 =	vmul.f32 v17, v0;
	v14 =	vmul.f32 v14, v0;
	v27 =	vld [tilespmem:s6+$0xFFFFFFD7]  }
0x290: {  	v15 =	vmul.f32 v15, v0;
	v9 =	vmul.f32 v9, v0;
	v34 =	vld [tilespmem:s6+$0xFFFFFF75]  }
0x291: {  	v48 =	vperm.xlane v46, v54;
	v28 =	vperm.xlane v46, v59  }
0x292: {  	v49 =	vperm.xlane v21, v54;
	v21 =	vperm.xlane v21, v59  }
0x293: {  	v51 =	vld [tilespmem:s6+$0xFFFFFF9E];
	v30 =	vperm.xlane v22, v63;
	v32 =	vperm.xlane v47, v54  }
0x294: {  	[tilespmem:s12+$0xFFFFFE70] =	vst v23;
	v1 =	vperm.xlane v47, v59;
	v33 =	vperm.xlane v27, v54  }
0x295: {  	[tilespmem:s12+$0xFFFFFE80] =	vst v20;
	v52 =	vimm.s32 $0x8;
	v27 =	vperm.xlane v27, v59;
	v23 =	vperm.xlane v34, v56  }
0x296: {  	[tilespmem:s12+$0xFFFFFE10] =	vst v19;
	v20 =	vperm.xlane v34, v57;
	v19 =	vperm.xlane v34, v52  }
0x297: {  	v53 =	vld [tilespmem:s6+$0xFFFFFFC7];
	[tilespmem:s12+$0xFFFFFE30] =	vst v16;
	v36 =	vperm.xlane v34, v61;
	v37 =	vperm.xlane v34, v62  }
0x298: {  	[tilespmem:s12+$0xFFFFFE40] =	vst v10;
	v16 =	vperm.xlane v34, v63;
	v10 =	vperm.xlane v51, v57  }
0x299: {  	[tilespmem:s12+$0xFFFFFE90] =	vst v11;
	v38 =	vperm.xlane v51, v58;
	v11 =	vperm.xlane v51, v52  }
0x29a: {  	[tilespmem:s12+$0xFFFFFEA0] =	vst v5;
	v39 =	vperm.xlane v51, v60;
	v5 =	vperm.xlane v51, v61  }
0x29b: {  	[tilespmem:s12+$0xFFFFFEB0] =	vst v6;
	v41 =	vperm.xlane v51, v62;
	v6 =	vperm.xlane v51, v63  }
0x29c: {  	[tilespmem:s12+$0xFFFFFE60] =	vst v24;
	v24 =	vperm.xlane v53, v56;
	v45 =	vperm.xlane v53, v57  }
0x29d: {  	[tilespmem:s16+$0xFFFFFF10] =	vst v12;
	v46 =	vperm.xlane v53, v58;
	v47 =	vperm.xlane v53, v60  }
0x29e: {  	[tilespmem:s16+$0xFFFFFF20] =	vst v13;
	v12 =	vperm.xlane v53, v61;
	v13 =	vperm.xlane v53, v63  }
0x29f: {  	[tilespmem:s16+$0xFFFFFF40] =	vst v4;
	v4 =	vperm.xlane v22, v52;
	v59 =	vperm.xlane v22, v61  }
0x2a0: {  	v63 =	vperm.xlane v22, v62;
	v50 =	vmul.f32 v28, v44  }
0x2a1: {  	v35 =	vmul.f32 v21, v42;
	v21 =	vmul.f32 v21, v44  }
0x2a2: {  	s22 =	sadd.s32 $0x180, s8;
	[tilespmem:s12+$0xFFFFFFF0] =	vst v26;
	v2 =	vmul.f32 v32, v43;
	v26 =	vmul.f32 v1, v42  }
0x2a3: {  	[tilespmem:s12+$0xFFFFFFE0] =	vst v31;
	v3 =	vor.u32 s22, v55;
	v31 =	vmul.f32 v1, v44;
	v1 =	vmul.f32 v33, v43  }
0x2a4: {  	[tilespmem:s12+$0xFFFFFE50] =	vst v25;
	v25 =	vmul.f32 v27, v42;
	v27 =	vmul.f32 v27, v44  }
0x2a5: {  	s11 =	sadd.s32 $0x80, s8;
	v0 =	vmul.f32 v48, v43;
	v28 =	vmul.f32 v28, v42  }
0x2a6: {  	v40 =	vor.u32 s11, v55;
	v32 =	vperm.xlane v34, v58;
	v33 =	vperm.xlane v34, v60  }
0x2a7: {  	v34 =	vperm.xlane v51, v56;
	v51 =	vperm.xlane v22, v60  }
0x2a8: {  	v29 =	vld.idx.msk [tilespmem:v3+s26+$0x0], $0xffff;
	v3 =	vmul.f32 v49, v43;
	v49 =	vperm.xlane v53, v62  }
0x2a9: {  	s22 =	sadd.s32 $0x100, s8;
	v30 =	vmul.f32 v30, v50;
	v39 =	vmul.f32 v26, v39  }
0x2aa: {  	[tilespmem:s12+$0xFFFFFE20] =	vst v18;
	v48 =	vor.u32 s22, v55;
	v5 =	vmul.f32 v5, v26;
	v42 =	vmul.f32 v41, v26  }
0x2ab: {  	[tilespmem:s16+$0xFFFFFF30] =	vst v8;
	v40 =	vld.idx.msk [tilespmem:v40+s26+$0x0], $0xffff;
	v6 =	vmul.f32 v6, v31;
	v47 =	vmul.f32 v25, v47  }
0x2ac: {  	[tilespmem:s16+$0xFFFFFF90] =	vst v17;
	v12 =	vmul.f32 v12, v25;
	v13 =	vmul.f32 v13, v27  }
0x2ad: {  	[tilespmem:s16+$0xFFFFFFA0] =	vst v14;
	v59 =	vmul.f32 v59, v28;
	v63 =	vmul.f32 v63, v28  }
0x2ae: {  	[tilespmem:s16+$0xFFFFFFB0] =	vst v15;
	v31 =	vmul.f32 v37, v35;
	v41 =	vmul.f32 v2, v34  }
0x2af: {  	[tilespmem:s16+$0xFFFFFFC0] =	vst v9;
	v10 =	vmul.f32 v10, v2;
	v48 =	vld.idx.msk [tilespmem:v48+s26+$0x0], $0xffff;
	v30 =	vmul.f32 v30, v29  }
0x2b0: {  	s15 =	sadd.s32 $0x200, s15;
	s18 =	sadd.s32 $0x200, s12;
	[tilespmem:s16+$0xFFFFFEC0] =	vst v7;
	v49 =	vmul.f32 v49, v25;
	v43 =	vmul.f32 v39, v40  }
0x2b1: {  	v7 =	vld [tilespmem:s15+$0x0];
	v37 =	vmul.f32 v20, v3;
	v5 =	vmul.f32 v5, v40;
	[tilespmem:s18+$0x0] =	vst v30  }
0x2b2: {  	v39 =	vld [tilespmem:s15+$0xFFFFFF00];
	v15 =	vmul.f32 v42, v40;
	v6 =	vmul.f32 v6, v40;
	[tilespmem:s18+$0xFFFFFED0] =	vst v43  }
0x2b3: {  	v40 =	vmul.f32 v32, v3;
	v30 =	vperm.xlane v53, v52;
	[tilespmem:s18+$0xFFFFFEE0] =	vst v5  }
0x2b4: {  	v44 =	vor.u32 s8, v55;
	v27 =	vld [tilespmem:s15+$0xFFFFFE80];
	[tilespmem:s18+$0xFFFFFEF0] =	vst v15;
	v53 =	vmul.f32 v28, v51;
	v9 =	vmul.f32 v47, v48  }
0x2b5: {  	[tilespmem:s18+$0xFFFFFF00] =	vst v6;
	v28 =	vmul.f32 v36, v35;
	v12 =	vmul.f32 v12, v48  }
0x2b6: {  	v15 =	vld [tilespmem:s15+$0xFFFFFF80];
	v36 =	vmul.f32 v3, v23;
	v5 =	vmul.f32 v49, v48;
	[tilespmem:s18+$0xFFFFFF50] =	vst v9  }
0x2b7: {  	v3 =	vmul.f32 v19, v3;
	v13 =	vmul.f32 v13, v48;
	[tilespmem:s18+$0xFFFFFF60] =	vst v12  }
0x2b8: {  	v42 =	vmul.f32 v38, v2;
	v25 =	vmul.f32 v53, v29;
	[tilespmem:s18+$0xFFFFFF70] =	vst v5  }
0x2b9: {  	v2 =	vmul.f32 v11, v2;
	v52 =	vld.idx.msk [tilespmem:v44+s26+$0x0], $0xffff;
	v3 =	vmul.f32 v3, v27;
	[tilespmem:s18+$0xFFFFFF80] =	vst v13  }
0x2ba: {  	v43 =	vmul.f32 v10, v39;
	[tilespmem:s18+$0xFFFFFFD0] =	vst v25  }
0x2bb: {  	v2 =	vmul.f32 v2, v39;
	[tilespmem:s18+$0xFFFFFE40] =	vst v3  }
0x2bc: {  	v26 =	vmul.f32 v35, v33;
	v9 =	vmul.f32 v59, v29;
	[tilespmem:s18+$0xFFFFFEA0] =	vst v43  }
0x2bd: {  	v18 =	vperm.xlane v22, v56;
	v12 =	vmul.f32 v63, v29;
	[tilespmem:s18+$0xFFFFFEC0] =	vst v2  }
0x2be: {  	v8 =	vperm.xlane v22, v57;
	v5 =	vmul.f32 v26, v52;
	[tilespmem:s18+$0xFFFFFFE0] =	vst v9  }
0x2bf: {  	v33 =	vmul.f32 v16, v21;
	v35 =	vmul.f32 v28, v52;
	[tilespmem:s18+$0xFFFFFFF0] =	vst v12  }
0x2c0: {  	v44 =	vmul.f32 v1, v24;
	v14 =	vmul.f32 v31, v52;
	[tilespmem:s18+$0xFFFFFE50] =	vst v5  }
0x2c1: {  	v47 =	vmul.f32 v45, v1;
	v6 =	vmul.f32 v33, v52;
	[tilespmem:s18+$0xFFFFFE60] =	vst v35  }
0x2c2: {  	v48 =	vmul.f32 v46, v1;
	v3 =	vmul.f32 v44, v15;
	[tilespmem:s18+$0xFFFFFE70] =	vst v14  }
0x2c3: {  	v1 =	vmul.f32 v30, v1;
	v49 =	vmul.f32 v47, v15;
	[tilespmem:s18+$0xFFFFFE80] =	vst v6  }
0x2c4: {  	v51 =	vmul.f32 v0, v18;
	v52 =	vmul.f32 v48, v15;
	[tilespmem:s18+$0xFFFFFF10] =	vst v3  }
0x2c5: {  	v50 =	vperm.xlane v22, v58;
	v1 =	vmul.f32 v1, v15;
	[tilespmem:s18+$0xFFFFFF20] =	vst v49  }
0x2c6: {  	v53 =	vmul.f32 v8, v0;
	v2 =	vmul.f32 v51, v7;
	[tilespmem:s18+$0xFFFFFF30] =	vst v52  }
0x2c7: {  	v59 =	vmul.f32 v50, v0;
	v12 =	vmul.f32 v36, v27;
	[tilespmem:s18+$0xFFFFFF40] =	vst v1  }
0x2c8: {  	v0 =	vmul.f32 v4, v0;
	v9 =	vmul.f32 v40, v27;
	[tilespmem:s18+$0xFFFFFF90] =	vst v2  }
0x2c9: {  	v63 =	vmul.f32 v59, v7;
	[tilespmem:s18+$0xFFFFFE10] =	vst v12  }
0x2ca: {  	v0 =	vmul.f32 v0, v7;
	[tilespmem:s18+$0xFFFFFE30] =	vst v9  }
0x2cb: {  	v5 =	vmul.f32 v37, v27;
	[tilespmem:s18+$0xFFFFFFB0] =	vst v63  }
0x2cc: {  	v6 =	vmul.f32 v41, v39;
	[tilespmem:s18+$0xFFFFFFC0] =	vst v0  }
0x2cd: {  	v3 =	vmul.f32 v53, v7;
	[tilespmem:s18+$0xFFFFFE20] =	vst v5  }
0x2ce: {  	v5 =	vmul.f32 v42, v39;
	[tilespmem:s18+$0xFFFFFE90] =	vst v6  }
0x2cf: {  	[tilespmem:s18+$0xFFFFFFA0] =	vst v3  }
0x2d0: {  	[tilespmem:s18+$0xFFFFFEB0] =	vst v5  }
0x2d1: {  	v45 =	vld [tilespmem:$0x1FE80]  }
0x2d2: {  	v46 =	vld [tilespmem:$0x1FE90]  }
0x2d3: {  	s10 =	sadd.s32 $0x1, s10;
	v47 =	vld [tilespmem:$0x1FEA0]  }
0x2d4: {  	p1 =	sne.s32 s10, $0xA0;
	v48 =	vld [tilespmem:$0x1FEB0]  }
.Ltmp7:
0x2d5: {  	v33 =	vld [tilespmem:$0x1FEF0];
	(pc) =	sbr.rel @p1 .LBB2_13-.Ltmp7, $4  }
.Ltmp8:
0x2d6: {  	v34 =	vld [tilespmem:$0x1FF00];
	(pc) =	sbr.rel @!p1 .LBB2_20-.Ltmp8, $4  }
0x2d7: {  	v35 =	vld [tilespmem:$0x1FF10]  }
0x2d8: {  	v36 =	vld [tilespmem:$0x1FF20]  }
0x2d9: {  	v52 =	vimm.s32 $0x8;
	[spmem:s5] =	stream.indirect.scatter.add.f32 [tilespmem:s17], [sflag:$0x3], $0x80, s31, s7, $0xb8;
	v37 =	vld [tilespmem:$0x1FF30]  }
0x2da: {  	_ = 	snop  }
.LBB2_4:
0x2db: {  	v0 =	vld [tilespmem:$0x1FE30];
	_ =	sdelay $0x1  }
0x2dc: {  	v1 =	vld [tilespmem:$0x1E200]  }
0x2dd: {  	v49 =	vld [tilespmem:$0x1E210]  }
0x2de: {  	v3 =	vld [tilespmem:$0x1E220]  }
0x2df: {  	v26 =	vld [tilespmem:$0x1E228]  }
0x2e0: {  	v63 =	vld [tilespmem:$0x1FE20]  }
0x2e1: {  	v20 =	vld [tilespmem:$0x1E238]  }
0x2e2: {  	v25 =	vld.idx.msk [tilespmem:v0+s9+$0x0], $0xffff  }
0x2e3: {  	[tilespmem:$0x1FDA0] =	vst v1  }
0x2e4: {  	[tilespmem:$0x1FDB0] =	vst v49  }
0x2e5: {  	[tilespmem:$0x1FDC0] =	vst v3  }
0x2e6: {  	[tilespmem:$0x1FDD0] =	vst v26  }
0x2e7: {  	[tilespmem:$0x1FDF0] =	vst v20;
	v0 =	vmul.f32 v63, v25  }
0x2e8: {  	[tilespmem:$0x1FE00] =	vst v25  }
0x2e9: {  	s10 =	simm.s32 $0x0;
	s9 =	simm.s32 $0x0;
	[tilespmem:$0x1FDE0] =	vst v0  }
.LBB2_5:
0x2ea: {  	s6 =	sadd.s32 s13, s10  }
0x2eb: {  	s8 =	sshll.u32 s6, $0x7  }
0x2ec: {  	s12 =	simm.s32 $0x14000;
	s8 =	sadd.s32 s0, s8  }
0x2ed: {  	[tilespmem:s12], [sflag:$0x4] =	stream.strided.gather [hbm4b:s8+s19], $0x800, s20, s19, $0x38;
	[tilespmem:$0x1E280] =	vst v63  }
0x2ee: {  	s8 =	sadd.s32 $0xA0000, s8  }
0x2ef: {  	[tilespmem:s23], [sflag:$0x4] =	stream.linear.gather [hbm4b:s8+s9], $0x80, $0x38;
	[tilespmem:$0x1E280] =	vst v63  }
0x2f0: {  	_ =	swait.ge [sflag:s21], $0x880  }
0x2f1: {  	s11 =	sshll.u32 s6, $0x5;
	[sflag:s21] =	ssyncset.done $0x0  }
0x2f2: {  	s6 =	sadd.s32 s11, s14;
	[sflag:s21] =	ssyncadd.s32 $0xFFFFF780  }
0x2f3: {  	[tilespmem:s24], [sflag:$0x4] =	stream.linear.gather [hbm4b:s6+s9], $0x80, $0x38;
	[tilespmem:$0x1E280] =	vst v63  }
0x2f4: {  	s16 =	simm.s32 $0x10;
	_ =	swait.ge [sflag:s21], $0x80  }
0x2f5: {  	v0 =	vmov s16;
	[sflag:s21] =	ssyncset.done $0x0;
	v21 =	vld [tilespmem:$0x1FEE0]  }
0x2f6: {  	v0 =	vmul.u32 $0x29, v0;
	[sflag:s21] =	ssyncadd.s32 $0xFFFFFF80  }
0x2f7: {  	v1 =	vmov s9;
	[tilespmem:s26], [sflag:$0x1] =	stream.indirect.gather [hbm4b:s1+s25], $0x80, s24, s25, $0xb8;
	[tilespmem:$0x1E280] =	vst v63  }
0x2f8: {  	v1 =	vmul.u32 $0x29, v1;
	v0 =	vbroadcast v0, $0x0  }
0x2f9: {  	[tilespmem:s29], [sflag:$0x2] =	stream.indirect.gather [hbm4b:s1+s25], $0x80, s28, s25, $0xb8;
	[tilespmem:$0x1E280] =	vst v63  }
0x2fa: {  	v56 =	vbroadcast v1, $0x0;
	v1 =	vadd.s32 v21, v0;
	v2 =	vld [tilespmem:s12+$0x10];
	_ =	sdelay $0x1  }
0x2fb: {  	v3 =	vadd.s32 v21, v56;
	v4 =	vld [tilespmem:s12+$0x0];
	_ =	sdelay $0x2  }
0x2fc: {  	v36 =	vadd.s32 $0x1, v21;
	[tilespmem:v1+s30+$0x0] =	vst.idx.msk $0xffff, v2  }
0x2fd: {  	v1 =	vadd.s32 v36, v0;
	v2 =	vld [tilespmem:s12+$0x90]  }
0x2fe: {  	[tilespmem:v3+s30+$0x0] =	vst.idx.msk $0xffff, v4  }
0x2ff: {  	v3 =	vadd.s32 v36, v56;
	v4 =	vld [tilespmem:s12+$0x80];
	_ =	sdelay $0x2  }
0x300: {  	v37 =	vadd.s32 $0x2, v21;
	[tilespmem:v1+s30+$0x0] =	vst.idx.msk $0xffff, v2  }
0x301: {  	v1 =	vadd.s32 v37, v0;
	v2 =	vld [tilespmem:s12+$0x110]  }
0x302: {  	[tilespmem:v3+s30+$0x0] =	vst.idx.msk $0xffff, v4  }
0x303: {  	v3 =	vadd.s32 v37, v56;
	v4 =	vld [tilespmem:s12+$0x100];
	_ =	sdelay $0x2  }
0x304: {  	v5 =	vadd.s32 $0x3, v21;
	[tilespmem:v1+s30+$0x0] =	vst.idx.msk $0xffff, v2  }
0x305: {  	v1 =	vadd.s32 v5, v0;
	v2 =	vld [tilespmem:s12+$0x190]  }
0x306: {  	[tilespmem:v3+s30+$0x0] =	vst.idx.msk $0xffff, v4  }
0x307: {  	v3 =	vadd.s32 v5, v56;
	v4 =	vld [tilespmem:s12+$0x180];
	_ =	sdelay $0x2  }
0x308: {  	v6 =	vadd.s32 $0x4, v21;
	[tilespmem:v1+s30+$0x0] =	vst.idx.msk $0xffff, v2  }
0x309: {  	v1 =	vadd.s32 v6, v0;
	v2 =	vld [tilespmem:s12+$0x210]  }
0x30a: {  	[tilespmem:v3+s30+$0x0] =	vst.idx.msk $0xffff, v4  }
0x30b: {  	v3 =	vadd.s32 v6, v56;
	v4 =	vld [tilespmem:s12+$0x200];
	_ =	sdelay $0x2  }
0x30c: {  	[tilespmem:v1+s30+$0x0] =	vst.idx.msk $0xffff, v2  }
0x30d: {  	v2 =	vld [tilespmem:s12+$0x810]  }
0x30e: {  	s18 =	simm.s32 $0x20;
	[tilespmem:v3+s30+$0x0] =	vst.idx.msk $0xffff, v4  }
0x30f: {  	v3 =	vmov s18;
	v1 =	vld [tilespmem:s12+$0x800]  }
0x310: {  	v3 =	vmul.u32 $0x29, v3;
	_ =	sdelay $0x1  }
0x311: {  	v49 =	vbroadcast v3, $0x0;
	v3 =	vadd.f32 $-7.142857310e-01, v2  }
0x312: {  	v4 =	vadd.f32 $-1.428571460e+00, v2;
	v7 =	vadd.f32 $-2.142857070e+00, v2  }
0x313: {  	v44 =	vmovc v6;
	v6 =	vmul.f32 $2.000000030e-01, v1;
	v8 =	vadd.f32 $-2.857142930e+00, v2;
	v10 =	vadd.f32 $-3.571428540e+00, v2  }
0x314: {  	v9 =	vmul.f32 v2, v2;
	v11 =	vadd.f32 $-4.285714150e+00, v2;
	v13 =	vadd.f32 $-5.000000000e+00, v2  }
0x315: {  	v12 =	vmul.f32 $2.000000030e-01, v2;
	v14 =	vadd.f32 $-1.000000000e+00, v2;
	v17 =	vadd.f32 $-2.000000000e+00, v2  }
0x316: {  	v18 =	vadd.f32 $-3.000000000e+00, v2;
	v15 =	vmul.f32 $-1.279999970e+00, v9;
	v16 =	vmul.f32 $-7.200000290e-01, v9  }
0x317: {  	v19 =	vadd.f32 $-4.000000000e+00, v2;
	v3 =	vmul.f32 v3, v3;
	v9 =	vmul.f32 $-3.199999930e-01, v9  }
0x318: {  	v20 =	vadd.f32 $-1.666666630e+00, v2;
	v4 =	vmul.f32 v4, v4;
	v7 =	vmul.f32 v7, v7  }
0x319: {  	v2 =	vadd.f32 $-3.333333250e+00, v2;
	v8 =	vmul.f32 v8, v8;
	v10 =	vmul.f32 v10, v10  }
0x31a: {  	v11 =	vmul.f32 v11, v11;
	v13 =	vmul.f32 v13, v13;
	v12 =	vmax.f32 v12, $0.0e+00  }
0x31b: {  	v14 =	vmul.f32 v14, v14;
	v17 =	vmul.f32 v17, v17;
	v12 =	vmin.f32 v12, $1.000000000e+00  }
0x31c: {  	v18 =	vmul.f32 v18, v18;
	v19 =	vmul.f32 v19, v19;
	v12 =	vsub.f32 $5.000000000e-01, v12  }
0x31d: {  	v20 =	vmul.f32 v20, v20;
	v2 =	vmul.f32 v2, v2  }
0x31e: {  	v15 =	vmul.f32 $1.442695020e+00, v15;
	v23 =	vmul.f32 v12, v12  }
0x31f: {  	v16 =	vmul.f32 $1.442695020e+00, v16;
	v9 =	vmul.f32 $1.442695020e+00, v9  }
0x320: {  	v24 =	vmul.f32 $-1.279999970e+00, v3;
	v3 =	vmul.f32 $7.721839100e-02, v23  }
0x321: {  	v4 =	vmul.f32 $-1.279999970e+00, v4;
	v7 =	vmul.f32 $-1.279999970e+00, v7  }
0x322: {  	v8 =	vmul.f32 $-1.279999970e+00, v8;
	v10 =	vmul.f32 $-1.279999970e+00, v10;
	v3 =	vadd.f32 $-5.980442170e-01, v3  }
0x323: {  	v11 =	vmul.f32 $-1.279999970e+00, v11;
	v25 =	vmul.f32 $-1.279999970e+00, v13  }
0x324: {  	v14 =	vmul.f32 $-7.200000290e-01, v14;
	v3 =	vmul.f32 v3, v23  }
0x325: {  	v6 =	vmax.f32 v6, $0.0e+00;
	v17 =	vmul.f32 $-7.200000290e-01, v17;
	v18 =	vmul.f32 $-7.200000290e-01, v18  }
0x326: {  	v19 =	vmul.f32 $-7.200000290e-01, v19;
	v26 =	vmul.f32 $-7.200000290e-01, v13;
	v3 =	vadd.f32 $2.550031190e+00, v3  }
0x327: {  	v6 =	vmin.f32 v6, $1.000000000e+00;
	v20 =	vmul.f32 $-3.199999930e-01, v20;
	(erf) = vpow2.f32 v15  }
0x328: {  	v41 =	vsub.f32 $5.000000000e-01, v6;
	v6 =	vmul.f32 $1.442695020e+00, v24;
	v15 =	vmul.f32 v3, v23  }
0x329: {  	v4 =	vmul.f32 $1.442695020e+00, v4;
	(erf) = vpow2.f32 v16  }
0x32a: {  	v7 =	vmul.f32 $1.442695020e+00, v7;
	(erf) = vpow2.f32 v9;
	v9 =	vadd.f32 $-5.167706970e+00, v15  }
0x32b: {  	v8 =	vmul.f32 $1.442695020e+00, v8;
	(erf) = vpow2.f32 v6  }
0x32c: {  	(erf) = vpow2.f32 v4;
	v9 =	vmul.f32 v9, v23  }
0x32d: {  	v10 =	vmul.f32 $1.442695020e+00, v10;
	(erf) = vpow2.f32 v7  }
0x32e: {  	v4 =	vmul.f32 $1.442695020e+00, v11;
	(erf) = vpow2.f32 v8;
	v8 =	vadd.f32 $3.141592500e+00, v9  }
0x32f: {  	v11 =	vmul.f32 $1.442695020e+00, v25;
	(erf) = vpow2.f32 v10  }
0x330: {  	(erf) = vpow2.f32 v4;
	v9 =	vmul.f32 $1.442695020e+00, v14  }
0x331: {  	v14 =	vmul.f32 $1.442695020e+00, v17;
	v4 =	vmul.f32 v8, v12  }
0x332: {  	v12 =	vmul.f32 $1.442695020e+00, v18;
	v8 =	vpop (erf);
	(erf) = vpow2.f32 v11  }
0x333: {  	v15 =	vpop (erf);
	(erf) = vpow2.f32 v9;
	v9 =	vmul.f32 $1.442695020e+00, v19  }
0x334: {  	v18 =	vpop (erf);
	(erf) = vpow2.f32 v14;
	v14 =	vmul.f32 $1.442695020e+00, v26  }
0x335: {  	v2 =	vmul.f32 $-3.199999930e-01, v2;
	v19 =	vpop (erf);
	(erf) = vpow2.f32 v12  }
0x336: {  	v4 =	vadd.f32 $1.000000000e+00, v4;
	v12 =	vmul.f32 $1.442695020e+00, v20;
	v20 =	vpop (erf);
	(erf) = vpow2.f32 v9  }
0x337: {  	v2 =	vmul.f32 $1.442695020e+00, v2;
	v9 =	vpop (erf);
	(erf) = vpow2.f32 v14  }
0x338: {  	v14 =	vpop (erf);
	(erf) = vpow2.f32 v12;
	v12 =	vmul.f32 $5.000000000e-01, v4;
	_ =	sdelay $0x1  }
0x339: {  	v42 =	vld [tilespmem:$0x1FFA0];
	v4 =	vpop (erf);
	(erf) = vpow2.f32 v2;
	v2 =	vmul.f32 v12, v20;
	_ =	sdelay $0x1  }
0x33a: {  	[tilespmem:$0x1FB70] =	vst v2;
	v2 =	vadd.s32 v48, v0  }
0x33b: {  	[tilespmem:$0x1FB80] =	vst v2;
	v2 =	vmul.f32 v12, v4;
	_ =	sdelay $0x1  }
0x33c: {  	v43 =	vld [tilespmem:$0x1FFB0];
	v25 =	vpop (erf);
	[tilespmem:$0x1FBA0] =	vst v2;
	v2 =	vadd.s32 v42, v0  }
0x33d: {  	[tilespmem:$0x1FB90] =	vst v2;
	v2 =	vmul.f32 v12, v25  }
0x33e: {  	v26 =	vpop (erf)  }
0x33f: {  	[tilespmem:$0x1FBC0] =	vst v2;
	v2 =	vmul.f32 v12, v26;
	_ =	sdelay $0x1  }
0x340: {  	[tilespmem:$0x1FBE0] =	vst v2;
	v2 =	vadd.s32 v43, v0  }
0x341: {  	[tilespmem:$0x1FBB0] =	vst v2;
	v2 =	vmul.f32 v12, v15  }
0x342: {  	v22 =	vadd.s32 $0x17, v21;
	v13 =	vmul.f32 $-3.199999930e-01, v13;
	v16 =	vadd.s32 $0x16, v21;
	v32 =	vpop (erf)  }
0x343: {  	v27 =	vadd.s32 $0x19, v21;
	v23 =	vmul.f32 v12, v14;
	v14 =	vpop (erf);
	[tilespmem:$0x1FC20] =	vst v2;
	v2 =	vadd.s32 v16, v0  }
0x344: {  	v59 =	vadd.f32 $-1.428571460e+00, v1;
	v13 =	vmul.f32 $1.442695020e+00, v13;
	[tilespmem:$0x1FBD0] =	vst v2;
	v2 =	vmul.f32 v12, v14  }
0x345: {  	v29 =	vadd.s32 $0x1B, v21;
	v61 =	vadd.f32 $-2.142857070e+00, v1;
	v62 =	vadd.f32 $-2.857142930e+00, v1  }
0x346: {  	v24 =	vadd.s32 $0x18, v21;
	(erf) = vpow2.f32 v13;
	[tilespmem:$0x1FC90] =	vst v2;
	v2 =	vadd.s32 v22, v0  }
0x347: {  	v53 =	vmul.f32 v12, v18;
	v18 =	vmul.f32 v41, v41;
	[tilespmem:$0x1FBF0] =	vst v2;
	v2 =	vadd.s32 v24, v0  }
0x348: {  	v57 =	vadd.f32 $-3.571428540e+00, v1;
	v11 =	vadd.f32 $-1.000000000e+00, v1;
	[tilespmem:$0x1FC30] =	vst v2;
	v2 =	vadd.s32 v27, v0  }
0x349: {  	v34 =	vadd.f32 $-2.000000000e+00, v1;
	v10 =	vadd.f32 $-4.285714150e+00, v1;
	[tilespmem:$0x1FC60] =	vst v2;
	v2 =	vmul.f32 $7.721839100e-02, v18  }
0x34a: {  	v3 =	vadd.f32 $-7.142857310e-01, v1;
	v11 =	vmul.f32 v11, v11;
	v13 =	vmul.f32 v12, v8;
	v58 =	vpop (erf)  }
0x34b: {  	v39 =	vmul.f32 v12, v19;
	v20 =	vmul.f32 v12, v9;
	v60 =	vpop (erf);
	v2 =	vadd.f32 $-5.980442170e-01, v2  }
0x34c: {  	v17 =	vadd.f32 $-5.000000000e+00, v1;
	v19 =	vmul.f32 v12, v32;
	v63 =	vmul.f32 v12, v58;
	v35 =	vpop (erf)  }
0x34d: {  	v4 =	vadd.f32 $-4.000000000e+00, v1;
	v58 =	vmul.f32 v3, v3;
	v50 =	vpop (erf);
	v2 =	vmul.f32 v2, v18  }
0x34e: {  	v3 =	vadd.f32 $-3.333333250e+00, v1;
	v55 =	vmul.f32 v12, v60;
	v54 =	vmul.f32 v12, v35;
	v32 =	vpop (erf)  }
0x34f: {  	v35 =	vadd.f32 $-1.666666630e+00, v1;
	v52 =	vmul.f32 v12, v50;
	v33 =	vpop (erf);
	v2 =	vadd.f32 $2.550031190e+00, v2  }
0x350: {  	v50 =	vmul.f32 v12, v32;
	v51 =	vmul.f32 v12, v33;
	v12 =	vadd.f32 $-3.000000000e+00, v1  }
0x351: {  	v32 =	vmul.f32 v2, v18;
	v2 =	vmul.f32 v1, v1;
	v1 =	vadd.s32 v29, v0  }
0x352: {  	v60 =	vmul.f32 v34, v34;
	[tilespmem:$0x1FCB0] =	vst v1;
	v1 =	vmul.f32 $-7.200000290e-01, v11;
	_ =	sdelay $0x1  }
0x353: {  	v38 =	vadd.s32 v45, v0;
	v12 =	vmul.f32 v12, v12;
	[tilespmem:$0x1FCD0] =	vst v1;
	v1 =	vmul.f32 $-7.200000290e-01, v60  }
0x354: {  	v31 =	vadd.s32 v46, v0;
	v28 =	vadd.s32 $0x1A, v21  }
0x355: {  	v7 =	vadd.s32 v28, v0;
	[tilespmem:$0x1FCE0] =	vst v1;
	v1 =	vmul.f32 $-7.200000290e-01, v12  }
0x356: {  	[tilespmem:$0x1FCA0] =	vst v7;
	v4 =	vmul.f32 v4, v4  }
0x357: {  	[tilespmem:$0x1FD00] =	vst v1  }
0x358: {  	v8 =	vmul.f32 v3, v3;
	v3 =	vmul.f32 $-7.200000290e-01, v4;
	[tilespmem:v38+s30+$0x0] =	vst.idx.msk $0xffff, v13  }
0x359: {  	[tilespmem:v31+s30+$0x0] =	vst.idx.msk $0xffff, v39  }
0x35a: {  	v40 =	vadd.s32 v47, v0;
	[tilespmem:$0x1FD10] =	vst v3;
	v3 =	vld [tilespmem:$0x1FB70];
	_ =	sdelay $0x2  }
0x35b: {  	v7 =	vmul.f32 v35, v35;
	_ =	sdelay $0x1  }
0x35c: {  	[tilespmem:v40+s30+$0x0] =	vst.idx.msk $0xffff, v3;
	v3 =	vmul.f32 $-3.199999930e-01, v7;
	_ =	sdelay $0x1  }
0x35d: {  	[tilespmem:$0x1FD30] =	vst v3;
	v3 =	vld [tilespmem:$0x1FB80];
	_ =	sdelay $0x7  }
0x35e: {  	[tilespmem:v3+s30+$0x0] =	vst.idx.msk $0xffff, v20  }
0x35f: {  	v3 =	vld [tilespmem:$0x1FB90];
	_ =	sdelay $0x5  }
0x360: {  	v30 =	vadd.s32 $0x1C, v21;
	v59 =	vmul.f32 v59, v59  }
0x361: {  	v61 =	vmul.f32 v61, v61;
	v62 =	vmul.f32 v62, v62;
	v34 =	vadd.s32 $0x1E, v21  }
0x362: {  	v6 =	vmul.f32 v57, v57;
	v9 =	vmul.f32 $-1.279999970e+00, v58;
	v58 =	vadd.s32 v34, v0;
	[tilespmem:v3+s30+$0x0] =	vst.idx.msk $0xffff, v23  }
0x363: {  	v35 =	vmul.f32 $-1.279999970e+00, v62;
	v33 =	vadd.s32 $0x1D, v21;
	v15 =	vmul.f32 $-1.279999970e+00, v61;
	v3 =	vld [tilespmem:$0x1FBB0]  }
0x364: {  	v61 =	vadd.s32 v30, v0;
	v62 =	vadd.s32 v33, v0;
	v14 =	vmul.f32 $-1.279999970e+00, v59  }
0x365: {  	v38 =	vadd.s32 $0x1F, v21;
	v39 =	vadd.s32 $0x20, v21;
	v40 =	vadd.s32 $0x21, v21  }
0x366: {  	v57 =	vadd.s32 v38, v0;
	v59 =	vadd.s32 v39, v0;
	v60 =	vadd.s32 v40, v0;
	v0 =	vld [tilespmem:$0x1FBA0];
	_ =	sdelay $0x2  }
0x367: {  	v17 =	vmul.f32 v17, v17;
	_ =	sdelay $0x1  }
0x368: {  	[tilespmem:v3+s30+$0x0] =	vst.idx.msk $0xffff, v0;
	v0 =	vmul.f32 $-3.199999930e-01, v17  }
0x369: {  	v25 =	vmul.f32 $-1.279999970e+00, v6;
	v6 =	vld [tilespmem:$0x1FBD0]  }
0x36a: {  	[tilespmem:$0x1FD50] =	vst v0;
	v0 =	vmul.f32 $-7.200000290e-01, v2;
	_ =	sdelay $0x1  }
0x36b: {  	[tilespmem:$0x1FD60] =	vst v0;
	v0 =	vld [tilespmem:$0x1FBC0];
	_ =	sdelay $0x4  }
0x36c: {  	[tilespmem:v6+s30+$0x0] =	vst.idx.msk $0xffff, v0  }
0x36d: {  	v7 =	vld [tilespmem:$0x1FBF0];
	_ =	sdelay $0x2  }
0x36e: {  	v6 =	vld [tilespmem:$0x1FBE0];
	_ =	sdelay $0x1  }
0x36f: {  	v0 =	vmul.f32 $-3.199999930e-01, v2  }
0x370: {  	s12 =	simm.s32 $0x14020  }
0x371: {  	v3 =	vld [tilespmem:s12+$0x10];
	[tilespmem:$0x1FD80] =	vst v0  }
0x372: {  	[tilespmem:v7+s30+$0x0] =	vst.idx.msk $0xffff, v6  }
0x373: {  	v7 =	vld [tilespmem:$0x1FC30];
	_ =	sdelay $0x2  }
0x374: {  	v6 =	vld [tilespmem:$0x1FC20];
	_ =	sdelay $0x2  }
0x375: {  	v0 =	vld [tilespmem:s12+$0x0];
	[tilespmem:$0x1FC00] =	vst v16  }
0x376: {  	[tilespmem:$0x1FC10] =	vst v22  }
0x377: {  	[tilespmem:v7+s30+$0x0] =	vst.idx.msk $0xffff, v6  }
0x378: {  	s22 =	simm.s32 $0x30;
	v6 =	vld [tilespmem:$0x1FC60]  }
0x379: {  	v1 =	vmov s22  }
0x37a: {  	v1 =	vmul.u32 $0x29, v1;
	_ =	sdelay $0x1  }
0x37b: {  	v1 =	vbroadcast v1, $0x0;
	_ =	sdelay $0x1  }
0x37c: {  	v4 =	vadd.s32 v21, v1;
	[tilespmem:$0x1FC40] =	vst v24  }
0x37d: {  	v31 =	vmul.f32 $-1.279999970e+00, v2;
	v2 =	vadd.s32 v21, v49;
	[tilespmem:$0x1FC50] =	vst v27  }
0x37e: {  	[tilespmem:v6+s30+$0x0] =	vst.idx.msk $0xffff, v19  }
0x37f: {  	[tilespmem:$0x1FC70] =	vst v28  }
0x380: {  	[tilespmem:$0x1FC80] =	vst v29  }
0x381: {  	[tilespmem:v4+s30+$0x0] =	vst.idx.msk $0xffff, v3  }
0x382: {  	[tilespmem:v2+s30+$0x0] =	vst.idx.msk $0xffff, v0  }
0x383: {  	v4 =	vld [tilespmem:$0x1FCA0];
	_ =	sdelay $0x2  }
0x384: {  	v2 =	vld [tilespmem:$0x1FC90];
	_ =	sdelay $0x4  }
0x385: {  	[tilespmem:v4+s30+$0x0] =	vst.idx.msk $0xffff, v2  }
0x386: {  	v2 =	vld [tilespmem:$0x1FCB0];
	_ =	sdelay $0x7  }
0x387: {  	[tilespmem:v2+s30+$0x0] =	vst.idx.msk $0xffff, v63  }
0x388: {  	v2 =	vld [tilespmem:$0x1FCD0];
	_ =	sdelay $0x3  }
0x389: {  	v11 =	vmul.f32 $1.442695020e+00, v9;
	v13 =	vmul.f32 $-1.279999970e+00, v17  }
0x38a: {  	v20 =	vmul.f32 $-7.200000290e-01, v17;
	v17 =	vmul.f32 $1.442695020e+00, v2;
	v2 =	vld [tilespmem:$0x1FCE0]  }
0x38b: {  	v14 =	vmul.f32 $1.442695020e+00, v14  }
0x38c: {  	(erf) = vpow2.f32 v11;
	v0 =	vld [tilespmem:s12+$0x90]  }
0x38d: {  	(erf) = vpow2.f32 v14;
	v14 =	vld [tilespmem:s12+$0x80];
	[tilespmem:$0x1FCC0] =	vst v30  }
0x38e: {  	[tilespmem:v61+s30+$0x0] =	vst.idx.msk $0xffff, v55  }
0x38f: {  	v9 =	vadd.s32 v28, v56;
	v28 =	vmul.f32 $1.442695020e+00, v2;
	v2 =	vld [tilespmem:$0x1FD00];
	_ =	sdelay $0x1  }
0x390: {  	v3 =	vadd.f32 $-5.167706970e+00, v32;
	v32 =	vadd.s32 v36, v1  }
0x391: {  	v4 =	vadd.s32 v36, v49  }
0x392: {  	[tilespmem:$0x1FCF0] =	vst v33  }
0x393: {  	v23 =	vmul.f32 $-3.199999930e-01, v8;
	v8 =	vadd.s32 v27, v56;
	v27 =	vmul.f32 $1.442695020e+00, v2;
	v2 =	vld [tilespmem:$0x1FD10];
	[tilespmem:v62+s30+$0x0] =	vst.idx.msk $0xffff, v54  }
0x394: {  	[tilespmem:$0x1FD20] =	vst v34  }
0x395: {  	v12 =	vadd.s32 v16, v56;
	v16 =	vmul.f32 $1.442695020e+00, v15;
	v15 =	vld [tilespmem:$0x1FD30];
	[tilespmem:v32+s30+$0x0] =	vst.idx.msk $0xffff, v0  }
0x396: {  	v10 =	vmul.f32 v10, v10;
	[tilespmem:v4+s30+$0x0] =	vst.idx.msk $0xffff, v14  }
0x397: {  	v3 =	vmul.f32 v3, v18;
	[tilespmem:v58+s30+$0x0] =	vst.idx.msk $0xffff, v53  }
0x398: {  	v26 =	vmul.f32 $-1.279999970e+00, v10;
	v10 =	vadd.s32 v22, v56;
	v22 =	vmul.f32 $1.442695020e+00, v13;
	[tilespmem:v57+s30+$0x0] =	vst.idx.msk $0xffff, v52  }
0x399: {  	(erf) = vpow2.f32 v16;
	v19 =	vmul.f32 $1.442695020e+00, v35;
	v0 =	vadd.f32 $3.141592500e+00, v3;
	v3 =	vld [tilespmem:$0x1FD50]  }
0x39a: {  	v7 =	vadd.s32 v24, v56;
	v24 =	vmul.f32 $1.442695020e+00, v25;
	v35 =	vmul.f32 $1.442695020e+00, v26  }
0x39b: {  	v26 =	vmul.f32 $1.442695020e+00, v20;
	(erf) = vpow2.f32 v19;
	v4 =	vld [tilespmem:s12+$0x110]  }
0x39c: {  	v11 =	vadd.s32 v33, v56;
	(erf) = vpow2.f32 v24;
	v18 =	vmul.f32 $1.442695020e+00, v31;
	v14 =	vld [tilespmem:s12+$0x100];
	[tilespmem:$0x1FD40] =	vst v38  }
0x39d: {  	(erf) = vpow2.f32 v35;
	[tilespmem:v59+s30+$0x0] =	vst.idx.msk $0xffff, v50;
	v20 =	vmul.f32 $1.442695020e+00, v15;
	v15 =	vadd.s32 v37, v1  }
0x39e: {  	v16 =	vadd.s32 v37, v49;
	v0 =	vmul.f32 v0, v41;
	v31 =	vmul.f32 $1.442695020e+00, v3;
	v3 =	vld [tilespmem:$0x1FD60];
	[tilespmem:v60+s30+$0x0] =	vst.idx.msk $0xffff, v51  }
0x39f: {  	v23 =	vmul.f32 $1.442695020e+00, v23;
	v13 =	vadd.s32 v30, v56;
	(erf) = vpow2.f32 v22;
	v19 =	vld [tilespmem:$0x1FD80]  }
0x3a0: {  	v6 =	vadd.s32 v29, v56;
	(erf) = vpow2.f32 v17;
	v0 =	vadd.f32 $1.000000000e+00, v0;
	[tilespmem:$0x1FD70] =	vst v39  }
0x3a1: {  	v35 =	vadd.s32 v40, v56;
	(erf) = vpow2.f32 v28;
	v32 =	vadd.s32 v38, v56;
	[tilespmem:$0x1FD90] =	vst v40  }
0x3a2: {  	v25 =	vmul.f32 $1.442695020e+00, v2;
	v2 =	vadd.s32 v34, v56;
	[tilespmem:v15+s30+$0x0] =	vst.idx.msk $0xffff, v4;
	v4 =	vmul.f32 $5.000000000e-01, v0  }
0x3a3: {  	[tilespmem:v16+s30+$0x0] =	vst.idx.msk $0xffff, v14;
	v0 =	vadd.s32 v5, v49;
	v14 =	vadd.s32 v5, v1;
	v16 =	vpop (erf);
	(erf) = vpow2.f32 v27  }
0x3a4: {  	s15 =	simm.s32 $0x40;
	v15 =	vld [tilespmem:s12+$0x190];
	v24 =	vmul.f32 $1.442695020e+00, v3;
	v3 =	vadd.s32 v39, v56;
	v19 =	vmul.f32 $1.442695020e+00, v19  }
.LBB2_6:
0x3a5: {  	v17 =	vld [tilespmem:s12+$0x180]  }
0x3a6: {  	v34 =	vmul.f32 v4, v16;
	v16 =	vpop (erf);
	(erf) = vpow2.f32 v25  }
0x3a7: {  	v25 =	vmul.f32 v4, v16;
	v16 =	vpop (erf);
	(erf) = vpow2.f32 v26  }
0x3a8: {  	v26 =	vmul.f32 v4, v16;
	v16 =	vpop (erf);
	(erf) = vpow2.f32 v20  }
0x3a9: {  	v20 =	vmul.f32 v4, v16;
	v16 =	vpop (erf);
	(erf) = vpow2.f32 v23;
	[tilespmem:v14+s30+$0x0] =	vst.idx.msk $0xffff, v15  }
0x3aa: {  	v15 =	vadd.s32 v44, v1;
	v23 =	vmul.f32 v4, v16;
	v14 =	vpop (erf);
	(erf) = vpow2.f32 v31;
	[tilespmem:v0+s30+$0x0] =	vst.idx.msk $0xffff, v17;
	v16 =	vld [tilespmem:s12+$0x210]  }
0x3ab: {  	v0 =	vadd.s32 v44, v49;
	(erf) = vpow2.f32 v18;
	v17 =	vpop (erf);
	v18 =	vld [tilespmem:s12+$0x200]  }
0x3ac: {  	v31 =	vmul.f32 v4, v14;
	(erf) = vpow2.f32 v24;
	v14 =	vpop (erf)  }
0x3ad: {  	v39 =	vmov s15;
	v24 =	vpop (erf)  }
0x3ae: {  	v22 =	vadd.s32 v45, v56;
	(erf) = vpow2.f32 v19;
	v19 =	vmul.f32 v4, v14;
	v14 =	vpop (erf)  }
0x3af: {  	v28 =	vadd.s32 v46, v56;
	v33 =	vmul.u32 $0x29, v39;
	v38 =	vmul.f32 v4, v14;
	v14 =	vpop (erf);
	[tilespmem:v15+s30+$0x0] =	vst.idx.msk $0xffff, v16  }
0x3b0: {  	v29 =	vadd.s32 v47, v56;
	v40 =	vmul.f32 v4, v14;
	v14 =	vpop (erf);
	[tilespmem:v0+s30+$0x0] =	vst.idx.msk $0xffff, v18;
	v39 =	vld [tilespmem:s12+$0x810]  }
0x3b1: {  	v30 =	vadd.s32 v48, v56;
	v50 =	vadd.s32 v42, v56;
	v27 =	vbroadcast v33, $0x0;
	v0 =	vpop (erf);
	v18 =	vld [tilespmem:s12+$0x800]  }
0x3b2: {  	v51 =	vadd.s32 v43, v56;
	v41 =	vmul.f32 v4, v14;
	v14 =	vmul.f32 v4, v0;
	v0 =	vpop (erf)  }
0x3b3: {  	v56 =	vmov v49;
	v17 =	vmul.f32 v4, v17;
	v24 =	vmul.f32 v4, v24;
	v15 =	vpop (erf)  }
0x3b4: {  	v49 =	vmov v27;
	v0 =	vmul.f32 v4, v0;
	v15 =	vmul.f32 v4, v15;
	v16 =	vpop (erf)  }
0x3b5: {  	v60 =	vmul.f32 v4, v16;
	v16 =	vpop (erf);
	v52 =	vadd.f32 $-7.142857310e-01, v39;
	v27 =	vadd.f32 $-3.571428540e+00, v39  }
0x3b6: {  	v53 =	vadd.f32 $-1.428571460e+00, v39;
	v54 =	vmul.f32 v4, v16;
	v55 =	vmul.f32 $2.000000030e-01, v18  }
0x3b7: {  	v57 =	vadd.f32 $-2.142857070e+00, v39;
	v16 =	vpop (erf);
	[tilespmem:v22+s30+$0x0] =	vst.idx.msk $0xffff, v60;
	v22 =	vmul.f32 v39, v39;
	v27 =	vmul.f32 v27, v27  }
0x3b8: {  	v58 =	vadd.f32 $-2.857142930e+00, v39;
	v4 =	vmul.f32 v4, v16;
	[tilespmem:v28+s30+$0x0] =	vst.idx.msk $0xffff, v34;
	v28 =	vmul.f32 $2.000000030e-01, v39  }
0x3b9: {  	v33 =	vadd.f32 $-4.285714150e+00, v39;
	[tilespmem:v29+s30+$0x0] =	vst.idx.msk $0xffff, v25;
	v25 =	vmul.f32 $-1.279999970e+00, v22;
	v29 =	vmul.f32 $-7.200000290e-01, v22  }
0x3ba: {  	v60 =	vadd.f32 $-2.000000000e+00, v39;
	v22 =	vmul.f32 $-3.199999930e-01, v22;
	v27 =	vmul.f32 $-1.279999970e+00, v27;
	[tilespmem:v30+s30+$0x0] =	vst.idx.msk $0xffff, v26  }
0x3bb: {  	v59 =	vadd.f32 $-1.000000000e+00, v39;
	v26 =	vmul.f32 v52, v52;
	[tilespmem:v50+s30+$0x0] =	vst.idx.msk $0xffff, v20;
	v20 =	vmul.f32 v53, v53  }
0x3bc: {  	v63 =	vadd.f32 $-3.333333250e+00, v39;
	v50 =	vmul.f32 v57, v57;
	v53 =	vmul.f32 v60, v60  }
0x3bd: {  	v34 =	vadd.f32 $-5.000000000e+00, v39;
	v22 =	vmul.f32 $1.442695020e+00, v22;
	[tilespmem:v51+s30+$0x0] =	vst.idx.msk $0xffff, v23;
	v23 =	vmul.f32 v58, v58  }
0x3be: {  	v61 =	vadd.f32 $-4.000000000e+00, v39;
	v26 =	vmul.f32 $-1.279999970e+00, v26;
	[tilespmem:v12+s30+$0x0] =	vst.idx.msk $0xffff, v31;
	v12 =	vmul.f32 v33, v33  }
0x3bf: {  	v31 =	vmul.f32 v34, v34;
	v33 =	vmul.f32 v63, v63;
	[tilespmem:v10+s30+$0x0] =	vst.idx.msk $0xffff, v17;
	v10 =	vmax.f32 v28, $0.0e+00  }
0x3c0: {  	v20 =	vmul.f32 $-1.279999970e+00, v20;
	v58 =	vmul.f32 $-1.279999970e+00, v50;
	[tilespmem:v7+s30+$0x0] =	vst.idx.msk $0xffff, v54;
	v7 =	vmin.f32 v10, $1.000000000e+00  }
0x3c1: {  	v34 =	vmul.f32 $-7.200000290e-01, v53;
	v28 =	vmul.f32 v59, v59;
	[tilespmem:v8+s30+$0x0] =	vst.idx.msk $0xffff, v19;
	v57 =	vsub.f32 $5.000000000e-01, v7  }
0x3c2: {  	v30 =	vadd.f32 $-3.000000000e+00, v39;
	v23 =	vmul.f32 $-1.279999970e+00, v23;
	[tilespmem:v9+s30+$0x0] =	vst.idx.msk $0xffff, v24;
	v24 =	vmul.f32 $1.442695020e+00, v25  }
0x3c3: {  	v25 =	vmul.f32 $1.442695020e+00, v29;
	v29 =	vmul.f32 v57, v57  }
0x3c4: {  	v10 =	vmul.f32 v30, v30;
	v30 =	vmul.f32 v61, v61  }
0x3c5: {  	v12 =	vmul.f32 $-1.279999970e+00, v12;
	[tilespmem:v6+s30+$0x0] =	vst.idx.msk $0xffff, v38;
	v8 =	vmul.f32 $7.721839100e-02, v29  }
0x3c6: {  	v62 =	vadd.f32 $-1.666666630e+00, v39;
	v59 =	vmul.f32 $-1.279999970e+00, v31;
	v61 =	vmul.f32 $-7.200000290e-01, v31;
	[tilespmem:v13+s30+$0x0] =	vst.idx.msk $0xffff, v40  }
0x3c7: {  	v33 =	vmul.f32 $-3.199999930e-01, v33;
	v31 =	vmul.f32 $-3.199999930e-01, v31;
	[tilespmem:v11+s30+$0x0] =	vst.idx.msk $0xffff, v41;
	v11 =	vadd.f32 $-5.980442170e-01, v8  }
0x3c8: {  	v20 =	vmul.f32 $1.442695020e+00, v20;
	v19 =	vmul.f32 v62, v62  }
0x3c9: {  	v28 =	vmul.f32 $-7.200000290e-01, v28;
	v11 =	vmul.f32 v11, v29  }
0x3ca: {  	v23 =	vmul.f32 $1.442695020e+00, v23;
	v60 =	vmul.f32 $-7.200000290e-01, v10  }
0x3cb: {  	v30 =	vmul.f32 $-7.200000290e-01, v30;
	v12 =	vmul.f32 $1.442695020e+00, v12;
	v62 =	vadd.f32 $2.550031190e+00, v11  }
0x3cc: {  	v7 =	vmax.f32 v55, $0.0e+00;
	v33 =	vmul.f32 $1.442695020e+00, v33;
	(erf) = vpow2.f32 v24  }
0x3cd: {  	v6 =	vmin.f32 v7, $1.000000000e+00;
	v63 =	vmul.f32 $-3.199999930e-01, v19;
	v24 =	vmul.f32 v62, v29  }
0x3ce: {  	v19 =	vadd.f32 $-1.000000000e+00, v18;
	(erf) = vpow2.f32 v25;
	v25 =	vmul.f32 $1.442695020e+00, v26  }
0x3cf: {  	v26 =	vmul.f32 $1.442695020e+00, v27;
	(erf) = vpow2.f32 v22;
	v22 =	vadd.f32 $-5.167706970e+00, v24  }
0x3d0: {  	v17 =	vsub.f32 $5.000000000e-01, v6;
	v27 =	vmul.f32 $1.442695020e+00, v59;
	v54 =	vmul.f32 $1.442695020e+00, v63  }
0x3d1: {  	v6 =	vadd.f32 $-7.142857310e-01, v18;
	v24 =	vmul.f32 $1.442695020e+00, v58;
	v22 =	vmul.f32 v22, v29  }
0x3d2: {  	v19 =	vmul.f32 v19, v19;
	(erf) = vpow2.f32 v25  }
0x3d3: {  	v6 =	vmul.f32 v6, v6;
	(erf) = vpow2.f32 v20;
	v22 =	vadd.f32 $3.141592500e+00, v22  }
0x3d4: {  	v55 =	vadd.s32 v47, v1;
	v25 =	vmul.f32 $1.442695020e+00, v28;
	(erf) = vpow2.f32 v24  }
0x3d5: {  	v9 =	vadd.f32 $-2.857142930e+00, v18;
	v24 =	vpop (erf);
	(erf) = vpow2.f32 v23;
	v22 =	vmul.f32 v22, v57  }
0x3d6: {  	v28 =	vmul.f32 $1.442695020e+00, v30;
	v11 =	vadd.f32 $-4.285714150e+00, v18;
	(erf) = vpow2.f32 v26  }
0x3d7: {  	v30 =	vmul.f32 $1.442695020e+00, v61;
	v20 =	vmul.f32 $1.442695020e+00, v34;
	v22 =	vadd.f32 $1.000000000e+00, v22  }
0x3d8: {  	v11 =	vmul.f32 v11, v11;
	v29 =	vadd.s32 v45, v1;
	v26 =	vpop (erf);
	(erf) = vpow2.f32 v12  }
0x3d9: {  	v38 =	vld [tilespmem:$0x1FC10];
	v12 =	vpop (erf);
	(erf) = vpow2.f32 v27;
	v27 =	vadd.s32 v46, v1;
	v22 =	vmul.f32 $5.000000000e-01, v22  }
0x3da: {  	v10 =	vadd.f32 $-3.571428540e+00, v18;
	v40 =	vld [tilespmem:$0x1FC00];
	v23 =	vmul.f32 $1.442695020e+00, v60;
	(erf) = vpow2.f32 v25  }
0x3db: {  	v41 =	vld [tilespmem:$0x1FC40];
	v57 =	vpop (erf);
	v25 =	vadd.s32 v48, v1;
	(erf) = vpow2.f32 v20;
	v24 =	vmul.f32 v22, v24  }
0x3dc: {  	v61 =	vld [tilespmem:$0x1FD70];
	v58 =	vadd.s32 v42, v1;
	v59 =	vpop (erf);
	(erf) = vpow2.f32 v23;
	v20 =	vmul.f32 v22, v57  }
0x3dd: {  	v7 =	vadd.f32 $-1.428571460e+00, v18;
	v34 =	vld [tilespmem:$0x1FC50];
	v23 =	vmul.f32 v22, v59;
	v12 =	vmul.f32 v22, v12;
	[tilespmem:v29+s30+$0x0] =	vst.idx.msk $0xffff, v24;
	v29 =	vpop (erf)  }
0x3de: {  	v39 =	vld [tilespmem:$0x1FC70];
	v24 =	vadd.s32 v43, v1;
	(erf) = vpow2.f32 v28;
	[tilespmem:v27+s30+$0x0] =	vst.idx.msk $0xffff, v20;
	v20 =	vmul.f32 v22, v29;
	v28 =	vpop (erf)  }
0x3df: {  	v50 =	vld [tilespmem:$0x1FC80];
	v27 =	vadd.s32 v40, v1;
	(erf) = vpow2.f32 v30;
	[tilespmem:v55+s30+$0x0] =	vst.idx.msk $0xffff, v23;
	v23 =	vmul.f32 v22, v28;
	v30 =	vpop (erf)  }
0x3e0: {  	v51 =	vld [tilespmem:$0x1FCC0];
	v29 =	vmul.f32 $1.442695020e+00, v31;
	v28 =	vadd.s32 v38, v1;
	[tilespmem:v25+s30+$0x0] =	vst.idx.msk $0xffff, v20;
	v20 =	vmul.f32 v22, v30  }
0x3e1: {  	v52 =	vld [tilespmem:$0x1FCF0];
	v25 =	vadd.s32 v41, v1;
	v30 =	vpop (erf);
	(erf) = vpow2.f32 v54;
	v54 =	vadd.s32 v61, v56  }
0x3e2: {  	v53 =	vld [tilespmem:$0x1FD20];
	[tilespmem:v58+s30+$0x0] =	vst.idx.msk $0xffff, v23;
	v23 =	vmul.f32 v22, v30;
	v30 =	vadd.s32 v34, v1;
	v31 =	vpop (erf);
	(erf) = vpow2.f32 v33  }
0x3e3: {  	v60 =	vld [tilespmem:$0x1FD40];
	[tilespmem:v24+s30+$0x0] =	vst.idx.msk $0xffff, v20;
	v20 =	vmul.f32 v22, v31;
	v24 =	vadd.s32 v39, v1;
	(erf) = vpow2.f32 v29  }
0x3e4: {  	v13 =	vadd.f32 $-5.000000000e+00, v18;
	[tilespmem:v27+s30+$0x0] =	vst.idx.msk $0xffff, v23;
	v23 =	vmul.f32 v22, v26;
	v26 =	vadd.s32 v50, v1;
	v27 =	vpop (erf)  }
0x3e5: {  	v63 =	vadd.f32 $-3.333333250e+00, v18;
	[tilespmem:v28+s30+$0x0] =	vst.idx.msk $0xffff, v20;
	v20 =	vmul.f32 v22, v27;
	v27 =	vadd.s32 v51, v1;
	v28 =	vpop (erf)  }
0x3e6: {  	v8 =	vadd.f32 $-2.142857070e+00, v18;
	[tilespmem:v25+s30+$0x0] =	vst.idx.msk $0xffff, v23;
	v23 =	vmul.f32 v22, v28;
	v25 =	vadd.s32 v52, v1;
	v28 =	vpop (erf)  }
0x3e7: {  	v19 =	vmul.f32 $-7.200000290e-01, v19;
	[tilespmem:v30+s30+$0x0] =	vst.idx.msk $0xffff, v20;
	v20 =	vmul.f32 v22, v28;
	v28 =	vadd.s32 v53, v1;
	v29 =	vpop (erf)  }
0x3e8: {  	v31 =	vadd.f32 $-1.666666630e+00, v18;
	[tilespmem:v24+s30+$0x0] =	vst.idx.msk $0xffff, v23;
	v30 =	vmul.f32 v22, v29;
	v24 =	vadd.s32 v60, v1;
	v29 =	vpop (erf)  }
0x3e9: {  	v62 =	vld [tilespmem:$0x1FD90];
	[tilespmem:v26+s30+$0x0] =	vst.idx.msk $0xffff, v20;
	v20 =	vmul.f32 v22, v29;
	v26 =	vadd.s32 v61, v1;
	v29 =	vadd.f32 $-2.000000000e+00, v18  }
0x3ea: {  	v61 =	vmul.f32 $1.442695020e+00, v19;
	[tilespmem:v27+s30+$0x0] =	vst.idx.msk $0xffff, v30;
	v23 =	vpop (erf);
	v27 =	vmul.f32 v17, v17;
	v30 =	vadd.f32 $-3.000000000e+00, v18  }
0x3eb: {  	[tilespmem:v25+s30+$0x0] =	vst.idx.msk $0xffff, v20;
	v20 =	vmul.f32 v22, v23;
	v23 =	vpop (erf);
	v25 =	vadd.f32 $-4.000000000e+00, v18;
	v18 =	vmul.f32 v18, v18  }
0x3ec: {  	[tilespmem:v28+s30+$0x0] =	vst.idx.msk $0xffff, v12;
	v12 =	vmul.f32 v22, v23;
	v23 =	vpop (erf);
	v28 =	vmul.f32 $7.721839100e-02, v27  }
0x3ed: {  	[tilespmem:v24+s30+$0x0] =	vst.idx.msk $0xffff, v20;
	v20 =	vmul.f32 v22, v23;
	v22 =	vmul.f32 v7, v7  }
0x3ee: {  	v1 =	vadd.s32 v62, v1;
	v23 =	vmul.f32 v8, v8;
	v24 =	vmul.f32 v9, v9  }
0x3ef: {  	v25 =	vmul.f32 v25, v25;
	v57 =	vmul.f32 $-3.199999930e-01, v18  }
0x3f0: {  	[tilespmem:v26+s30+$0x0] =	vst.idx.msk $0xffff, v12;
	v7 =	vadd.f32 $-5.980442170e-01, v28;
	v26 =	vmul.f32 v29, v29;
	v28 =	vmul.f32 v30, v30  }
0x3f1: {  	v12 =	vadd.s32 v40, v56;
	v29 =	vmul.f32 v31, v31;
	v30 =	vmul.f32 v63, v63  }
0x3f2: {  	v31 =	vmul.f32 $-1.279999970e+00, v6;
	v6 =	vadd.s32 v50, v56;
	v50 =	vmul.f32 $-1.279999970e+00, v18  }
0x3f3: {  	v40 =	vadd.s32 v53, v56;
	v53 =	vmul.f32 $-7.200000290e-01, v18;
	[tilespmem:v1+s30+$0x0] =	vst.idx.msk $0xffff, v20;
	v8 =	vmul.f32 v7, v27  }
0x3f4: {  	v1 =	vmul.f32 v10, v10;
	v20 =	vmul.f32 v13, v13;
	v10 =	vadd.s32 v38, v56  }
0x3f5: {  	s6 =	sadd.s32 $0x10, s15;
	v22 =	vmul.f32 $-1.279999970e+00, v22;
	v23 =	vmul.f32 $-1.279999970e+00, v23;
	v9 =	vadd.f32 $2.550031190e+00, v8  }
0x3f6: {  	v8 =	vadd.s32 v34, v56;
	v34 =	vmul.f32 $-1.279999970e+00, v1;
	v1 =	vmov s6  }
0x3f7: {  	v24 =	vmul.f32 $-1.279999970e+00, v24;
	v38 =	vmul.f32 $-1.279999970e+00, v11;
	v1 =	vmul.u32 $0x29, v1  }
0x3f8: {  	v25 =	vmul.f32 $-7.200000290e-01, v25;
	v19 =	vmul.f32 $1.442695020e+00, v57  }
0x3f9: {  	v7 =	vadd.s32 v41, v56;
	v41 =	vmul.f32 $-7.200000290e-01, v20;
	v1 =	vbroadcast v1, $0x0  }
0x3fa: {  	s12 =	sadd.s32 $0x20, s12;
	v11 =	vadd.s32 v52, v56;
	v52 =	vmul.f32 $-3.199999930e-01, v20;
	v13 =	vmul.f32 v9, v27  }
0x3fb: {  	v9 =	vadd.s32 v39, v56;
	v39 =	vmul.f32 $-1.279999970e+00, v20;
	v20 =	vld [tilespmem:s12+$0x10];
	v18 =	vadd.s32 v21, v1  }
0x3fc: {  	v55 =	vmul.f32 $1.442695020e+00, v31;
	v31 =	vld [tilespmem:s12+$0x0];
	v59 =	vmul.f32 $1.442695020e+00, v23;
	v23 =	vadd.s32 v21, v49  }
0x3fd: {  	v26 =	vmul.f32 $-7.200000290e-01, v26;
	v28 =	vmul.f32 $-7.200000290e-01, v28  }
0x3fe: {  	v29 =	vmul.f32 $-3.199999930e-01, v29;
	v30 =	vmul.f32 $-3.199999930e-01, v30  }
0x3ff: {  	v22 =	vmul.f32 $1.442695020e+00, v22;
	v38 =	vmul.f32 $1.442695020e+00, v38  }
0x400: {  	v58 =	vadd.s32 v62, v56;
	v62 =	vmul.f32 $1.442695020e+00, v26;
	(erf) = vpow2.f32 v55;
	[tilespmem:v18+s30+$0x0] =	vst.idx.msk $0xffff, v20  }
0x401: {  	v26 =	vmul.f32 $1.442695020e+00, v41;
	v33 =	vadd.f32 $-5.167706970e+00, v13;
	[tilespmem:v23+s30+$0x0] =	vst.idx.msk $0xffff, v31;
	v41 =	vadd.s32 v36, v1;
	v63 =	vld [tilespmem:s12+$0x90]  }
0x402: {  	v23 =	vmul.f32 $1.442695020e+00, v30;
	v30 =	vld [tilespmem:s12+$0x80];
	v20 =	vmul.f32 $1.442695020e+00, v29;
	v29 =	vadd.s32 v36, v49  }
0x403: {  	v25 =	vmul.f32 $1.442695020e+00, v25;
	(erf) = vpow2.f32 v22;
	v13 =	vadd.s32 v51, v56  }
0x404: {  	v51 =	vadd.s32 v60, v56;
	v60 =	vmul.f32 $1.442695020e+00, v24;
	v27 =	vmul.f32 v33, v27  }
0x405: {  	v34 =	vmul.f32 $1.442695020e+00, v34;
	(erf) = vpow2.f32 v59  }
0x406: {  	v28 =	vmul.f32 $1.442695020e+00, v28;
	(erf) = vpow2.f32 v60;
	v16 =	vadd.f32 $3.141592500e+00, v27;
	[tilespmem:v41+s30+$0x0] =	vst.idx.msk $0xffff, v63  }
0x407: {  	v39 =	vmul.f32 $1.442695020e+00, v39;
	(erf) = vpow2.f32 v34;
	v27 =	vadd.s32 v37, v1;
	[tilespmem:v29+s30+$0x0] =	vst.idx.msk $0xffff, v30;
	v29 =	vld [tilespmem:s12+$0x110]  }
0x408: {  	p1 =	slt.u32 s15, $0x60;
	v22 =	vadd.s32 v37, v49;
	(erf) = vpow2.f32 v38;
	v16 =	vmul.f32 v16, v17;
	v30 =	vld [tilespmem:s12+$0x100];
	[tilespmem:v2+s30+$0x0] =	vst.idx.msk $0xffff, v4  }
.Ltmp9:
0x409: {  	v31 =	vmul.f32 $1.442695020e+00, v52;
	(erf) = vpow2.f32 v39;
	[tilespmem:v32+s30+$0x0] =	vst.idx.msk $0xffff, v14;
	(pc) =	sbr.rel @p1 .LBB2_6-.Ltmp9, $4  }
0x40a: {  	v24 =	vmul.f32 $1.442695020e+00, v53;
	(erf) = vpow2.f32 v61;
	[tilespmem:v3+s30+$0x0] =	vst.idx.msk $0xffff, v0  }
0x40b: {  	v18 =	vmul.f32 $1.442695020e+00, v50;
	(erf) = vpow2.f32 v62;
	v2 =	vmovc v40;
	v4 =	vadd.f32 $1.000000000e+00, v16;
	[tilespmem:v35+s30+$0x0] =	vst.idx.msk $0xffff, v15  }
0x40c: {  	v16 =	vpop (erf);
	(erf) = vpow2.f32 v28;
	v32 =	vmov v51;
	v14 =	vadd.s32 v5, v1;
	[tilespmem:v27+s30+$0x0] =	vst.idx.msk $0xffff, v29  }
0x40d: {  	s15 =	sadd.s32 $0x20, s15;
	v3 =	vmovc v54;
	v4 =	vmul.f32 $5.000000000e-01, v4;
	v0 =	vadd.s32 v5, v49;
	v35 =	vmov v58;
	[tilespmem:v22+s30+$0x0] =	vst.idx.msk $0xffff, v30;
	v15 =	vld [tilespmem:s12+$0x190]  }
0x40e: {  	_ = 	snop  }
0x40f: {  	v5 =	vpop (erf);
	(erf) = vpow2.f32 v25  }
0x410: {  	v17 =	vpop (erf);
	(erf) = vpow2.f32 v26  }
0x411: {  	v22 =	vpop (erf);
	(erf) = vpow2.f32 v20  }
0x412: {  	v20 =	vpop (erf);
	(erf) = vpow2.f32 v23;
	[tilespmem:v14+s30+$0x0] =	vst.idx.msk $0xffff, v15  }
0x413: {  	v23 =	vadd.s32 v44, v1;
	v14 =	vpop (erf);
	(erf) = vpow2.f32 v31;
	v63 =	vld [tilespmem:s12+$0x210]  }
0x414: {  	(erf) = vpow2.f32 v18;
	v33 =	vpop (erf)  }
0x415: {  	(erf) = vpow2.f32 v24;
	v34 =	vpop (erf)  }
0x416: {  	v27 =	vpop (erf)  }
0x417: {  	v28 =	vpop (erf)  }
0x418: {  	v15 =	vmul.f32 v4, v16;
	v16 =	vmul.f32 v4, v5;
	v5 =	vpop (erf);
	[tilespmem:v23+s30+$0x0] =	vst.idx.msk $0xffff, v63  }
0x419: {  	v37 =	vmul.f32 v4, v20;
	v18 =	vmul.f32 v4, v17;
	v17 =	vpop (erf);
	v20 =	vld [tilespmem:s12+$0x810]  }
0x41a: {  	v36 =	vmul.f32 v4, v22;
	v60 =	vmul.f32 v4, v14;
	v53 =	vpop (erf)  }
0x41b: {  	v59 =	vmul.f32 v4, v33;
	(erf) = vpow2.f32 v19;
	v52 =	vpop (erf)  }
0x41c: {  	v58 =	vmul.f32 v4, v34;
	v57 =	vmul.f32 v4, v27;
	v51 =	vpop (erf)  }
0x41d: {  	v55 =	vmul.f32 v4, v28;
	v54 =	vmul.f32 v4, v5;
	v5 =	vpop (erf)  }
0x41e: {  	v21 =	vmul.f32 v4, v17;
	v19 =	vmul.f32 v4, v5;
	v5 =	vpop (erf);
	v14 =	vadd.f32 $-7.142857310e-01, v20  }
0x41f: {  	v22 =	vadd.f32 $-1.428571460e+00, v20;
	v17 =	vmul.f32 v4, v5;
	v5 =	vadd.f32 $-2.142857070e+00, v20  }
0x420: {  	v23 =	vadd.f32 $-2.857142930e+00, v20;
	v40 =	vmul.f32 v20, v20;
	v41 =	vadd.f32 $-3.571428540e+00, v20  }
0x421: {  	v63 =	vadd.f32 $-4.285714150e+00, v20;
	v50 =	vmul.f32 $2.000000030e-01, v20;
	v61 =	vadd.f32 $-5.000000000e+00, v20  }
0x422: {  	v29 =	vadd.f32 $-1.000000000e+00, v20;
	v30 =	vmul.f32 $-1.279999970e+00, v40;
	v62 =	vmul.f32 $-7.200000290e-01, v40  }
0x423: {  	v33 =	vadd.f32 $-2.000000000e+00, v20;
	v14 =	vmul.f32 v14, v14;
	v24 =	vmul.f32 $-3.199999930e-01, v40  }
0x424: {  	v34 =	vadd.f32 $-3.000000000e+00, v20;
	v22 =	vmul.f32 v22, v22;
	v5 =	vmul.f32 v5, v5  }
0x425: {  	v38 =	vadd.f32 $-4.000000000e+00, v20;
	v23 =	vmul.f32 v23, v23;
	v25 =	vmul.f32 v41, v41  }
0x426: {  	v39 =	vadd.f32 $-1.666666630e+00, v20;
	v26 =	vmul.f32 v63, v63;
	v28 =	vmul.f32 v61, v61  }
0x427: {  	v20 =	vadd.f32 $-3.333333250e+00, v20;
	v29 =	vmul.f32 v29, v29;
	v33 =	vmul.f32 v33, v33  }
0x428: {  	v34 =	vmul.f32 v34, v34;
	v38 =	vmul.f32 v38, v38  }
0x429: {  	v27 =	vmax.f32 v50, $0.0e+00;
	v39 =	vmul.f32 v39, v39;
	v20 =	vmul.f32 v20, v20  }
0x42a: {  	v27 =	vmin.f32 v27, $1.000000000e+00;
	v30 =	vmul.f32 $1.442695020e+00, v30;
	v31 =	vmul.f32 $1.442695020e+00, v62  }
0x42b: {  	v27 =	vsub.f32 $5.000000000e-01, v27;
	v24 =	vmul.f32 $1.442695020e+00, v24;
	v14 =	vmul.f32 $-1.279999970e+00, v14  }
0x42c: {  	v22 =	vmul.f32 $-1.279999970e+00, v22;
	v5 =	vmul.f32 $-1.279999970e+00, v5  }
0x42d: {  	v23 =	vmul.f32 $-1.279999970e+00, v23;
	v63 =	vmul.f32 v27, v27  }
0x42e: {  	v25 =	vmul.f32 $-1.279999970e+00, v25;
	v26 =	vmul.f32 $-1.279999970e+00, v26  }
0x42f: {  	v29 =	vmul.f32 $-7.200000290e-01, v29;
	v50 =	vmul.f32 $7.721839100e-02, v63  }
0x430: {  	v33 =	vmul.f32 $-7.200000290e-01, v33;
	(erf) = vpow2.f32 v30  }
0x431: {  	v34 =	vmul.f32 $-7.200000290e-01, v34;
	(erf) = vpow2.f32 v31;
	v31 =	vadd.f32 $-5.980442170e-01, v50  }
0x432: {  	v38 =	vmul.f32 $-7.200000290e-01, v38;
	v39 =	vmul.f32 $-3.199999930e-01, v39  }
0x433: {  	v61 =	vld [tilespmem:s12+$0x180];
	v20 =	vmul.f32 $-3.199999930e-01, v20;
	v31 =	vmul.f32 v31, v63  }
0x434: {  	v40 =	vmul.f32 $-1.279999970e+00, v28;
	v41 =	vmul.f32 $-7.200000290e-01, v28  }
0x435: {  	v14 =	vmul.f32 $1.442695020e+00, v14;
	v22 =	vmul.f32 $1.442695020e+00, v22;
	v31 =	vadd.f32 $2.550031190e+00, v31  }
0x436: {  	v5 =	vmul.f32 $1.442695020e+00, v5;
	v25 =	vmul.f32 $1.442695020e+00, v25  }
0x437: {  	(erf) = vpow2.f32 v24;
	v31 =	vmul.f32 v31, v63  }
0x438: {  	[tilespmem:v0+s30+$0x0] =	vst.idx.msk $0xffff, v61;
	v0 =	vmul.f32 $1.442695020e+00, v23;
	(erf) = vpow2.f32 v14  }
0x439: {  	v14 =	vmul.f32 $1.442695020e+00, v26;
	(erf) = vpow2.f32 v22;
	v31 =	vadd.f32 $-5.167706970e+00, v31  }
0x43a: {  	v22 =	vmul.f32 $1.442695020e+00, v40;
	(erf) = vpow2.f32 v5  }
0x43b: {  	v62 =	vadd.s32 v44, v49;
	(erf) = vpow2.f32 v0;
	v23 =	vmul.f32 v31, v63;
	v63 =	vld [tilespmem:s12+$0x200]  }
0x43c: {  	v0 =	vmul.f32 $1.442695020e+00, v33;
	(erf) = vpow2.f32 v25  }
0x43d: {  	(erf) = vpow2.f32 v14;
	v5 =	vadd.f32 $3.141592500e+00, v23;
	v23 =	vmul.f32 $1.442695020e+00, v29  }
0x43e: {  	v14 =	vmul.f32 $1.442695020e+00, v34;
	(erf) = vpow2.f32 v22  }
0x43f: {  	v5 =	vmul.f32 v5, v27;
	(erf) = vpow2.f32 v23  }
0x440: {  	v22 =	vmul.f32 $1.442695020e+00, v38;
	[tilespmem:v62+s30+$0x0] =	vst.idx.msk $0xffff, v63;
	v63 =	vpop (erf);
	(erf) = vpow2.f32 v0  }
0x441: {  	v28 =	vmul.f32 $-3.199999930e-01, v28;
	v24 =	vld [tilespmem:s12+$0x800];
	v5 =	vadd.f32 $1.000000000e+00, v5;
	v23 =	vpop (erf);
	(erf) = vpow2.f32 v14  }
0x442: {  	v40 =	vmul.f32 $1.442695020e+00, v41;
	v26 =	vpop (erf);
	(erf) = vpow2.f32 v22  }
0x443: {  	v0 =	vmul.f32 $5.000000000e-01, v5;
	v14 =	vpop (erf);
	v5 =	vmul.f32 $1.442695020e+00, v39  }
0x444: {  	v20 =	vmul.f32 $1.442695020e+00, v20;
	v27 =	vpop (erf);
	(erf) = vpow2.f32 v40  }
0x445: {  	v28 =	vmul.f32 $1.442695020e+00, v28;
	(erf) = vpow2.f32 v5  }
0x446: {  	v29 =	vpop (erf);
	v22 =	vadd.f32 $-7.142857310e-01, v24;
	v41 =	vadd.f32 $-1.428571460e+00, v24;
	(erf) = vpow2.f32 v20  }
0x447: {  	v5 =	vadd.f32 $-2.142857070e+00, v24;
	v30 =	vpop (erf);
	v44 =	vadd.f32 $-3.571428540e+00, v24;
	(erf) = vpow2.f32 v28  }
0x448: {  	v20 =	vmul.f32 v22, v22;
	v22 =	vadd.f32 $-2.857142930e+00, v24;
	v25 =	vmul.f32 v41, v41  }
0x449: {  	v5 =	vmul.f32 v5, v5;
	v31 =	vmul.f32 v44, v44  }
0x44a: {  	v20 =	vmul.f32 $-1.279999970e+00, v20;
	v22 =	vmul.f32 v22, v22  }
0x44b: {  	v25 =	vmul.f32 $-1.279999970e+00, v25;
	v5 =	vmul.f32 $-1.279999970e+00, v5  }
0x44c: {  	v31 =	vmul.f32 $-1.279999970e+00, v31;
	v20 =	vmul.f32 $1.442695020e+00, v20  }
0x44d: {  	v22 =	vmul.f32 $-1.279999970e+00, v22;
	v25 =	vmul.f32 $1.442695020e+00, v25  }
0x44e: {  	v28 =	vpop (erf);
	v5 =	vmul.f32 $1.442695020e+00, v5;
	(erf) = vpow2.f32 v20;
	v20 =	vadd.s32 v45, v56  }
0x44f: {  	v61 =	vadd.s32 v46, v56;
	v50 =	vpop (erf);
	v22 =	vmul.f32 $1.442695020e+00, v22;
	(erf) = vpow2.f32 v25  }
0x450: {  	v44 =	vadd.s32 v47, v56;
	v34 =	vpop (erf);
	v31 =	vmul.f32 $1.442695020e+00, v31;
	(erf) = vpow2.f32 v5  }
0x451: {  	v62 =	vpop (erf);
	(erf) = vpow2.f32 v22;
	v22 =	vadd.s32 v48, v56  }
0x452: {  	v33 =	vmul.f32 v0, v50;
	v50 =	vpop (erf);
	(erf) = vpow2.f32 v31;
	v31 =	vadd.s32 v42, v56  }
0x453: {  	v41 =	vadd.s32 v43, v56;
	[tilespmem:v20+s30+$0x0] =	vst.idx.msk $0xffff, v19  }
0x454: {  	[tilespmem:v61+s30+$0x0] =	vst.idx.msk $0xffff, v15  }
0x455: {  	v19 =	vadd.f32 $-4.285714150e+00, v24;
	[tilespmem:v44+s30+$0x0] =	vst.idx.msk $0xffff, v16  }
0x456: {  	v5 =	vmul.f32 $2.000000030e-01, v24;
	[tilespmem:v22+s30+$0x0] =	vst.idx.msk $0xffff, v18  }
0x457: {  	v19 =	vmul.f32 v19, v19;
	[tilespmem:v31+s30+$0x0] =	vst.idx.msk $0xffff, v36  }
0x458: {  	v5 =	vmax.f32 v5, $0.0e+00;
	[tilespmem:v41+s30+$0x0] =	vst.idx.msk $0xffff, v37  }
0x459: {  	v5 =	vmin.f32 v5, $1.000000000e+00;
	v15 =	vadd.f32 $-5.000000000e+00, v24;
	v19 =	vmul.f32 $-1.279999970e+00, v19;
	[tilespmem:v12+s30+$0x0] =	vst.idx.msk $0xffff, v60  }
0x45a: {  	v20 =	vmul.f32 v0, v34;
	v34 =	vmul.f32 v0, v62;
	v5 =	vsub.f32 $5.000000000e-01, v5;
	[tilespmem:v10+s30+$0x0] =	vst.idx.msk $0xffff, v59  }
0x45b: {  	v15 =	vmul.f32 v15, v15;
	v19 =	vmul.f32 $1.442695020e+00, v19;
	[tilespmem:v7+s30+$0x0] =	vst.idx.msk $0xffff, v17  }
0x45c: {  	v56 =	vpop (erf);
	v38 =	vmul.f32 v5, v5;
	v7 =	vadd.s32 v45, v1;
	[tilespmem:v8+s30+$0x0] =	vst.idx.msk $0xffff, v58  }
0x45d: {  	v62 =	vpop (erf);
	(erf) = vpow2.f32 v19;
	v19 =	vmul.f32 $-1.279999970e+00, v15;
	[tilespmem:v9+s30+$0x0] =	vst.idx.msk $0xffff, v57  }
0x45e: {  	v25 =	vmul.f32 v0, v50;
	v50 =	vmul.f32 $7.721839100e-02, v38;
	[tilespmem:v6+s30+$0x0] =	vst.idx.msk $0xffff, v55  }
0x45f: {  	v23 =	vmul.f32 v0, v23;
	v19 =	vmul.f32 $1.442695020e+00, v19;
	[tilespmem:v13+s30+$0x0] =	vst.idx.msk $0xffff, v54  }
0x460: {  	v22 =	vadd.f32 $-5.980442170e-01, v50;
	v50 =	vadd.f32 $-3.000000000e+00, v24;
	v9 =	vadd.s32 v46, v1;
	[tilespmem:v11+s30+$0x0] =	vst.idx.msk $0xffff, v21  }
0x461: {  	(erf) = vpow2.f32 v19;
	v19 =	vadd.s32 v47, v1;
	[tilespmem:v7+s30+$0x0] =	vst.idx.msk $0xffff, v23  }
0x462: {  	v31 =	vmul.f32 v50, v50;
	v6 =	vadd.s32 v48, v1;
	v50 =	vld [tilespmem:$0x1FC00]  }
0x463: {  	v27 =	vmul.f32 v0, v27;
	v29 =	vmul.f32 v0, v29;
	v44 =	vadd.f32 $-2.000000000e+00, v24  }
0x464: {  	v30 =	vmul.f32 v0, v30;
	v18 =	vmul.f32 v0, v62;
	v13 =	vadd.s32 v42, v1  }
0x465: {  	v62 =	vmul.f32 v44, v44;
	v11 =	vadd.s32 v43, v1;
	[tilespmem:v9+s30+$0x0] =	vst.idx.msk $0xffff, v27  }
0x466: {  	v26 =	vmul.f32 v0, v26;
	v28 =	vmul.f32 v0, v28;
	v61 =	vadd.f32 $-1.000000000e+00, v24;
	v21 =	vld [tilespmem:$0x1FC10];
	[tilespmem:v19+s30+$0x0] =	vst.idx.msk $0xffff, v29  }
0x467: {  	v16 =	vmul.f32 v0, v56;
	v41 =	vmul.f32 $-7.200000290e-01, v62;
	v39 =	vld [tilespmem:$0x1FC40];
	[tilespmem:v6+s30+$0x0] =	vst.idx.msk $0xffff, v30;
	v7 =	vadd.s32 v50, v1  }
0x468: {  	v56 =	vadd.f32 $-4.000000000e+00, v24;
	v61 =	vmul.f32 v61, v61;
	v22 =	vmul.f32 v22, v38;
	v55 =	vld [tilespmem:$0x1FC50]  }
0x469: {  	v12 =	vadd.f32 $-1.666666630e+00, v24;
	v10 =	vadd.f32 $-3.333333250e+00, v24;
	v36 =	vmul.f32 $1.442695020e+00, v41;
	[tilespmem:v13+s30+$0x0] =	vst.idx.msk $0xffff, v28  }
0x46a: {  	v24 =	vmul.f32 v24, v24;
	v8 =	vadd.f32 $2.550031190e+00, v22;
	v22 =	vmul.f32 $-7.200000290e-01, v61;
	v41 =	vld [tilespmem:$0x1FC70];
	[tilespmem:v11+s30+$0x0] =	vst.idx.msk $0xffff, v33  }
0x46b: {  	v17 =	vmul.f32 v56, v56;
	v12 =	vmul.f32 v12, v12;
	v9 =	vadd.s32 v21, v1;
	v58 =	vld [tilespmem:$0x1FC80]  }
0x46c: {  	v10 =	vmul.f32 v10, v10;
	v22 =	vmul.f32 $1.442695020e+00, v22;
	v19 =	vadd.s32 v39, v1;
	[tilespmem:v7+s30+$0x0] =	vst.idx.msk $0xffff, v20  }
0x46d: {  	v17 =	vmul.f32 $-7.200000290e-01, v17;
	v12 =	vmul.f32 $-3.199999930e-01, v12;
	v6 =	vadd.s32 v55, v1;
	v33 =	vld [tilespmem:$0x1FCC0]  }
0x46e: {  	v31 =	vmul.f32 $-7.200000290e-01, v31;
	v10 =	vmul.f32 $-3.199999930e-01, v10  }
0x46f: {  	v44 =	vpop (erf);
	v17 =	vmul.f32 $1.442695020e+00, v17;
	v12 =	vmul.f32 $1.442695020e+00, v12;
	v13 =	vadd.s32 v41, v1  }
0x470: {  	v8 =	vmul.f32 v8, v38;
	(erf) = vpow2.f32 v22;
	v22 =	vpop (erf);
	v11 =	vadd.s32 v58, v1;
	[tilespmem:v9+s30+$0x0] =	vst.idx.msk $0xffff, v34  }
0x471: {  	v23 =	vmul.f32 $-7.200000290e-01, v15;
	v31 =	vmul.f32 $1.442695020e+00, v31;
	v27 =	vpop (erf);
	v34 =	vld [tilespmem:$0x1FCF0];
	[tilespmem:v19+s30+$0x0] =	vst.idx.msk $0xffff, v26  }
0x472: {  	v15 =	vmul.f32 $-3.199999930e-01, v15;
	(erf) = vpow2.f32 v36;
	v36 =	vpop (erf);
	[tilespmem:v6+s30+$0x0] =	vst.idx.msk $0xffff, v25;
	v7 =	vadd.s32 v33, v1  }
0x473: {  	v23 =	vmul.f32 $1.442695020e+00, v23;
	v56 =	vpop (erf);
	(erf) = vpow2.f32 v31;
	v26 =	vld [tilespmem:$0x1FD20]  }
0x474: {  	v10 =	vmul.f32 $1.442695020e+00, v10;
	v57 =	vpop (erf);
	(erf) = vpow2.f32 v17;
	[tilespmem:v13+s30+$0x0] =	vst.idx.msk $0xffff, v16  }
0x475: {  	v17 =	vpop (erf);
	(erf) = vpow2.f32 v23;
	v23 =	vmul.f32 v0, v44;
	v60 =	vld [tilespmem:$0x1FD40];
	[tilespmem:v11+s30+$0x0] =	vst.idx.msk $0xffff, v18  }
0x476: {  	v8 =	vadd.f32 $-5.167706970e+00, v8;
	v61 =	vld [tilespmem:$0x1FD70]  }
0x477: {  	v54 =	vmul.f32 $-1.279999970e+00, v24;
	v15 =	vmul.f32 $1.442695020e+00, v15;
	v20 =	vpop (erf);
	v9 =	vadd.s32 v34, v1;
	[tilespmem:v7+s30+$0x0] =	vst.idx.msk $0xffff, v23  }
0x478: {  	v8 =	vmul.f32 v8, v38;
	(erf) = vpow2.f32 v12;
	v12 =	vpop (erf);
	v6 =	vadd.s32 v26, v1;
	v62 =	vld [tilespmem:$0x1FD90]  }
0x479: {  	(erf) = vpow2.f32 v10;
	v10 =	vpop (erf);
	v19 =	vmul.f32 $1.442695020e+00, v54  }
0x47a: {  	(erf) = vpow2.f32 v15;
	v59 =	vpop (erf);
	v11 =	vmul.f32 v0, v22;
	v13 =	vadd.s32 v60, v1  }
0x47b: {  	v15 =	vpop (erf);
	(erf) = vpow2.f32 v19;
	v7 =	vmul.f32 v0, v14;
	v16 =	vadd.s32 v61, v1  }
0x47c: {  	v18 =	vpop (erf);
	[tilespmem:v9+s30+$0x0] =	vst.idx.msk $0xffff, v11;
	v9 =	vmul.f32 v0, v27  }
0x47d: {  	v8 =	vadd.f32 $3.141592500e+00, v8;
	v14 =	vpop (erf);
	[tilespmem:v6+s30+$0x0] =	vst.idx.msk $0xffff, v7;
	v6 =	vmul.f32 $-7.200000290e-01, v24;
	v1 =	vadd.s32 v62, v1  }
0x47e: {  	v19 =	vpop (erf);
	v11 =	vmul.f32 v0, v36  }
0x47f: {  	v5 =	vmul.f32 v8, v5;
	v7 =	vpop (erf);
	[tilespmem:v13+s30+$0x0] =	vst.idx.msk $0xffff, v9;
	v6 =	vmul.f32 $1.442695020e+00, v6  }
0x480: {  	v0 =	vmul.f32 v0, v56;
	v9 =	vpop (erf);
	[tilespmem:v16+s30+$0x0] =	vst.idx.msk $0xffff, v11;
	v11 =	vmul.f32 v4, v63  }
0x481: {  	v8 =	vmul.f32 v4, v53;
	v5 =	vadd.f32 $1.000000000e+00, v5;
	v13 =	vpop (erf)  }
0x482: {  	v16 =	vmul.f32 v4, v52;
	[tilespmem:v1+s30+$0x0] =	vst.idx.msk $0xffff, v0;
	v0 =	vadd.s32 v45, v49;
	v1 =	vpop (erf)  }
0x483: {  	[tilespmem:v2+s30+$0x0] =	vst.idx.msk $0xffff, v11;
	v2 =	vmul.f32 $5.000000000e-01, v5;
	(erf) = vpow2.f32 v6;
	v5 =	vadd.s32 v46, v49;
	v6 =	vpop (erf)  }
0x484: {  	v4 =	vmul.f32 v4, v51;
	[tilespmem:v32+s30+$0x0] =	vst.idx.msk $0xffff, v8;
	v8 =	vadd.s32 v47, v49;
	v11 =	vpop (erf)  }
0x485: {  	v22 =	vmul.f32 $-3.199999930e-01, v24;
	[tilespmem:v3+s30+$0x0] =	vst.idx.msk $0xffff, v16;
	v3 =	vadd.s32 v48, v49;
	v11 =	vmul.f32 v2, v11  }
0x486: {  	v16 =	vadd.s32 v42, v49;
	[tilespmem:v35+s30+$0x0] =	vst.idx.msk $0xffff, v4;
	v4 =	vmul.f32 v2, v57  }
0x487: {  	v22 =	vmul.f32 $1.442695020e+00, v22;
	v23 =	vadd.s32 v43, v49;
	v17 =	vmul.f32 v2, v17;
	[tilespmem:v0+s30+$0x0] =	vst.idx.msk $0xffff, v11  }
0x488: {  	v0 =	vadd.s32 v50, v49;
	v11 =	vmul.f32 v2, v20;
	[tilespmem:v5+s30+$0x0] =	vst.idx.msk $0xffff, v4  }
0x489: {  	(erf) = vpow2.f32 v22;
	v4 =	vadd.s32 v21, v49;
	v5 =	vmul.f32 v2, v12;
	[tilespmem:v8+s30+$0x0] =	vst.idx.msk $0xffff, v17  }
0x48a: {  	v10 =	vmul.f32 v2, v10;
	v8 =	vadd.s32 v39, v49;
	[tilespmem:v3+s30+$0x0] =	vst.idx.msk $0xffff, v11  }
0x48b: {  	v3 =	vadd.s32 v55, v49;
	v11 =	vmul.f32 v2, v59;
	[tilespmem:v16+s30+$0x0] =	vst.idx.msk $0xffff, v5  }
0x48c: {  	v12 =	vmul.f32 v2, v15;
	v15 =	vpop (erf);
	v5 =	vadd.s32 v41, v49;
	[tilespmem:v23+s30+$0x0] =	vst.idx.msk $0xffff, v10  }
0x48d: {  	v15 =	vmul.f32 v2, v15;
	v10 =	vadd.s32 v58, v49;
	[tilespmem:v0+s30+$0x0] =	vst.idx.msk $0xffff, v11  }
0x48e: {  	v0 =	vadd.s32 v33, v49;
	v11 =	vmul.f32 v2, v18;
	[tilespmem:v4+s30+$0x0] =	vst.idx.msk $0xffff, v12  }
0x48f: {  	v4 =	vadd.s32 v34, v49;
	v12 =	vmul.f32 v2, v14;
	[tilespmem:v8+s30+$0x0] =	vst.idx.msk $0xffff, v15  }
0x490: {  	v14 =	vmul.f32 v2, v19;
	v8 =	vadd.s32 v26, v49;
	[tilespmem:v3+s30+$0x0] =	vst.idx.msk $0xffff, v11  }
0x491: {  	v7 =	vmul.f32 v2, v7;
	v3 =	vadd.s32 v60, v49;
	[tilespmem:v5+s30+$0x0] =	vst.idx.msk $0xffff, v12  }
0x492: {  	v9 =	vmul.f32 v2, v9;
	v5 =	vadd.s32 v61, v49;
	v11 =	vpop (erf);
	[tilespmem:v10+s30+$0x0] =	vst.idx.msk $0xffff, v14  }
0x493: {  	v10 =	vadd.s32 v62, v49;
	[tilespmem:v0+s30+$0x0] =	vst.idx.msk $0xffff, v7;
	v0 =	vmul.f32 v2, v11  }
0x494: {  	v7 =	vmul.f32 v2, v13;
	[tilespmem:v4+s30+$0x0] =	vst.idx.msk $0xffff, v9  }
0x495: {  	v1 =	vmul.f32 v2, v1;
	[tilespmem:v8+s30+$0x0] =	vst.idx.msk $0xffff, v0  }
0x496: {  	v0 =	vmul.f32 v2, v6;
	[tilespmem:v3+s30+$0x0] =	vst.idx.msk $0xffff, v7  }
0x497: {  	p1 =	seq.s32 s10, $0x0;
	[tilespmem:v5+s30+$0x0] =	vst.idx.msk $0xffff, v1  }
0x498: {  	s6 =	simm.s32 @!p1 $0x3;
	[tilespmem:v10+s30+$0x0] =	vst.idx.msk $0xffff, v0  }
0x499: {  	_ =	swait.ge @!p1 [sflag:s6], $0x4000  }
0x49a: {  	[sflag:s6] =	ssyncset.done @!p1 $0x0  }
0x49b: {  	s8 =	simm.s32 $0x0;
	s12 =	sadd.s32 s3, s11;
	[sflag:s6] =	ssyncadd.s32 @!p1 $0xFFFFC000  }
0x49c: {  	[tilespmem:s31], [sflag:$0x4] =	stream.linear.gather [hbm4b:s12+s8], $0x80, $0x38;
	[tilespmem:$0x1E280] =	vst v63  }
0x49d: {  	_ =	swait.ge [sflag:s21], $0x80  }
0x49e: {  	[sflag:s21] =	ssyncset.done $0x0  }
0x49f: {  	[sflag:s21] =	ssyncadd.s32 $0xFFFFFF80  }
0x4a0: {  	_ =	swait.ge [sflag:s4], $0x2000  }
0x4a1: {  	v61 =	vld [tilespmem:$0x1FE40]  }
0x4a2: {  	v1 =	vld [tilespmem:$0x1FE50]  }
0x4a3: {  	v8 =	vld [tilespmem:$0x1FE70]  }
0x4a4: {  	[sflag:s4] =	ssyncset.done $0x0;
	v7 =	vld [tilespmem:$0x1FE60]  }
0x4a5: {  	s11 =	simm.s32 $0x18C52;
	v23 =	vld [tilespmem:$0x1FEC0];
	[sflag:s4] =	ssyncadd.s32 $0xFFFFE000  }
0x4a6: {  	v0 =	vld [tilespmem:s11+$0x39]  }
0x4a7: {  	v5 =	vld [tilespmem:s11+$0x29]  }
0x4a8: {  	v20 =	vld [tilespmem:s11+$0xFFFFFFD7]  }
0x4a9: {  	v26 =	vld [tilespmem:s11+$0x0]  }
0x4aa: {  	v63 =	vimm.s32 $0x2;
	v48 =	vcombine.low v1, v7;
	v7 =	vcombine.low v7, v8  }
0x4ab: {  	v47 =	vimm.s32 $0x3;
	v62 =	vimm.s32 $0x1;
	v3 =	vld [tilespmem:s11+$0xFFFFFFBE];
	v4 =	vcombine.low v8, v1  }
0x4ac: {  	s15 =	simm.s32 $0x180;
	v15 =	vld [tilespmem:s11+$0x10];
	v10 =	vperm.xlane v0, v23;
	v55 =	vand.u32 $0xF, v7;
	v7 =	vperm.xlane v5, v47  }
0x4ad: {  	v2 =	vor.u32 s15, v61;
	v29 =	vperm.xlane v20, v62;
	v31 =	vperm.xlane v5, v62  }
0x4ae: {  	v21 =	vld [tilespmem:$0x1FDE0];
	v54 =	vand.u32 $0xF, v4;
	v32 =	vperm.xlane v5, v63;
	v33 =	vperm.xlane v26, v62  }
0x4af: {  	v8 =	vld [tilespmem:s11+$0xFFFFFFE7];
	v9 =	vand.u32 $0xF, v48;
	v34 =	vperm.xlane v26, v63;
	v51 =	vperm.xlane v20, v47  }
0x4b0: {  	v11 =	vperm.xlane v0, v54;
	v12 =	vperm.xlane v3, v9  }
0x4b1: {  	v43 =	vld [tilespmem:$0x1FDC0];
	v16 =	vperm.xlane v3, v54;
	v56 =	vperm.xlane v15, v9  }
0x4b2: {  	v59 =	vld [tilespmem:$0x1FE00];
	v27 =	vperm.xlane v15, v54;
	v30 =	vperm.xlane v0, v55  }
0x4b3: {  	v4 =	vld.idx.msk [tilespmem:v2+s26+$0x0], $0xffff;
	v2 =	vperm.xlane v3, v23;
	v14 =	vmul.f32 v11, v21  }
0x4b4: {  	v6 =	vld [tilespmem:s11+$0xFFFFFFC6];
	v3 =	vperm.xlane v3, v55;
	v18 =	vperm.xlane v8, v23  }
0x4b5: {  	v1 =	vld [tilespmem:$0x1FED0];
	v19 =	vperm.xlane v8, v9;
	v22 =	vperm.xlane v8, v54  }
0x4b6: {  	v13 =	vld [tilespmem:s11+$0xFFFFFFEF];
	v8 =	vperm.xlane v8, v55;
	v23 =	vperm.xlane v15, v23  }
0x4b7: {  	v17 =	vld [tilespmem:s11+$0x18];
	v15 =	vperm.xlane v15, v55;
	v9 =	vperm.xlane v0, v9  }
0x4b8: {  	v49 =	vld [tilespmem:s11+$0x41];
	v0 =	vperm.xlane v20, v63;
	v12 =	vmul.f32 v12, v43  }
0x4b9: {  	v44 =	vld [tilespmem:$0x1FDD0];
	v38 =	vmul.f32 v16, v59;
	v16 =	vmul.f32 v16, v21  }
0x4ba: {  	v1 =	vadd.s32 $0x6, v1;
	v24 =	vmul.f32 v56, v43;
	v52 =	vmul.f32 v27, v59  }
0x4bb: {  	v27 =	vmul.f32 v27, v21;
	v6 =	vperm.xlane v6, v1  }
0x4bc: {  	v46 =	vld [tilespmem:$0x1FDF0];
	[tilespmem:$0x1FB30] =	vst v54;
	v13 =	vperm.xlane v13, v1;
	v17 =	vperm.xlane v17, v1  }
0x4bd: {  	v50 =	vld [tilespmem:s11+$0xFFFFFFAE];
	[tilespmem:$0x1FB40] =	vst v55;
	v25 =	vperm.xlane v49, v1;
	v55 =	vmul.f32 v11, v59  }
0x4be: {  	v14 =	vmul.f32 v7, v14;
	v3 =	vmul.f32 v3, v44  }
0x4bf: {  	v19 =	vmul.f32 v19, v43;
	v60 =	vmul.f32 v22, v59  }
0x4c0: {  	v8 =	vmul.f32 v8, v44;
	v22 =	vmul.f32 v22, v21  }
0x4c1: {  	[tilespmem:$0x1FB50] =	vst v1;
	v1 =	vld [tilespmem:$0x1FDA0];
	v15 =	vmul.f32 v15, v44;
	v9 =	vmul.f32 v9, v43  }
0x4c2: {  	v58 =	vld [tilespmem:$0x1FDB0];
	v21 =	vimm.s32 $0x0;
	v6 =	vmul.f32 v6, v46;
	v13 =	vmul.f32 v13, v46  }
0x4c3: {  	v17 =	vmul.f32 v17, v46;
	v45 =	vperm.xlane v26, v21  }
0x4c4: {  	v8 =	vmul.f32 v0, v8;
	v22 =	vmul.f32 v51, v22  }
0x4c5: {  	v14 =	vmul.f32 v14, v4;
	v35 =	vperm.xlane v50, v62  }
0x4c6: {  	v36 =	vperm.xlane v50, v63;
	v57 =	vmul.f32 v2, v1  }
0x4c7: {  	v2 =	vmul.f32 v2, v58;
	v39 =	vmul.f32 v18, v1  }
0x4c8: {  	v18 =	vmul.f32 v18, v58;
	v41 =	vmul.f32 v23, v1  }
0x4c9: {  	v23 =	vmul.f32 v23, v58;
	v53 =	vmul.f32 v10, v1  }
0x4ca: {  	v10 =	vmul.f32 v10, v58;
	v49 =	vperm.xlane v50, v21;
	v1 =	vimm.s32 $0x4  }
0x4cb: {  	v11 =	vperm.xlane v50, v47;
	v28 =	vperm.xlane v50, v1  }
0x4cc: {  	v37 =	vmul.f32 v57, v49;
	v54 =	vmul.f32 v2, v49  }
0x4cd: {  	v2 =	vperm.xlane v20, v21;
	v20 =	vperm.xlane v20, v1  }
0x4ce: {  	v50 =	vsel vm0, v35, v36;
	v57 =	vmul.f32 v36, v3;
	v35 =	vmul.f32 v35, v12  }
0x4cf: {  	v12 =	vmul.f32 v11, v12;
	v58 =	vmul.f32 v11, v16  }
0x4d0: {  	v3 =	vsel vm0, v29, v0;
	v29 =	vmul.f32 v29, v19;
	v41 =	vmul.f32 v41, v45  }
0x4d1: {  	v56 =	vmul.f32 v23, v45;
	v23 =	vperm.xlane v26, v1  }
0x4d2: {  	v38 =	vmul.f32 v50, v38;
	v28 =	vmul.f32 v6, v28  }
0x4d3: {  	s22 =	simm.s32 $0x100;
	v40 =	vmul.f32 v3, v60;
	v60 =	vmul.f32 v51, v19  }
0x4d4: {  	s16 =	simm.s32 $0x0;
	s12 =	simm.s32 $0x14D00;
	v16 =	vor.u32 s22, v61;
	v19 =	vperm.xlane v26, v47;
	v26 =	vmul.f32 v34, v15  }
0x4d5: {  	s18 =	simm.s32 $0x80;
	v42 =	vld [tilespmem:s12+$0x80];
	v11 =	vor.u32 s16, v61;
	v15 =	vperm.xlane v5, v21;
	v5 =	vperm.xlane v5, v1  }
0x4d6: {  	v45 =	vld [tilespmem:s12+$0xFFFFFF08];
	v6 =	vor.u32 s18, v61;
	v39 =	vmul.f32 v39, v2;
	v59 =	vmul.f32 v18, v2  }
0x4d7: {  	v47 =	vld [tilespmem:s12+$0xFFFFFF80];
	v2 =	vsel vm0, v33, v34;
	v13 =	vmul.f32 v13, v20;
	v33 =	vmul.f32 v33, v24  }
0x4d8: {  	v36 =	vmul.f32 v17, v23;
	v17 =	vmul.f32 v10, v15;
	v10 =	vld [tilespmem:s12+$0xFFFFFF10]  }
0x4d9: {  	v20 =	vmul.f32 v2, v52;
	v18 =	vmul.f32 v19, v24;
	v49 =	vld.idx.msk [tilespmem:v16+s26+$0x0], $0xffff  }
0x4da: {  	v27 =	vmul.f32 v19, v27;
	v19 =	vmul.f32 v30, v44;
	v50 =	vld.idx.msk [tilespmem:v11+s26+$0x0], $0xffff;
	v16 =	vsel vm0, v31, v32  }
0x4db: {  	v52 =	vld [tilespmem:s12+$0xFFFFFF00];
	v11 =	vmul.f32 v53, v15;
	v23 =	vmul.f32 v16, v55  }
0x4dc: {  	v15 =	vmul.f32 v32, v19;
	v19 =	vmul.f32 v25, v46;
	v6 =	vld.idx.msk [tilespmem:v6+s26+$0x0], $0xffff  }
0x4dd: {  	s15 =	simm.s32 $0x1A200;
	v3 =	vld [tilespmem:s12+$0x90];
	v32 =	vmul.f32 v31, v9;
	v4 =	vmul.f32 v23, v4  }
0x4de: {  	v2 =	vld [tilespmem:s12+$0x88];
	[tilespmem:s15+$0xE0] =	vst v14;
	v16 =	vmul.f32 v7, v9;
	v10 =	vmul.f32 v54, v10  }
0x4df: {  	v13 =	vmul.f32 v13, v47;
	v24 =	vmul.f32 v58, v50;
	[tilespmem:s15+$0xB0] =	vst v4  }
0x4e0: {  	v7 =	vld [tilespmem:s12+$0xFFFFFF90];
	v19 =	vmul.f32 v19, v5;
	v58 =	vmul.f32 v35, v52;
	[tilespmem:s15+$0xFFFFFF10] =	vst v10  }
0x4e1: {  	v5 =	vld [tilespmem:s12+$0xFFFFFF88];
	v23 =	vmul.f32 v57, v45;
	v9 =	vmul.f32 v40, v6;
	[tilespmem:s15+$0xFFFFFF60] =	vst v24  }
0x4e2: {  	v53 =	vmul.f32 v28, v52;
	v14 =	vmul.f32 v22, v6;
	v6 =	vld [tilespmem:s12+$0x0];
	[tilespmem:s15+$0xFFFFFF20] =	vst v58  }
0x4e3: {  	v54 =	vmul.f32 v39, v47;
	v20 =	vmul.f32 v20, v49;
	v22 =	vld [tilespmem:s12+$0x10];
	[tilespmem:s15+$0xFFFFFFB0] =	vst v9  }
0x4e4: {  	v9 =	vmul.f32 v27, v49;
	v49 =	vmul.f32 v38, v50;
	[tilespmem:s15+$0xFFFFFFE0] =	vst v14;
	v50 =	vld [tilespmem:s12+$0x8]  }
0x4e5: {  	v35 =	vmul.f32 v29, v47;
	[tilespmem:s15+$0x30] =	vst v20;
	v20 =	vmul.f32 v12, v52  }
0x4e6: {  	v14 =	vmul.f32 v8, v5;
	[tilespmem:s15+$0x60] =	vst v9;
	v9 =	vmul.f32 v37, v52  }
0x4e7: {  	v8 =	vmul.f32 v60, v47;
	[tilespmem:s15+$0xFFFFFF30] =	vst v49;
	v37 =	vmul.f32 v59, v7  }
0x4e8: {  	v12 =	vmul.f32 v41, v6;
	v10 =	vmul.f32 v33, v6;
	[tilespmem:s15+$0xFFFFFF00] =	vst v9  }
0x4e9: {  	s6 =	simm.s32 $0x8;
	s8 =	simm.s32 $0x200;
	s16 =	simm.s32 $0x1A200;
	v9 =	vmul.f32 v56, v22;
	v7 =	vmul.f32 v26, v50;
	[tilespmem:$0x1FB60] =	vst v48  }
.LBB2_8:
0x4ea: {  	v21 =	vld [tilespmem:$0x1FEC0];
	[tilespmem:s15+$0xFFFFFF40] =	vst v23  }
0x4eb: {  	v0 =	vld [tilespmem:$0x1FB60];
	[tilespmem:s15+$0xFFFFFF50] =	vst v20  }
0x4ec: {  	s18 =	sadd.s32 $0x180, s8;
	s11 =	sadd.s32 $0xA4, s11;
	v4 =	vld [tilespmem:$0x1FB40];
	[tilespmem:s15+$0xFFFFFF80] =	vst v54  }
0x4ed: {  	v23 =	vld [tilespmem:s11+$0x39];
	[tilespmem:s15+$0xFFFFFF90] =	vst v37;
	v5 =	vor.u32 s18, v61  }
0x4ee: {  	v28 =	vld [tilespmem:s11+$0xFFFFFFE7];
	[tilespmem:s15+$0xFFFFFFA0] =	vst v35  }
0x4ef: {  	v20 =	vmul.f32 v11, v42;
	v11 =	vld [tilespmem:s11+$0x29];
	[tilespmem:s15+$0xFFFFFFC0] =	vst v14  }
0x4f0: {  	v14 =	vld [tilespmem:s11+$0xFFFFFFEF]  }
0x4f1: {  	v17 =	vmul.f32 v17, v3;
	v3 =	vld [tilespmem:s11+$0xFFFFFFBE]  }
0x4f2: {  	v43 =	vld.idx.msk [tilespmem:v5+s26+$0x0], $0xffff  }
0x4f3: {  	[tilespmem:s15+$0xFFFFFFD0] =	vst v8;
	v5 =	vld [tilespmem:$0x1FB30]  }
0x4f4: {  	v33 =	vld [tilespmem:s11+$0x10];
	[tilespmem:s15+$0xFFFFFFF0] =	vst v13  }
0x4f5: {  	v18 =	vmul.f32 v18, v6;
	v19 =	vmul.f32 v19, v42;
	v13 =	vld [tilespmem:s11+$0x18];
	[tilespmem:s15+$0xFFFFFF70] =	vst v53;
	v1 =	vmov v0  }
0x4f6: {  	v6 =	vmul.f32 v36, v6;
	v27 =	vmul.f32 v15, v2;
	v29 =	vand.u32 $0xF, v48;
	[tilespmem:$0x1FAC0] =	vst v1;
	v1 =	vld [tilespmem:$0x1FDE0]  }
0x4f7: {  	[tilespmem:s15+$0x0] =	vst v12;
	v2 =	vld [tilespmem:s11+$0xFFFFFFC6];
	v31 =	vperm.xlane v3, v21;
	v45 =	vperm.xlane v3, v29  }
0x4f8: {  	[tilespmem:s15+$0x20] =	vst v10;
	v46 =	vperm.xlane v3, v4;
	v34 =	vperm.xlane v3, v5;
	v3 =	vld [tilespmem:$0x1FB50]  }
0x4f9: {  	v8 =	vimm.s32 $0x3;
	[tilespmem:s15+$0x40] =	vst v7;
	v30 =	vperm.xlane v23, v21;
	v15 =	vperm.xlane v23, v5  }
0x4fa: {  	[tilespmem:s16+$0x50] =	vst v18;
	v35 =	vperm.xlane v11, v8;
	v18 =	vperm.xlane v33, v21  }
0x4fb: {  	[tilespmem:s15+$0x10] =	vst v9;
	v7 =	vld [tilespmem:s11+$0x41];
	v53 =	vperm.xlane v33, v29;
	v0 =	vmul.f32 v15, v1  }
0x4fc: {  	s12 =	sadd.s32 $0x200, s12;
	v22 =	vor.u32 s8, v61;
	v54 =	vld [tilespmem:s11+$0x0];
	v39 =	vperm.xlane v28, v21;
	v40 =	vperm.xlane v28, v29  }
0x4fd: {  	v47 =	vperm.xlane v2, v3;
	v2 =	vmul.f32 v35, v0;
	v0 =	vld [tilespmem:s12+$0x90]  }
0x4fe: {  	s22 =	sadd.s32 $0x80, s8;
	s8 =	sadd.s32 $0x100, s8;
	v56 =	vld [tilespmem:s11+$0xFFFFFFAE];
	v29 =	vperm.xlane v23, v29;
	v41 =	vperm.xlane v28, v5  }
0x4ff: {  	v25 =	vor.u32 s8, v61;
	v28 =	vperm.xlane v28, v4;
	v55 =	vperm.xlane v33, v5;
	v5 =	vld [tilespmem:$0x1FE00]  }
0x500: {  	v33 =	vperm.xlane v33, v4;
	v23 =	vperm.xlane v23, v4;
	v4 =	vld [tilespmem:$0x1FDD0]  }
0x501: {  	v26 =	vmul.f32 v32, v42;
	v16 =	vmul.f32 v16, v42;
	v10 =	vld.idx.msk [tilespmem:v22+s26+$0x0], $0xffff  }
0x502: {  	v22 =	vperm.xlane v11, v63;
	v58 =	vperm.xlane v54, v63;
	[tilespmem:$0x1FB10] =	vst v0;
	v0 =	vld [tilespmem:s12+$0x88]  }
0x503: {  	[tilespmem:s16+$0x70] =	vst v6;
	v59 =	vperm.xlane v56, v63;
	v52 =	vperm.xlane v14, v3  }
0x504: {  	v12 =	vld.idx.msk [tilespmem:v25+s26+$0x0], $0xffff;
	v57 =	vperm.xlane v13, v3;
	v25 =	vperm.xlane v7, v3  }
0x505: {  	v50 =	vld [tilespmem:$0x1FDF0];
	v36 =	vmul.f32 v46, v4;
	v44 =	vmul.f32 v41, v5  }
0x506: {  	v28 =	vmul.f32 v28, v4;
	v41 =	vmul.f32 v41, v1  }
0x507: {  	v48 =	vmul.f32 v55, v5;
	v33 =	vmul.f32 v33, v4;
	[tilespmem:$0x1FB20] =	vst v0;
	v0 =	vld [tilespmem:s12+$0xFFFFFF10]  }
0x508: {  	v38 =	vld [tilespmem:s11+$0xFFFFFFD7];
	v55 =	vmul.f32 v55, v1;
	v15 =	vmul.f32 v15, v5  }
0x509: {  	v24 =	vor.u32 s22, v61;
	v23 =	vmul.f32 v23, v4;
	v9 =	vmul.f32 v2, v43  }
0x50a: {  	s15 =	sadd.s32 $0x200, s15;
	v3 =	vld [tilespmem:$0x1FDC0];
	v4 =	vperm.xlane v54, v8;
	v37 =	vmul.f32 v47, v50  }
0x50b: {  	v42 =	vld [tilespmem:s12+$0x80];
	v46 =	vmul.f32 v52, v50;
	v57 =	vmul.f32 v57, v50;
	[tilespmem:s15+$0xE0] =	vst v9  }
0x50c: {  	v25 =	vmul.f32 v25, v50;
	v50 =	vperm.xlane v56, v8;
	[tilespmem:$0x1FAE0] =	vst v0;
	v0 =	vld [tilespmem:s12+$0xFFFFFF08]  }
0x50d: {  	v33 =	vmul.f32 v58, v33;
	[tilespmem:s16+$0x80] =	vst v20;
	v20 =	vperm.xlane v38, v62  }
0x50e: {  	v9 =	vld.idx.msk [tilespmem:v24+s26+$0x0], $0xffff;
	[tilespmem:s16+$0x90] =	vst v17;
	v17 =	vperm.xlane v38, v63;
	v24 =	vperm.xlane v11, v62  }
0x50f: {  	v32 =	vmul.f32 v45, v3;
	v63 =	vmul.f32 v34, v5  }
0x510: {  	v34 =	vmul.f32 v34, v1;
	v40 =	vmul.f32 v40, v3;
	[tilespmem:s16+$0xD0] =	vst v16  }
0x511: {  	v53 =	vmul.f32 v53, v3;
	v16 =	vperm.xlane v56, v62;
	[tilespmem:$0x1FAF0] =	vst v0;
	v0 =	vld [tilespmem:$0x1FDA0]  }
0x512: {  	v2 =	vld [tilespmem:$0x1FDB0];
	v29 =	vmul.f32 v29, v3;
	[tilespmem:s16+$0xC0] =	vst v27;
	v27 =	vperm.xlane v54, v62  }
0x513: {  	v34 =	vmul.f32 v50, v34;
	v62 =	vsel vm0, v16, v59;
	v59 =	vmul.f32 v59, v36  }
0x514: {  	v61 =	vsel vm0, v27, v58;
	v27 =	vmul.f32 v27, v53;
	v62 =	vmul.f32 v62, v63  }
0x515: {  	[tilespmem:s16+$0xA0] =	vst v26;
	v63 =	vmul.f32 v50, v32;
	v50 =	vmul.f32 v20, v40  }
0x516: {  	[tilespmem:s16+$0xF0] =	vst v19;
	v26 =	vsel vm0, v20, v17;
	v20 =	vmul.f32 v61, v48;
	v19 =	vmul.f32 v31, v0  }
0x517: {  	[tilespmem:$0x1FAD0] =	vst v43;
	v31 =	vmul.f32 v31, v2;
	v43 =	vmul.f32 v39, v0  }
0x518: {  	v39 =	vmul.f32 v39, v2;
	v47 =	vmul.f32 v18, v0  }
0x519: {  	v1 =	vimm.s32 $0x4;
	v18 =	vmul.f32 v18, v2;
	v21 =	vmul.f32 v30, v0  }
0x51a: {  	v30 =	vmul.f32 v30, v2;
	v0 =	vimm.s32 $0x0;
	v2 =	vperm.xlane v38, v8  }
0x51b: {  	v49 =	vperm.xlane v56, v0;
	v56 =	vperm.xlane v56, v1  }
0x51c: {  	v51 =	vperm.xlane v38, v0;
	v38 =	vperm.xlane v38, v1  }
0x51d: {  	v3 =	vperm.xlane v54, v0;
	v54 =	vperm.xlane v54, v1  }
0x51e: {  	v0 =	vperm.xlane v11, v0;
	v1 =	vperm.xlane v11, v1  }
0x51f: {  	v5 =	vmul.f32 v19, v49;
	v31 =	vmul.f32 v31, v49  }
0x520: {  	v49 =	vmul.f32 v16, v32;
	v37 =	vmul.f32 v37, v56  }
0x521: {  	v43 =	vmul.f32 v43, v51;
	v39 =	vmul.f32 v39, v51  }
0x522: {  	v19 =	vmul.f32 v26, v44;
	v26 =	vmul.f32 v17, v28  }
0x523: {  	v44 =	vmul.f32 v2, v40;
	v2 =	vmul.f32 v2, v41  }
0x524: {  	v38 =	vmul.f32 v46, v38;
	v47 =	vmul.f32 v47, v3  }
0x525: {  	v13 =	vld [tilespmem:s12+$0xFFFFFF80];
	v3 =	vmul.f32 v18, v3;
	v18 =	vmul.f32 v4, v53  }
0x526: {  	v6 =	vld [tilespmem:s12+$0xFFFFFF88];
	v4 =	vmul.f32 v4, v55;
	v36 =	vmul.f32 v57, v54  }
0x527: {  	v7 =	vld [tilespmem:s12+$0xFFFFFF00];
	v11 =	vmul.f32 v21, v0;
	v8 =	vmul.f32 v19, v9  }
0x528: {  	v14 =	vld [tilespmem:s12+$0xFFFFFF90];
	v60 =	vsel vm0, v24, v22;
	v17 =	vmul.f32 v30, v0;
	v32 =	vmul.f32 v24, v29  }
0x529: {  	v0 =	vmul.f32 v60, v15;
	v15 =	vmul.f32 v22, v23;
	[tilespmem:s15+$0xFFFFFFB0] =	vst v8;
	v8 =	vld [tilespmem:$0x1FAD0]  }
0x52a: {  	v16 =	vmul.f32 v35, v29;
	v35 =	vmul.f32 v50, v13  }
0x52b: {  	[tilespmem:$0x1FB00] =	vst v6;
	v6 =	vld [tilespmem:s12+$0x0];
	v19 =	vmul.f32 v25, v1;
	v1 =	vmul.f32 v2, v9  }
0x52c: {  	v52 =	vld [tilespmem:s12+$0x8];
	v2 =	vmul.f32 v20, v12;
	v4 =	vmul.f32 v4, v12  }
0x52d: {  	v45 =	vld [tilespmem:s12+$0x10];
	v9 =	vmul.f32 v34, v10;
	v20 =	vmul.f32 v63, v7;
	[tilespmem:s15+$0xFFFFFFE0] =	vst v1  }
0x52e: {  	v1 =	vmul.f32 v5, v7;
	v5 =	vld [tilespmem:$0x1FAE0];
	[tilespmem:s15+$0x30] =	vst v2;
	v0 =	vmul.f32 v0, v8  }
0x52f: {  	v53 =	vmul.f32 v37, v7;
	[tilespmem:s15+$0x60] =	vst v4;
	v8 =	vmul.f32 v62, v10;
	v10 =	vld [tilespmem:$0x1FAF0]  }
0x530: {  	p1 =	slt.u32 s6, $0x3C;
	v54 =	vmul.f32 v43, v13;
	v37 =	vmul.f32 v39, v14;
	[tilespmem:s15+$0xB0] =	vst v0;
	v0 =	vld [tilespmem:$0x1FB00]  }
.Ltmp10:
0x531: {  	v12 =	vmul.f32 v47, v6;
	v2 =	vmul.f32 v49, v7;
	[tilespmem:s15+$0xFFFFFF60] =	vst v9;
	(pc) =	sbr.rel @p1 .LBB2_8-.Ltmp10, $4  }
0x532: {  	v61 =	vld [tilespmem:$0x1FE40];
	v9 =	vmul.f32 v3, v45;
	v7 =	vmul.f32 v33, v52;
	[tilespmem:s15+$0xFFFFFF00] =	vst v1  }
0x533: {  	v48 =	vld [tilespmem:$0x1FAC0];
	v5 =	vmul.f32 v31, v5;
	[tilespmem:s15+$0xFFFFFF30] =	vst v8;
	v8 =	vmul.f32 v44, v13  }
0x534: {  	v63 =	vimm.s32 $0x2;
	v3 =	vld [tilespmem:$0x1FB10];
	[tilespmem:s15+$0xFFFFFF20] =	vst v2;
	v13 =	vmul.f32 v38, v13;
	v23 =	vmul.f32 v59, v10  }
0x535: {  	s8 =	sshll.u32 s6, $0x7;
	s6 =	sadd.s32 $0x4, s6;
	s16 =	smov.u32 s15;
	v2 =	vld [tilespmem:$0x1FB20];
	v62 =	vimm.s32 $0x1;
	[tilespmem:s15+$0xFFFFFF10] =	vst v5;
	v10 =	vmul.f32 v27, v6;
	v14 =	vmul.f32 v26, v0  }
0x536: {  	_ = 	snop  }
0x537: {  	v46 =	vld [tilespmem:$0x1FEC0]  }
0x538: {  	s6 =	sadd.s32 $0xA4, s11;
	v28 =	vld [tilespmem:$0x1FB30]  }
0x539: {  	v21 =	vld [tilespmem:s6+$0x39];
	v27 =	vmul.f32 v17, v3;
	v3 =	vmul.f32 v32, v42  }
0x53a: {  	s18 =	sadd.s32 $0x180, s8;
	v5 =	vld [tilespmem:s6+$0x29];
	v2 =	vmul.f32 v15, v2  }
0x53b: {  	v49 =	vmul.f32 v16, v42;
	v0 =	vor.u32 s18, v61;
	v1 =	vld [tilespmem:s6+$0xFFFFFFBE];
	[tilespmem:$0x1FA40] =	vst v3  }
0x53c: {  	v50 =	vmul.f32 v19, v42;
	v40 =	vld [tilespmem:$0x1FDE0];
	[tilespmem:$0x1FA50] =	vst v2  }
0x53d: {  	v3 =	vld [tilespmem:s6+$0xFFFFFFC6];
	[tilespmem:$0x1FA60] =	vst v49  }
0x53e: {  	v19 =	vimm.s32 $0x3;
	v31 =	vld [tilespmem:$0x1FB50];
	[tilespmem:$0x1FA70] =	vst v50  }
0x53f: {  	v17 =	vperm.xlane v5, v19;
	v4 =	vld [tilespmem:s6+$0xFFFFFFE7]  }
0x540: {  	v24 =	vmul.f32 v18, v6;
	v0 =	vld.idx.msk [tilespmem:v0+s26+$0x0], $0xffff  }
0x541: {  	v25 =	vmul.f32 v36, v6;
	v30 =	vperm.xlane v21, v28;
	v6 =	vld [tilespmem:s6+$0xFFFFFFEF];
	[tilespmem:$0x1FAA0] =	vst v17  }
0x542: {  	v16 =	vld [tilespmem:s6+$0x10]  }
0x543: {  	v2 =	vand.u32 $0xF, v48;
	v15 =	vmul.f32 v30, v40;
	v18 =	vld [tilespmem:s6+$0x0]  }
0x544: {  	v52 =	vperm.xlane v21, v2;
	v49 =	vld [tilespmem:s6+$0xFFFFFFAE]  }
0x545: {  	v51 =	vmul.f32 v17, v15;
	v17 =	vld [tilespmem:s6+$0xFFFFFFD7]  }
0x546: {  	v38 =	vperm.xlane v3, v31;
	v3 =	vld [tilespmem:s6+$0x18];
	[tilespmem:$0x1FA80] =	vst v52  }
0x547: {  	v29 =	vld [tilespmem:$0x1FB40];
	[tilespmem:s15+$0xFFFFFF40] =	vst v23  }
0x548: {  	[tilespmem:s15+$0xFFFFFF50] =	vst v20  }
0x549: {  	v55 =	vld [tilespmem:$0x1FDA0]  }
0x54a: {  	v56 =	vld [tilespmem:$0x1FDB0];
	[tilespmem:s15+$0xFFFFFF70] =	vst v53  }
0x54b: {  	v26 =	vmul.f32 v11, v42;
	v57 =	vld [tilespmem:$0x1FDC0]  }
0x54c: {  	v32 =	vperm.xlane v1, v46;
	v34 =	vperm.xlane v1, v28;
	v59 =	vld [tilespmem:$0x1FE00];
	[tilespmem:s15+$0xFFFFFF80] =	vst v54  }
0x54d: {  	v36 =	vperm.xlane v1, v29;
	v33 =	vperm.xlane v1, v2;
	v58 =	vld [tilespmem:$0x1FDD0];
	[tilespmem:s15+$0xFFFFFF90] =	vst v37  }
0x54e: {  	v1 =	vperm.xlane v5, v63;
	v42 =	vmul.f32 v51, v0;
	v51 =	vld [tilespmem:$0x1FDF0]  }
0x54f: {  	v39 =	vperm.xlane v4, v46;
	v22 =	vperm.xlane v4, v2  }
0x550: {  	v41 =	vperm.xlane v4, v28;
	v43 =	vperm.xlane v4, v29  }
0x551: {  	v44 =	vperm.xlane v6, v31;
	v45 =	vperm.xlane v16, v46  }
0x552: {  	v54 =	vimm.s32 $0x0;
	v20 =	vmul.f32 v32, v55;
	v32 =	vmul.f32 v32, v56  }
0x553: {  	v37 =	vmul.f32 v38, v51;
	v38 =	vperm.xlane v49, v54  }
0x554: {  	s22 =	sadd.s32 $0x80, s8;
	v60 =	vperm.xlane v16, v2;
	v47 =	vperm.xlane v16, v28  }
0x555: {  	[tilespmem:s15+$0xFFFFFFA0] =	vst v35;
	v20 =	vmul.f32 v20, v38;
	v32 =	vmul.f32 v32, v38;
	v38 =	vor.u32 s22, v61;
	s22 =	sadd.s32 $0x200, s12  }
0x556: {  	v48 =	vperm.xlane v16, v29;
	v6 =	vperm.xlane v18, v62;
	[tilespmem:s15+$0x10] =	vst v9;
	v9 =	vld [tilespmem:s22+$0x90]  }
0x557: {  	v4 =	vperm.xlane v18, v63;
	v23 =	vperm.xlane v49, v62;
	[tilespmem:s15+$0xFFFFFFC0] =	vst v14  }
0x558: {  	v52 =	vperm.xlane v49, v63;
	v16 =	vperm.xlane v17, v62;
	[tilespmem:s15+$0xFFFFFFD0] =	vst v8  }
0x559: {  	v15 =	vperm.xlane v17, v63;
	v50 =	vperm.xlane v3, v31;
	[tilespmem:s15+$0xFFFFFFF0] =	vst v13  }
0x55a: {  	v3 =	vperm.xlane v5, v62;
	v13 =	vperm.xlane v49, v19;
	[tilespmem:s15+$0x0] =	vst v12;
	v12 =	vimm.s32 $0x4  }
0x55b: {  	v12 =	vperm.xlane v49, v12;
	v33 =	vmul.f32 v33, v57;
	v8 =	vld [tilespmem:s22+$0x80];
	[tilespmem:$0x1FA90] =	vst v9  }
0x55c: {  	v53 =	vmul.f32 v34, v59;
	v34 =	vmul.f32 v34, v40;
	[tilespmem:s15+$0x20] =	vst v10  }
0x55d: {  	v14 =	vsel vm0, v23, v52;
	v35 =	vmul.f32 v41, v59;
	v30 =	vmul.f32 v30, v59;
	s12 =	sadd.s32 $0x200, s15;
	v10 =	vld [tilespmem:s6+$0x41];
	[tilespmem:s15+$0x40] =	vst v7  }
0x55e: {  	v19 =	vimm.s32 $0x3;
	v54 =	vmul.f32 v47, v59;
	v23 =	vmul.f32 v23, v33;
	v9 =	vld [tilespmem:s22+$0x88];
	[tilespmem:s12+$0xE0] =	vst v42  }
0x55f: {  	v33 =	vmul.f32 v13, v33;
	v13 =	vmul.f32 v13, v34;
	v49 =	vsel vm0, v16, v15;
	[tilespmem:s16+$0x80] =	vst v26  }
0x560: {  	v47 =	vmul.f32 v47, v40;
	v34 =	vmul.f32 v49, v35;
	v49 =	vsel vm0, v3, v1;
	[tilespmem:s16+$0x90] =	vst v27  }
0x561: {  	v30 =	vmul.f32 v49, v30;
	v49 =	vperm.xlane v18, v19;
	[tilespmem:s16+$0x50] =	vst v24  }
0x562: {  	v12 =	vmul.f32 v37, v12;
	v37 =	vld.idx.msk [tilespmem:v38+s26+$0x0], $0xffff;
	v38 =	vsel vm0, v6, v4;
	[tilespmem:s16+$0x70] =	vst v25  }
0x563: {  	v38 =	vmul.f32 v38, v54;
	v54 =	vmul.f32 v49, v47;
	v47 =	vld [tilespmem:$0x1FA40];
	_ =	sdelay $0x4  }
0x564: {  	[tilespmem:s16+$0xA0] =	vst v47  }
0x565: {  	v26 =	vmul.f32 v30, v0;
	v0 =	vld [tilespmem:$0x1FA50]  }
0x566: {  	s18 =	sadd.s32 $0x100, s8;
	v36 =	vmul.f32 v36, v58  }
0x567: {  	v14 =	vmul.f32 v14, v53;
	v53 =	vor.u32 s18, v61  }
0x568: {  	v36 =	vmul.f32 v52, v36;
	v52 =	vor.u32 s8, v61;
	_ =	sdelay $0x1  }
0x569: {  	[tilespmem:s16+$0xC0] =	vst v0  }
0x56a: {  	v0 =	vld [tilespmem:$0x1FA60]  }
0x56b: {  	v35 =	vld.idx.msk [tilespmem:v53+s26+$0x0], $0xffff  }
0x56c: {  	v41 =	vmul.f32 v41, v40;
	v53 =	vperm.xlane v17, v19;
	v7 =	vld.idx.msk [tilespmem:v52+s26+$0x0], $0xffff  }
0x56d: {  	v30 =	vld [tilespmem:s22+$0xFFFFFF08]  }
0x56e: {  	v11 =	vperm.xlane v21, v46;
	v27 =	vld [tilespmem:s22+$0xFFFFFF80];
	v41 =	vmul.f32 v53, v41  }
0x56f: {  	v52 =	vld [tilespmem:s22+$0xFFFFFF90];
	v42 =	vmul.f32 v45, v56;
	v24 =	vmul.f32 v34, v37;
	[tilespmem:s16+$0xD0] =	vst v0  }
0x570: {  	v34 =	vmul.f32 v41, v37;
	v25 =	vmul.f32 v38, v35;
	v19 =	vld [tilespmem:$0x1FA70]  }
0x571: {  	v37 =	vld [tilespmem:s22+$0xFFFFFF00];
	v35 =	vmul.f32 v54, v35;
	v14 =	vmul.f32 v14, v7  }
0x572: {  	v38 =	vld [tilespmem:s22+$0xFFFFFF10];
	v7 =	vmul.f32 v13, v7;
	v13 =	vmul.f32 v39, v55  }
0x573: {  	v54 =	vmul.f32 v39, v56;
	v39 =	vmul.f32 v22, v57;
	v47 =	vld [tilespmem:s22+$0xFFFFFF88];
	[tilespmem:s12+$0xFFFFFFB0] =	vst v24  }
0x574: {  	v41 =	vmul.f32 v44, v51;
	v44 =	vmul.f32 v48, v58;
	v24 =	vld [tilespmem:s22+$0x10];
	[tilespmem:s12+$0xFFFFFFE0] =	vst v34  }
0x575: {  	v48 =	vmul.f32 v36, v30;
	v16 =	vmul.f32 v16, v39;
	v34 =	vld [tilespmem:s22+$0x8];
	[tilespmem:s16+$0xF0] =	vst v19  }
0x576: {  	v30 =	vmul.f32 v11, v55;
	v11 =	vmul.f32 v11, v56;
	v19 =	vld [tilespmem:s22+$0x0];
	[tilespmem:s12+$0x30] =	vst v25  }
0x577: {  	v4 =	vmul.f32 v4, v44;
	v16 =	vmul.f32 v16, v27;
	[tilespmem:s12+$0x60] =	vst v35  }
0x578: {  	v32 =	vmul.f32 v32, v38;
	v38 =	vmul.f32 v45, v55;
	v22 =	vld [tilespmem:$0x1FA80];
	[tilespmem:s12+$0xB0] =	vst v26  }
0x579: {  	v45 =	vmul.f32 v50, v51;
	v20 =	vmul.f32 v20, v37;
	[tilespmem:s12+$0xFFFFFF30] =	vst v14  }
0x57a: {  	v23 =	vmul.f32 v23, v37;
	v0 =	vmul.f32 v43, v58;
	[tilespmem:s12+$0xFFFFFF60] =	vst v7  }
0x57b: {  	v36 =	vmul.f32 v33, v37;
	v12 =	vmul.f32 v12, v37;
	[tilespmem:s12+$0xFFFFFF00] =	vst v20  }
0x57c: {  	v43 =	vmul.f32 v60, v57;
	v15 =	vmul.f32 v15, v0;
	[tilespmem:s12+$0xFFFFFF10] =	vst v32  }
0x57d: {  	[tilespmem:s12+$0xFFFFFF70] =	vst v12;
	v12 =	vmul.f32 v53, v39;
	v50 =	vmul.f32 v22, v57;
	v22 =	vimm.s32 $0x0  }
0x57e: {  	v6 =	vmul.f32 v6, v43;
	[tilespmem:s12+$0xFFFFFF20] =	vst v23;
	v14 =	vperm.xlane v17, v22  }
0x57f: {  	v15 =	vmul.f32 v15, v47;
	[tilespmem:s12+$0xFFFFFF40] =	vst v48;
	v12 =	vmul.f32 v12, v27  }
0x580: {  	v60 =	vimm.s32 $0x4;
	v4 =	vmul.f32 v4, v34;
	[tilespmem:s12+$0xFFFFFF50] =	vst v36;
	v13 =	vmul.f32 v13, v14  }
0x581: {  	[tilespmem:s12+$0xFFFFFFD0] =	vst v12;
	v12 =	vmul.f32 v49, v43;
	v17 =	vperm.xlane v17, v60  }
0x582: {  	[tilespmem:s12+$0xFFFFFFA0] =	vst v16;
	v14 =	vmul.f32 v54, v14;
	v13 =	vmul.f32 v13, v27  }
0x583: {  	[tilespmem:s12+$0xFFFFFFC0] =	vst v15;
	v6 =	vmul.f32 v6, v19;
	v7 =	vperm.xlane v18, v22  }
0x584: {  	v14 =	vmul.f32 v14, v52;
	[tilespmem:s12+$0xFFFFFF80] =	vst v13;
	v13 =	vmul.f32 v41, v17  }
0x585: {  	[tilespmem:s12+$0x40] =	vst v4;
	v18 =	vperm.xlane v18, v60;
	v20 =	vperm.xlane v5, v22  }
0x586: {  	[tilespmem:s12+$0xFFFFFF90] =	vst v14;
	v14 =	vmul.f32 v38, v7;
	v13 =	vmul.f32 v13, v27  }
0x587: {  	v12 =	vmul.f32 v12, v19;
	[tilespmem:s12+$0x20] =	vst v6;
	v7 =	vmul.f32 v42, v7  }
0x588: {  	v14 =	vmul.f32 v14, v19;
	[tilespmem:s12+$0xFFFFFFF0] =	vst v13;
	v13 =	vmul.f32 v45, v18  }
0x589: {  	v21 =	vperm.xlane v21, v29;
	[tilespmem:s12+$0x50] =	vst v12;
	v7 =	vmul.f32 v7, v24  }
0x58a: {  	v6 =	vmul.f32 v11, v20;
	[tilespmem:s12+$0x0] =	vst v14;
	v11 =	vmul.f32 v13, v19  }
0x58b: {  	v21 =	vmul.f32 v21, v58;
	[tilespmem:s12+$0x10] =	vst v7  }
0x58c: {  	v10 =	vperm.xlane v10, v31;
	v48 =	vld [tilespmem:$0x1FA90];
	[tilespmem:s12+$0x70] =	vst v11  }
0x58d: {  	v1 =	vmul.f32 v1, v21;
	v7 =	vmul.f32 v30, v20;
	v49 =	vld [tilespmem:$0x1FAA0]  }
0x58e: {  	v10 =	vmul.f32 v10, v51;
	v3 =	vmul.f32 v3, v50  }
0x58f: {  	v5 =	vperm.xlane v5, v60;
	v4 =	vmul.f32 v7, v8  }
0x590: {  	v3 =	vmul.f32 v3, v8  }
0x591: {  	v1 =	vmul.f32 v1, v9;
	[tilespmem:s12+$0x80] =	vst v4;
	v4 =	vmul.f32 v10, v5  }
0x592: {  	[tilespmem:s12+$0xA0] =	vst v3;
	v6 =	vmul.f32 v6, v48;
	v0 =	vmul.f32 v49, v50  }
0x593: {  	[tilespmem:s12+$0xC0] =	vst v1;
	v3 =	vmul.f32 v4, v8  }
0x594: {  	[tilespmem:s12+$0x90] =	vst v6;
	v0 =	vmul.f32 v0, v8  }
0x595: {  	[tilespmem:s12+$0xF0] =	vst v3  }
0x596: {  	[tilespmem:s12+$0xD0] =	vst v0  }
0x597: {  	_ =	swait.ge [sflag:s2], $0x2000  }
0x598: {  	[sflag:s2] =	ssyncset.done $0x0  }
0x599: {  	s11 =	simm.s32 $0x196D3;
	[sflag:s2] =	ssyncadd.s32 $0xFFFFE000  }
0x59a: {  	v50 =	vld [tilespmem:s11+$0xFFFFFFF8]  }
0x59b: {  	v3 =	vld [tilespmem:s11+$0xFFFFFF7D]  }
0x59c: {  	v5 =	vld [tilespmem:s11+$0xFFFFFFE8]  }
0x59d: {  	v6 =	vld [tilespmem:s11+$0xFFFFFF85]  }
0x59e: {  	v7 =	vld [tilespmem:s11+$0xFFFFFFA6]  }
0x59f: {  	v11 =	vld [tilespmem:s11+$0xFFFFFFAE];
	v8 =	vperm.xlane v50, v46;
	v9 =	vperm.xlane v50, v28  }
0x5a0: {  	v12 =	vimm.s32 $0x3;
	v14 =	vld [tilespmem:s11+$0xFFFFFFCF];
	v53 =	vperm.xlane v3, v46;
	v10 =	vperm.xlane v3, v2  }
0x5a1: {  	v12 =	vperm.xlane v5, v12;
	v15 =	vperm.xlane v3, v28  }
0x5a2: {  	v16 =	vld [tilespmem:s11+$0xFFFFFFD7];
	v3 =	vperm.xlane v3, v29;
	v6 =	vperm.xlane v6, v31  }
0x5a3: {  	s15 =	simm.s32 $0x2180;
	v19 =	vld [tilespmem:s11+$0xFFFFFF96];
	v17 =	vperm.xlane v7, v46;
	v18 =	vperm.xlane v7, v2  }
0x5a4: {  	v52 =	vor.u32 s15, v61;
	v20 =	vperm.xlane v7, v28;
	v7 =	vperm.xlane v7, v29  }
0x5a5: {  	v23 =	vld [tilespmem:s11+$0x0];
	v11 =	vperm.xlane v11, v31;
	v21 =	vperm.xlane v14, v46  }
0x5a6: {  	v24 =	vld [tilespmem:s11+$0xFFFFFFBF];
	v22 =	vperm.xlane v14, v2;
	v54 =	vperm.xlane v14, v28  }
0x5a7: {  	v60 =	vld [tilespmem:s11+$0xFFFFFF6D];
	v14 =	vperm.xlane v14, v29;
	v16 =	vperm.xlane v16, v31  }
0x5a8: {  	v27 =	vperm.xlane v50, v2;
	v28 =	vperm.xlane v19, v62  }
0x5a9: {  	v4 =	vld.idx.msk [tilespmem:v52+s26+$0x0], $0xffff;
	[tilespmem:$0x1FAB0] =	vst v2;
	v2 =	vperm.xlane v50, v29;
	v0 =	vperm.xlane v19, v63  }
0x5aa: {  	v30 =	vperm.xlane v5, v62;
	v50 =	vperm.xlane v5, v63  }
0x5ab: {  	v23 =	vperm.xlane v23, v31;
	v32 =	vperm.xlane v24, v62  }
0x5ac: {  	v33 =	vperm.xlane v24, v63;
	v34 =	vperm.xlane v60, v62  }
0x5ad: {  	v35 =	vperm.xlane v60, v63;
	v13 =	vmul.f32 v9, v40  }
0x5ae: {  	v52 =	vmul.f32 v53, v55;
	v1 =	vmul.f32 v53, v56  }
0x5af: {  	v10 =	vmul.f32 v10, v57;
	v53 =	vmul.f32 v15, v59  }
0x5b0: {  	v3 =	vmul.f32 v3, v58;
	v15 =	vmul.f32 v15, v40  }
0x5b1: {  	v6 =	vmul.f32 v6, v51;
	v38 =	vmul.f32 v17, v55  }
0x5b2: {  	v17 =	vmul.f32 v17, v56;
	v18 =	vmul.f32 v18, v57  }
0x5b3: {  	v39 =	vmul.f32 v20, v59;
	v7 =	vmul.f32 v7, v58  }
0x5b4: {  	v20 =	vmul.f32 v20, v40;
	v11 =	vmul.f32 v11, v51  }
0x5b5: {  	v29 =	vmul.f32 v21, v55;
	v21 =	vmul.f32 v21, v56  }
0x5b6: {  	v22 =	vmul.f32 v22, v57;
	v41 =	vmul.f32 v54, v59  }
0x5b7: {  	v14 =	vmul.f32 v14, v58;
	v25 =	vmul.f32 v54, v40  }
0x5b8: {  	v48 =	vimm.s32 $0x0;
	v16 =	vmul.f32 v16, v51;
	v42 =	vmul.f32 v8, v55  }
0x5b9: {  	v31 =	vimm.s32 $0x3;
	v8 =	vmul.f32 v8, v56;
	v54 =	vperm.xlane v60, v48  }
0x5ba: {  	v44 =	vmul.f32 v9, v59;
	v9 =	vperm.xlane v60, v31  }
0x5bb: {  	v55 =	vimm.s32 $0x4;
	v59 =	vperm.xlane v19, v48;
	v27 =	vmul.f32 v27, v57  }
0x5bc: {  	v23 =	vmul.f32 v23, v51;
	v26 =	vperm.xlane v60, v55  }
0x5bd: {  	v60 =	vperm.xlane v19, v31;
	v19 =	vperm.xlane v19, v55  }
0x5be: {  	v56 =	vsel vm0, v34, v35;
	v13 =	vmul.f32 v12, v13;
	v45 =	vmul.f32 v52, v54  }
0x5bf: {  	v43 =	vmul.f32 v1, v54;
	v49 =	vmul.f32 v56, v53  }
0x5c0: {  	v47 =	vmul.f32 v35, v3;
	v3 =	vperm.xlane v24, v48  }
0x5c1: {  	v37 =	vimm.s32 $0x3;
	v34 =	vmul.f32 v34, v10;
	v10 =	vmul.f32 v9, v10  }
0x5c2: {  	v48 =	vmul.f32 v9, v15;
	v9 =	vsel vm0, v28, v0;
	v28 =	vmul.f32 v28, v18  }
0x5c3: {  	v7 =	vmul.f32 v0, v7;
	v1 =	vperm.xlane v24, v37  }
0x5c4: {  	v37 =	vmul.f32 v33, v14;
	v35 =	vmul.f32 v12, v27  }
0x5c5: {  	v6 =	vmul.f32 v6, v26;
	v26 =	vmul.f32 v38, v59  }
0x5c6: {  	v53 =	vimm.s32 $0x4;
	v38 =	vmul.f32 v17, v59;
	v39 =	vmul.f32 v9, v39  }
0x5c7: {  	v0 =	vsel vm0, v32, v33;
	v18 =	vmul.f32 v60, v18;
	v20 =	vmul.f32 v60, v20  }
0x5c8: {  	s18 =	simm.s32 $0x2080;
	s12 =	simm.s32 $0x16D90;
	v52 =	vimm.s32 $0x0;
	v11 =	vmul.f32 v11, v19;
	v19 =	vmul.f32 v0, v41  }
0x5c9: {  	s22 =	simm.s32 $0x2100;
	v31 =	vld [tilespmem:s12+$0x0];
	v17 =	vor.u32 s18, v61;
	v24 =	vperm.xlane v24, v53;
	v14 =	vperm.xlane v5, v52  }
0x5ca: {  	s16 =	simm.s32 $0x2000;
	v9 =	vor.u32 s22, v61;
	v52 =	vmul.f32 v32, v22;
	v0 =	vmul.f32 v2, v58;
	v2 =	vld [tilespmem:s12+$0xFFFFFEF0]  }
0x5cb: {  	v15 =	vor.u32 s16, v61;
	v5 =	vperm.xlane v5, v53;
	v40 =	vmul.f32 v29, v3;
	v29 =	vld [tilespmem:s12+$0xFFFFFE80]  }
0x5cc: {  	v53 =	vmul.f32 v30, v27;
	v32 =	vmul.f32 v16, v24;
	v16 =	vld [tilespmem:s12+$0xFFFFFE70]  }
0x5cd: {  	v13 =	vmul.f32 v13, v4;
	v36 =	vmul.f32 v23, v5;
	v5 =	vld [tilespmem:s12+$0xFFFFFF70]  }
0x5ce: {  	v21 =	vmul.f32 v21, v3;
	v25 =	vmul.f32 v1, v25;
	v41 =	vld.idx.msk [tilespmem:v17+s26+$0x0], $0xffff  }
0x5cf: {  	v56 =	vld.idx.msk [tilespmem:v9+s26+$0x0], $0xffff;
	v9 =	vmul.f32 v1, v22;
	v17 =	vmul.f32 v42, v14  }
0x5d0: {  	v22 =	vld.idx.msk [tilespmem:v15+s26+$0x0], $0xffff;
	v15 =	vsel vm0, v30, v50;
	v14 =	vmul.f32 v8, v14;
	v11 =	vmul.f32 v11, v2  }
0x5d1: {  	s15 =	simm.s32 $0x1C2F0;
	v60 =	vld [tilespmem:s12+$0xFFFFFFF0];
	v8 =	vmul.f32 v15, v44;
	v29 =	vmul.f32 v43, v29  }
0x5d2: {  	v59 =	vld [tilespmem:s12+$0xFFFFFFF8];
	[tilespmem:s15+$0xFFFFFFF0] =	vst v13;
	v15 =	vmul.f32 v50, v0;
	v30 =	vmul.f32 v45, v16  }
0x5d3: {  	v1 =	vld [tilespmem:s12+$0xFFFFFE78];
	v57 =	vmul.f32 v10, v16;
	v4 =	vmul.f32 v8, v4;
	[tilespmem:s15+$0xFFFFFE20] =	vst v29  }
0x5d4: {  	v12 =	vld [tilespmem:s12+$0xFFFFFF00];
	v54 =	vmul.f32 v6, v16;
	[tilespmem:s15+$0xFFFFFE10] =	vst v30;
	v44 =	vmul.f32 v39, v41  }
0x5d5: {  	v23 =	vld [tilespmem:s12+$0xFFFFFEF8];
	v10 =	vmul.f32 v40, v5;
	v13 =	vmul.f32 v20, v41;
	[tilespmem:s15+$0xFFFFFFC0] =	vst v4  }
0x5d6: {  	v50 =	vld [tilespmem:s12+$0xFFFFFF80];
	v19 =	vmul.f32 v19, v56;
	v20 =	vmul.f32 v25, v56;
	[tilespmem:s15+$0xFFFFFEC0] =	vst v44  }
0x5d7: {  	v51 =	vmul.f32 v49, v22;
	v22 =	vmul.f32 v48, v22;
	[tilespmem:s15+$0xFFFFFEF0] =	vst v13  }
0x5d8: {  	v8 =	vld [tilespmem:s12+$0xFFFFFF78];
	v58 =	vmul.f32 v47, v1;
	v56 =	vmul.f32 v26, v2;
	[tilespmem:s15+$0xFFFFFF40] =	vst v19  }
0x5d9: {  	[tilespmem:s15+$0xFFFFFF70] =	vst v20;
	v20 =	vmul.f32 v34, v16;
	v19 =	vmul.f32 v38, v12  }
0x5da: {  	[tilespmem:s15+$0xFFFFFE40] =	vst v51;
	v13 =	vmul.f32 v7, v23;
	v16 =	vmul.f32 v28, v2  }
0x5db: {  	s8 =	simm.s32 $0x2200;
	s6 =	simm.s32 $0x48;
	s16 =	simm.s32 $0x1C2F0;
	v55 =	vmov v46;
	[tilespmem:s15+$0xFFFFFE70] =	vst v22;
	v12 =	vmul.f32 v18, v2;
	v7 =	vmul.f32 v21, v50  }
.LBB2_10:
0x5dc: {  	v6 =	vld [tilespmem:$0x1FB30]  }
0x5dd: {  	v45 =	vld [tilespmem:$0x1FAB0]  }
0x5de: {  	v2 =	vld [tilespmem:$0x1FDE0]  }
0x5df: {  	s11 =	sadd.s32 $0xA4, s11;
	v46 =	vld [tilespmem:$0x1FB50];
	[tilespmem:s15+$0xFFFFFE30] =	vst v20  }
0x5e0: {  	v21 =	vld [tilespmem:s11+$0xFFFFFFF8];
	[tilespmem:s15+$0xFFFFFE50] =	vst v58  }
0x5e1: {  	v22 =	vmul.f32 v9, v5;
	v9 =	vld [tilespmem:s11+$0xFFFFFFE8];
	[tilespmem:s15+$0xFFFFFE90] =	vst v56  }
0x5e2: {  	s12 =	sadd.s32 $0x200, s12;
	v23 =	vld [tilespmem:s11+$0xFFFFFF7D];
	[tilespmem:s15+$0xFFFFFE60] =	vst v57  }
0x5e3: {  	v56 =	vld [tilespmem:s12+$0x0];
	[tilespmem:s15+$0xFFFFFE80] =	vst v54  }
0x5e4: {  	v17 =	vmul.f32 v17, v60;
	v27 =	vmul.f32 v53, v60;
	v3 =	vld [tilespmem:s11+$0xFFFFFFA6];
	[tilespmem:s15+$0xFFFFFEA0] =	vst v19  }
0x5e5: {  	v28 =	vmul.f32 v35, v60;
	v19 =	vmul.f32 v36, v60;
	[tilespmem:s15+$0xFFFFFEB0] =	vst v16;
	v60 =	vld [tilespmem:s12+$0xFFFFFFF0]  }
0x5e6: {  	v16 =	vld [tilespmem:s11+$0xFFFFFFAE];
	[tilespmem:s15+$0xFFFFFED0] =	vst v13  }
0x5e7: {  	v8 =	vmul.f32 v37, v8;
	v57 =	vld [tilespmem:s12+$0xFFFFFFF8];
	[tilespmem:s15+$0xFFFFFEE0] =	vst v12  }
0x5e8: {  	v20 =	vmul.f32 v52, v5;
	v5 =	vmul.f32 v32, v5;
	v13 =	vld [tilespmem:s11+$0xFFFFFFCF];
	[tilespmem:s15+$0xFFFFFF00] =	vst v11  }
0x5e9: {  	v12 =	vld [tilespmem:s11+$0xFFFFFFD7];
	[tilespmem:s15+$0xFFFFFF10] =	vst v10;
	v26 =	vmul.f32 v14, v31;
	v15 =	vmul.f32 v15, v59  }
0x5ea: {  	v50 =	vimm.s32 $0x3;
	v1 =	vld [tilespmem:s11+$0xFFFFFF85];
	[tilespmem:s15+$0xFFFFFF20] =	vst v7;
	v29 =	vperm.xlane v21, v55;
	v14 =	vperm.xlane v21, v6  }
0x5eb: {  	s18 =	sadd.s32 $0x180, s8;
	[tilespmem:s15+$0xFFFFFF30] =	vst v20;
	v34 =	vld [tilespmem:s11+$0xFFFFFF96];
	v59 =	vperm.xlane v9, v50;
	v30 =	vperm.xlane v23, v55  }
0x5ec: {  	s22 =	sadd.s32 $0x80, s8;
	v4 =	vor.u32 s18, v61;
	[tilespmem:s16+$0xFFFFFF50] =	vst v8;
	v8 =	vld [tilespmem:s11+$0x0];
	v31 =	vperm.xlane v23, v45;
	v32 =	vperm.xlane v23, v6  }
0x5ed: {  	v24 =	vor.u32 s22, v61;
	v41 =	vld [tilespmem:s11+$0xFFFFFFBF];
	v35 =	vperm.xlane v3, v55;
	v36 =	vperm.xlane v3, v45  }
0x5ee: {  	v18 =	vor.u32 s8, v61;
	s8 =	sadd.s32 $0x100, s8;
	[tilespmem:s16+$0xFFFFFF60] =	vst v22;
	v22 =	vld [tilespmem:s11+$0xFFFFFF6D];
	v37 =	vperm.xlane v3, v6;
	v0 =	vmul.f32 v14, v2  }
0x5ef: {  	v25 =	vor.u32 s8, v61;
	v33 =	vperm.xlane v1, v46;
	v42 =	vperm.xlane v13, v6;
	v6 =	vld [tilespmem:$0x1FE00]  }
0x5f0: {  	v39 =	vperm.xlane v13, v55;
	v40 =	vperm.xlane v13, v45;
	v55 =	vld [tilespmem:$0x1FDF0]  }
0x5f1: {  	[tilespmem:s16+$0xFFFFFF80] =	vst v5;
	v44 =	vperm.xlane v12, v46;
	v45 =	vperm.xlane v21, v45;
	v38 =	vld.idx.msk [tilespmem:v4+s26+$0x0], $0xffff  }
0x5f2: {  	v10 =	vld.idx.msk [tilespmem:v24+s26+$0x0], $0xffff;
	v24 =	vperm.xlane v34, v62;
	[tilespmem:s16+$0xFFFFFF90] =	vst v17;
	v17 =	vperm.xlane v34, v63  }
0x5f3: {  	[tilespmem:s16+$0xFFFFFFA0] =	vst v26;
	v26 =	vperm.xlane v9, v63;
	v11 =	vmul.f32 v59, v0  }
0x5f4: {  	v12 =	vld.idx.msk [tilespmem:v25+s26+$0x0], $0xffff;
	v25 =	vperm.xlane v9, v62;
	v47 =	vperm.xlane v41, v62  }
0x5f5: {  	v61 =	vld [tilespmem:s12+$0xFFFFFE78];
	v48 =	vperm.xlane v41, v63;
	v49 =	vperm.xlane v22, v63;
	v0 =	vimm.s32 $0x0  }
0x5f6: {  	v4 =	vld [tilespmem:$0x1FB40];
	v1 =	vperm.xlane v41, v0;
	v52 =	vmul.f32 v32, v6  }
0x5f7: {  	v32 =	vmul.f32 v32, v2;
	v33 =	vmul.f32 v33, v55  }
0x5f8: {  	v54 =	vmul.f32 v37, v6;
	v37 =	vmul.f32 v37, v2  }
0x5f9: {  	[tilespmem:$0x1F9D0] =	vst v57;
	v57 =	vmul.f32 v42, v6;
	v42 =	vmul.f32 v42, v2  }
0x5fa: {  	[tilespmem:$0x1FA00] =	vst v61;
	v44 =	vmul.f32 v44, v55;
	v61 =	vmul.f32 v14, v6  }
0x5fb: {  	v14 =	vperm.xlane v22, v0;
	v23 =	vperm.xlane v23, v4  }
0x5fc: {  	v7 =	vmul.f32 v11, v38;
	v20 =	vperm.xlane v3, v4  }
0x5fd: {  	[tilespmem:$0x1F9E0] =	vst v38;
	v38 =	vperm.xlane v16, v46;
	v43 =	vperm.xlane v13, v4;
	v3 =	vld [tilespmem:$0x1FDC0]  }
0x5fe: {  	[tilespmem:s16+$0xFFFFFFB0] =	vst v27;
	v27 =	vsel vm0, v24, v17;
	v21 =	vperm.xlane v21, v4;
	v46 =	vperm.xlane v8, v46;
	v4 =	vld [tilespmem:$0x1FDD0]  }
0x5ff: {  	v2 =	vperm.xlane v34, v50;
	v27 =	vmul.f32 v27, v54  }
0x600: {  	s15 =	sadd.s32 $0x200, s15;
	v38 =	vmul.f32 v38, v55;
	v46 =	vmul.f32 v46, v55  }
0x601: {  	[tilespmem:s15+$0xFFFFFFF0] =	vst v7;
	v55 =	vperm.xlane v34, v0;
	v0 =	vperm.xlane v9, v0  }
0x602: {  	[tilespmem:s16+$0xFFFFFFD0] =	vst v15;
	v15 =	vperm.xlane v22, v62;
	v31 =	vmul.f32 v31, v3  }
0x603: {  	v23 =	vmul.f32 v23, v4;
	v36 =	vmul.f32 v36, v3  }
0x604: {  	v20 =	vmul.f32 v20, v4;
	v40 =	vmul.f32 v40, v3  }
0x605: {  	v43 =	vmul.f32 v43, v4;
	v45 =	vmul.f32 v45, v3  }
0x606: {  	v62 =	vld [tilespmem:$0x1FDA0];
	v21 =	vmul.f32 v21, v4;
	v4 =	vimm.s32 $0x4;
	v3 =	vperm.xlane v41, v50  }
0x607: {  	v63 =	vld [tilespmem:$0x1FDB0];
	[tilespmem:s16+$0x0] =	vst v19;
	v19 =	vsel vm0, v15, v49;
	v34 =	vperm.xlane v34, v4;
	v41 =	vperm.xlane v41, v4  }
0x608: {  	v19 =	vmul.f32 v19, v52;
	v6 =	vmul.f32 v15, v31  }
0x609: {  	v58 =	vld [tilespmem:s12+$0xFFFFFE80];
	v23 =	vmul.f32 v49, v23;
	v24 =	vmul.f32 v24, v36  }
0x60a: {  	v52 =	vmul.f32 v47, v40;
	v15 =	vmul.f32 v26, v21  }
0x60b: {  	[tilespmem:s16+$0xFFFFFFE0] =	vst v28;
	v21 =	vmul.f32 v27, v10;
	v28 =	vmul.f32 v30, v62  }
0x60c: {  	v30 =	vmul.f32 v30, v63;
	v53 =	vmul.f32 v35, v62  }
0x60d: {  	[tilespmem:$0x1FA10] =	vst v56;
	v35 =	vmul.f32 v35, v63;
	v56 =	vmul.f32 v39, v62  }
0x60e: {  	[tilespmem:$0x1F9F0] =	vst v58;
	v39 =	vmul.f32 v39, v63;
	v58 =	vmul.f32 v29, v62  }
0x60f: {  	v29 =	vmul.f32 v29, v63;
	v62 =	vperm.xlane v22, v50  }
0x610: {  	v22 =	vperm.xlane v22, v4;
	v4 =	vperm.xlane v9, v4  }
0x611: {  	v5 =	vld [tilespmem:s12+$0xFFFFFEF8];
	v51 =	vsel vm0, v47, v48;
	v63 =	vmul.f32 v17, v20;
	v34 =	vmul.f32 v38, v34  }
0x612: {  	v20 =	vmul.f32 v51, v57;
	v9 =	vmul.f32 v3, v40  }
0x613: {  	v3 =	vmul.f32 v3, v42;
	v28 =	vmul.f32 v28, v14  }
0x614: {  	v30 =	vmul.f32 v30, v14;
	v31 =	vmul.f32 v62, v31  }
0x615: {  	v49 =	vmul.f32 v62, v32;
	v22 =	vmul.f32 v33, v22  }
0x616: {  	[tilespmem:$0x1FA20] =	vst v5;
	v5 =	vld [tilespmem:s12+$0xFFFFFF70];
	v33 =	vmul.f32 v53, v55;
	v50 =	vmul.f32 v35, v55  }
0x617: {  	v11 =	vld.idx.msk [tilespmem:v18+s26+$0x0], $0xffff;
	v55 =	vmul.f32 v2, v36;
	v2 =	vmul.f32 v2, v37  }
0x618: {  	v8 =	vld [tilespmem:s12+$0xFFFFFF80];
	v38 =	vmul.f32 v56, v1;
	v1 =	vmul.f32 v39, v1  }
0x619: {  	v7 =	vld [tilespmem:s12+$0xFFFFFE70];
	v37 =	vmul.f32 v48, v43;
	v36 =	vmul.f32 v46, v4  }
0x61a: {  	v4 =	vmul.f32 v20, v12;
	v3 =	vmul.f32 v3, v12;
	v12 =	vld [tilespmem:$0x1F9F0]  }
0x61b: {  	v32 =	vmul.f32 v44, v41;
	v2 =	vmul.f32 v2, v10;
	v10 =	vld [tilespmem:$0x1F9E0]  }
0x61c: {  	v13 =	vsel vm0, v25, v26;
	v16 =	vld [tilespmem:s12+$0xFFFFFF00];
	v17 =	vmul.f32 v58, v0;
	v14 =	vmul.f32 v29, v0  }
0x61d: {  	v18 =	vld [tilespmem:s12+$0xFFFFFEF0];
	[tilespmem:$0x1FA30] =	vst v8;
	v53 =	vmul.f32 v25, v45;
	v48 =	vmul.f32 v13, v61  }
0x61e: {  	v8 =	vld [tilespmem:s12+$0xFFFFFF78];
	[tilespmem:s15+$0xFFFFFEC0] =	vst v21;
	v35 =	vmul.f32 v59, v45;
	v20 =	vmul.f32 v6, v7  }
0x61f: {  	[tilespmem:s15+$0xFFFFFF40] =	vst v4;
	v4 =	vld [tilespmem:$0x1FA00];
	v57 =	vmul.f32 v31, v7;
	v54 =	vmul.f32 v22, v7  }
0x620: {  	v51 =	vld [tilespmem:$0x1FA30];
	[tilespmem:s15+$0xFFFFFF70] =	vst v3;
	v21 =	vmul.f32 v30, v12;
	v0 =	vmul.f32 v48, v10  }
0x621: {  	p1 =	slt.u32 s6, $0x7C;
	[tilespmem:s15+$0xFFFFFEF0] =	vst v2;
	v10 =	vmul.f32 v19, v11;
	v19 =	vmul.f32 v50, v16;
	v50 =	vld [tilespmem:$0x1FA20]  }
.Ltmp11:
0x622: {  	v56 =	vmul.f32 v33, v18;
	v12 =	vmul.f32 v55, v18;
	[tilespmem:s15+$0xFFFFFE20] =	vst v21;
	(pc) =	sbr.rel @p1 .LBB2_10-.Ltmp11, $4  }
0x623: {  	v61 =	vld [tilespmem:$0x1FE40];
	v11 =	vmul.f32 v49, v11;
	v49 =	vmul.f32 v28, v7;
	[tilespmem:s15+$0xFFFFFFC0] =	vst v0  }
0x624: {  	v59 =	vld [tilespmem:$0x1F9D0];
	v58 =	vmul.f32 v23, v4;
	v16 =	vmul.f32 v24, v18;
	[tilespmem:s15+$0xFFFFFE40] =	vst v10  }
0x625: {  	v62 =	vimm.s32 $0x1;
	v31 =	vld [tilespmem:$0x1FA10];
	v7 =	vmul.f32 v1, v51;
	[tilespmem:s15+$0xFFFFFE70] =	vst v11;
	v11 =	vmul.f32 v34, v18  }
0x626: {  	s8 =	sshll.u32 s6, $0x7;
	s6 =	sadd.s32 $0x4, s6;
	s16 =	smov.u32 s15;
	v55 =	vld [tilespmem:$0x1FEC0];
	[tilespmem:s15+$0xFFFFFE10] =	vst v49;
	v10 =	vmul.f32 v38, v5;
	v13 =	vmul.f32 v63, v50;
	v63 =	vimm.s32 $0x2  }
0x627: {  	v25 =	vld [tilespmem:$0x1FB30]  }
0x628: {  	v27 =	vmul.f32 v53, v60;
	v53 =	vld [tilespmem:$0x1FDE0]  }
0x629: {  	s6 =	sadd.s32 $0xA4, s11;
	v26 =	vld [tilespmem:$0x1FB50]  }
0x62a: {  	s22 =	sadd.s32 $0x180, s8;
	v6 =	vld [tilespmem:s6+$0xFFFFFFF8]  }
0x62b: {  	v42 =	vmul.f32 v35, v60;
	v0 =	vor.u32 s22, v61;
	v4 =	vld [tilespmem:s6+$0xFFFFFFE8]  }
0x62c: {  	v1 =	vld [tilespmem:s6+$0xFFFFFF7D];
	v2 =	vmul.f32 v15, v59  }
0x62d: {  	v48 =	vmul.f32 v36, v60;
	v3 =	vld [tilespmem:s6+$0xFFFFFF85];
	[tilespmem:$0x1F980] =	vst v42  }
0x62e: {  	[tilespmem:$0x1F970] =	vst v2;
	v2 =	vld [tilespmem:$0x1FAB0]  }
0x62f: {  	v22 =	vmul.f32 v9, v5;
	v9 =	vimm.s32 $0x3;
	v43 =	vld [tilespmem:s6+$0xFFFFFFA6];
	[tilespmem:$0x1F990] =	vst v48  }
0x630: {  	v45 =	vld.idx.msk [tilespmem:v0+s26+$0x0], $0xffff;
	v50 =	vperm.xlane v4, v9  }
0x631: {  	v49 =	vld [tilespmem:s6+$0xFFFFFFAE]  }
0x632: {  	v21 =	vmul.f32 v37, v8;
	v28 =	vperm.xlane v6, v25;
	v0 =	vld [tilespmem:$0x1FB40];
	[tilespmem:$0x1F9C0] =	vst v50  }
0x633: {  	v23 =	vmul.f32 v32, v5;
	v17 =	vmul.f32 v17, v60;
	v8 =	vld [tilespmem:s6+$0xFFFFFFCF]  }
0x634: {  	v24 =	vmul.f32 v14, v31;
	v59 =	vmul.f32 v28, v53;
	v60 =	vld [tilespmem:s6+$0xFFFFFFD7]  }
0x635: {  	v29 =	vperm.xlane v1, v55;
	v31 =	vperm.xlane v1, v25;
	v40 =	vld [tilespmem:s6+$0x0]  }
0x636: {  	v30 =	vperm.xlane v1, v2;
	v15 =	vmul.f32 v50, v59  }
0x637: {  	v34 =	vld [tilespmem:s6+$0xFFFFFF96];
	v35 =	vperm.xlane v43, v55;
	v36 =	vperm.xlane v43, v2  }
0x638: {  	v14 =	vld [tilespmem:s6+$0xFFFFFFBF];
	v37 =	vperm.xlane v43, v25;
	v32 =	vperm.xlane v1, v0  }
0x639: {  	v59 =	vld [tilespmem:$0x1FDA0];
	v39 =	vperm.xlane v43, v0;
	v1 =	vperm.xlane v60, v26  }
0x63a: {  	v43 =	vld [tilespmem:s6+$0xFFFFFF6D];
	v44 =	vperm.xlane v8, v25;
	v25 =	vperm.xlane v40, v26  }
0x63b: {  	v18 =	vmul.f32 v52, v5;
	[tilespmem:$0x1F9A0] =	vst v1  }
0x63c: {  	v33 =	vperm.xlane v3, v26;
	v5 =	vperm.xlane v4, v63;
	[tilespmem:$0x1F9B0] =	vst v25  }
0x63d: {  	v41 =	vperm.xlane v49, v26;
	v49 =	vld [tilespmem:$0x1FDB0];
	v47 =	vperm.xlane v34, v63;
	[tilespmem:s15+$0xFFFFFE30] =	vst v20  }
0x63e: {  	v52 =	vimm.s32 $0x0;
	v50 =	vperm.xlane v14, v63;
	v26 =	vmul.f32 v29, v59;
	[tilespmem:s15+$0xFFFFFE50] =	vst v58  }
0x63f: {  	v48 =	vperm.xlane v43, v52;
	v58 =	vperm.xlane v43, v63;
	v63 =	vld [tilespmem:$0x1FDC0];
	[tilespmem:s15+$0xFFFFFE60] =	vst v57  }
0x640: {  	v25 =	vld [tilespmem:$0x1FE00]  }
0x641: {  	v40 =	vmul.f32 v26, v48;
	v26 =	vld [tilespmem:$0x1FDD0];
	[tilespmem:s15+$0xFFFFFE80] =	vst v54  }
0x642: {  	v20 =	vld [tilespmem:$0x1FDF0];
	[tilespmem:s15+$0xFFFFFE90] =	vst v56  }
0x643: {  	[tilespmem:s15+$0xFFFFFEA0] =	vst v19  }
0x644: {  	[tilespmem:s15+$0xFFFFFEB0] =	vst v16  }
0x645: {  	v3 =	vperm.xlane v4, v62;
	v38 =	vmul.f32 v15, v45;
	[tilespmem:s15+$0xFFFFFED0] =	vst v13  }
0x646: {  	v46 =	vperm.xlane v34, v62;
	v29 =	vmul.f32 v29, v49;
	[tilespmem:s15+$0xFFFFFEE0] =	vst v12  }
0x647: {  	v60 =	vperm.xlane v14, v62;
	v52 =	vmul.f32 v35, v59;
	[tilespmem:s15+$0xFFFFFF00] =	vst v11  }
0x648: {  	v1 =	vmul.f32 v29, v48;
	v29 =	vperm.xlane v43, v62;
	v56 =	vimm.s32 $0x0;
	[tilespmem:s15+$0xFFFFFF10] =	vst v10  }
0x649: {  	v54 =	vimm.s32 $0x4;
	v19 =	vmul.f32 v35, v49;
	[tilespmem:s15+$0xFFFFFF20] =	vst v7;
	v48 =	vperm.xlane v34, v56  }
0x64a: {  	v16 =	vperm.xlane v43, v9;
	v43 =	vperm.xlane v43, v54;
	[tilespmem:s15+$0xFFFFFF30] =	vst v18  }
0x64b: {  	[tilespmem:s16+$0xFFFFFF90] =	vst v17;
	v30 =	vmul.f32 v30, v63;
	v19 =	vmul.f32 v19, v48  }
0x64c: {  	[tilespmem:s16+$0xFFFFFFA0] =	vst v24;
	v51 =	vmul.f32 v31, v25;
	v32 =	vmul.f32 v32, v26  }
0x64d: {  	s18 =	sadd.s32 $0x80, s8;
	v62 =	vsel vm0, v29, v58;
	[tilespmem:s16+$0xFFFFFFB0] =	vst v27;
	v31 =	vmul.f32 v31, v53;
	v33 =	vmul.f32 v33, v20  }
0x64e: {  	[tilespmem:s16+$0xFFFFFF50] =	vst v21;
	v29 =	vmul.f32 v29, v30;
	v51 =	vmul.f32 v62, v51;
	v62 =	vor.u32 s18, v61;
	s18 =	sadd.s32 $0x200, s12  }
0x64f: {  	s22 =	sadd.s32 $0x100, s8;
	v57 =	vor.u32 s8, v61;
	[tilespmem:s16+$0xFFFFFF60] =	vst v22;
	v30 =	vmul.f32 v16, v30;
	v13 =	vmul.f32 v58, v32;
	v10 =	vld [tilespmem:s18+$0xFFFFFFF0]  }
0x650: {  	v11 =	vor.u32 s22, v61;
	s22 =	sadd.s32 $0x200, s15;
	[tilespmem:s16+$0xFFFFFF80] =	vst v23;
	v16 =	vmul.f32 v16, v31;
	v58 =	vmul.f32 v37, v25;
	v7 =	vld [tilespmem:s18+$0x0]  }
0x651: {  	v61 =	vsel vm0, v46, v47;
	v31 =	vmul.f32 v33, v43;
	v43 =	vmul.f32 v52, v48;
	v48 =	vld [tilespmem:s18+$0xFFFFFFF8];
	[tilespmem:s22+$0xFFFFFFF0] =	vst v38  }
0x652: {  	v18 =	vmul.f32 v61, v58;
	v61 =	vld [tilespmem:$0x1F970];
	_ =	sdelay $0x1  }
0x653: {  	v21 =	vld.idx.msk [tilespmem:v57+s26+$0x0], $0xffff  }
0x654: {  	v41 =	vmul.f32 v41, v20;
	v11 =	vld.idx.msk [tilespmem:v11+s26+$0x0], $0xffff  }
0x655: {  	v52 =	vperm.xlane v34, v9;
	v34 =	vperm.xlane v34, v54;
	v22 =	vld [tilespmem:s18+$0xFFFFFE70]  }
0x656: {  	v35 =	vmul.f32 v36, v63;
	v12 =	vld.idx.msk [tilespmem:v62+s26+$0x0], $0xffff;
	[tilespmem:s16+$0xFFFFFFD0] =	vst v61  }
0x657: {  	v34 =	vmul.f32 v41, v34;
	v41 =	vperm.xlane v14, v9;
	v9 =	vld [tilespmem:$0x1F980]  }
0x658: {  	v36 =	vmul.f32 v44, v53;
	v37 =	vmul.f32 v37, v53;
	v17 =	vld [tilespmem:s18+$0xFFFFFE80]  }
0x659: {  	v28 =	vmul.f32 v28, v25;
	v32 =	vld [tilespmem:s18+$0xFFFFFEF0];
	v62 =	vmul.f32 v44, v25  }
0x65a: {  	v57 =	vsel vm0, v60, v50;
	v38 =	vmul.f32 v46, v35;
	v46 =	vld [tilespmem:s18+$0xFFFFFEF8];
	v33 =	vmul.f32 v52, v37  }
0x65b: {  	v27 =	vld [tilespmem:s18+$0xFFFFFF70];
	v58 =	vmul.f32 v57, v62;
	v18 =	vmul.f32 v18, v12  }
0x65c: {  	v53 =	vsel vm0, v3, v5;
	v44 =	vld [tilespmem:s18+$0xFFFFFF00];
	v36 =	vmul.f32 v41, v36;
	v12 =	vmul.f32 v33, v12;
	[tilespmem:s16+$0xFFFFFFE0] =	vst v9  }
0x65d: {  	v28 =	vmul.f32 v53, v28;
	v24 =	vmul.f32 v58, v11;
	v9 =	vld [tilespmem:$0x1F990];
	[tilespmem:s22+$0xFFFFFEC0] =	vst v18  }
0x65e: {  	v42 =	vperm.xlane v8, v55;
	v53 =	vld [tilespmem:s18+$0xFFFFFF80];
	v11 =	vmul.f32 v36, v11;
	[tilespmem:s22+$0xFFFFFEF0] =	vst v12  }
0x65f: {  	v15 =	vperm.xlane v8, v0;
	v58 =	vmul.f32 v28, v45;
	v12 =	vld [tilespmem:s18+$0xFFFFFF78];
	[tilespmem:s22+$0xFFFFFF40] =	vst v24  }
0x660: {  	v16 =	vmul.f32 v16, v21;
	v61 =	vmul.f32 v51, v21;
	[tilespmem:s22+$0xFFFFFF70] =	vst v11  }
0x661: {  	v23 =	vld [tilespmem:s18+$0xFFFFFE78];
	v35 =	vmul.f32 v52, v35;
	v52 =	vperm.xlane v14, v56;
	[tilespmem:s22+$0xFFFFFFC0] =	vst v58  }
0x662: {  	v62 =	vmul.f32 v42, v59;
	v21 =	vmul.f32 v40, v22;
	[tilespmem:s22+$0xFFFFFE40] =	vst v61  }
0x663: {  	v8 =	vperm.xlane v8, v2;
	v39 =	vmul.f32 v39, v26;
	[tilespmem:s22+$0xFFFFFE70] =	vst v16  }
0x664: {  	v37 =	vmul.f32 v62, v52;
	v62 =	vmul.f32 v1, v17;
	[tilespmem:s22+$0xFFFFFE10] =	vst v21  }
0x665: {  	v8 =	vmul.f32 v8, v63;
	v28 =	vmul.f32 v29, v22;
	[tilespmem:s16+$0x0] =	vst v9  }
0x666: {  	v39 =	vmul.f32 v47, v39;
	v13 =	vmul.f32 v13, v23;
	v23 =	vld [tilespmem:$0x1F9A0];
	[tilespmem:s22+$0xFFFFFE20] =	vst v62  }
0x667: {  	v40 =	vmul.f32 v30, v22;
	v36 =	vmul.f32 v60, v8;
	[tilespmem:s22+$0xFFFFFE30] =	vst v28  }
0x668: {  	v8 =	vmul.f32 v41, v8;
	v41 =	vmul.f32 v31, v22;
	[tilespmem:s22+$0xFFFFFE50] =	vst v13  }
0x669: {  	v43 =	vmul.f32 v43, v32;
	v57 =	vmul.f32 v15, v26;
	[tilespmem:s22+$0xFFFFFE60] =	vst v40  }
0x66a: {  	v56 =	vmul.f32 v42, v49;
	v42 =	vmul.f32 v19, v44;
	[tilespmem:s22+$0xFFFFFE80] =	vst v41  }
0x66b: {  	v24 =	vmul.f32 v50, v57;
	v50 =	vmul.f32 v38, v32;
	[tilespmem:s22+$0xFFFFFE90] =	vst v43  }
0x66c: {  	v44 =	vmul.f32 v39, v46;
	[tilespmem:s22+$0xFFFFFEA0] =	vst v42  }
0x66d: {  	v51 =	vmul.f32 v35, v32;
	[tilespmem:s22+$0xFFFFFEB0] =	vst v50  }
0x66e: {  	v33 =	vmul.f32 v56, v52;
	v52 =	vmul.f32 v34, v32;
	[tilespmem:s22+$0xFFFFFED0] =	vst v44  }
0x66f: {  	v29 =	vperm.xlane v14, v54;
	v57 =	vmul.f32 v37, v27;
	[tilespmem:s22+$0xFFFFFEE0] =	vst v51  }
0x670: {  	v18 =	vmul.f32 v33, v53;
	[tilespmem:s22+$0xFFFFFF00] =	vst v52;
	v25 =	vmul.f32 v23, v20  }
0x671: {  	v58 =	vmul.f32 v36, v27;
	[tilespmem:s22+$0xFFFFFF10] =	vst v57  }
0x672: {  	v8 =	vmul.f32 v8, v27;
	[tilespmem:s22+$0xFFFFFF20] =	vst v18;
	v9 =	vmul.f32 v25, v29  }
0x673: {  	v12 =	vmul.f32 v24, v12;
	[tilespmem:s22+$0xFFFFFF30] =	vst v58  }
0x674: {  	v45 =	vperm.xlane v6, v2;
	[tilespmem:s22+$0xFFFFFF60] =	vst v8;
	v9 =	vmul.f32 v9, v27  }
0x675: {  	v47 =	vimm.s32 $0x0;
	v46 =	vperm.xlane v6, v0;
	v6 =	vperm.xlane v6, v55;
	[tilespmem:s22+$0xFFFFFF50] =	vst v12  }
0x676: {  	v56 =	vperm.xlane v4, v47;
	[tilespmem:s22+$0xFFFFFF80] =	vst v9  }
0x677: {  	v4 =	vperm.xlane v4, v54;
	v53 =	vmul.f32 v6, v59;
	v60 =	vld [tilespmem:$0x1F9B0]  }
0x678: {  	v15 =	vmul.f32 v46, v26;
	v6 =	vmul.f32 v6, v49;
	v62 =	vld [tilespmem:$0x1F9C0]  }
0x679: {  	v11 =	vmul.f32 v45, v63;
	v17 =	vmul.f32 v53, v56  }
0x67a: {  	v5 =	vmul.f32 v5, v15;
	v6 =	vmul.f32 v6, v56  }
0x67b: {  	v3 =	vmul.f32 v3, v11;
	v59 =	vmul.f32 v17, v10  }
0x67c: {  	v6 =	vmul.f32 v6, v7;
	v61 =	vmul.f32 v60, v20  }
0x67d: {  	v3 =	vmul.f32 v3, v10;
	[tilespmem:s22+$0xFFFFFF90] =	vst v59;
	v0 =	vmul.f32 v62, v11  }
0x67e: {  	v63 =	vmul.f32 v5, v48;
	[tilespmem:s22+$0xFFFFFFA0] =	vst v6;
	v1 =	vmul.f32 v61, v4  }
0x67f: {  	[tilespmem:s22+$0xFFFFFFB0] =	vst v3;
	v0 =	vmul.f32 v0, v10  }
0x680: {  	[tilespmem:s22+$0xFFFFFFD0] =	vst v63;
	v1 =	vmul.f32 v1, v10  }
0x681: {  	[tilespmem:s22+$0xFFFFFFE0] =	vst v0  }
0x682: {  	[tilespmem:s22+$0x0] =	vst v1  }
0x683: {  	v33 =	vld [tilespmem:$0x1FEF0]  }
0x684: {  	v34 =	vld [tilespmem:$0x1FF00]  }
0x685: {  	v35 =	vld [tilespmem:$0x1FF10]  }
0x686: {  	v36 =	vld [tilespmem:$0x1FF20]  }
0x687: {  	v37 =	vld [tilespmem:$0x1FF30]  }
0x688: {  	v45 =	vld [tilespmem:$0x1FE80]  }
0x689: {  	s10 =	sadd.s32 $0x1, s10;
	v46 =	vld [tilespmem:$0x1FE90]  }
0x68a: {  	p1 =	seq.s32 s10, $0xA0;
	v47 =	vld [tilespmem:$0x1FEA0]  }
.Ltmp12:
0x68b: {  	v48 =	vld [tilespmem:$0x1FEB0];
	(pc) =	sbr.rel @!p1 .LBB2_5-.Ltmp12, $4  }
.Ltmp13:
0x68c: {  	v54 =	vld [tilespmem:$0x1FED0];
	(pc) =	sbr.rel @p1 .LBB2_20-.Ltmp13, $4  }
0x68d: {  	v60 =	vld [tilespmem:$0x1FFD0]  }
0x68e: {  	v56 =	vimm.s32 $0x5;
	v61 =	vld [tilespmem:$0x1FFE0]  }
0x68f: {  	v57 =	vimm.s32 $0x6;
	v58 =	vimm.s32 $0x7;
	v52 =	vimm.s32 $0x8;
	[spmem:s5] =	stream.indirect.scatter.add.f32 [tilespmem:s17], [sflag:$0x3], $0x80, s31, s7, $0xb8;
	v62 =	vld [tilespmem:$0x1FFF0]  }
0x690: {  	_ = 	snop  }
.LBB2_21:
0x691: {  	_ =	sfence.sel $0x180000  }
0x692: {  	[bflag:$0x0] =	sbarrier.arrive $0xFFFF  }
0x693: {  	_ =	strace $0x90000047  }
0x694: {  	s0 =	stileid.u32;
	[bflag:$0x2] =	sbarrier.arrive $0xFFFF  }
0x695: {  	p0 =	sne.s32 s0, $0x0;
	s0 =	rddreg [dreg:$0x6]  }
0x696: {  	s0 =	sadd.s32 @!p0 $0x100000, s0  }
0x697: {  	[sflag:s0] =	ssyncadd.tile.s32 @!p0 $0x1;
	_ =	shalt  }
.Lfunc_end2:
_tile_overlayer_lowered:
.L_overlay_start_2:
0x698: {  	(tag) =	ssettag $0x2  }
0x699: {  	s0 =	rddreg [dreg:$0x0];
	s2 =	stileid.u32  }
0x69a: {  	s1 =	rddreg [dreg:$0x1];
	p0 =	sne.s32 s2, $0x0  }
0x69b: {  	s3 =	rddreg [dreg:$0x2];
	[bflag:$0x3] =	sbarrier.arrive $0xFFFF;
	s2 =	simm.s32 @!p0 $0x1C04  }
0x69c: {  	[timem:s3], [sflag:s2] =	dma.local @!p0 [hbm:s0], s1  }
0x69d: {  	s0 =	simm.s32 @!p0 $0x4  }
0x69e: {  	_ =	swait.ge @!p0 [sflag:s0], s1  }
0x69f: {  	s1 =	ssub.s32 @!p0 $0x0, s1;
	[sflag:s0] =	ssyncset.done @!p0 $0x0  }
0x6a0: {  	[sflag:s0] =	ssyncadd.s32 @!p0 s1  }
0x6a1: {  	[bflag:$0x3] =	sbarrier.arrive $0xFFFF  }
0x6a2: {  	_ =	shalt  }

</sc_bundles>
